<compile_context>
chip_gen: v7x
topology: tpu7x:2x2x1
jax: 0.10.2.dev20260603
libtpu: 0.0.44.dev20260713+nightly
codegen_flags: <defaults>
</compile_context>

<pallas_src>
import functools

import jax
import jax.numpy as jnp
from jax import lax
from jax.experimental import pallas as pl
from jax.experimental.pallas import tpu as pltpu
from jax.experimental.pallas import tpu_sc as plsc

N, E, D, R, H = 10000, 160000, 128, 4, 2
HID = 128
P = R * H
EP = 163840
NZ = 10240
NB = 40960
BN = 400
BE = 2048
CH = 128
NTILES = 32
TPE = EP // NTILES
TPC = EP // 16


def _k0_body(nf_ref, wq_ref, wk_ref, u_ref, m_ref):
    nb = pl.program_id(1)

    @pl.when(nb == 0)
    def _():
        m_ref[...] = lax.dot_general(
            wq_ref[0], wk_ref[0], (((1,), (1,)), ((), ())),
            preferred_element_type=jnp.float32) * (D ** -0.5)

    u_ref[...] = jnp.dot(nf_ref[...], m_ref[...],
                         preferred_element_type=jnp.float32)


def _k0_u(nf, Wqp, Wkp):
    nblocks = N // BN
    return pl.pallas_call(
        _k0_body,
        grid=(P, nblocks),
        in_specs=[
            pl.BlockSpec((BN, D), lambda p, nb: (nb, 0)),
            pl.BlockSpec((1, D, D), lambda p, nb: (p, 0, 0)),
            pl.BlockSpec((1, D, D), lambda p, nb: (p, 0, 0)),
        ],
        out_specs=pl.BlockSpec((BN, D), lambda p, nb: (p * nblocks + nb, 0)),
        out_shape=jax.ShapeDtypeStruct((P * N, D), jnp.float32),
        scratch_shapes=[pltpu.VMEM((D, D), jnp.float32)],
    )(nf, Wqp, Wkp)


def _k2_inner(ue0_ref, ue1_ref, nfs_ref, ma_ref, dv_ref, ex_ref, t_ref):
    nfs = nfs_ref[...]
    ma = ma_ref[...]
    s0 = jnp.sum(ue0_ref[...] * nfs, axis=-1, keepdims=True)
    s1 = jnp.sum(ue1_ref[...] * nfs, axis=-1, keepdims=True)
    ex0 = jnp.exp(s0 + ma)
    ex1 = jnp.exp(s1 + ma)
    lane = lax.broadcasted_iota(jnp.int32, (BE, 32), 1)
    ex_ref[...] = (jnp.where(lane == 0, ex0, 0.0)
                   + jnp.where(lane == 1, ex1, 0.0)
                   + jnp.where(lane == 2, dv_ref[...], 0.0))
    t_ref[...] = jnp.concatenate([ex0 * nfs, ex1 * nfs], axis=1)


def _k2_body(ue0_ref, ue1_ref, nfs_ref, ma_ref, dv_ref, ex_ref, t_ref):
    _k2_inner(ue0_ref, ue1_ref, nfs_ref, ma_ref, dv_ref, ex_ref, t_ref)


def _k2_scores(UE0, UE1, NFS, maskadd, degval):
    nblocks = EP // BE
    espec = pl.BlockSpec((BE, D), lambda i: (i, 0))
    sspec = pl.BlockSpec((BE, 1), lambda i: (i, 0))
    return pl.pallas_call(
        _k2_body,
        grid=(nblocks,),
        in_specs=[espec, espec, espec, sspec, sspec],
        out_specs=[pl.BlockSpec((BE, 32), lambda i: (i, 0)),
                   pl.BlockSpec((BE, 2 * D), lambda i: (i, 0))],
        out_shape=[jax.ShapeDtypeStruct((EP, 32), jnp.float32),
                   jax.ShapeDtypeStruct((EP, 2 * D), jnp.float32)],
    )(UE0, UE1, NFS, maskadd, degval)


def _k4_body(pu_ref, z_ref, nf_ref, nm_ref, wv_ref, g_ref, b_ref, h_ref):
    attn = jnp.zeros((BN, D), jnp.float32)
    for h in range(H):
        aggh = jnp.zeros((BN, D), jnp.float32)
        for q in range(4):
            pq = pu_ref[:, h * D + q * 32:h * D + (q + 1) * 32]
            pq = pq.reshape(BN, R, 32)
            for r in range(R):
                aggh = aggh + jnp.dot(pq[:, r, :],
                                      wv_ref[r, h, q * 32:(q + 1) * 32, :],
                                      preferred_element_type=jnp.float32)
        zh = z_ref[:, h:h + 1]
        attn = attn + aggh / (zh + 1e-9)
    attn = jnp.maximum(attn * (1.0 / H), 0.0) * nm_ref[...]
    x = nf_ref[...] + attn
    mu = jnp.mean(x, axis=-1, keepdims=True)
    xc = x - mu
    var = jnp.mean(xc * xc, axis=-1, keepdims=True)
    h_ref[...] = xc * lax.rsqrt(var + 1e-5) * g_ref[...] + b_ref[...]


def _k4_addnorm1(Pu, Z, nf, nmaskf, Wv, g1, b1):
    nblocks = N // BN
    return pl.pallas_call(
        _k4_body,
        grid=(nblocks,),
        in_specs=[
            pl.BlockSpec((BN * R, 2 * D), lambda i: (i, 0)),
            pl.BlockSpec((BN, 32), lambda i: (i, 0)),
            pl.BlockSpec((BN, D), lambda i: (i, 0)),
            pl.BlockSpec((BN, 1), lambda i: (i, 0)),
            pl.BlockSpec((R, H, D, D), lambda i: (0, 0, 0, 0)),
            pl.BlockSpec((1, D), lambda i: (0, 0)),
            pl.BlockSpec((1, D), lambda i: (0, 0)),
        ],
        out_specs=pl.BlockSpec((BN, D), lambda i: (i, 0)),
        out_shape=jax.ShapeDtypeStruct((N, D), jnp.float32),
    )(Pu, Z, nf, nmaskf, Wv, g1, b1)


def _k6_body(h_ref, s_ref, z_ref, w1_ref, b1_ref, w2_ref, b2_ref,
             w3_ref, b3_ref, g_ref, bb_ref, o_ref):
    hh = h_ref[...]
    ssum = s_ref[...]
    deg = z_ref[:, 2:3]
    nbr = ssum / (deg + 1e-9)
    f1 = jnp.dot(hh, w1_ref[:D, :], preferred_element_type=jnp.float32)
    f1 = f1 + jnp.dot(nbr, w1_ref[D:, :], preferred_element_type=jnp.float32)
    f1 = jnp.maximum(f1 + b1_ref[...], 0.0)
    f2 = jnp.maximum(
        jnp.dot(f1, w2_ref[...], preferred_element_type=jnp.float32)
        + b2_ref[...], 0.0)
    f3 = jnp.dot(f2, w3_ref[...], preferred_element_type=jnp.float32) \
        + b3_ref[...]
    x = hh + f3
    mu = jnp.mean(x, axis=-1, keepdims=True)
    xc = x - mu
    var = jnp.mean(xc * xc, axis=-1, keepdims=True)
    o_ref[...] = xc * lax.rsqrt(var + 1e-5) * g_ref[...] + bb_ref[...]


def _k6_ffn(hh, S, Z, W1, b1, W2, b2, W3, b3, g2, bt2):
    nblocks = N // BN
    full = lambda shape: pl.BlockSpec(shape, lambda i: tuple(0 for _ in shape))
    return pl.pallas_call(
        _k6_body,
        grid=(nblocks,),
        in_specs=[
            pl.BlockSpec((BN, D), lambda i: (i, 0)),
            pl.BlockSpec((BN, D), lambda i: (i, 0)),
            pl.BlockSpec((BN, 32), lambda i: (i, 0)),
            full((2 * D, HID)), full((1, HID)),
            full((HID, HID)), full((1, HID)),
            full((HID, D)), full((1, D)),
            full((1, D)), full((1, D)),
        ],
        out_specs=pl.BlockSpec((BN, D), lambda i: (i, 0)),
        out_shape=jax.ShapeDtypeStruct((N, D), jnp.float32),
    )(hh, S, Z, W1, b1, W2, b2, W3, b3, g2, bt2)


_MESH = plsc.VectorSubcoreMesh(core_axis_name="c", subcore_axis_name="s")


def _xla_scatter_zpu(EX32, T, idx_dst, idx_bin):
    Z = jax.ops.segment_sum(EX32, idx_dst, num_segments=NZ)
    Pu = jax.ops.segment_sum(T, idx_bin, num_segments=NB)
    return Z, Pu


def _xla_nbr(hh, idx_src, idx_dst):
    return jax.ops.segment_sum(hh[idx_src], idx_dst, num_segments=NZ)


def _wid():
    return lax.axis_index("s") * 2 + lax.axis_index("c")


def _sc_gather_nfs(nf, idx_src):
    @functools.partial(
        pl.kernel, mesh=_MESH,
        out_type=jax.ShapeDtypeStruct((EP, D), jnp.float32),
        scratch_types=[pltpu.VMEM((CH,), jnp.int32),
                       pltpu.VMEM((CH, D), jnp.float32),
                       pltpu.SemaphoreType.DMA],
    )
    def k(nf_hbm, idx_hbm, out_hbm, idx_v, buf_v, sem):
        wid = _wid()

        @pl.loop(0, TPE, step=CH)
        def _(off):
            base = wid * TPE + off
            pltpu.sync_copy(idx_hbm.at[pl.ds(base, CH)], idx_v)
            pltpu.async_copy(nf_hbm.at[idx_v], buf_v, sem).wait()
            pltpu.sync_copy(buf_v, out_hbm.at[pl.ds(base, CH)])

    return k(nf, idx_src)


def _sc_gather_ue(U, idx_u0, idx_u1):
    ot = jax.ShapeDtypeStruct((EP, D), jnp.float32)

    @functools.partial(
        pl.kernel, mesh=_MESH, out_type=[ot, ot],
        scratch_types=[pltpu.VMEM((CH,), jnp.int32),
                       pltpu.VMEM((CH,), jnp.int32),
                       pltpu.VMEM((CH, D), jnp.float32),
                       pltpu.VMEM((CH, D), jnp.float32),
                       pltpu.SemaphoreType.DMA,
                       pltpu.SemaphoreType.DMA],
    )
    def k(u_hbm, i0_hbm, i1_hbm, o0_hbm, o1_hbm,
          i0_v, i1_v, b0_v, b1_v, sem0, sem1):
        wid = _wid()

        @pl.loop(0, TPE, step=CH)
        def _(off):
            base = wid * TPE + off
            pltpu.sync_copy(i0_hbm.at[pl.ds(base, CH)], i0_v)
            pltpu.sync_copy(i1_hbm.at[pl.ds(base, CH)], i1_v)
            c0 = pltpu.async_copy(u_hbm.at[i0_v], b0_v, sem0)
            c1 = pltpu.async_copy(u_hbm.at[i1_v], b1_v, sem1)
            c0.wait()
            pltpu.sync_copy(b0_v, o0_hbm.at[pl.ds(base, CH)])
            c1.wait()
            pltpu.sync_copy(b1_v, o1_hbm.at[pl.ds(base, CH)])

    return k(U, idx_u0, idx_u1)


def kernel(node_feature, edge_index, edge_type, node_type,
           update_node_type_indices, update_edge_type_indices,
           Wq, Wk, Wv, ln1_gamma, ln1_beta, W1, b1, W2, b2, W3, b3,
           ln2_gamma, ln2_beta):
    nf = node_feature
    src, dst = edge_index[0], edge_index[1]
    et = edge_type
    padE = EP - E

    izero = jnp.zeros((padE,), jnp.int32)
    idx_src = jnp.concatenate([src, izero])
    idx_dst = jnp.concatenate([dst, jnp.full((padE,), N, jnp.int32)])
    idx_bin = jnp.concatenate([dst * R + et, jnp.full((padE,), N * R, jnp.int32)])
    idx_u0 = jnp.concatenate([(et * H) * N + dst, izero])
    idx_u1 = idx_u0 + N
    e_mask = (et[:, None] == update_edge_type_indices[None, :]).any(-1)
    maskadd = jnp.where(
        jnp.concatenate([e_mask, jnp.zeros((padE,), bool)]), 0.0, -1e9
    ).astype(jnp.float32)[:, None]
    degval = (jnp.arange(EP) < E).astype(jnp.float32)[:, None]
    n_mask = (node_type[:, None] == update_node_type_indices[None, :]).any(-1)
    nmaskf = n_mask.astype(jnp.float32)[:, None]

    Wqp = Wq.reshape(P, D, D)
    Wkp = Wk.reshape(P, D, D)

    U = _k0_u(nf, Wqp, Wkp)
    NFS = _sc_gather_nfs(nf, idx_src)
    UE0, UE1 = _sc_gather_ue(U, idx_u0, idx_u1)
    k2out = _k2_scores(UE0, UE1, NFS, maskadd, degval)
    EX16, Tq = k2out[0], k2out[1]
    Z, Pu = _xla_scatter_zpu(EX16, Tq, idx_dst, idx_bin)
    hh = _k4_addnorm1(Pu, Z, nf, nmaskf, Wv,
                      ln1_gamma.reshape(1, D), ln1_beta.reshape(1, D))
    S = _xla_nbr(hh, idx_src, idx_dst)
    out = _k6_ffn(hh, S, Z, W1, b1.reshape(1, HID), W2, b2.reshape(1, HID),
                  W3, b3.reshape(1, D), ln2_gamma.reshape(1, D),
                  ln2_beta.reshape(1, D))
    return out

# --- scband reference (transcript-rebuilt; emitter-appended) ---
"""Pipeline reference for scband-relational-encoder-39298950758676 (READ-ONLY COPY).

The authoritative reference and input builder live on the scoring server;
editing this copy changes nothing except your own understanding.
"""

import jax, jax.numpy as jnp
import numpy as np

N, E, D, R, H = 10000, 160000, 128, 4, 2
HID = 128


def _layer_norm(x, g, b, eps=1e-5):
    mu = x.mean(-1, keepdims=True)
    var = ((x - mu) ** 2).mean(-1, keepdims=True)
    return (x - mu) / jnp.sqrt(var + eps) * g + b


def setup_inputs(seed: int = 0) -> dict:
    key = jax.random.key(seed)
    ks = [jax.random.fold_in(key, i) for i in range(24)]
    node_feature = jax.random.normal(ks[0], (N, D), dtype=jnp.float32)
    edge_index = jax.random.randint(ks[1], (2, E), 0, N, dtype=jnp.int32)
    edge_type = jax.random.randint(ks[2], (E,), 0, R, dtype=jnp.int32)
    node_type = jax.random.randint(ks[3], (N,), 0, R, dtype=jnp.int32)
    update_node_type_indices = jnp.arange(R, dtype=jnp.int32)
    update_edge_type_indices = jnp.arange(R, dtype=jnp.int32)
    sc = D ** -0.5
    Wq = jax.random.normal(ks[4], (R, H, D, D), dtype=jnp.float32) * sc
    Wk = jax.random.normal(ks[5], (R, H, D, D), dtype=jnp.float32) * sc
    Wv = jax.random.normal(ks[6], (R, H, D, D), dtype=jnp.float32) * sc
    ln1_gamma = jnp.ones((D,), dtype=jnp.float32)
    ln1_beta = jnp.zeros((D,), dtype=jnp.float32)
    W1 = jax.random.normal(ks[7], (2 * D, HID), dtype=jnp.float32) * ((2 * D) ** -0.5)
    b1 = jnp.zeros((HID,), dtype=jnp.float32)
    W2 = jax.random.normal(ks[8], (HID, HID), dtype=jnp.float32) * (HID ** -0.5)
    b2 = jnp.zeros((HID,), dtype=jnp.float32)
    W3 = jax.random.normal(ks[9], (HID, D), dtype=jnp.float32) * (HID ** -0.5)
    b3 = jnp.zeros((D,), dtype=jnp.float32)
    ln2_gamma = jnp.ones((D,), dtype=jnp.float32)
    ln2_beta = jnp.zeros((D,), dtype=jnp.float32)
    return {"node_feature": node_feature, "edge_index": edge_index, "edge_type": edge_type,
            "node_type": node_type, "update_node_type_indices": update_node_type_indices,
            "update_edge_type_indices": update_edge_type_indices, "Wq": Wq, "Wk": Wk, "Wv": Wv,
            "ln1_gamma": ln1_gamma, "ln1_beta": ln1_beta, "W1": W1, "b1": b1, "W2": W2, "b2": b2,
            "W3": W3, "b3": b3, "ln2_gamma": ln2_gamma, "ln2_beta": ln2_beta}


def reference(node_feature, edge_index, edge_type, node_type, update_node_type_indices,
              update_edge_type_indices, Wq, Wk, Wv, ln1_gamma, ln1_beta, W1, b1, W2, b2,
              W3, b3, ln2_gamma, ln2_beta):
    n, d = node_feature.shape
    src, dst = edge_index[0], edge_index[1]
    # per-relation, per-head projections (hypernet disabled -> static relation tables)
    q_all = jnp.einsum('nd,rhde->nrhe', node_feature, Wq)
    k_all = jnp.einsum('nd,rhde->nrhe', node_feature, Wk)
    v_all = jnp.einsum('nd,rhde->nrhe', node_feature, Wv)
    q = q_all[dst, edge_type]   # [E, H, D] gather by (node, relation)
    k = k_all[src, edge_type]
    v = v_all[src, edge_type]
    scores = (q * k).sum(-1) / jnp.sqrt(jnp.float32(d))  # [E, H]
    e_mask = (edge_type[:, None] == update_edge_type_indices[None, :]).any(-1)
    scores = jnp.where(e_mask[:, None], scores, -1e9)
    m = jax.ops.segment_max(scores, dst, num_segments=n)
    ex = jnp.exp(scores - m[dst])
    z = jax.ops.segment_sum(ex, dst, num_segments=n)
    alpha = ex / (z[dst] + 1e-9) * e_mask[:, None].astype(scores.dtype)
    agg = jax.ops.segment_sum(alpha[..., None] * v, dst, num_segments=n)  # [N, H, D]
    attn = jax.nn.relu(agg.mean(axis=1))  # head pooling with pooling_op='relu'
    n_mask = (node_type[:, None] == update_node_type_indices[None, :]).any(-1)
    attn = jnp.where(n_mask[:, None], attn, 0.0)
    h = _layer_norm(node_feature + attn, ln1_gamma, ln1_beta)  # AddNormLayer 1
    # FeedForwardNeighbor: 1-hop mean neighbor aggregation concatenated with self
    deg = jax.ops.segment_sum(jnp.ones((src.shape[0],), dtype=h.dtype), dst, num_segments=n)
    nbr = jax.ops.segment_sum(h[src], dst, num_segments=n) / (deg[:, None] + 1e-9)
    ff_in = jnp.concatenate([h, nbr], axis=-1)
    f = jax.nn.relu(ff_in @ W1 + b1)
    f = jax.nn.relu(f @ W2 + b2)
    f = f @ W3 + b3
    out = _layer_norm(h + f, ln2_gamma, ln2_beta)  # AddNormLayer 2
    return out

if __name__ == "__main__":
    import jax
    _d = setup_inputs()
    print(jax.jit(kernel)(*tuple(_d.values())))

</pallas_src>

<mosaic_0001>
#map = affine_map<(d0, d1) -> (0, 0)>
#map1 = affine_map<(d0, d1) -> (0)>
module attributes {stable_mosaic.version = 14 : i64} {
  func.func @k(%arg0: i32, %arg1: i32, %arg2: memref<10000x128xf32, #tpu.memory_space<hbm>>, %arg3: memref<163840xi32, #tpu.memory_space<hbm>>, %arg4: memref<163840x128xf32, #tpu.memory_space<hbm>>, %arg5: memref<128xi32, #tpu.memory_space<vmem>>, %arg6: memref<128x128xf32, #tpu.memory_space<vmem>>, %arg7: memref<!tpu.dma_semaphore, #tpu.memory_space<semaphore_mem>>) attributes {dimension_semantics = [#tpu.dimension_semantics<core_parallel>, #tpu.dimension_semantics<subcore_parallel>], iteration_bounds = array<i64: 2, 16>, scalar_prefetch = 0 : i64, scratch_operands = 3 : i64, tpu.core_type = #tpu.core_type<sc_vector_subcore>, window_params = [{transform_indices = #map}, {transform_indices = #map1}, {transform_indices = #map}]} {
    %mul3A = arith.constant 2 : i32
    %mul3A_0 = arith.muli %arg1, %mul3A : i32
    %add3A = arith.addi %mul3A_0, %arg0 : i32
    %scan3A = arith.constant 0 : i32
    %scan3A_1 = arith.constant 40 : i32
    %scan3A_2 = arith.addi %scan3A, %scan3A_1 : i32
    %scan3A_3 = arith.constant 1 : i32
    scf.for %scan3A_5 = %scan3A to %scan3A_2 step %scan3A_3  : i32 {
      %mul3A_6 = arith.constant 128 : i32
      %mul3A_7 = arith.muli %scan3A_5, %mul3A_6 : i32
      %add3A_8 = arith.constant 0 : i32
      %add3A_9 = arith.addi %add3A_8, %mul3A_7 : i32
      %mul3A_10 = arith.constant 5120 : i32
      %mul3A_11 = arith.muli %add3A, %mul3A_10 : i32
      %add3A_12 = arith.addi %mul3A_11, %add3A_9 : i32
      "tpu.region"() ({
        %run_scoped3A = tpu.sem_alloc : memref<!tpu.dma_semaphore, #tpu.memory_space<semaphore_mem>>
        %dma_start3A_17 = tpu.memref_slice %arg3[%add3A_12] : memref<163840xi32, #tpu.memory_space<hbm>> -> memref<128xi32, #tpu.memory_space<hbm>>
        %dma_start3A_18 = tpu.memref_slice %arg3[%add3A_12] : memref<163840xi32, #tpu.memory_space<hbm>> -> memref<128xi32, #tpu.memory_space<hbm>>
        tpu.enqueue_dma source(%dma_start3A_18 : memref<128xi32, #tpu.memory_space<hbm>>) target(%arg5 : memref<128xi32, #tpu.memory_space<vmem>>) target_semaphore(%run_scoped3A : memref<!tpu.dma_semaphore, #tpu.memory_space<semaphore_mem>>)
        %dma_wait3A_19 = tpu.memref_slice %arg3[%add3A_12] : memref<163840xi32, #tpu.memory_space<hbm>> -> memref<128xi32, #tpu.memory_space<hbm>>
        %dma_wait3A_20 = tpu.memref_slice %arg3[%add3A_12] : memref<163840xi32, #tpu.memory_space<hbm>> -> memref<128xi32, #tpu.memory_space<hbm>>
        tpu.wait_dma2 semaphore(%run_scoped3A : memref<!tpu.dma_semaphore, #tpu.memory_space<semaphore_mem>>) src(%dma_wait3A_20 : memref<128xi32, #tpu.memory_space<hbm>>) dst(%arg5 : memref<128xi32, #tpu.memory_space<vmem>>)
        tpu.yield
      }) : () -> ()
      %dma_start3A = arith.constant 0 : i32
      %dma_start3A_13 = arith.constant 0 : i32
      %dma_start3A_14 = tpu.memref_slice %arg2[%dma_start3A, %dma_start3A_13] : memref<10000x128xf32, #tpu.memory_space<hbm>> -> memref<10000x128xf32, #tpu.memory_space<hbm>>
      tpu.enqueue_indirect_dma source(%dma_start3A_14 : memref<10000x128xf32, #tpu.memory_space<hbm>>) target(%arg6 : memref<128x128xf32, #tpu.memory_space<vmem>>) offsets(%arg5 : memref<128xi32, #tpu.memory_space<vmem>>) semaphore(%arg7 : memref<!tpu.dma_semaphore, #tpu.memory_space<semaphore_mem>>)
      %dma_wait3A = arith.constant 0 : i32
      %dma_wait3A_15 = arith.constant 0 : i32
      %dma_wait3A_16 = tpu.memref_slice %arg2[%dma_wait3A, %dma_wait3A_15] : memref<10000x128xf32, #tpu.memory_space<hbm>> -> memref<10000x128xf32, #tpu.memory_space<hbm>>
      tpu.wait_indirect_dma semaphore(%arg7 : memref<!tpu.dma_semaphore, #tpu.memory_space<semaphore_mem>>) src(%dma_wait3A_16 : memref<10000x128xf32, #tpu.memory_space<hbm>>) dst(%arg6 : memref<128x128xf32, #tpu.memory_space<vmem>>)
      "tpu.region"() ({
        %run_scoped3A = tpu.sem_alloc : memref<!tpu.dma_semaphore, #tpu.memory_space<semaphore_mem>>
        %dma_start3A_17 = arith.constant 0 : i32
        %dma_start3A_18 = tpu.memref_slice %arg4[%add3A_12, %dma_start3A_17] : memref<163840x128xf32, #tpu.memory_space<hbm>> -> memref<128x128xf32, #tpu.memory_space<hbm>>
        %dma_start3A_19 = arith.constant 0 : i32
        %dma_start3A_20 = tpu.memref_slice %arg4[%add3A_12, %dma_start3A_19] : memref<163840x128xf32, #tpu.memory_space<hbm>> -> memref<128x128xf32, #tpu.memory_space<hbm>>
        tpu.enqueue_dma source(%arg6 : memref<128x128xf32, #tpu.memory_space<vmem>>) target(%dma_start3A_20 : memref<128x128xf32, #tpu.memory_space<hbm>>) target_semaphore(%run_scoped3A : memref<!tpu.dma_semaphore, #tpu.memory_space<semaphore_mem>>)
        %dma_wait3A_21 = arith.constant 0 : i32
        %dma_wait3A_22 = tpu.memref_slice %arg4[%add3A_12, %dma_wait3A_21] : memref<163840x128xf32, #tpu.memory_space<hbm>> -> memref<128x128xf32, #tpu.memory_space<hbm>>
        %dma_wait3A_23 = arith.constant 0 : i32
        %dma_wait3A_24 = tpu.memref_slice %arg4[%add3A_12, %dma_wait3A_23] : memref<163840x128xf32, #tpu.memory_space<hbm>> -> memref<128x128xf32, #tpu.memory_space<hbm>>
        tpu.wait_dma2 semaphore(%run_scoped3A : memref<!tpu.dma_semaphore, #tpu.memory_space<semaphore_mem>>) src(%arg6 : memref<128x128xf32, #tpu.memory_space<vmem>>) dst(%dma_wait3A_24 : memref<128x128xf32, #tpu.memory_space<hbm>>)
        tpu.yield
      }) : () -> ()
    }
    %scan3A_4 = arith.constant 40 : i32
    return
  }
}

#map = affine_map<(d0, d1) -> (0, 0)>
#map1 = affine_map<(d0, d1) -> (0)>
module attributes {stable_mosaic.version = 14 : i64} {
  func.func @k(%arg0: i32, %arg1: i32, %arg2: memref<80000x128xf32, #tpu.memory_space<hbm>>, %arg3: memref<163840xi32, #tpu.memory_space<hbm>>, %arg4: memref<163840xi32, #tpu.memory_space<hbm>>, %arg5: memref<163840x128xf32, #tpu.memory_space<hbm>>, %arg6: memref<163840x128xf32, #tpu.memory_space<hbm>>, %arg7: memref<128xi32, #tpu.memory_space<vmem>>, %arg8: memref<128xi32, #tpu.memory_space<vmem>>, %arg9: memref<128x128xf32, #tpu.memory_space<vmem>>, %arg10: memref<128x128xf32, #tpu.memory_space<vmem>>, %arg11: memref<!tpu.dma_semaphore, #tpu.memory_space<semaphore_mem>>, %arg12: memref<!tpu.dma_semaphore, #tpu.memory_space<semaphore_mem>>) attributes {dimension_semantics = [#tpu.dimension_semantics<core_parallel>, #tpu.dimension_semantics<subcore_parallel>], iteration_bounds = array<i64: 2, 16>, scalar_prefetch = 0 : i64, scratch_operands = 6 : i64, tpu.core_type = #tpu.core_type<sc_vector_subcore>, window_params = [{transform_indices = #map}, {transform_indices = #map1}, {transform_indices = #map1}, {transform_indices = #map}, {transform_indices = #map}]} {
    %mul3A = arith.constant 2 : i32
    %mul3A_0 = arith.muli %arg1, %mul3A : i32
    %add3A = arith.addi %mul3A_0, %arg0 : i32
    %scan3A = arith.constant 0 : i32
    %scan3A_1 = arith.constant 40 : i32
    %scan3A_2 = arith.addi %scan3A, %scan3A_1 : i32
    %scan3A_3 = arith.constant 1 : i32
    scf.for %scan3A_5 = %scan3A to %scan3A_2 step %scan3A_3  : i32 {
      %mul3A_6 = arith.constant 128 : i32
      %mul3A_7 = arith.muli %scan3A_5, %mul3A_6 : i32
      %add3A_8 = arith.constant 0 : i32
      %add3A_9 = arith.addi %add3A_8, %mul3A_7 : i32
      %mul3A_10 = arith.constant 5120 : i32
      %mul3A_11 = arith.muli %add3A, %mul3A_10 : i32
      %add3A_12 = arith.addi %mul3A_11, %add3A_9 : i32
      "tpu.region"() ({
        %run_scoped3A = tpu.sem_alloc : memref<!tpu.dma_semaphore, #tpu.memory_space<semaphore_mem>>
        %dma_start3A_23 = tpu.memref_slice %arg3[%add3A_12] : memref<163840xi32, #tpu.memory_space<hbm>> -> memref<128xi32, #tpu.memory_space<hbm>>
        %dma_start3A_24 = tpu.memref_slice %arg3[%add3A_12] : memref<163840xi32, #tpu.memory_space<hbm>> -> memref<128xi32, #tpu.memory_space<hbm>>
        tpu.enqueue_dma source(%dma_start3A_24 : memref<128xi32, #tpu.memory_space<hbm>>) target(%arg7 : memref<128xi32, #tpu.memory_space<vmem>>) target_semaphore(%run_scoped3A : memref<!tpu.dma_semaphore, #tpu.memory_space<semaphore_mem>>)
        %dma_wait3A_25 = tpu.memref_slice %arg3[%add3A_12] : memref<163840xi32, #tpu.memory_space<hbm>> -> memref<128xi32, #tpu.memory_space<hbm>>
        %dma_wait3A_26 = tpu.memref_slice %arg3[%add3A_12] : memref<163840xi32, #tpu.memory_space<hbm>> -> memref<128xi32, #tpu.memory_space<hbm>>
        tpu.wait_dma2 semaphore(%run_scoped3A : memref<!tpu.dma_semaphore, #tpu.memory_space<semaphore_mem>>) src(%dma_wait3A_26 : memref<128xi32, #tpu.memory_space<hbm>>) dst(%arg7 : memref<128xi32, #tpu.memory_space<vmem>>)
        tpu.yield
      }) : () -> ()
      "tpu.region"() ({
        %run_scoped3A = tpu.sem_alloc : memref<!tpu.dma_semaphore, #tpu.memory_space<semaphore_mem>>
        %dma_start3A_23 = tpu.memref_slice %arg4[%add3A_12] : memref<163840xi32, #tpu.memory_space<hbm>> -> memref<128xi32, #tpu.memory_space<hbm>>
        %dma_start3A_24 = tpu.memref_slice %arg4[%add3A_12] : memref<163840xi32, #tpu.memory_space<hbm>> -> memref<128xi32, #tpu.memory_space<hbm>>
        tpu.enqueue_dma source(%dma_start3A_24 : memref<128xi32, #tpu.memory_space<hbm>>) target(%arg8 : memref<128xi32, #tpu.memory_space<vmem>>) target_semaphore(%run_scoped3A : memref<!tpu.dma_semaphore, #tpu.memory_space<semaphore_mem>>)
        %dma_wait3A_25 = tpu.memref_slice %arg4[%add3A_12] : memref<163840xi32, #tpu.memory_space<hbm>> -> memref<128xi32, #tpu.memory_space<hbm>>
        %dma_wait3A_26 = tpu.memref_slice %arg4[%add3A_12] : memref<163840xi32, #tpu.memory_space<hbm>> -> memref<128xi32, #tpu.memory_space<hbm>>
        tpu.wait_dma2 semaphore(%run_scoped3A : memref<!tpu.dma_semaphore, #tpu.memory_space<semaphore_mem>>) src(%dma_wait3A_26 : memref<128xi32, #tpu.memory_space<hbm>>) dst(%arg8 : memref<128xi32, #tpu.memory_space<vmem>>)
        tpu.yield
      }) : () -> ()
      %dma_start3A = arith.constant 0 : i32
      %dma_start3A_13 = arith.constant 0 : i32
      %dma_start3A_14 = tpu.memref_slice %arg2[%dma_start3A, %dma_start3A_13] : memref<80000x128xf32, #tpu.memory_space<hbm>> -> memref<80000x128xf32, #tpu.memory_space<hbm>>
      tpu.enqueue_indirect_dma source(%dma_start3A_14 : memref<80000x128xf32, #tpu.memory_space<hbm>>) target(%arg9 : memref<128x128xf32, #tpu.memory_space<vmem>>) offsets(%arg7 : memref<128xi32, #tpu.memory_space<vmem>>) semaphore(%arg11 : memref<!tpu.dma_semaphore, #tpu.memory_space<semaphore_mem>>)
      %dma_start3A_15 = arith.constant 0 : i32
      %dma_start3A_16 = arith.constant 0 : i32
      %dma_start3A_17 = tpu.memref_slice %arg2[%dma_start3A_15, %dma_start3A_16] : memref<80000x128xf32, #tpu.memory_space<hbm>> -> memref<80000x128xf32, #tpu.memory_space<hbm>>
      tpu.enqueue_indirect_dma source(%dma_start3A_17 : memref<80000x128xf32, #tpu.memory_space<hbm>>) target(%arg10 : memref<128x128xf32, #tpu.memory_space<vmem>>) offsets(%arg8 : memref<128xi32, #tpu.memory_space<vmem>>) semaphore(%arg12 : memref<!tpu.dma_semaphore, #tpu.memory_space<semaphore_mem>>)
      %dma_wait3A = arith.constant 0 : i32
      %dma_wait3A_18 = arith.constant 0 : i32
      %dma_wait3A_19 = tpu.memref_slice %arg2[%dma_wait3A, %dma_wait3A_18] : memref<80000x128xf32, #tpu.memory_space<hbm>> -> memref<80000x128xf32, #tpu.memory_space<hbm>>
      tpu.wait_indirect_dma semaphore(%arg11 : memref<!tpu.dma_semaphore, #tpu.memory_space<semaphore_mem>>) src(%dma_wait3A_19 : memref<80000x128xf32, #tpu.memory_space<hbm>>) dst(%arg9 : memref<128x128xf32, #tpu.memory_space<vmem>>)
      "tpu.region"() ({
        %run_scoped3A = tpu.sem_alloc : memref<!tpu.dma_semaphore, #tpu.memory_space<semaphore_mem>>
        %dma_start3A_23 = arith.constant 0 : i32
        %dma_start3A_24 = tpu.memref_slice %arg5[%add3A_12, %dma_start3A_23] : memref<163840x128xf32, #tpu.memory_space<hbm>> -> memref<128x128xf32, #tpu.memory_space<hbm>>
        %dma_start3A_25 = arith.constant 0 : i32
        %dma_start3A_26 = tpu.memref_slice %arg5[%add3A_12, %dma_start3A_25] : memref<163840x128xf32, #tpu.memory_space<hbm>> -> memref<128x128xf32, #tpu.memory_space<hbm>>
        tpu.enqueue_dma source(%arg9 : memref<128x128xf32, #tpu.memory_space<vmem>>) target(%dma_start3A_26 : memref<128x128xf32, #tpu.memory_space<hbm>>) target_semaphore(%run_scoped3A : memref<!tpu.dma_semaphore, #tpu.memory_space<semaphore_mem>>)
        %dma_wait3A_27 = arith.constant 0 : i32
        %dma_wait3A_28 = tpu.memref_slice %arg5[%add3A_12, %dma_wait3A_27] : memref<163840x128xf32, #tpu.memory_space<hbm>> -> memref<128x128xf32, #tpu.memory_space<hbm>>
        %dma_wait3A_29 = arith.constant 0 : i32
        %dma_wait3A_30 = tpu.memref_slice %arg5[%add3A_12, %dma_wait3A_29] : memref<163840x128xf32, #tpu.memory_space<hbm>> -> memref<128x128xf32, #tpu.memory_space<hbm>>
        tpu.wait_dma2 semaphore(%run_scoped3A : memref<!tpu.dma_semaphore, #tpu.memory_space<semaphore_mem>>) src(%arg9 : memref<128x128xf32, #tpu.memory_space<vmem>>) dst(%dma_wait3A_30 : memref<128x128xf32, #tpu.memory_space<hbm>>)
        tpu.yield
      }) : () -> ()
      %dma_wait3A_20 = arith.constant 0 : i32
      %dma_wait3A_21 = arith.constant 0 : i32
      %dma_wait3A_22 = tpu.memref_slice %arg2[%dma_wait3A_20, %dma_wait3A_21] : memref<80000x128xf32, #tpu.memory_space<hbm>> -> memref<80000x128xf32, #tpu.memory_space<hbm>>
      tpu.wait_indirect_dma semaphore(%arg12 : memref<!tpu.dma_semaphore, #tpu.memory_space<semaphore_mem>>) src(%dma_wait3A_22 : memref<80000x128xf32, #tpu.memory_space<hbm>>) dst(%arg10 : memref<128x128xf32, #tpu.memory_space<vmem>>)
      "tpu.region"() ({
        %run_scoped3A = tpu.sem_alloc : memref<!tpu.dma_semaphore, #tpu.memory_space<semaphore_mem>>
        %dma_start3A_23 = arith.constant 0 : i32
        %dma_start3A_24 = tpu.memref_slice %arg6[%add3A_12, %dma_start3A_23] : memref<163840x128xf32, #tpu.memory_space<hbm>> -> memref<128x128xf32, #tpu.memory_space<hbm>>
        %dma_start3A_25 = arith.constant 0 : i32
        %dma_start3A_26 = tpu.memref_slice %arg6[%add3A_12, %dma_start3A_25] : memref<163840x128xf32, #tpu.memory_space<hbm>> -> memref<128x128xf32, #tpu.memory_space<hbm>>
        tpu.enqueue_dma source(%arg10 : memref<128x128xf32, #tpu.memory_space<vmem>>) target(%dma_start3A_26 : memref<128x128xf32, #tpu.memory_space<hbm>>) target_semaphore(%run_scoped3A : memref<!tpu.dma_semaphore, #tpu.memory_space<semaphore_mem>>)
        %dma_wait3A_27 = arith.constant 0 : i32
        %dma_wait3A_28 = tpu.memref_slice %arg6[%add3A_12, %dma_wait3A_27] : memref<163840x128xf32, #tpu.memory_space<hbm>> -> memref<128x128xf32, #tpu.memory_space<hbm>>
        %dma_wait3A_29 = arith.constant 0 : i32
        %dma_wait3A_30 = tpu.memref_slice %arg6[%add3A_12, %dma_wait3A_29] : memref<163840x128xf32, #tpu.memory_space<hbm>> -> memref<128x128xf32, #tpu.memory_space<hbm>>
        tpu.wait_dma2 semaphore(%run_scoped3A : memref<!tpu.dma_semaphore, #tpu.memory_space<semaphore_mem>>) src(%arg10 : memref<128x128xf32, #tpu.memory_space<vmem>>) dst(%dma_wait3A_30 : memref<128x128xf32, #tpu.memory_space<hbm>>)
        tpu.yield
      }) : () -> ()
    }
    %scan3A_4 = arith.constant 40 : i32
    return
  }
}

module attributes {stable_mosaic.version = 14 : i64} {
  func.func @_k0_body(%arg0: i32, %arg1: i32, %arg2: memref<400x128xf32, #tpu.memory_space<vmem>>, %arg3: memref<1x128x128xf32, #tpu.memory_space<vmem>>, %arg4: memref<1x128x128xf32, #tpu.memory_space<vmem>>, %arg5: memref<400x128xf32, #tpu.memory_space<vmem>>, %arg6: memref<128x128xf32, #tpu.memory_space<vmem>>) attributes {dimension_semantics = [#tpu.dimension_semantics<arbitrary>, #tpu.dimension_semantics<arbitrary>], iteration_bounds = array<i64: 8, 25>, scalar_prefetch = 0 : i64, scratch_operands = 1 : i64, tpu.core_type = #tpu.core_type<tc>, window_params = [{transform_indices = @transform_0, window_bounds = array<i64: 400, 128>}, {transform_indices = @transform_1, window_bounds = array<i64: 1, 128, 128>}, {transform_indices = @transform_2, window_bounds = array<i64: 1, 128, 128>}, {transform_indices = @transform_3, window_bounds = array<i64: 400, 128>}]} {
    %eq3A = arith.constant 0 : i32
    %eq3A_0 = arith.cmpi eq, %arg1, %eq3A : i32
    %convert_element_type3A = arith.extui %eq3A_0 : i1 to i32
    %cond3A = arith.constant 0 : i32
    %cond3A_1 = arith.cmpi ne, %convert_element_type3A, %cond3A : i32
    scf.if %cond3A_1 {
      %get3A_10 = arith.constant 0 : index
      %get3A_11 = arith.constant 0 : index
      %get3A_12 = arith.constant 0 : index
      %get3A_13 = vector.load %arg3[%get3A_10, %get3A_11, %get3A_12] : memref<1x128x128xf32, #tpu.memory_space<vmem>>, vector<1x128x128xf32>
      %get3A_14 = vector.shape_cast %get3A_13 : vector<1x128x128xf32> to vector<128x128xf32>
      %get3A_15 = arith.constant 0 : index
      %get3A_16 = arith.constant 0 : index
      %get3A_17 = arith.constant 0 : index
      %get3A_18 = vector.load %arg4[%get3A_15, %get3A_16, %get3A_17] : memref<1x128x128xf32, #tpu.memory_space<vmem>>, vector<1x128x128xf32>
      %get3A_19 = vector.shape_cast %get3A_18 : vector<1x128x128xf32> to vector<128x128xf32>
      %dot_general3A_20 = arith.constant dense<0.000000e+00> : vector<128x128xf32>
      %dot_general3A_21 = tpu.matmul %get3A_14, %get3A_19, %dot_general3A_20 {dimension_numbers = #tpu.dot_dimension_numbers<[1], [1], [0], [0], [0, 0, 1, 0], [], []>, transpose_lhs_hint = false} : vector<128x128xf32>, vector<128x128xf32>, vector<128x128xf32> -> vector<128x128xf32>
      %mul3A = arith.constant 0.0883883461 : f32
      %mul3A_22 = vector.broadcast %mul3A : f32 to vector<128x128xf32>
      %mul3A_23 = arith.mulf %dot_general3A_21, %mul3A_22 : vector<128x128xf32>
      %swap3A_24 = arith.constant 0 : index
      %swap3A_25 = arith.constant 0 : index
      %swap3A_26 = vector.load %arg6[%swap3A_24, %swap3A_25] : memref<128x128xf32, #tpu.memory_space<vmem>>, vector<128x128xf32>
      tpu.vector_store %arg6[%swap3A_24, %swap3A_25], %mul3A_23 {strides = array<i32>} : memref<128x128xf32, #tpu.memory_space<vmem>>, vector<128x128xf32>,
    } else {
    }
    %get3A = arith.constant 0 : index
    %get3A_2 = arith.constant 0 : index
    %get3A_3 = vector.load %arg2[%get3A, %get3A_2] : memref<400x128xf32, #tpu.memory_space<vmem>>, vector<400x128xf32>
    %get3A_4 = arith.constant 0 : index
    %get3A_5 = arith.constant 0 : index
    %get3A_6 = vector.load %arg6[%get3A_4, %get3A_5] : memref<128x128xf32, #tpu.memory_space<vmem>>, vector<128x128xf32>
    %dot_general3A = arith.constant dense<0.000000e+00> : vector<400x128xf32>
    %dot_general3A_7 = tpu.matmul %get3A_3, %get3A_6, %dot_general3A {dimension_numbers = #tpu.dot_dimension_numbers<[1], [0], [0], [1], [0, 0, 1, 1], [], []>, transpose_lhs_hint = false} : vector<400x128xf32>, vector<128x128xf32>, vector<400x128xf32> -> vector<400x128xf32>
    %swap3A = arith.constant 0 : index
    %swap3A_8 = arith.constant 0 : index
    %swap3A_9 = vector.load %arg5[%swap3A, %swap3A_8] : memref<400x128xf32, #tpu.memory_space<vmem>>, vector<400x128xf32>
    tpu.vector_store %arg5[%swap3A, %swap3A_8], %dot_general3A_7 {strides = array<i32>} : memref<400x128xf32, #tpu.memory_space<vmem>>, vector<400x128xf32>,
    return
  }
  func.func @transform_0(%arg0: i32, %arg1: i32) -> (i32, i32) {
    %c0_i32 = arith.constant 0 : i32
    %c0_i32_0 = arith.constant 0 : i32
    return %arg1, %c0_i32 : i32, i32
  }
  func.func @transform_1(%arg0: i32, %arg1: i32) -> (i32, i32, i32) {
    %c0_i32 = arith.constant 0 : i32
    %c0_i32_0 = arith.constant 0 : i32
    %c0_i32_1 = arith.constant 0 : i32
    return %arg0, %c0_i32, %c0_i32_0 : i32, i32, i32
  }
  func.func @transform_2(%arg0: i32, %arg1: i32) -> (i32, i32, i32) {
    %c0_i32 = arith.constant 0 : i32
    %c0_i32_0 = arith.constant 0 : i32
    %c0_i32_1 = arith.constant 0 : i32
    return %arg0, %c0_i32, %c0_i32_0 : i32, i32, i32
  }
  func.func @transform_3(%arg0: i32, %arg1: i32) -> (i32, i32) {
    %mul3A = arith.constant 25 : i32
    %mul3A_0 = arith.muli %arg0, %mul3A : i32
    %add3A = arith.addi %mul3A_0, %arg1 : i32
    %c0_i32 = arith.constant 0 : i32
    %c0_i32_1 = arith.constant 0 : i32
    return %add3A, %c0_i32 : i32, i32
  }
}

module attributes {stable_mosaic.version = 14 : i64} {
  func.func @_k2_body(%arg0: i32, %arg1: memref<2048x128xf32, #tpu.memory_space<vmem>>, %arg2: memref<2048x128xf32, #tpu.memory_space<vmem>>, %arg3: memref<2048x128xf32, #tpu.memory_space<vmem>>, %arg4: memref<2048x1xf32, #tpu.memory_space<vmem>>, %arg5: memref<2048x1xf32, #tpu.memory_space<vmem>>, %arg6: memref<2048x32xf32, #tpu.memory_space<vmem>>, %arg7: memref<2048x256xf32, #tpu.memory_space<vmem>>) attributes {dimension_semantics = [#tpu.dimension_semantics<arbitrary>], iteration_bounds = array<i64: 80>, scalar_prefetch = 0 : i64, scratch_operands = 0 : i64, tpu.core_type = #tpu.core_type<tc>, window_params = [{transform_indices = @transform_0, window_bounds = array<i64: 2048, 128>}, {transform_indices = @transform_1, window_bounds = array<i64: 2048, 128>}, {transform_indices = @transform_2, window_bounds = array<i64: 2048, 128>}, {transform_indices = @transform_3, window_bounds = array<i64: 2048, 1>}, {transform_indices = @transform_4, window_bounds = array<i64: 2048, 1>}, {transform_indices = @transform_5, window_bounds = array<i64: 2048, 32>}, {transform_indices = @transform_6, window_bounds = array<i64: 2048, 256>}]} {
    %get3A = arith.constant 0 : index
    %get3A_0 = arith.constant 0 : index
    %get3A_1 = vector.load %arg3[%get3A, %get3A_0] : memref<2048x128xf32, #tpu.memory_space<vmem>>, vector<2048x128xf32>
    %get3A_2 = arith.constant 0 : index
    %get3A_3 = arith.constant 0 : index
    %get3A_4 = vector.load %arg4[%get3A_2, %get3A_3] : memref<2048x1xf32, #tpu.memory_space<vmem>>, vector<2048x1xf32>
    %get3A_5 = arith.constant 0 : index
    %get3A_6 = arith.constant 0 : index
    %get3A_7 = vector.load %arg1[%get3A_5, %get3A_6] : memref<2048x128xf32, #tpu.memory_space<vmem>>, vector<2048x128xf32>
    %mul3A = arith.mulf %get3A_7, %get3A_1 : vector<2048x128xf32>
    %reduce_sum3A = arith.constant dense<0.000000e+00> : vector<2048xf32>
    %reduce_sum3A_8 = vector.multi_reduction <add>, %mul3A, %reduce_sum3A [1] : vector<2048x128xf32> to vector<2048xf32>
    %broadcast_in_dim3A = vector.shape_cast %reduce_sum3A_8 : vector<2048xf32> to vector<2048x1xf32>
    %get3A_9 = arith.constant 0 : index
    %get3A_10 = arith.constant 0 : index
    %get3A_11 = vector.load %arg2[%get3A_9, %get3A_10] : memref<2048x128xf32, #tpu.memory_space<vmem>>, vector<2048x128xf32>
    %mul3A_12 = arith.mulf %get3A_11, %get3A_1 : vector<2048x128xf32>
    %reduce_sum3A_13 = arith.constant dense<0.000000e+00> : vector<2048xf32>
    %reduce_sum3A_14 = vector.multi_reduction <add>, %mul3A_12, %reduce_sum3A_13 [1] : vector<2048x128xf32> to vector<2048xf32>
    %broadcast_in_dim3A_15 = vector.shape_cast %reduce_sum3A_14 : vector<2048xf32> to vector<2048x1xf32>
    %add3A = arith.addf %broadcast_in_dim3A, %get3A_4 : vector<2048x1xf32>
    %exp3A = math.exp %add3A : vector<2048x1xf32>
    %add3A_16 = arith.addf %broadcast_in_dim3A_15, %get3A_4 : vector<2048x1xf32>
    %exp3A_17 = math.exp %add3A_16 : vector<2048x1xf32>
    %iota3A = tpu.iota {dimensions = array<i32: 1>} : vector<2048x32xi32>
    %eq3A = arith.constant 0 : i32
    %eq3A_18 = vector.broadcast %eq3A : i32 to vector<2048x32xi32>
    %eq3A_19 = arith.cmpi eq, %iota3A, %eq3A_18 : vector<2048x32xi32>
    %jit3A = arith.constant 0.000000e+00 : f32
    %broadcast_in_dim3A_20 = vector.shape_cast %exp3A : vector<2048x1xf32> to vector<2048x1xf32>
    %broadcast_in_dim3A_21 = vector.broadcast %broadcast_in_dim3A_20 : vector<2048x1xf32> to vector<2048x32xf32>
    %broadcast_in_dim3A_22 = vector.broadcast %jit3A : f32 to vector<2048x32xf32>
    %select_n3A = arith.select %eq3A_19, %broadcast_in_dim3A_21, %broadcast_in_dim3A_22 : vector<2048x32xi1>, vector<2048x32xf32>
    %eq3A_23 = arith.constant 1 : i32
    %eq3A_24 = vector.broadcast %eq3A_23 : i32 to vector<2048x32xi32>
    %eq3A_25 = arith.cmpi eq, %iota3A, %eq3A_24 : vector<2048x32xi32>
    %jit3A_26 = arith.constant 0.000000e+00 : f32
    %broadcast_in_dim3A_27 = vector.shape_cast %exp3A_17 : vector<2048x1xf32> to vector<2048x1xf32>
    %broadcast_in_dim3A_28 = vector.broadcast %broadcast_in_dim3A_27 : vector<2048x1xf32> to vector<2048x32xf32>
    %broadcast_in_dim3A_29 = vector.broadcast %jit3A_26 : f32 to vector<2048x32xf32>
    %select_n3A_30 = arith.select %eq3A_25, %broadcast_in_dim3A_28, %broadcast_in_dim3A_29 : vector<2048x32xi1>, vector<2048x32xf32>
    %add3A_31 = arith.addf %select_n3A, %select_n3A_30 : vector<2048x32xf32>
    %eq3A_32 = arith.constant 2 : i32
    %eq3A_33 = vector.broadcast %eq3A_32 : i32 to vector<2048x32xi32>
    %eq3A_34 = arith.cmpi eq, %iota3A, %eq3A_33 : vector<2048x32xi32>
    %get3A_35 = arith.constant 0 : index
    %get3A_36 = arith.constant 0 : index
    %get3A_37 = vector.load %arg5[%get3A_35, %get3A_36] : memref<2048x1xf32, #tpu.memory_space<vmem>>, vector<2048x1xf32>
    %jit3A_38 = arith.constant 0.000000e+00 : f32
    %broadcast_in_dim3A_39 = vector.shape_cast %get3A_37 : vector<2048x1xf32> to vector<2048x1xf32>
    %broadcast_in_dim3A_40 = vector.broadcast %broadcast_in_dim3A_39 : vector<2048x1xf32> to vector<2048x32xf32>
    %broadcast_in_dim3A_41 = vector.broadcast %jit3A_38 : f32 to vector<2048x32xf32>
    %select_n3A_42 = arith.select %eq3A_34, %broadcast_in_dim3A_40, %broadcast_in_dim3A_41 : vector<2048x32xi1>, vector<2048x32xf32>
    %add3A_43 = arith.addf %add3A_31, %select_n3A_42 : vector<2048x32xf32>
    %swap3A = arith.constant 0 : index
    %swap3A_44 = arith.constant 0 : index
    %swap3A_45 = vector.load %arg6[%swap3A, %swap3A_44] : memref<2048x32xf32, #tpu.memory_space<vmem>>, vector<2048x32xf32>
    tpu.vector_store %arg6[%swap3A, %swap3A_44], %add3A_43 {strides = array<i32>} : memref<2048x32xf32, #tpu.memory_space<vmem>>, vector<2048x32xf32>,
    %mul3A_46 = vector.broadcast %exp3A : vector<2048x1xf32> to vector<2048x128xf32>
    %mul3A_47 = arith.mulf %mul3A_46, %get3A_1 : vector<2048x128xf32>
    %mul3A_48 = vector.broadcast %exp3A_17 : vector<2048x1xf32> to vector<2048x128xf32>
    %mul3A_49 = arith.mulf %mul3A_48, %get3A_1 : vector<2048x128xf32>
    %concatenate3A = tpu.concatenate %mul3A_47, %mul3A_49 in 1 : vector<2048x128xf32>, vector<2048x128xf32> -> vector<2048x256xf32>
    %swap3A_50 = arith.constant 0 : index
    %swap3A_51 = arith.constant 0 : index
    %swap3A_52 = vector.load %arg7[%swap3A_50, %swap3A_51] : memref<2048x256xf32, #tpu.memory_space<vmem>>, vector<2048x256xf32>
    tpu.vector_store %arg7[%swap3A_50, %swap3A_51], %concatenate3A {strides = array<i32>} : memref<2048x256xf32, #tpu.memory_space<vmem>>, vector<2048x256xf32>,
    return
  }
  func.func @transform_0(%arg0: i32) -> (i32, i32) {
    %c0_i32 = arith.constant 0 : i32
    %c0_i32_0 = arith.constant 0 : i32
    return %arg0, %c0_i32 : i32, i32
  }
  func.func @transform_1(%arg0: i32) -> (i32, i32) {
    %c0_i32 = arith.constant 0 : i32
    %c0_i32_0 = arith.constant 0 : i32
    return %arg0, %c0_i32 : i32, i32
  }
  func.func @transform_2(%arg0: i32) -> (i32, i32) {
    %c0_i32 = arith.constant 0 : i32
    %c0_i32_0 = arith.constant 0 : i32
    return %arg0, %c0_i32 : i32, i32
  }
  func.func @transform_3(%arg0: i32) -> (i32, i32) {
    %c0_i32 = arith.constant 0 : i32
    %c0_i32_0 = arith.constant 0 : i32
    return %arg0, %c0_i32 : i32, i32
  }
  func.func @transform_4(%arg0: i32) -> (i32, i32) {
    %c0_i32 = arith.constant 0 : i32
    %c0_i32_0 = arith.constant 0 : i32
    return %arg0, %c0_i32 : i32, i32
  }
  func.func @transform_5(%arg0: i32) -> (i32, i32) {
    %c0_i32 = arith.constant 0 : i32
    %c0_i32_0 = arith.constant 0 : i32
    return %arg0, %c0_i32 : i32, i32
  }
  func.func @transform_6(%arg0: i32) -> (i32, i32) {
    %c0_i32 = arith.constant 0 : i32
    %c0_i32_0 = arith.constant 0 : i32
    return %arg0, %c0_i32 : i32, i32
  }
}

module attributes {stable_mosaic.version = 14 : i64} {
  func.func @_k4_body(%arg0: i32, %arg1: memref<1600x256xf32, #tpu.memory_space<vmem>>, %arg2: memref<400x32xf32, #tpu.memory_space<vmem>>, %arg3: memref<400x128xf32, #tpu.memory_space<vmem>>, %arg4: memref<400x1xf32, #tpu.memory_space<vmem>>, %arg5: memref<4x2x128x128xf32, #tpu.memory_space<vmem>>, %arg6: memref<1x128xf32, #tpu.memory_space<vmem>>, %arg7: memref<1x128xf32, #tpu.memory_space<vmem>>, %arg8: memref<400x128xf32, #tpu.memory_space<vmem>>) attributes {dimension_semantics = [#tpu.dimension_semantics<arbitrary>], iteration_bounds = array<i64: 25>, scalar_prefetch = 0 : i64, scratch_operands = 0 : i64, tpu.core_type = #tpu.core_type<tc>, window_params = [{transform_indices = @transform_0, window_bounds = array<i64: 1600, 256>}, {transform_indices = @transform_1, window_bounds = array<i64: 400, 32>}, {transform_indices = @transform_2, window_bounds = array<i64: 400, 128>}, {transform_indices = @transform_3, window_bounds = array<i64: 400, 1>}, {pipeline_mode = #tpu.pipeline_mode<synchronous>, transform_indices = @transform_4, window_bounds = array<i64: 4, 2, 128, 128>}, {pipeline_mode = #tpu.pipeline_mode<synchronous>, transform_indices = @transform_5, window_bounds = array<i64: 1, 128>}, {pipeline_mode = #tpu.pipeline_mode<synchronous>, transform_indices = @transform_6, window_bounds = array<i64: 1, 128>}, {transform_indices = @transform_7, window_bounds = array<i64: 400, 128>}]} {
    %broadcast_in_dim3A = arith.constant 0.000000e+00 : f32
    %broadcast_in_dim3A_0 = vector.broadcast %broadcast_in_dim3A : f32 to vector<400x128xf32>
    %broadcast_in_dim3A_1 = arith.constant 0.000000e+00 : f32
    %broadcast_in_dim3A_2 = vector.broadcast %broadcast_in_dim3A_1 : f32 to vector<400x128xf32>
    %get3A = arith.constant 0 : index
    %get3A_3 = arith.constant 0 : index
    %get3A_4 = vector.load %arg1[%get3A, %get3A_3] : memref<1600x256xf32, #tpu.memory_space<vmem>>, vector<1600x32xf32>
    %reshape3A = vector.shape_cast %get3A_4 : vector<1600x32xf32> to vector<400x4x32xf32>
    %slice3A = vector.extract_strided_slice %reshape3A {offsets = [0, 0, 0], sizes = [400, 1, 32], strides = [1, 1, 1]} : vector<400x4x32xf32> to vector<400x1x32xf32>
    %squeeze3A = vector.shape_cast %slice3A : vector<400x1x32xf32> to vector<400x32xf32>
    %get3A_5 = arith.constant 0 : index
    %get3A_6 = arith.constant 0 : index
    %get3A_7 = arith.constant 0 : index
    %get3A_8 = arith.constant 0 : index
    %get3A_9 = vector.load %arg5[%get3A_5, %get3A_6, %get3A_7, %get3A_8] : memref<4x2x128x128xf32, #tpu.memory_space<vmem>>, vector<1x1x32x128xf32>
    %get3A_10 = vector.shape_cast %get3A_9 : vector<1x1x32x128xf32> to vector<32x128xf32>
    %dot_general3A = arith.constant dense<0.000000e+00> : vector<400x128xf32>
    %dot_general3A_11 = tpu.matmul %squeeze3A, %get3A_10, %dot_general3A {dimension_numbers = #tpu.dot_dimension_numbers<[1], [0], [0], [1], [0, 0, 1, 1], [], []>, transpose_lhs_hint = false} : vector<400x32xf32>, vector<32x128xf32>, vector<400x128xf32> -> vector<400x128xf32>
    %add3A = arith.addf %broadcast_in_dim3A_2, %dot_general3A_11 : vector<400x128xf32>
    %slice3A_12 = vector.extract_strided_slice %reshape3A {offsets = [0, 1, 0], sizes = [400, 1, 32], strides = [1, 1, 1]} : vector<400x4x32xf32> to vector<400x1x32xf32>
    %squeeze3A_13 = vector.shape_cast %slice3A_12 : vector<400x1x32xf32> to vector<400x32xf32>
    %get3A_14 = arith.constant 1 : index
    %get3A_15 = arith.constant 0 : index
    %get3A_16 = arith.constant 0 : index
    %get3A_17 = arith.constant 0 : index
    %get3A_18 = vector.load %arg5[%get3A_14, %get3A_15, %get3A_16, %get3A_17] : memref<4x2x128x128xf32, #tpu.memory_space<vmem>>, vector<1x1x32x128xf32>
    %get3A_19 = vector.shape_cast %get3A_18 : vector<1x1x32x128xf32> to vector<32x128xf32>
    %dot_general3A_20 = arith.constant dense<0.000000e+00> : vector<400x128xf32>
    %dot_general3A_21 = tpu.matmul %squeeze3A_13, %get3A_19, %dot_general3A_20 {dimension_numbers = #tpu.dot_dimension_numbers<[1], [0], [0], [1], [0, 0, 1, 1], [], []>, transpose_lhs_hint = false} : vector<400x32xf32>, vector<32x128xf32>, vector<400x128xf32> -> vector<400x128xf32>
    %add3A_22 = arith.addf %add3A, %dot_general3A_21 : vector<400x128xf32>
    %slice3A_23 = vector.extract_strided_slice %reshape3A {offsets = [0, 2, 0], sizes = [400, 1, 32], strides = [1, 1, 1]} : vector<400x4x32xf32> to vector<400x1x32xf32>
    %squeeze3A_24 = vector.shape_cast %slice3A_23 : vector<400x1x32xf32> to vector<400x32xf32>
    %get3A_25 = arith.constant 2 : index
    %get3A_26 = arith.constant 0 : index
    %get3A_27 = arith.constant 0 : index
    %get3A_28 = arith.constant 0 : index
    %get3A_29 = vector.load %arg5[%get3A_25, %get3A_26, %get3A_27, %get3A_28] : memref<4x2x128x128xf32, #tpu.memory_space<vmem>>, vector<1x1x32x128xf32>
    %get3A_30 = vector.shape_cast %get3A_29 : vector<1x1x32x128xf32> to vector<32x128xf32>
    %dot_general3A_31 = arith.constant dense<0.000000e+00> : vector<400x128xf32>
    %dot_general3A_32 = tpu.matmul %squeeze3A_24, %get3A_30, %dot_general3A_31 {dimension_numbers = #tpu.dot_dimension_numbers<[1], [0], [0], [1], [0, 0, 1, 1], [], []>, transpose_lhs_hint = false} : vector<400x32xf32>, vector<32x128xf32>, vector<400x128xf32> -> vector<400x128xf32>
    %add3A_33 = arith.addf %add3A_22, %dot_general3A_32 : vector<400x128xf32>
    %slice3A_34 = vector.extract_strided_slice %reshape3A {offsets = [0, 3, 0], sizes = [400, 1, 32], strides = [1, 1, 1]} : vector<400x4x32xf32> to vector<400x1x32xf32>
    %squeeze3A_35 = vector.shape_cast %slice3A_34 : vector<400x1x32xf32> to vector<400x32xf32>
    %get3A_36 = arith.constant 3 : index
    %get3A_37 = arith.constant 0 : index
    %get3A_38 = arith.constant 0 : index
    %get3A_39 = arith.constant 0 : index
    %get3A_40 = vector.load %arg5[%get3A_36, %get3A_37, %get3A_38, %get3A_39] : memref<4x2x128x128xf32, #tpu.memory_space<vmem>>, vector<1x1x32x128xf32>
    %get3A_41 = vector.shape_cast %get3A_40 : vector<1x1x32x128xf32> to vector<32x128xf32>
    %dot_general3A_42 = arith.constant dense<0.000000e+00> : vector<400x128xf32>
    %dot_general3A_43 = tpu.matmul %squeeze3A_35, %get3A_41, %dot_general3A_42 {dimension_numbers = #tpu.dot_dimension_numbers<[1], [0], [0], [1], [0, 0, 1, 1], [], []>, transpose_lhs_hint = false} : vector<400x32xf32>, vector<32x128xf32>, vector<400x128xf32> -> vector<400x128xf32>
    %add3A_44 = arith.addf %add3A_33, %dot_general3A_43 : vector<400x128xf32>
    %get3A_45 = arith.constant 0 : index
    %get3A_46 = arith.constant 32 : index
    %get3A_47 = vector.load %arg1[%get3A_45, %get3A_46] : memref<1600x256xf32, #tpu.memory_space<vmem>>, vector<1600x32xf32>
    %reshape3A_48 = vector.shape_cast %get3A_47 : vector<1600x32xf32> to vector<400x4x32xf32>
    %slice3A_49 = vector.extract_strided_slice %reshape3A_48 {offsets = [0, 0, 0], sizes = [400, 1, 32], strides = [1, 1, 1]} : vector<400x4x32xf32> to vector<400x1x32xf32>
    %squeeze3A_50 = vector.shape_cast %slice3A_49 : vector<400x1x32xf32> to vector<400x32xf32>
    %get3A_51 = arith.constant 0 : index
    %get3A_52 = arith.constant 0 : index
    %get3A_53 = arith.constant 32 : index
    %get3A_54 = arith.constant 0 : index
    %get3A_55 = vector.load %arg5[%get3A_51, %get3A_52, %get3A_53, %get3A_54] : memref<4x2x128x128xf32, #tpu.memory_space<vmem>>, vector<1x1x32x128xf32>
    %get3A_56 = vector.shape_cast %get3A_55 : vector<1x1x32x128xf32> to vector<32x128xf32>
    %dot_general3A_57 = arith.constant dense<0.000000e+00> : vector<400x128xf32>
    %dot_general3A_58 = tpu.matmul %squeeze3A_50, %get3A_56, %dot_general3A_57 {dimension_numbers = #tpu.dot_dimension_numbers<[1], [0], [0], [1], [0, 0, 1, 1], [], []>, transpose_lhs_hint = false} : vector<400x32xf32>, vector<32x128xf32>, vector<400x128xf32> -> vector<400x128xf32>
    %add3A_59 = arith.addf %add3A_44, %dot_general3A_58 : vector<400x128xf32>
    %slice3A_60 = vector.extract_strided_slice %reshape3A_48 {offsets = [0, 1, 0], sizes = [400, 1, 32], strides = [1, 1, 1]} : vector<400x4x32xf32> to vector<400x1x32xf32>
    %squeeze3A_61 = vector.shape_cast %slice3A_60 : vector<400x1x32xf32> to vector<400x32xf32>
    %get3A_62 = arith.constant 1 : index
    %get3A_63 = arith.constant 0 : index
    %get3A_64 = arith.constant 32 : index
    %get3A_65 = arith.constant 0 : index
    %get3A_66 = vector.load %arg5[%get3A_62, %get3A_63, %get3A_64, %get3A_65] : memref<4x2x128x128xf32, #tpu.memory_space<vmem>>, vector<1x1x32x128xf32>
    %get3A_67 = vector.shape_cast %get3A_66 : vector<1x1x32x128xf32> to vector<32x128xf32>
    %dot_general3A_68 = arith.constant dense<0.000000e+00> : vector<400x128xf32>
    %dot_general3A_69 = tpu.matmul %squeeze3A_61, %get3A_67, %dot_general3A_68 {dimension_numbers = #tpu.dot_dimension_numbers<[1], [0], [0], [1], [0, 0, 1, 1], [], []>, transpose_lhs_hint = false} : vector<400x32xf32>, vector<32x128xf32>, vector<400x128xf32> -> vector<400x128xf32>
    %add3A_70 = arith.addf %add3A_59, %dot_general3A_69 : vector<400x128xf32>
    %slice3A_71 = vector.extract_strided_slice %reshape3A_48 {offsets = [0, 2, 0], sizes = [400, 1, 32], strides = [1, 1, 1]} : vector<400x4x32xf32> to vector<400x1x32xf32>
    %squeeze3A_72 = vector.shape_cast %slice3A_71 : vector<400x1x32xf32> to vector<400x32xf32>
    %get3A_73 = arith.constant 2 : index
    %get3A_74 = arith.constant 0 : index
    %get3A_75 = arith.constant 32 : index
    %get3A_76 = arith.constant 0 : index
    %get3A_77 = vector.load %arg5[%get3A_73, %get3A_74, %get3A_75, %get3A_76] : memref<4x2x128x128xf32, #tpu.memory_space<vmem>>, vector<1x1x32x128xf32>
    %get3A_78 = vector.shape_cast %get3A_77 : vector<1x1x32x128xf32> to vector<32x128xf32>
    %dot_general3A_79 = arith.constant dense<0.000000e+00> : vector<400x128xf32>
    %dot_general3A_80 = tpu.matmul %squeeze3A_72, %get3A_78, %dot_general3A_79 {dimension_numbers = #tpu.dot_dimension_numbers<[1], [0], [0], [1], [0, 0, 1, 1], [], []>, transpose_lhs_hint = false} : vector<400x32xf32>, vector<32x128xf32>, vector<400x128xf32> -> vector<400x128xf32>
    %add3A_81 = arith.addf %add3A_70, %dot_general3A_80 : vector<400x128xf32>
    %slice3A_82 = vector.extract_strided_slice %reshape3A_48 {offsets = [0, 3, 0], sizes = [400, 1, 32], strides = [1, 1, 1]} : vector<400x4x32xf32> to vector<400x1x32xf32>
    %squeeze3A_83 = vector.shape_cast %slice3A_82 : vector<400x1x32xf32> to vector<400x32xf32>
    %get3A_84 = arith.constant 3 : index
    %get3A_85 = arith.constant 0 : index
    %get3A_86 = arith.constant 32 : index
    %get3A_87 = arith.constant 0 : index
    %get3A_88 = vector.load %arg5[%get3A_84, %get3A_85, %get3A_86, %get3A_87] : memref<4x2x128x128xf32, #tpu.memory_space<vmem>>, vector<1x1x32x128xf32>
    %get3A_89 = vector.shape_cast %get3A_88 : vector<1x1x32x128xf32> to vector<32x128xf32>
    %dot_general3A_90 = arith.constant dense<0.000000e+00> : vector<400x128xf32>
    %dot_general3A_91 = tpu.matmul %squeeze3A_83, %get3A_89, %dot_general3A_90 {dimension_numbers = #tpu.dot_dimension_numbers<[1], [0], [0], [1], [0, 0, 1, 1], [], []>, transpose_lhs_hint = false} : vector<400x32xf32>, vector<32x128xf32>, vector<400x128xf32> -> vector<400x128xf32>
    %add3A_92 = arith.addf %add3A_81, %dot_general3A_91 : vector<400x128xf32>
    %get3A_93 = arith.constant 0 : index
    %get3A_94 = arith.constant 64 : index
    %get3A_95 = vector.load %arg1[%get3A_93, %get3A_94] : memref<1600x256xf32, #tpu.memory_space<vmem>>, vector<1600x32xf32>
    %reshape3A_96 = vector.shape_cast %get3A_95 : vector<1600x32xf32> to vector<400x4x32xf32>
    %slice3A_97 = vector.extract_strided_slice %reshape3A_96 {offsets = [0, 0, 0], sizes = [400, 1, 32], strides = [1, 1, 1]} : vector<400x4x32xf32> to vector<400x1x32xf32>
    %squeeze3A_98 = vector.shape_cast %slice3A_97 : vector<400x1x32xf32> to vector<400x32xf32>
    %get3A_99 = arith.constant 0 : index
    %get3A_100 = arith.constant 0 : index
    %get3A_101 = arith.constant 64 : index
    %get3A_102 = arith.constant 0 : index
    %get3A_103 = vector.load %arg5[%get3A_99, %get3A_100, %get3A_101, %get3A_102] : memref<4x2x128x128xf32, #tpu.memory_space<vmem>>, vector<1x1x32x128xf32>
    %get3A_104 = vector.shape_cast %get3A_103 : vector<1x1x32x128xf32> to vector<32x128xf32>
    %dot_general3A_105 = arith.constant dense<0.000000e+00> : vector<400x128xf32>
    %dot_general3A_106 = tpu.matmul %squeeze3A_98, %get3A_104, %dot_general3A_105 {dimension_numbers = #tpu.dot_dimension_numbers<[1], [0], [0], [1], [0, 0, 1, 1], [], []>, transpose_lhs_hint = false} : vector<400x32xf32>, vector<32x128xf32>, vector<400x128xf32> -> vector<400x128xf32>
    %add3A_107 = arith.addf %add3A_92, %dot_general3A_106 : vector<400x128xf32>
    %slice3A_108 = vector.extract_strided_slice %reshape3A_96 {offsets = [0, 1, 0], sizes = [400, 1, 32], strides = [1, 1, 1]} : vector<400x4x32xf32> to vector<400x1x32xf32>
    %squeeze3A_109 = vector.shape_cast %slice3A_108 : vector<400x1x32xf32> to vector<400x32xf32>
    %get3A_110 = arith.constant 1 : index
    %get3A_111 = arith.constant 0 : index
    %get3A_112 = arith.constant 64 : index
    %get3A_113 = arith.constant 0 : index
    %get3A_114 = vector.load %arg5[%get3A_110, %get3A_111, %get3A_112, %get3A_113] : memref<4x2x128x128xf32, #tpu.memory_space<vmem>>, vector<1x1x32x128xf32>
    %get3A_115 = vector.shape_cast %get3A_114 : vector<1x1x32x128xf32> to vector<32x128xf32>
    %dot_general3A_116 = arith.constant dense<0.000000e+00> : vector<400x128xf32>
    %dot_general3A_117 = tpu.matmul %squeeze3A_109, %get3A_115, %dot_general3A_116 {dimension_numbers = #tpu.dot_dimension_numbers<[1], [0], [0], [1], [0, 0, 1, 1], [], []>, transpose_lhs_hint = false} : vector<400x32xf32>, vector<32x128xf32>, vector<400x128xf32> -> vector<400x128xf32>
    %add3A_118 = arith.addf %add3A_107, %dot_general3A_117 : vector<400x128xf32>
    %slice3A_119 = vector.extract_strided_slice %reshape3A_96 {offsets = [0, 2, 0], sizes = [400, 1, 32], strides = [1, 1, 1]} : vector<400x4x32xf32> to vector<400x1x32xf32>
    %squeeze3A_120 = vector.shape_cast %slice3A_119 : vector<400x1x32xf32> to vector<400x32xf32>
    %get3A_121 = arith.constant 2 : index
    %get3A_122 = arith.constant 0 : index
    %get3A_123 = arith.constant 64 : index
    %get3A_124 = arith.constant 0 : index
    %get3A_125 = vector.load %arg5[%get3A_121, %get3A_122, %get3A_123, %get3A_124] : memref<4x2x128x128xf32, #tpu.memory_space<vmem>>, vector<1x1x32x128xf32>
    %get3A_126 = vector.shape_cast %get3A_125 : vector<1x1x32x128xf32> to vector<32x128xf32>
    %dot_general3A_127 = arith.constant dense<0.000000e+00> : vector<400x128xf32>
    %dot_general3A_128 = tpu.matmul %squeeze3A_120, %get3A_126, %dot_general3A_127 {dimension_numbers = #tpu.dot_dimension_numbers<[1], [0], [0], [1], [0, 0, 1, 1], [], []>, transpose_lhs_hint = false} : vector<400x32xf32>, vector<32x128xf32>, vector<400x128xf32> -> vector<400x128xf32>
    %add3A_129 = arith.addf %add3A_118, %dot_general3A_128 : vector<400x128xf32>
    %slice3A_130 = vector.extract_strided_slice %reshape3A_96 {offsets = [0, 3, 0], sizes = [400, 1, 32], strides = [1, 1, 1]} : vector<400x4x32xf32> to vector<400x1x32xf32>
    %squeeze3A_131 = vector.shape_cast %slice3A_130 : vector<400x1x32xf32> to vector<400x32xf32>
    %get3A_132 = arith.constant 3 : index
    %get3A_133 = arith.constant 0 : index
    %get3A_134 = arith.constant 64 : index
    %get3A_135 = arith.constant 0 : index
    %get3A_136 = vector.load %arg5[%get3A_132, %get3A_133, %get3A_134, %get3A_135] : memref<4x2x128x128xf32, #tpu.memory_space<vmem>>, vector<1x1x32x128xf32>
    %get3A_137 = vector.shape_cast %get3A_136 : vector<1x1x32x128xf32> to vector<32x128xf32>
    %dot_general3A_138 = arith.constant dense<0.000000e+00> : vector<400x128xf32>
    %dot_general3A_139 = tpu.matmul %squeeze3A_131, %get3A_137, %dot_general3A_138 {dimension_numbers = #tpu.dot_dimension_numbers<[1], [0], [0], [1], [0, 0, 1, 1], [], []>, transpose_lhs_hint = false} : vector<400x32xf32>, vector<32x128xf32>, vector<400x128xf32> -> vector<400x128xf32>
    %add3A_140 = arith.addf %add3A_129, %dot_general3A_139 : vector<400x128xf32>
    %get3A_141 = arith.constant 0 : index
    %get3A_142 = arith.constant 96 : index
    %get3A_143 = vector.load %arg1[%get3A_141, %get3A_142] : memref<1600x256xf32, #tpu.memory_space<vmem>>, vector<1600x32xf32>
    %reshape3A_144 = vector.shape_cast %get3A_143 : vector<1600x32xf32> to vector<400x4x32xf32>
    %slice3A_145 = vector.extract_strided_slice %reshape3A_144 {offsets = [0, 0, 0], sizes = [400, 1, 32], strides = [1, 1, 1]} : vector<400x4x32xf32> to vector<400x1x32xf32>
    %squeeze3A_146 = vector.shape_cast %slice3A_145 : vector<400x1x32xf32> to vector<400x32xf32>
    %get3A_147 = arith.constant 0 : index
    %get3A_148 = arith.constant 0 : index
    %get3A_149 = arith.constant 96 : index
    %get3A_150 = arith.constant 0 : index
    %get3A_151 = vector.load %arg5[%get3A_147, %get3A_148, %get3A_149, %get3A_150] : memref<4x2x128x128xf32, #tpu.memory_space<vmem>>, vector<1x1x32x128xf32>
    %get3A_152 = vector.shape_cast %get3A_151 : vector<1x1x32x128xf32> to vector<32x128xf32>
    %dot_general3A_153 = arith.constant dense<0.000000e+00> : vector<400x128xf32>
    %dot_general3A_154 = tpu.matmul %squeeze3A_146, %get3A_152, %dot_general3A_153 {dimension_numbers = #tpu.dot_dimension_numbers<[1], [0], [0], [1], [0, 0, 1, 1], [], []>, transpose_lhs_hint = false} : vector<400x32xf32>, vector<32x128xf32>, vector<400x128xf32> -> vector<400x128xf32>
    %add3A_155 = arith.addf %add3A_140, %dot_general3A_154 : vector<400x128xf32>
    %slice3A_156 = vector.extract_strided_slice %reshape3A_144 {offsets = [0, 1, 0], sizes = [400, 1, 32], strides = [1, 1, 1]} : vector<400x4x32xf32> to vector<400x1x32xf32>
    %squeeze3A_157 = vector.shape_cast %slice3A_156 : vector<400x1x32xf32> to vector<400x32xf32>
    %get3A_158 = arith.constant 1 : index
    %get3A_159 = arith.constant 0 : index
    %get3A_160 = arith.constant 96 : index
    %get3A_161 = arith.constant 0 : index
    %get3A_162 = vector.load %arg5[%get3A_158, %get3A_159, %get3A_160, %get3A_161] : memref<4x2x128x128xf32, #tpu.memory_space<vmem>>, vector<1x1x32x128xf32>
    %get3A_163 = vector.shape_cast %get3A_162 : vector<1x1x32x128xf32> to vector<32x128xf32>
    %dot_general3A_164 = arith.constant dense<0.000000e+00> : vector<400x128xf32>
    %dot_general3A_165 = tpu.matmul %squeeze3A_157, %get3A_163, %dot_general3A_164 {dimension_numbers = #tpu.dot_dimension_numbers<[1], [0], [0], [1], [0, 0, 1, 1], [], []>, transpose_lhs_hint = false} : vector<400x32xf32>, vector<32x128xf32>, vector<400x128xf32> -> vector<400x128xf32>
    %add3A_166 = arith.addf %add3A_155, %dot_general3A_165 : vector<400x128xf32>
    %slice3A_167 = vector.extract_strided_slice %reshape3A_144 {offsets = [0, 2, 0], sizes = [400, 1, 32], strides = [1, 1, 1]} : vector<400x4x32xf32> to vector<400x1x32xf32>
    %squeeze3A_168 = vector.shape_cast %slice3A_167 : vector<400x1x32xf32> to vector<400x32xf32>
    %get3A_169 = arith.constant 2 : index
    %get3A_170 = arith.constant 0 : index
    %get3A_171 = arith.constant 96 : index
    %get3A_172 = arith.constant 0 : index
    %get3A_173 = vector.load %arg5[%get3A_169, %get3A_170, %get3A_171, %get3A_172] : memref<4x2x128x128xf32, #tpu.memory_space<vmem>>, vector<1x1x32x128xf32>
    %get3A_174 = vector.shape_cast %get3A_173 : vector<1x1x32x128xf32> to vector<32x128xf32>
    %dot_general3A_175 = arith.constant dense<0.000000e+00> : vector<400x128xf32>
    %dot_general3A_176 = tpu.matmul %squeeze3A_168, %get3A_174, %dot_general3A_175 {dimension_numbers = #tpu.dot_dimension_numbers<[1], [0], [0], [1], [0, 0, 1, 1], [], []>, transpose_lhs_hint = false} : vector<400x32xf32>, vector<32x128xf32>, vector<400x128xf32> -> vector<400x128xf32>
    %add3A_177 = arith.addf %add3A_166, %dot_general3A_176 : vector<400x128xf32>
    %slice3A_178 = vector.extract_strided_slice %reshape3A_144 {offsets = [0, 3, 0], sizes = [400, 1, 32], strides = [1, 1, 1]} : vector<400x4x32xf32> to vector<400x1x32xf32>
    %squeeze3A_179 = vector.shape_cast %slice3A_178 : vector<400x1x32xf32> to vector<400x32xf32>
    %get3A_180 = arith.constant 3 : index
    %get3A_181 = arith.constant 0 : index
    %get3A_182 = arith.constant 96 : index
    %get3A_183 = arith.constant 0 : index
    %get3A_184 = vector.load %arg5[%get3A_180, %get3A_181, %get3A_182, %get3A_183] : memref<4x2x128x128xf32, #tpu.memory_space<vmem>>, vector<1x1x32x128xf32>
    %get3A_185 = vector.shape_cast %get3A_184 : vector<1x1x32x128xf32> to vector<32x128xf32>
    %dot_general3A_186 = arith.constant dense<0.000000e+00> : vector<400x128xf32>
    %dot_general3A_187 = tpu.matmul %squeeze3A_179, %get3A_185, %dot_general3A_186 {dimension_numbers = #tpu.dot_dimension_numbers<[1], [0], [0], [1], [0, 0, 1, 1], [], []>, transpose_lhs_hint = false} : vector<400x32xf32>, vector<32x128xf32>, vector<400x128xf32> -> vector<400x128xf32>
    %add3A_188 = arith.addf %add3A_177, %dot_general3A_187 : vector<400x128xf32>
    %get3A_189 = arith.constant 0 : index
    %get3A_190 = arith.constant 0 : index
    %get3A_191 = vector.load %arg2[%get3A_189, %get3A_190] : memref<400x32xf32, #tpu.memory_space<vmem>>, vector<400x1xf32>
    %add3A_192 = arith.constant 9.99999971E-10 : f32
    %add3A_193 = vector.broadcast %add3A_192 : f32 to vector<400x1xf32>
    %add3A_194 = arith.addf %get3A_191, %add3A_193 : vector<400x1xf32>
    %div3A = vector.broadcast %add3A_194 : vector<400x1xf32> to vector<400x128xf32>
    %div3A_195 = arith.divf %add3A_188, %div3A : vector<400x128xf32>
    %add3A_196 = arith.addf %broadcast_in_dim3A_0, %div3A_195 : vector<400x128xf32>
    %broadcast_in_dim3A_197 = arith.constant 0.000000e+00 : f32
    %broadcast_in_dim3A_198 = vector.broadcast %broadcast_in_dim3A_197 : f32 to vector<400x128xf32>
    %get3A_199 = arith.constant 0 : index
    %get3A_200 = arith.constant 128 : index
    %get3A_201 = vector.load %arg1[%get3A_199, %get3A_200] : memref<1600x256xf32, #tpu.memory_space<vmem>>, vector<1600x32xf32>
    %reshape3A_202 = vector.shape_cast %get3A_201 : vector<1600x32xf32> to vector<400x4x32xf32>
    %slice3A_203 = vector.extract_strided_slice %reshape3A_202 {offsets = [0, 0, 0], sizes = [400, 1, 32], strides = [1, 1, 1]} : vector<400x4x32xf32> to vector<400x1x32xf32>
    %squeeze3A_204 = vector.shape_cast %slice3A_203 : vector<400x1x32xf32> to vector<400x32xf32>
    %get3A_205 = arith.constant 0 : index
    %get3A_206 = arith.constant 1 : index
    %get3A_207 = arith.constant 0 : index
    %get3A_208 = arith.constant 0 : index
    %get3A_209 = vector.load %arg5[%get3A_205, %get3A_206, %get3A_207, %get3A_208] : memref<4x2x128x128xf32, #tpu.memory_space<vmem>>, vector<1x1x32x128xf32>
    %get3A_210 = vector.shape_cast %get3A_209 : vector<1x1x32x128xf32> to vector<32x128xf32>
    %dot_general3A_211 = arith.constant dense<0.000000e+00> : vector<400x128xf32>
    %dot_general3A_212 = tpu.matmul %squeeze3A_204, %get3A_210, %dot_general3A_211 {dimension_numbers = #tpu.dot_dimension_numbers<[1], [0], [0], [1], [0, 0, 1, 1], [], []>, transpose_lhs_hint = false} : vector<400x32xf32>, vector<32x128xf32>, vector<400x128xf32> -> vector<400x128xf32>
    %add3A_213 = arith.addf %broadcast_in_dim3A_198, %dot_general3A_212 : vector<400x128xf32>
    %slice3A_214 = vector.extract_strided_slice %reshape3A_202 {offsets = [0, 1, 0], sizes = [400, 1, 32], strides = [1, 1, 1]} : vector<400x4x32xf32> to vector<400x1x32xf32>
    %squeeze3A_215 = vector.shape_cast %slice3A_214 : vector<400x1x32xf32> to vector<400x32xf32>
    %get3A_216 = arith.constant 1 : index
    %get3A_217 = arith.constant 1 : index
    %get3A_218 = arith.constant 0 : index
    %get3A_219 = arith.constant 0 : index
    %get3A_220 = vector.load %arg5[%get3A_216, %get3A_217, %get3A_218, %get3A_219] : memref<4x2x128x128xf32, #tpu.memory_space<vmem>>, vector<1x1x32x128xf32>
    %get3A_221 = vector.shape_cast %get3A_220 : vector<1x1x32x128xf32> to vector<32x128xf32>
    %dot_general3A_222 = arith.constant dense<0.000000e+00> : vector<400x128xf32>
    %dot_general3A_223 = tpu.matmul %squeeze3A_215, %get3A_221, %dot_general3A_222 {dimension_numbers = #tpu.dot_dimension_numbers<[1], [0], [0], [1], [0, 0, 1, 1], [], []>, transpose_lhs_hint = false} : vector<400x32xf32>, vector<32x128xf32>, vector<400x128xf32> -> vector<400x128xf32>
    %add3A_224 = arith.addf %add3A_213, %dot_general3A_223 : vector<400x128xf32>
    %slice3A_225 = vector.extract_strided_slice %reshape3A_202 {offsets = [0, 2, 0], sizes = [400, 1, 32], strides = [1, 1, 1]} : vector<400x4x32xf32> to vector<400x1x32xf32>
    %squeeze3A_226 = vector.shape_cast %slice3A_225 : vector<400x1x32xf32> to vector<400x32xf32>
    %get3A_227 = arith.constant 2 : index
    %get3A_228 = arith.constant 1 : index
    %get3A_229 = arith.constant 0 : index
    %get3A_230 = arith.constant 0 : index
    %get3A_231 = vector.load %arg5[%get3A_227, %get3A_228, %get3A_229, %get3A_230] : memref<4x2x128x128xf32, #tpu.memory_space<vmem>>, vector<1x1x32x128xf32>
    %get3A_232 = vector.shape_cast %get3A_231 : vector<1x1x32x128xf32> to vector<32x128xf32>
    %dot_general3A_233 = arith.constant dense<0.000000e+00> : vector<400x128xf32>
    %dot_general3A_234 = tpu.matmul %squeeze3A_226, %get3A_232, %dot_general3A_233 {dimension_numbers = #tpu.dot_dimension_numbers<[1], [0], [0], [1], [0, 0, 1, 1], [], []>, transpose_lhs_hint = false} : vector<400x32xf32>, vector<32x128xf32>, vector<400x128xf32> -> vector<400x128xf32>
    %add3A_235 = arith.addf %add3A_224, %dot_general3A_234 : vector<400x128xf32>
    %slice3A_236 = vector.extract_strided_slice %reshape3A_202 {offsets = [0, 3, 0], sizes = [400, 1, 32], strides = [1, 1, 1]} : vector<400x4x32xf32> to vector<400x1x32xf32>
    %squeeze3A_237 = vector.shape_cast %slice3A_236 : vector<400x1x32xf32> to vector<400x32xf32>
    %get3A_238 = arith.constant 3 : index
    %get3A_239 = arith.constant 1 : index
    %get3A_240 = arith.constant 0 : index
    %get3A_241 = arith.constant 0 : index
    %get3A_242 = vector.load %arg5[%get3A_238, %get3A_239, %get3A_240, %get3A_241] : memref<4x2x128x128xf32, #tpu.memory_space<vmem>>, vector<1x1x32x128xf32>
    %get3A_243 = vector.shape_cast %get3A_242 : vector<1x1x32x128xf32> to vector<32x128xf32>
    %dot_general3A_244 = arith.constant dense<0.000000e+00> : vector<400x128xf32>
    %dot_general3A_245 = tpu.matmul %squeeze3A_237, %get3A_243, %dot_general3A_244 {dimension_numbers = #tpu.dot_dimension_numbers<[1], [0], [0], [1], [0, 0, 1, 1], [], []>, transpose_lhs_hint = false} : vector<400x32xf32>, vector<32x128xf32>, vector<400x128xf32> -> vector<400x128xf32>
    %add3A_246 = arith.addf %add3A_235, %dot_general3A_245 : vector<400x128xf32>
    %get3A_247 = arith.constant 0 : index
    %get3A_248 = arith.constant 160 : index
    %get3A_249 = vector.load %arg1[%get3A_247, %get3A_248] : memref<1600x256xf32, #tpu.memory_space<vmem>>, vector<1600x32xf32>
    %reshape3A_250 = vector.shape_cast %get3A_249 : vector<1600x32xf32> to vector<400x4x32xf32>
    %slice3A_251 = vector.extract_strided_slice %reshape3A_250 {offsets = [0, 0, 0], sizes = [400, 1, 32], strides = [1, 1, 1]} : vector<400x4x32xf32> to vector<400x1x32xf32>
    %squeeze3A_252 = vector.shape_cast %slice3A_251 : vector<400x1x32xf32> to vector<400x32xf32>
    %get3A_253 = arith.constant 0 : index
    %get3A_254 = arith.constant 1 : index
    %get3A_255 = arith.constant 32 : index
    %get3A_256 = arith.constant 0 : index
    %get3A_257 = vector.load %arg5[%get3A_253, %get3A_254, %get3A_255, %get3A_256] : memref<4x2x128x128xf32, #tpu.memory_space<vmem>>, vector<1x1x32x128xf32>
    %get3A_258 = vector.shape_cast %get3A_257 : vector<1x1x32x128xf32> to vector<32x128xf32>
    %dot_general3A_259 = arith.constant dense<0.000000e+00> : vector<400x128xf32>
    %dot_general3A_260 = tpu.matmul %squeeze3A_252, %get3A_258, %dot_general3A_259 {dimension_numbers = #tpu.dot_dimension_numbers<[1], [0], [0], [1], [0, 0, 1, 1], [], []>, transpose_lhs_hint = false} : vector<400x32xf32>, vector<32x128xf32>, vector<400x128xf32> -> vector<400x128xf32>
    %add3A_261 = arith.addf %add3A_246, %dot_general3A_260 : vector<400x128xf32>
    %slice3A_262 = vector.extract_strided_slice %reshape3A_250 {offsets = [0, 1, 0], sizes = [400, 1, 32], strides = [1, 1, 1]} : vector<400x4x32xf32> to vector<400x1x32xf32>
    %squeeze3A_263 = vector.shape_cast %slice3A_262 : vector<400x1x32xf32> to vector<400x32xf32>
    %get3A_264 = arith.constant 1 : index
    %get3A_265 = arith.constant 1 : index
    %get3A_266 = arith.constant 32 : index
    %get3A_267 = arith.constant 0 : index
    %get3A_268 = vector.load %arg5[%get3A_264, %get3A_265, %get3A_266, %get3A_267] : memref<4x2x128x128xf32, #tpu.memory_space<vmem>>, vector<1x1x32x128xf32>
    %get3A_269 = vector.shape_cast %get3A_268 : vector<1x1x32x128xf32> to vector<32x128xf32>
    %dot_general3A_270 = arith.constant dense<0.000000e+00> : vector<400x128xf32>
    %dot_general3A_271 = tpu.matmul %squeeze3A_263, %get3A_269, %dot_general3A_270 {dimension_numbers = #tpu.dot_dimension_numbers<[1], [0], [0], [1], [0, 0, 1, 1], [], []>, transpose_lhs_hint = false} : vector<400x32xf32>, vector<32x128xf32>, vector<400x128xf32> -> vector<400x128xf32>
    %add3A_272 = arith.addf %add3A_261, %dot_general3A_271 : vector<400x128xf32>
    %slice3A_273 = vector.extract_strided_slice %reshape3A_250 {offsets = [0, 2, 0], sizes = [400, 1, 32], strides = [1, 1, 1]} : vector<400x4x32xf32> to vector<400x1x32xf32>
    %squeeze3A_274 = vector.shape_cast %slice3A_273 : vector<400x1x32xf32> to vector<400x32xf32>
    %get3A_275 = arith.constant 2 : index
    %get3A_276 = arith.constant 1 : index
    %get3A_277 = arith.constant 32 : index
    %get3A_278 = arith.constant 0 : index
    %get3A_279 = vector.load %arg5[%get3A_275, %get3A_276, %get3A_277, %get3A_278] : memref<4x2x128x128xf32, #tpu.memory_space<vmem>>, vector<1x1x32x128xf32>
    %get3A_280 = vector.shape_cast %get3A_279 : vector<1x1x32x128xf32> to vector<32x128xf32>
    %dot_general3A_281 = arith.constant dense<0.000000e+00> : vector<400x128xf32>
    %dot_general3A_282 = tpu.matmul %squeeze3A_274, %get3A_280, %dot_general3A_281 {dimension_numbers = #tpu.dot_dimension_numbers<[1], [0], [0], [1], [0, 0, 1, 1], [], []>, transpose_lhs_hint = false} : vector<400x32xf32>, vector<32x128xf32>, vector<400x128xf32> -> vector<400x128xf32>
    %add3A_283 = arith.addf %add3A_272, %dot_general3A_282 : vector<400x128xf32>
    %slice3A_284 = vector.extract_strided_slice %reshape3A_250 {offsets = [0, 3, 0], sizes = [400, 1, 32], strides = [1, 1, 1]} : vector<400x4x32xf32> to vector<400x1x32xf32>
    %squeeze3A_285 = vector.shape_cast %slice3A_284 : vector<400x1x32xf32> to vector<400x32xf32>
    %get3A_286 = arith.constant 3 : index
    %get3A_287 = arith.constant 1 : index
    %get3A_288 = arith.constant 32 : index
    %get3A_289 = arith.constant 0 : index
    %get3A_290 = vector.load %arg5[%get3A_286, %get3A_287, %get3A_288, %get3A_289] : memref<4x2x128x128xf32, #tpu.memory_space<vmem>>, vector<1x1x32x128xf32>
    %get3A_291 = vector.shape_cast %get3A_290 : vector<1x1x32x128xf32> to vector<32x128xf32>
    %dot_general3A_292 = arith.constant dense<0.000000e+00> : vector<400x128xf32>
    %dot_general3A_293 = tpu.matmul %squeeze3A_285, %get3A_291, %dot_general3A_292 {dimension_numbers = #tpu.dot_dimension_numbers<[1], [0], [0], [1], [0, 0, 1, 1], [], []>, transpose_lhs_hint = false} : vector<400x32xf32>, vector<32x128xf32>, vector<400x128xf32> -> vector<400x128xf32>
    %add3A_294 = arith.addf %add3A_283, %dot_general3A_293 : vector<400x128xf32>
    %get3A_295 = arith.constant 0 : index
    %get3A_296 = arith.constant 192 : index
    %get3A_297 = vector.load %arg1[%get3A_295, %get3A_296] : memref<1600x256xf32, #tpu.memory_space<vmem>>, vector<1600x32xf32>
    %reshape3A_298 = vector.shape_cast %get3A_297 : vector<1600x32xf32> to vector<400x4x32xf32>
    %slice3A_299 = vector.extract_strided_slice %reshape3A_298 {offsets = [0, 0, 0], sizes = [400, 1, 32], strides = [1, 1, 1]} : vector<400x4x32xf32> to vector<400x1x32xf32>
    %squeeze3A_300 = vector.shape_cast %slice3A_299 : vector<400x1x32xf32> to vector<400x32xf32>
    %get3A_301 = arith.constant 0 : index
    %get3A_302 = arith.constant 1 : index
    %get3A_303 = arith.constant 64 : index
    %get3A_304 = arith.constant 0 : index
    %get3A_305 = vector.load %arg5[%get3A_301, %get3A_302, %get3A_303, %get3A_304] : memref<4x2x128x128xf32, #tpu.memory_space<vmem>>, vector<1x1x32x128xf32>
    %get3A_306 = vector.shape_cast %get3A_305 : vector<1x1x32x128xf32> to vector<32x128xf32>
    %dot_general3A_307 = arith.constant dense<0.000000e+00> : vector<400x128xf32>
    %dot_general3A_308 = tpu.matmul %squeeze3A_300, %get3A_306, %dot_general3A_307 {dimension_numbers = #tpu.dot_dimension_numbers<[1], [0], [0], [1], [0, 0, 1, 1], [], []>, transpose_lhs_hint = false} : vector<400x32xf32>, vector<32x128xf32>, vector<400x128xf32> -> vector<400x128xf32>
    %add3A_309 = arith.addf %add3A_294, %dot_general3A_308 : vector<400x128xf32>
    %slice3A_310 = vector.extract_strided_slice %reshape3A_298 {offsets = [0, 1, 0], sizes = [400, 1, 32], strides = [1, 1, 1]} : vector<400x4x32xf32> to vector<400x1x32xf32>
    %squeeze3A_311 = vector.shape_cast %slice3A_310 : vector<400x1x32xf32> to vector<400x32xf32>
    %get3A_312 = arith.constant 1 : index
    %get3A_313 = arith.constant 1 : index
    %get3A_314 = arith.constant 64 : index
    %get3A_315 = arith.constant 0 : index
    %get3A_316 = vector.load %arg5[%get3A_312, %get3A_313, %get3A_314, %get3A_315] : memref<4x2x128x128xf32, #tpu.memory_space<vmem>>, vector<1x1x32x128xf32>
    %get3A_317 = vector.shape_cast %get3A_316 : vector<1x1x32x128xf32> to vector<32x128xf32>
    %dot_general3A_318 = arith.constant dense<0.000000e+00> : vector<400x128xf32>
    %dot_general3A_319 = tpu.matmul %squeeze3A_311, %get3A_317, %dot_general3A_318 {dimension_numbers = #tpu.dot_dimension_numbers<[1], [0], [0], [1], [0, 0, 1, 1], [], []>, transpose_lhs_hint = false} : vector<400x32xf32>, vector<32x128xf32>, vector<400x128xf32> -> vector<400x128xf32>
    %add3A_320 = arith.addf %add3A_309, %dot_general3A_319 : vector<400x128xf32>
    %slice3A_321 = vector.extract_strided_slice %reshape3A_298 {offsets = [0, 2, 0], sizes = [400, 1, 32], strides = [1, 1, 1]} : vector<400x4x32xf32> to vector<400x1x32xf32>
    %squeeze3A_322 = vector.shape_cast %slice3A_321 : vector<400x1x32xf32> to vector<400x32xf32>
    %get3A_323 = arith.constant 2 : index
    %get3A_324 = arith.constant 1 : index
    %get3A_325 = arith.constant 64 : index
    %get3A_326 = arith.constant 0 : index
    %get3A_327 = vector.load %arg5[%get3A_323, %get3A_324, %get3A_325, %get3A_326] : memref<4x2x128x128xf32, #tpu.memory_space<vmem>>, vector<1x1x32x128xf32>
    %get3A_328 = vector.shape_cast %get3A_327 : vector<1x1x32x128xf32> to vector<32x128xf32>
    %dot_general3A_329 = arith.constant dense<0.000000e+00> : vector<400x128xf32>
    %dot_general3A_330 = tpu.matmul %squeeze3A_322, %get3A_328, %dot_general3A_329 {dimension_numbers = #tpu.dot_dimension_numbers<[1], [0], [0], [1], [0, 0, 1, 1], [], []>, transpose_lhs_hint = false} : vector<400x32xf32>, vector<32x128xf32>, vector<400x128xf32> -> vector<400x128xf32>
    %add3A_331 = arith.addf %add3A_320, %dot_general3A_330 : vector<400x128xf32>
    %slice3A_332 = vector.extract_strided_slice %reshape3A_298 {offsets = [0, 3, 0], sizes = [400, 1, 32], strides = [1, 1, 1]} : vector<400x4x32xf32> to vector<400x1x32xf32>
    %squeeze3A_333 = vector.shape_cast %slice3A_332 : vector<400x1x32xf32> to vector<400x32xf32>
    %get3A_334 = arith.constant 3 : index
    %get3A_335 = arith.constant 1 : index
    %get3A_336 = arith.constant 64 : index
    %get3A_337 = arith.constant 0 : index
    %get3A_338 = vector.load %arg5[%get3A_334, %get3A_335, %get3A_336, %get3A_337] : memref<4x2x128x128xf32, #tpu.memory_space<vmem>>, vector<1x1x32x128xf32>
    %get3A_339 = vector.shape_cast %get3A_338 : vector<1x1x32x128xf32> to vector<32x128xf32>
    %dot_general3A_340 = arith.constant dense<0.000000e+00> : vector<400x128xf32>
    %dot_general3A_341 = tpu.matmul %squeeze3A_333, %get3A_339, %dot_general3A_340 {dimension_numbers = #tpu.dot_dimension_numbers<[1], [0], [0], [1], [0, 0, 1, 1], [], []>, transpose_lhs_hint = false} : vector<400x32xf32>, vector<32x128xf32>, vector<400x128xf32> -> vector<400x128xf32>
    %add3A_342 = arith.addf %add3A_331, %dot_general3A_341 : vector<400x128xf32>
    %get3A_343 = arith.constant 0 : index
    %get3A_344 = arith.constant 224 : index
    %get3A_345 = vector.load %arg1[%get3A_343, %get3A_344] : memref<1600x256xf32, #tpu.memory_space<vmem>>, vector<1600x32xf32>
    %reshape3A_346 = vector.shape_cast %get3A_345 : vector<1600x32xf32> to vector<400x4x32xf32>
    %slice3A_347 = vector.extract_strided_slice %reshape3A_346 {offsets = [0, 0, 0], sizes = [400, 1, 32], strides = [1, 1, 1]} : vector<400x4x32xf32> to vector<400x1x32xf32>
    %squeeze3A_348 = vector.shape_cast %slice3A_347 : vector<400x1x32xf32> to vector<400x32xf32>
    %get3A_349 = arith.constant 0 : index
    %get3A_350 = arith.constant 1 : index
    %get3A_351 = arith.constant 96 : index
    %get3A_352 = arith.constant 0 : index
    %get3A_353 = vector.load %arg5[%get3A_349, %get3A_350, %get3A_351, %get3A_352] : memref<4x2x128x128xf32, #tpu.memory_space<vmem>>, vector<1x1x32x128xf32>
    %get3A_354 = vector.shape_cast %get3A_353 : vector<1x1x32x128xf32> to vector<32x128xf32>
    %dot_general3A_355 = arith.constant dense<0.000000e+00> : vector<400x128xf32>
    %dot_general3A_356 = tpu.matmul %squeeze3A_348, %get3A_354, %dot_general3A_355 {dimension_numbers = #tpu.dot_dimension_numbers<[1], [0], [0], [1], [0, 0, 1, 1], [], []>, transpose_lhs_hint = false} : vector<400x32xf32>, vector<32x128xf32>, vector<400x128xf32> -> vector<400x128xf32>
    %add3A_357 = arith.addf %add3A_342, %dot_general3A_356 : vector<400x128xf32>
    %slice3A_358 = vector.extract_strided_slice %reshape3A_346 {offsets = [0, 1, 0], sizes = [400, 1, 32], strides = [1, 1, 1]} : vector<400x4x32xf32> to vector<400x1x32xf32>
    %squeeze3A_359 = vector.shape_cast %slice3A_358 : vector<400x1x32xf32> to vector<400x32xf32>
    %get3A_360 = arith.constant 1 : index
    %get3A_361 = arith.constant 1 : index
    %get3A_362 = arith.constant 96 : index
    %get3A_363 = arith.constant 0 : index
    %get3A_364 = vector.load %arg5[%get3A_360, %get3A_361, %get3A_362, %get3A_363] : memref<4x2x128x128xf32, #tpu.memory_space<vmem>>, vector<1x1x32x128xf32>
    %get3A_365 = vector.shape_cast %get3A_364 : vector<1x1x32x128xf32> to vector<32x128xf32>
    %dot_general3A_366 = arith.constant dense<0.000000e+00> : vector<400x128xf32>
    %dot_general3A_367 = tpu.matmul %squeeze3A_359, %get3A_365, %dot_general3A_366 {dimension_numbers = #tpu.dot_dimension_numbers<[1], [0], [0], [1], [0, 0, 1, 1], [], []>, transpose_lhs_hint = false} : vector<400x32xf32>, vector<32x128xf32>, vector<400x128xf32> -> vector<400x128xf32>
    %add3A_368 = arith.addf %add3A_357, %dot_general3A_367 : vector<400x128xf32>
    %slice3A_369 = vector.extract_strided_slice %reshape3A_346 {offsets = [0, 2, 0], sizes = [400, 1, 32], strides = [1, 1, 1]} : vector<400x4x32xf32> to vector<400x1x32xf32>
    %squeeze3A_370 = vector.shape_cast %slice3A_369 : vector<400x1x32xf32> to vector<400x32xf32>
    %get3A_371 = arith.constant 2 : index
    %get3A_372 = arith.constant 1 : index
    %get3A_373 = arith.constant 96 : index
    %get3A_374 = arith.constant 0 : index
    %get3A_375 = vector.load %arg5[%get3A_371, %get3A_372, %get3A_373, %get3A_374] : memref<4x2x128x128xf32, #tpu.memory_space<vmem>>, vector<1x1x32x128xf32>
    %get3A_376 = vector.shape_cast %get3A_375 : vector<1x1x32x128xf32> to vector<32x128xf32>
    %dot_general3A_377 = arith.constant dense<0.000000e+00> : vector<400x128xf32>
    %dot_general3A_378 = tpu.matmul %squeeze3A_370, %get3A_376, %dot_general3A_377 {dimension_numbers = #tpu.dot_dimension_numbers<[1], [0], [0], [1], [0, 0, 1, 1], [], []>, transpose_lhs_hint = false} : vector<400x32xf32>, vector<32x128xf32>, vector<400x128xf32> -> vector<400x128xf32>
    %add3A_379 = arith.addf %add3A_368, %dot_general3A_378 : vector<400x128xf32>
    %slice3A_380 = vector.extract_strided_slice %reshape3A_346 {offsets = [0, 3, 0], sizes = [400, 1, 32], strides = [1, 1, 1]} : vector<400x4x32xf32> to vector<400x1x32xf32>
    %squeeze3A_381 = vector.shape_cast %slice3A_380 : vector<400x1x32xf32> to vector<400x32xf32>
    %get3A_382 = arith.constant 3 : index
    %get3A_383 = arith.constant 1 : index
    %get3A_384 = arith.constant 96 : index
    %get3A_385 = arith.constant 0 : index
    %get3A_386 = vector.load %arg5[%get3A_382, %get3A_383, %get3A_384, %get3A_385] : memref<4x2x128x128xf32, #tpu.memory_space<vmem>>, vector<1x1x32x128xf32>
    %get3A_387 = vector.shape_cast %get3A_386 : vector<1x1x32x128xf32> to vector<32x128xf32>
    %dot_general3A_388 = arith.constant dense<0.000000e+00> : vector<400x128xf32>
    %dot_general3A_389 = tpu.matmul %squeeze3A_381, %get3A_387, %dot_general3A_388 {dimension_numbers = #tpu.dot_dimension_numbers<[1], [0], [0], [1], [0, 0, 1, 1], [], []>, transpose_lhs_hint = false} : vector<400x32xf32>, vector<32x128xf32>, vector<400x128xf32> -> vector<400x128xf32>
    %add3A_390 = arith.addf %add3A_379, %dot_general3A_389 : vector<400x128xf32>
    %get3A_391 = arith.constant 0 : index
    %get3A_392 = arith.constant 1 : index
    %get3A_393 = vector.load %arg2[%get3A_391, %get3A_392] : memref<400x32xf32, #tpu.memory_space<vmem>>, vector<400x1xf32>
    %add3A_394 = arith.constant 9.99999971E-10 : f32
    %add3A_395 = vector.broadcast %add3A_394 : f32 to vector<400x1xf32>
    %add3A_396 = arith.addf %get3A_393, %add3A_395 : vector<400x1xf32>
    %div3A_397 = vector.broadcast %add3A_396 : vector<400x1xf32> to vector<400x128xf32>
    %div3A_398 = arith.divf %add3A_390, %div3A_397 : vector<400x128xf32>
    %add3A_399 = arith.addf %add3A_196, %div3A_398 : vector<400x128xf32>
    %mul3A = arith.constant 5.000000e-01 : f32
    %mul3A_400 = vector.broadcast %mul3A : f32 to vector<400x128xf32>
    %mul3A_401 = arith.mulf %add3A_399, %mul3A_400 : vector<400x128xf32>
    %max3A = arith.constant 0.000000e+00 : f32
    %max3A_402 = vector.broadcast %max3A : f32 to vector<400x128xf32>
    %max3A_403 = arith.maximumf %mul3A_401, %max3A_402 : vector<400x128xf32>
    %get3A_404 = arith.constant 0 : index
    %get3A_405 = arith.constant 0 : index
    %get3A_406 = vector.load %arg4[%get3A_404, %get3A_405] : memref<400x1xf32, #tpu.memory_space<vmem>>, vector<400x1xf32>
    %mul3A_407 = vector.broadcast %get3A_406 : vector<400x1xf32> to vector<400x128xf32>
    %mul3A_408 = arith.mulf %max3A_403, %mul3A_407 : vector<400x128xf32>
    %get3A_409 = arith.constant 0 : index
    %get3A_410 = arith.constant 0 : index
    %get3A_411 = vector.load %arg3[%get3A_409, %get3A_410] : memref<400x128xf32, #tpu.memory_space<vmem>>, vector<400x128xf32>
    %add3A_412 = arith.addf %get3A_411, %mul3A_408 : vector<400x128xf32>
    %reduce_sum3A = arith.constant dense<0.000000e+00> : vector<400xf32>
    %reduce_sum3A_413 = vector.multi_reduction <add>, %add3A_412, %reduce_sum3A [1] : vector<400x128xf32> to vector<400xf32>
    %broadcast_in_dim3A_414 = vector.shape_cast %reduce_sum3A_413 : vector<400xf32> to vector<400x1xf32>
    %div3A_415 = arith.constant 1.280000e+02 : f32
    %div3A_416 = vector.broadcast %div3A_415 : f32 to vector<400x1xf32>
    %div3A_417 = arith.divf %broadcast_in_dim3A_414, %div3A_416 : vector<400x1xf32>
    %sub3A = vector.broadcast %div3A_417 : vector<400x1xf32> to vector<400x128xf32>
    %sub3A_418 = arith.subf %add3A_412, %sub3A : vector<400x128xf32>
    %mul3A_419 = arith.mulf %sub3A_418, %sub3A_418 : vector<400x128xf32>
    %reduce_sum3A_420 = arith.constant dense<0.000000e+00> : vector<400xf32>
    %reduce_sum3A_421 = vector.multi_reduction <add>, %mul3A_419, %reduce_sum3A_420 [1] : vector<400x128xf32> to vector<400xf32>
    %broadcast_in_dim3A_422 = vector.shape_cast %reduce_sum3A_421 : vector<400xf32> to vector<400x1xf32>
    %div3A_423 = arith.constant 1.280000e+02 : f32
    %div3A_424 = vector.broadcast %div3A_423 : f32 to vector<400x1xf32>
    %div3A_425 = arith.divf %broadcast_in_dim3A_422, %div3A_424 : vector<400x1xf32>
    %add3A_426 = arith.constant 9.99999974E-6 : f32
    %add3A_427 = vector.broadcast %add3A_426 : f32 to vector<400x1xf32>
    %add3A_428 = arith.addf %div3A_425, %add3A_427 : vector<400x1xf32>
    %rsqrt3A = math.rsqrt %add3A_428 : vector<400x1xf32>
    %mul3A_429 = vector.broadcast %rsqrt3A : vector<400x1xf32> to vector<400x128xf32>
    %mul3A_430 = arith.mulf %sub3A_418, %mul3A_429 : vector<400x128xf32>
    %get3A_431 = arith.constant 0 : index
    %get3A_432 = arith.constant 0 : index
    %get3A_433 = vector.load %arg6[%get3A_431, %get3A_432] : memref<1x128xf32, #tpu.memory_space<vmem>>, vector<1x128xf32>
    %mul3A_434 = vector.broadcast %get3A_433 : vector<1x128xf32> to vector<400x128xf32>
    %mul3A_435 = arith.mulf %mul3A_430, %mul3A_434 : vector<400x128xf32>
    %get3A_436 = arith.constant 0 : index
    %get3A_437 = arith.constant 0 : index
    %get3A_438 = vector.load %arg7[%get3A_436, %get3A_437] : memref<1x128xf32, #tpu.memory_space<vmem>>, vector<1x128xf32>
    %add3A_439 = vector.broadcast %get3A_438 : vector<1x128xf32> to vector<400x128xf32>
    %add3A_440 = arith.addf %mul3A_435, %add3A_439 : vector<400x128xf32>
    %swap3A = arith.constant 0 : index
    %swap3A_441 = arith.constant 0 : index
    %swap3A_442 = vector.load %arg8[%swap3A, %swap3A_441] : memref<400x128xf32, #tpu.memory_space<vmem>>, vector<400x128xf32>
    tpu.vector_store %arg8[%swap3A, %swap3A_441], %add3A_440 {strides = array<i32>} : memref<400x128xf32, #tpu.memory_space<vmem>>, vector<400x128xf32>,
    return
  }
  func.func @transform_0(%arg0: i32) -> (i32, i32) {
    %c0_i32 = arith.constant 0 : i32
    %c0_i32_0 = arith.constant 0 : i32
    return %arg0, %c0_i32 : i32, i32
  }
  func.func @transform_1(%arg0: i32) -> (i32, i32) {
    %c0_i32 = arith.constant 0 : i32
    %c0_i32_0 = arith.constant 0 : i32
    return %arg0, %c0_i32 : i32, i32
  }
  func.func @transform_2(%arg0: i32) -> (i32, i32) {
    %c0_i32 = arith.constant 0 : i32
    %c0_i32_0 = arith.constant 0 : i32
    return %arg0, %c0_i32 : i32, i32
  }
  func.func @transform_3(%arg0: i32) -> (i32, i32) {
    %c0_i32 = arith.constant 0 : i32
    %c0_i32_0 = arith.constant 0 : i32
    return %arg0, %c0_i32 : i32, i32
  }
  func.func @transform_4(%arg0: i32) -> (i32, i32, i32, i32) {
    %c0_i32 = arith.constant 0 : i32
    %c0_i32_0 = arith.constant 0 : i32
    %c0_i32_1 = arith.constant 0 : i32
    %c0_i32_2 = arith.constant 0 : i32
    %c0_i32_3 = arith.constant 0 : i32
    return %c0_i32, %c0_i32_0, %c0_i32_1, %c0_i32_2 : i32, i32, i32, i32
  }
  func.func @transform_5(%arg0: i32) -> (i32, i32) {
    %c0_i32 = arith.constant 0 : i32
    %c0_i32_0 = arith.constant 0 : i32
    %c0_i32_1 = arith.constant 0 : i32
    return %c0_i32, %c0_i32_0 : i32, i32
  }
  func.func @transform_6(%arg0: i32) -> (i32, i32) {
    %c0_i32 = arith.constant 0 : i32
    %c0_i32_0 = arith.constant 0 : i32
    %c0_i32_1 = arith.constant 0 : i32
    return %c0_i32, %c0_i32_0 : i32, i32
  }
  func.func @transform_7(%arg0: i32) -> (i32, i32) {
    %c0_i32 = arith.constant 0 : i32
    %c0_i32_0 = arith.constant 0 : i32
    return %arg0, %c0_i32 : i32, i32
  }
}

module attributes {stable_mosaic.version = 14 : i64} {
  func.func @_k6_body(%arg0: i32, %arg1: memref<400x128xf32, #tpu.memory_space<vmem>>, %arg2: memref<400x128xf32, #tpu.memory_space<vmem>>, %arg3: memref<400x32xf32, #tpu.memory_space<vmem>>, %arg4: memref<256x128xf32, #tpu.memory_space<vmem>>, %arg5: memref<1x128xf32, #tpu.memory_space<vmem>>, %arg6: memref<128x128xf32, #tpu.memory_space<vmem>>, %arg7: memref<1x128xf32, #tpu.memory_space<vmem>>, %arg8: memref<128x128xf32, #tpu.memory_space<vmem>>, %arg9: memref<1x128xf32, #tpu.memory_space<vmem>>, %arg10: memref<1x128xf32, #tpu.memory_space<vmem>>, %arg11: memref<1x128xf32, #tpu.memory_space<vmem>>, %arg12: memref<400x128xf32, #tpu.memory_space<vmem>>) attributes {dimension_semantics = [#tpu.dimension_semantics<arbitrary>], iteration_bounds = array<i64: 25>, scalar_prefetch = 0 : i64, scratch_operands = 0 : i64, tpu.core_type = #tpu.core_type<tc>, window_params = [{transform_indices = @transform_0, window_bounds = array<i64: 400, 128>}, {transform_indices = @transform_1, window_bounds = array<i64: 400, 128>}, {transform_indices = @transform_2, window_bounds = array<i64: 400, 32>}, {pipeline_mode = #tpu.pipeline_mode<synchronous>, transform_indices = @transform_3, window_bounds = array<i64: 256, 128>}, {pipeline_mode = #tpu.pipeline_mode<synchronous>, transform_indices = @transform_4, window_bounds = array<i64: 1, 128>}, {pipeline_mode = #tpu.pipeline_mode<synchronous>, transform_indices = @transform_5, window_bounds = array<i64: 128, 128>}, {pipeline_mode = #tpu.pipeline_mode<synchronous>, transform_indices = @transform_6, window_bounds = array<i64: 1, 128>}, {pipeline_mode = #tpu.pipeline_mode<synchronous>, transform_indices = @transform_7, window_bounds = array<i64: 128, 128>}, {pipeline_mode = #tpu.pipeline_mode<synchronous>, transform_indices = @transform_8, window_bounds = array<i64: 1, 128>}, {pipeline_mode = #tpu.pipeline_mode<synchronous>, transform_indices = @transform_9, window_bounds = array<i64: 1, 128>}, {pipeline_mode = #tpu.pipeline_mode<synchronous>, transform_indices = @transform_10, window_bounds = array<i64: 1, 128>}, {transform_indices = @transform_11, window_bounds = array<i64: 400, 128>}]} {
    %get3A = arith.constant 0 : index
    %get3A_0 = arith.constant 0 : index
    %get3A_1 = vector.load %arg1[%get3A, %get3A_0] : memref<400x128xf32, #tpu.memory_space<vmem>>, vector<400x128xf32>
    %get3A_2 = arith.constant 0 : index
    %get3A_3 = arith.constant 0 : index
    %get3A_4 = vector.load %arg2[%get3A_2, %get3A_3] : memref<400x128xf32, #tpu.memory_space<vmem>>, vector<400x128xf32>
    %get3A_5 = arith.constant 0 : index
    %get3A_6 = arith.constant 2 : index
    %get3A_7 = vector.load %arg3[%get3A_5, %get3A_6] : memref<400x32xf32, #tpu.memory_space<vmem>>, vector<400x1xf32>
    %add3A = arith.constant 9.99999971E-10 : f32
    %add3A_8 = vector.broadcast %add3A : f32 to vector<400x1xf32>
    %add3A_9 = arith.addf %get3A_7, %add3A_8 : vector<400x1xf32>
    %div3A = vector.broadcast %add3A_9 : vector<400x1xf32> to vector<400x128xf32>
    %div3A_10 = arith.divf %get3A_4, %div3A : vector<400x128xf32>
    %get3A_11 = arith.constant 0 : index
    %get3A_12 = arith.constant 0 : index
    %get3A_13 = vector.load %arg4[%get3A_11, %get3A_12] : memref<256x128xf32, #tpu.memory_space<vmem>>, vector<128x128xf32>
    %dot_general3A = arith.constant dense<0.000000e+00> : vector<400x128xf32>
    %dot_general3A_14 = tpu.matmul %get3A_1, %get3A_13, %dot_general3A {dimension_numbers = #tpu.dot_dimension_numbers<[1], [0], [0], [1], [0, 0, 1, 1], [], []>, transpose_lhs_hint = false} : vector<400x128xf32>, vector<128x128xf32>, vector<400x128xf32> -> vector<400x128xf32>
    %get3A_15 = arith.constant 128 : index
    %get3A_16 = arith.constant 0 : index
    %get3A_17 = vector.load %arg4[%get3A_15, %get3A_16] : memref<256x128xf32, #tpu.memory_space<vmem>>, vector<128x128xf32>
    %dot_general3A_18 = arith.constant dense<0.000000e+00> : vector<400x128xf32>
    %dot_general3A_19 = tpu.matmul %div3A_10, %get3A_17, %dot_general3A_18 {dimension_numbers = #tpu.dot_dimension_numbers<[1], [0], [0], [1], [0, 0, 1, 1], [], []>, transpose_lhs_hint = false} : vector<400x128xf32>, vector<128x128xf32>, vector<400x128xf32> -> vector<400x128xf32>
    %add3A_20 = arith.addf %dot_general3A_14, %dot_general3A_19 : vector<400x128xf32>
    %get3A_21 = arith.constant 0 : index
    %get3A_22 = arith.constant 0 : index
    %get3A_23 = vector.load %arg5[%get3A_21, %get3A_22] : memref<1x128xf32, #tpu.memory_space<vmem>>, vector<1x128xf32>
    %add3A_24 = vector.broadcast %get3A_23 : vector<1x128xf32> to vector<400x128xf32>
    %add3A_25 = arith.addf %add3A_20, %add3A_24 : vector<400x128xf32>
    %max3A = arith.constant 0.000000e+00 : f32
    %max3A_26 = vector.broadcast %max3A : f32 to vector<400x128xf32>
    %max3A_27 = arith.maximumf %add3A_25, %max3A_26 : vector<400x128xf32>
    %get3A_28 = arith.constant 0 : index
    %get3A_29 = arith.constant 0 : index
    %get3A_30 = vector.load %arg6[%get3A_28, %get3A_29] : memref<128x128xf32, #tpu.memory_space<vmem>>, vector<128x128xf32>
    %dot_general3A_31 = arith.constant dense<0.000000e+00> : vector<400x128xf32>
    %dot_general3A_32 = tpu.matmul %max3A_27, %get3A_30, %dot_general3A_31 {dimension_numbers = #tpu.dot_dimension_numbers<[1], [0], [0], [1], [0, 0, 1, 1], [], []>, transpose_lhs_hint = false} : vector<400x128xf32>, vector<128x128xf32>, vector<400x128xf32> -> vector<400x128xf32>
    %get3A_33 = arith.constant 0 : index
    %get3A_34 = arith.constant 0 : index
    %get3A_35 = vector.load %arg7[%get3A_33, %get3A_34] : memref<1x128xf32, #tpu.memory_space<vmem>>, vector<1x128xf32>
    %add3A_36 = vector.broadcast %get3A_35 : vector<1x128xf32> to vector<400x128xf32>
    %add3A_37 = arith.addf %dot_general3A_32, %add3A_36 : vector<400x128xf32>
    %max3A_38 = arith.constant 0.000000e+00 : f32
    %max3A_39 = vector.broadcast %max3A_38 : f32 to vector<400x128xf32>
    %max3A_40 = arith.maximumf %add3A_37, %max3A_39 : vector<400x128xf32>
    %get3A_41 = arith.constant 0 : index
    %get3A_42 = arith.constant 0 : index
    %get3A_43 = vector.load %arg8[%get3A_41, %get3A_42] : memref<128x128xf32, #tpu.memory_space<vmem>>, vector<128x128xf32>
    %dot_general3A_44 = arith.constant dense<0.000000e+00> : vector<400x128xf32>
    %dot_general3A_45 = tpu.matmul %max3A_40, %get3A_43, %dot_general3A_44 {dimension_numbers = #tpu.dot_dimension_numbers<[1], [0], [0], [1], [0, 0, 1, 1], [], []>, transpose_lhs_hint = false} : vector<400x128xf32>, vector<128x128xf32>, vector<400x128xf32> -> vector<400x128xf32>
    %get3A_46 = arith.constant 0 : index
    %get3A_47 = arith.constant 0 : index
    %get3A_48 = vector.load %arg9[%get3A_46, %get3A_47] : memref<1x128xf32, #tpu.memory_space<vmem>>, vector<1x128xf32>
    %add3A_49 = vector.broadcast %get3A_48 : vector<1x128xf32> to vector<400x128xf32>
    %add3A_50 = arith.addf %dot_general3A_45, %add3A_49 : vector<400x128xf32>
    %add3A_51 = arith.addf %get3A_1, %add3A_50 : vector<400x128xf32>
    %reduce_sum3A = arith.constant dense<0.000000e+00> : vector<400xf32>
    %reduce_sum3A_52 = vector.multi_reduction <add>, %add3A_51, %reduce_sum3A [1] : vector<400x128xf32> to vector<400xf32>
    %broadcast_in_dim3A = vector.shape_cast %reduce_sum3A_52 : vector<400xf32> to vector<400x1xf32>
    %div3A_53 = arith.constant 1.280000e+02 : f32
    %div3A_54 = vector.broadcast %div3A_53 : f32 to vector<400x1xf32>
    %div3A_55 = arith.divf %broadcast_in_dim3A, %div3A_54 : vector<400x1xf32>
    %sub3A = vector.broadcast %div3A_55 : vector<400x1xf32> to vector<400x128xf32>
    %sub3A_56 = arith.subf %add3A_51, %sub3A : vector<400x128xf32>
    %mul3A = arith.mulf %sub3A_56, %sub3A_56 : vector<400x128xf32>
    %reduce_sum3A_57 = arith.constant dense<0.000000e+00> : vector<400xf32>
    %reduce_sum3A_58 = vector.multi_reduction <add>, %mul3A, %reduce_sum3A_57 [1] : vector<400x128xf32> to vector<400xf32>
    %broadcast_in_dim3A_59 = vector.shape_cast %reduce_sum3A_58 : vector<400xf32> to vector<400x1xf32>
    %div3A_60 = arith.constant 1.280000e+02 : f32
    %div3A_61 = vector.broadcast %div3A_60 : f32 to vector<400x1xf32>
    %div3A_62 = arith.divf %broadcast_in_dim3A_59, %div3A_61 : vector<400x1xf32>
    %add3A_63 = arith.constant 9.99999974E-6 : f32
    %add3A_64 = vector.broadcast %add3A_63 : f32 to vector<400x1xf32>
    %add3A_65 = arith.addf %div3A_62, %add3A_64 : vector<400x1xf32>
    %rsqrt3A = math.rsqrt %add3A_65 : vector<400x1xf32>
    %mul3A_66 = vector.broadcast %rsqrt3A : vector<400x1xf32> to vector<400x128xf32>
    %mul3A_67 = arith.mulf %sub3A_56, %mul3A_66 : vector<400x128xf32>
    %get3A_68 = arith.constant 0 : index
    %get3A_69 = arith.constant 0 : index
    %get3A_70 = vector.load %arg10[%get3A_68, %get3A_69] : memref<1x128xf32, #tpu.memory_space<vmem>>, vector<1x128xf32>
    %mul3A_71 = vector.broadcast %get3A_70 : vector<1x128xf32> to vector<400x128xf32>
    %mul3A_72 = arith.mulf %mul3A_67, %mul3A_71 : vector<400x128xf32>
    %get3A_73 = arith.constant 0 : index
    %get3A_74 = arith.constant 0 : index
    %get3A_75 = vector.load %arg11[%get3A_73, %get3A_74] : memref<1x128xf32, #tpu.memory_space<vmem>>, vector<1x128xf32>
    %add3A_76 = vector.broadcast %get3A_75 : vector<1x128xf32> to vector<400x128xf32>
    %add3A_77 = arith.addf %mul3A_72, %add3A_76 : vector<400x128xf32>
    %swap3A = arith.constant 0 : index
    %swap3A_78 = arith.constant 0 : index
    %swap3A_79 = vector.load %arg12[%swap3A, %swap3A_78] : memref<400x128xf32, #tpu.memory_space<vmem>>, vector<400x128xf32>
    tpu.vector_store %arg12[%swap3A, %swap3A_78], %add3A_77 {strides = array<i32>} : memref<400x128xf32, #tpu.memory_space<vmem>>, vector<400x128xf32>,
    return
  }
  func.func @transform_0(%arg0: i32) -> (i32, i32) {
    %c0_i32 = arith.constant 0 : i32
    %c0_i32_0 = arith.constant 0 : i32
    return %arg0, %c0_i32 : i32, i32
  }
  func.func @transform_1(%arg0: i32) -> (i32, i32) {
    %c0_i32 = arith.constant 0 : i32
    %c0_i32_0 = arith.constant 0 : i32
    return %arg0, %c0_i32 : i32, i32
  }
  func.func @transform_2(%arg0: i32) -> (i32, i32) {
    %c0_i32 = arith.constant 0 : i32
    %c0_i32_0 = arith.constant 0 : i32
    return %arg0, %c0_i32 : i32, i32
  }
  func.func @transform_3(%arg0: i32) -> (i32, i32) {
    %c0_i32 = arith.constant 0 : i32
    %c0_i32_0 = arith.constant 0 : i32
    %c0_i32_1 = arith.constant 0 : i32
    return %c0_i32, %c0_i32_0 : i32, i32
  }
  func.func @transform_4(%arg0: i32) -> (i32, i32) {
    %c0_i32 = arith.constant 0 : i32
    %c0_i32_0 = arith.constant 0 : i32
    %c0_i32_1 = arith.constant 0 : i32
    return %c0_i32, %c0_i32_0 : i32, i32
  }
  func.func @transform_5(%arg0: i32) -> (i32, i32) {
    %c0_i32 = arith.constant 0 : i32
    %c0_i32_0 = arith.constant 0 : i32
    %c0_i32_1 = arith.constant 0 : i32
    return %c0_i32, %c0_i32_0 : i32, i32
  }
  func.func @transform_6(%arg0: i32) -> (i32, i32) {
    %c0_i32 = arith.constant 0 : i32
    %c0_i32_0 = arith.constant 0 : i32
    %c0_i32_1 = arith.constant 0 : i32
    return %c0_i32, %c0_i32_0 : i32, i32
  }
  func.func @transform_7(%arg0: i32) -> (i32, i32) {
    %c0_i32 = arith.constant 0 : i32
    %c0_i32_0 = arith.constant 0 : i32
    %c0_i32_1 = arith.constant 0 : i32
    return %c0_i32, %c0_i32_0 : i32, i32
  }
  func.func @transform_8(%arg0: i32) -> (i32, i32) {
    %c0_i32 = arith.constant 0 : i32
    %c0_i32_0 = arith.constant 0 : i32
    %c0_i32_1 = arith.constant 0 : i32
    return %c0_i32, %c0_i32_0 : i32, i32
  }
  func.func @transform_9(%arg0: i32) -> (i32, i32) {
    %c0_i32 = arith.constant 0 : i32
    %c0_i32_0 = arith.constant 0 : i32
    %c0_i32_1 = arith.constant 0 : i32
    return %c0_i32, %c0_i32_0 : i32, i32
  }
  func.func @transform_10(%arg0: i32) -> (i32, i32) {
    %c0_i32 = arith.constant 0 : i32
    %c0_i32_0 = arith.constant 0 : i32
    %c0_i32_1 = arith.constant 0 : i32
    return %c0_i32, %c0_i32_0 : i32, i32
  }
  func.func @transform_11(%arg0: i32) -> (i32, i32) {
    %c0_i32 = arith.constant 0 : i32
    %c0_i32_0 = arith.constant 0 : i32
    return %arg0, %c0_i32 : i32, i32
  }
}

</mosaic_0001>

<sc_bundles>
// kernel: kernel.11.cloned.1.call-start
scs
__scs_entry_jumppad:
0x0: {  	(pc) =	sbr.rel $0x88, $3  }
0x1: {  	(tag) =	ssettag $0x0;
	lr =	simm.s32 $0x1  }
0x2: {  	[smem:$0x3F8E] =	sst lr;
	_ =	strace $0xD0000000  }
0x3: {  	_ = 	snop  }
0x4: {  	_ = 	snop  }
0x5: {  	_ = 	snop  }
0x6: {  	_ = 	snop  }
0x7: {  	_ = 	snop  }
__scs_overlays_trampoline_lowered:
0x8: {  	[smem:$0x3F9D] =	sst s0  }
0x9: {  	[smem:$0x3F9E] =	sst s1  }
0xa: {  	[smem:$0x3F9F] =	sst s2  }
0xb: {  	[smem:$0x3FA0] =	sst s3  }
0xc: {  	[smem:$0x3FA1] =	sst s4  }
0xd: {  	[smem:$0x3FA2] =	sst s5  }
0xe: {  	[smem:$0x3FA3] =	sst s6  }
0xf: {  	[smem:$0x3FA4] =	sst s7  }
0x10: {  	[smem:$0x3FA5] =	sst s8  }
0x11: {  	[smem:$0x3FA6] =	sst s9;
	s0 =	simm.s32 @!p0 $0x0  }
0x12: {  	s1 =	sld [smem:$0x3F8C];
	s0 =	simm.s32 @p0 $0x1  }
0x13: {  	[smem:$0x3FA7] =	sst s0;
	s0 =	simm.s32 @!p1 $0x0  }
0x14: {  	s2 =	sld [smem:$0x3F8B];
	s0 =	simm.s32 @p1 $0x1  }
0x15: {  	[smem:$0x3FA8] =	sst s0;
	s0 =	simm.s32 @!p2 $0x0  }
0x16: {  	s3 =	sld [smem:$0x3FDB];
	s0 =	simm.s32 @p2 $0x1  }
0x17: {  	s4 =	simm.s32 $0x1BF5;
	[smem:$0x3FAA] =	sst s0  }
0x18: {  	s0 =	sld [smem:$0x3F8D];
	_ =	swait.ge [sflag:s4], $0x0  }
0x19: {  	s7 =	sld [smem:$0x3F8E]  }
0x1a: {  	s8 =	sadd.s32 $0xFFFFE003, lr  }
0x1b: {  	s9 =	sadd.s32 $0xFFFFFEF7, lr;
	s5 =	simm.s32 $0xFFFFFFFF;
	p2 =	slt.u32 s8, $0xFFFFF086  }
0x1c: {  	p1 =	slt.u32 s9, $0xF7A;
	s5 =	simm.s32 @!p2 $0x0  }
0x1d: {  	s5 =	simm.s32 @p1 $0x1;
	p0 =	seq.s32 s7, s2  }
0x1e: {  	s7 =	smul.u32 @!p0 $0xF7A, s2;
	p2 =	seq.s32 @!p0 s5, $0x0  }
0x1f: {  	s9 =	smul.u32 $0xF7A, s1;
	s8 =	simm.s32 @!p0 $0x1BF5;
	p2 =	por !p2, p0  }
0x20: {  	[sflag:s8] =	ssyncset.s32 @!p0 $0xFFFFF086;
	s6 =	sadd.s32 @!p0 s3, s7;
	s7 =	simm.s32 @!p0 $0x108  }
0x21: {  	s3 =	sadd.s32 s3, s9;
	s6 =	sadd.s32 @!p0 $0x88, s6;
	s7 =	simm.s32 @p2 $0x1082  }
0x22: {  	[simem:s7], [sflag:s8] =	dma.local @!p0 [hbm:s6], $0xF7A  }
0x23: {  	s9 =	sor.u32 $0xD0000000, s2;
	s6 =	simm.s32 $0x108;
	_ =	swait.ge @!p0 [sflag:s8], $0x0  }
0x24: {  	s3 =	sadd.s32 $0x88, s3;
	s6 =	simm.s32 @!p1 $0x1082;
	[sflag:s4] =	ssyncset.s32 $0xFFFFF086  }
0x25: {  	[simem:s6], [sflag:s4] =	dma.local [hbm:s3], $0xF7A  }
0x26: {  	[smem:$0x3F8E] =	sst s1;
	(tag) =	ssettag s2;
	_ =	strace s9  }
0x27: {  	s1 =	sld [smem:$0x3F9E]  }
0x28: {  	s2 =	sld [smem:$0x3F9F]  }
0x29: {  	s4 =	sld [smem:$0x3FA1]  }
0x2a: {  	p0 =	seq.s32 s5, $0x0;
	s5 =	sld [smem:$0x3FA2]  }
0x2b: {  	s6 =	sld [smem:$0x3FA3]  }
0x2c: {  	s7 =	sld [smem:$0x3FA4]  }
0x2d: {  	s3 =	simm.s32 $0x108;
	s8 =	sld [smem:$0x3FA5]  }
0x2e: {  	s3 =	simm.s32 @!p0 $0x1082;
	s9 =	sld [smem:$0x3FA6]  }
0x2f: {  	lr =	sadd.s32 s0, s3;
	s0 =	sld [smem:$0x3F9D]  }
0x30: {  	s3 =	sld [smem:$0x3FA0]  }
0x31: {  	[smem:$0x3FA9] =	sst s10  }
0x32: {  	s10 =	sld [smem:$0x3FA7];
	_ =	sdelay $0x3  }
0x33: {  	p0 =	seq.s32 s10, $0x1;
	s10 =	sld [smem:$0x3FA9];
	_ =	sdelay $0x3  }
0x34: {  	[smem:$0x3FA9] =	sst s10  }
0x35: {  	s10 =	sld [smem:$0x3FA8];
	_ =	sdelay $0x3  }
0x36: {  	p1 =	seq.s32 s10, $0x1;
	s10 =	sld [smem:$0x3FA9];
	_ =	sdelay $0x3  }
0x37: {  	[smem:$0x3FA9] =	sst s10  }
0x38: {  	s10 =	sld [smem:$0x3FAA]  }
0x39: {  	_ = 	snop;
	(pc) =	sbr.ind lr, $3  }
0x3a: {  	_ = 	snop  }
0x3b: {  	_ = 	snop  }
0x3c: {  	p2 =	seq.s32 s10, $0x1;
	s10 =	sld [smem:$0x3FA9]  }
0x3d: {  	_ =	shalt  }
0x3e: {  	_ =	shalt  }
0x3f: {  	_ =	shalt  }
0x40: {  	_ =	shalt  }
0x41: {  	_ =	shalt  }
0x42: {  	_ =	shalt  }
0x43: {  	_ =	shalt  }
0x44: {  	_ =	shalt  }
0x45: {  	_ =	shalt  }
0x46: {  	_ =	shalt  }
0x47: {  	_ =	shalt  }
0x48: {  	_ =	shalt  }
0x49: {  	_ =	shalt  }
0x4a: {  	_ =	shalt  }
0x4b: {  	_ =	shalt  }
0x4c: {  	_ =	shalt  }
0x4d: {  	_ =	shalt  }
0x4e: {  	_ =	shalt  }
0x4f: {  	_ =	shalt  }
0x50: {  	_ =	shalt  }
0x51: {  	_ =	shalt  }
0x52: {  	_ =	shalt  }
0x53: {  	_ =	shalt  }
0x54: {  	_ =	shalt  }
0x55: {  	_ =	shalt  }
0x56: {  	_ =	shalt  }
0x57: {  	_ =	shalt  }
0x58: {  	_ =	shalt  }
0x59: {  	_ =	shalt  }
0x5a: {  	_ =	shalt  }
0x5b: {  	_ =	shalt  }
0x5c: {  	_ =	shalt  }
0x5d: {  	_ =	shalt  }
0x5e: {  	_ =	shalt  }
0x5f: {  	_ =	shalt  }
0x60: {  	_ =	shalt  }
0x61: {  	_ =	shalt  }
0x62: {  	_ =	shalt  }
0x63: {  	_ =	shalt  }
0x64: {  	_ =	shalt  }
0x65: {  	_ =	shalt  }
0x66: {  	_ =	shalt  }
0x67: {  	_ =	shalt  }
0x68: {  	_ =	shalt  }
0x69: {  	_ =	shalt  }
0x6a: {  	_ =	shalt  }
0x6b: {  	_ =	shalt  }
0x6c: {  	_ =	shalt  }
0x6d: {  	_ =	shalt  }
0x6e: {  	_ =	shalt  }
0x6f: {  	_ =	shalt  }
0x70: {  	_ =	shalt  }
0x71: {  	_ =	shalt  }
0x72: {  	_ =	shalt  }
0x73: {  	_ =	shalt  }
0x74: {  	_ =	shalt  }
0x75: {  	_ =	shalt  }
0x76: {  	_ =	shalt  }
0x77: {  	_ =	shalt  }
0x78: {  	_ =	shalt  }
0x79: {  	_ =	shalt  }
0x7a: {  	_ =	shalt  }
0x7b: {  	_ =	shalt  }
0x7c: {  	_ =	shalt  }
0x7d: {  	_ =	shalt  }
0x7e: {  	_ =	shalt  }
0x7f: {  	_ =	shalt  }
0x80: {  	_ =	shalt  }
0x81: {  	_ =	shalt  }
0x82: {  	_ =	shalt  }
0x83: {  	_ =	shalt  }
0x84: {  	_ =	shalt  }
0x85: {  	_ =	shalt  }
0x86: {  	_ =	shalt  }
0x87: {  	_ =	shalt  }
.Lfunc_end0:
.L_simem_size_0:
called_computation.4_lowered:
.L_overlay_start_0:
0x88: {  	s2 =	sld [smem:$0x3FD9]  }
0x89: {  	s3 =	sld [smem:$0x3FFE];
	_ =	sdelay $0x1  }
0x8a: {  	s1 =	srdreg.scid  }
0x8b: {  	s0 =	sand.u32 $0x1, s1  }
0x8c: {  	s16 =	sshll.u32 s0, $0xA;
	s2 =	sadd.s32 s3, s2  }
0x8d: {  	s2 =	sadd.s32 s2, s16  }
0x8e: {  	[smem:$0x3FB5] =	sst s2  }
0x8f: {  	_ = 	snop  }
0x90: {  	(tm) =	ssettm $0x1  }
0x91: {  	s17 =	sld [smem:$0x3FFB];
	_ =	sdelay $0x3  }
0x92: {  	_ =	strace s17  }
0x93: {  	s2 =	sld [smem:$0x3FFC];
	_ =	sdelay $0x3  }
0x94: {  	_ =	strace s2  }
0x95: {  	s2 =	sld [smem:$0x3FFD];
	_ =	sdelay $0x3  }
0x96: {  	_ =	strace s2  }
0x97: {  	_ =	strace $0x8FFFFFFF  }
0x98: {  	s18 =	sld [smem:$0x3FDB];
	_ =	sdelay $0x1  }
0x99: {  	s19 =	simm.s32 $_scs_section_size  }
0x9a: {  	s4 =	simm.s32 $_size__tile_overlayer_lowered;
	s5 =	simm.s32 $_tile_overlayer_lowered  }
0x9b: {  	s22 =	simm.s32 $0x1BFF;
	s21 =	sshll.u32 s5, $0x1;
	s2 =	sadd.s32 s19, s18  }
0x9c: {  	s6 =	simm.s32 $0x0;
	s20 =	sshll.u32 s4, $0x1;
	s4 =	sadd.s32 s21, s2  }
0x9d: {  	[timem:s6], [sflag:s22] =	dma.local [hbm:s4], s20  }
0x9e: {  	_ =	swait.ge [sflag:s22], s20  }
0x9f: {  	s3 =	ssub.s32 $0x0, s20;
	[sflag:s22] =	ssyncset.done $0x0  }
0xa0: {  	[sflag:s22] =	ssyncadd.s32 s3;
	_ =	sdelay $0x1  }
0xa1: {  	s23 =	simm.s32 $0x1B8B  }
0xa2: {  	_ =	swait.ge [sflag:s23], $0x1  }
0xa3: {  	[sflag:s23] =	ssyncset.done $0x0  }
0xa4: {  	s25 =	simm.s32 $0x1B8E;
	s24 =	sld [smem:$0x3FFE];
	[sflag:s23] =	ssyncadd.s32 $0xFFFFFFFF  }
0xa5: {  	s26 =	simm.s32 $execute0_lowered;
	[smem:$0x3FD2] =	sst s25  }
0xa6: {  	s4 =	sshll.u32 s26, $0x1;
	_ =	strace $0x80000046;
	[dreg:$0x1] =	wrdreg $0xFFFFFFFF  }
0xa7: {  	s28 =	simm.s32 $_size_execute0_lowered;
	s2 =	sadd.s32 s2, s4;
	[dreg:$0x0] =	wrdreg $0x0  }
0xa8: {  	s4 =	sshll.u32 s28, $0x1;
	[dreg:$0x2] =	wrdreg s2  }
0xa9: {  	[dreg:$0x3] =	wrdreg s4  }
0xaa: {  	[dreg:$0x4] =	wrdreg $0xC0  }
0xab: {  	_ =	task [dreg:s6], $0x5FFFF  }
0xac: {  	[dreg:$0x1] =	wrdreg $0xFFFFFFFF  }
0xad: {  	[dreg:$0x0] =	wrdreg $0x60  }
0xae: {  	[dreg:$0x2] =	wrdreg s24  }
0xaf: {  	[dreg:$0x3] =	wrdreg $0xA  }
0xb0: {  	_ =	task.clear_ibuf [dreg:s6], $0x4FFFF;
	_ =	strace $0x90000046  }
0xb1: {  	s29 =	simm.s32 $0xA;
	_ =	strace $0x80000048  }
0xb2: {  	_ =	swait.ge [sflag:s29], $0x1  }
0xb3: {  	[sflag:s29] =	ssyncadd.s32 $0xFFFFFFFF  }
0xb4: {  	_ =	strace $0x90000048  }
0xb5: {  	_ =	sfence  }
0xb6: {  	s30 =	sld [smem:$0x0];
	_ =	sdelay $0x2  }
0xb7: {  	s31 =	sshll.u32 s1, $0xD;
	s1 =	sshrl.u32 s1, $0x2  }
0xb8: {  	s3 =	sand.u32 $0x4000, s31;
	s1 =	sadd.s32 s1, s30  }
0xb9: {  	s0 =	sor.u32 s3, s0;
	s1 =	sshll.u32 s1, $0x11  }
0xba: {  	s0 =	sor.u32 s1, s0  }
0xbb: {  	s0 =	sadd.s32 $0x8F2B, s0  }
0xbc: {  	[sflag:s0] =	ssyncadd.remote.s32 $0x1  }
0xbd: {  	_ =	sfence.sel $0xFFFF  }
0xbe: {  	[dreg:$0x0] =	wrdreg $0xFFFFFFFF;
	(pc) =	sbr.abs _section_cstart, $3  }
0xbf: {  	[dreg:$0x1] =	wrdreg $0xFFFFFFFF  }
0xc0: {  	_ =	task.clear_ibuf [dreg:s6], $0x2FFFF;
	_ =	strace $0x9FFFFFFF  }
0xc1: {  	(tm) =	ssettm $0x7FFFFFFF  }
tec
execute0_lowered:
.L_overlay_start_1:
0x0: {  	(tag) =	ssettag $0x1  }
0x1: {  	s4 =	rddreg [dreg:$0x0]  }
0x2: {  	s0 =	rddreg [dreg:$0x1];
	s3 =	srdreg.scid  }
0x3: {  	s1 =	stileid.u32;
	s2 =	simm.s32 $0x0;
	s11 =	simm.s32 $0x100  }
0x4: {  	s12 =	simm.s32 $0x4100;
	s13 =	simm.s32 $0x1;
	s6 =	smul.u32 $0x2800, s1  }
0x5: {  	s14 =	simm.s32 $0x2;
	s5 =	sand.u32 $0x1, s3;
	s8 =	smul.u32 $0x28000, s1  }
0x6: {  	s15 =	simm.s32 $0x0;
	[smem:$0x7FF] =	sst s2;
	s7 =	smul.u32 $0x1400, s5  }
0x7: {  	s3 =	sadd.s32 $0x1A400, s4;
	s29 =	ssub.s32 $0x2, s5;
	s5 =	smul.u32 $0x14000, s5  }
0x8: {  	_ =	strace $0x80000047;
	s8 =	sadd.s32 s8, s4;
	s9 =	sshrl.u32 s29, $0x1  }
0x9: {  	s6 =	sadd.s32 s7, s6;
	s30 =	ssub.s32 s29, s9;
	s31 =	sadd.s32 s5, s8  }
0xa: {  	s9 =	simm.s32 $0x3;
	s6 =	sshrl.u32 s6, $0x3;
	s5 =	sadd.s32 $0x152C00, s31  }
0xb: {  	s10 =	sadd.s32 s6, s4;
	s4 =	smax.u32 s30, $0x1;
	s6 =	sadd.s32 $0x3D2C00, s31  }
0xc: {  	s7 =	sadd.s32 $0x10400, s10;
	s8 =	sadd.s32 $0xB400, s10;
	s10 =	simm.s32 $0x80  }
.LBB2_1:
0xd: {  	s16 =	sadd.s32 $0x0, s8  }
0xe: {  	[tilespmem:s2], [sflag:$0x3] =	stream.linear.gather [hbm4b:s16+s2], $0x80, $0x38;
	[tilespmem:$0x8100] =	vst v63  }
0xf: {  	_ =	swait.ge [sflag:s9], $0x80  }
0x10: {  	[sflag:s9] =	ssyncset.done $0x0  }
0x11: {  	s31 =	sadd.s32 $0x0, s7;
	[sflag:s9] =	ssyncadd.s32 $0xFFFFFF80  }
0x12: {  	[tilespmem:s10], [sflag:$0x3] =	stream.linear.gather [hbm4b:s31+s2], $0x80, $0x38;
	[tilespmem:$0x8100] =	vst v63  }
0x13: {  	_ =	swait.ge [sflag:s9], $0x80  }
0x14: {  	[sflag:s9] =	ssyncset.done $0x0  }
0x15: {  	[sflag:s9] =	ssyncadd.s32 $0xFFFFFF80  }
0x16: {  	[tilespmem:s11], [sflag:$0x1] =	stream.indirect.gather [hbm4b:s3+s10], $0x80, s2, s10, $0xb8;
	[tilespmem:$0x8100] =	vst v63  }
0x17: {  	_ = 	snop  }
0x18: {  	[tilespmem:s12], [sflag:$0x2] =	stream.indirect.gather [hbm4b:s3+s10], $0x80, s10, s10, $0xb8;
	[tilespmem:$0x8100] =	vst v63  }
0x19: {  	_ =	swait.ge [sflag:s13], $0x4000  }
0x1a: {  	[sflag:s13] =	ssyncset.done $0x0  }
0x1b: {  	[sflag:s13] =	ssyncadd.s32 $0xFFFFC000  }
0x1c: {  	[hbm4b:s5+s2] =	stream.linear.scatter [tilespmem:s11], [sflag:$0x3], $0x4000, $0x38;
	[tilespmem:$0x8100] =	vst v63  }
0x1d: {  	_ =	swait.ge [sflag:s9], $0x4000  }
0x1e: {  	[sflag:s9] =	ssyncset.done $0x0  }
0x1f: {  	[sflag:s9] =	ssyncadd.s32 $0xFFFFC000  }
0x20: {  	_ =	swait.ge [sflag:s14], $0x4000  }
0x21: {  	[sflag:s14] =	ssyncset.done $0x0  }
0x22: {  	[sflag:s14] =	ssyncadd.s32 $0xFFFFC000  }
0x23: {  	[hbm4b:s6+s2] =	stream.linear.scatter [tilespmem:s12], [sflag:$0x3], $0x4000, $0x38;
	[tilespmem:$0x8100] =	vst v63  }
0x24: {  	s18 =	simm.s32 $0x10;
	s19 =	simm.s32 $0x20;
	_ =	swait.ge [sflag:s9], $0x4000  }
0x25: {  	s17 =	sadd.s32 $0x800, s5;
	s16 =	sadd.s32 $0x800, s6;
	[sflag:s9] =	ssyncset.done $0x0  }
.LBB2_2:
0x26: {  	s20 =	sadd.s32 s18, s8  }
0x27: {  	[sflag:s9] =	ssyncadd.s32 $0xFFFFC000;
	s21 =	smov.u32 s19;
	s22 =	sadd.s32 $0x10, s19  }
0x28: {  	[tilespmem:s2], [sflag:$0x3] =	stream.linear.gather [hbm4b:s20+s2], $0x80, $0x38;
	[tilespmem:$0x8100] =	vst v63  }
0x29: {  	p0 =	sne.s32 s19, $0x270;
	_ =	swait.ge [sflag:s9], $0x80  }
0x2a: {  	[sflag:s9] =	ssyncset.done $0x0  }
0x2b: {  	s19 =	sadd.s32 s18, s7;
	s18 =	smov.u32 s21;
	[sflag:s9] =	ssyncadd.s32 $0xFFFFFF80  }
0x2c: {  	[tilespmem:s10], [sflag:$0x3] =	stream.linear.gather [hbm4b:s19+s2], $0x80, $0x38;
	[tilespmem:$0x8100] =	vst v63  }
0x2d: {  	_ =	swait.ge [sflag:s9], $0x80  }
0x2e: {  	[sflag:s9] =	ssyncset.done $0x0  }
0x2f: {  	[sflag:s9] =	ssyncadd.s32 $0xFFFFFF80  }
0x30: {  	[tilespmem:s11], [sflag:$0x1] =	stream.indirect.gather [hbm4b:s3+s10], $0x80, s2, s10, $0xb8;
	[tilespmem:$0x8100] =	vst v63  }
0x31: {  	_ = 	snop  }
0x32: {  	[tilespmem:s12], [sflag:$0x2] =	stream.indirect.gather [hbm4b:s3+s10], $0x80, s10, s10, $0xb8;
	[tilespmem:$0x8100] =	vst v63  }
0x33: {  	_ =	swait.ge [sflag:s13], $0x4000  }
0x34: {  	[sflag:s13] =	ssyncset.done $0x0  }
0x35: {  	[sflag:s13] =	ssyncadd.s32 $0xFFFFC000  }
0x36: {  	[hbm4b:s17+s2] =	stream.linear.scatter [tilespmem:s11], [sflag:$0x3], $0x4000, $0x38;
	[tilespmem:$0x8100] =	vst v63  }
0x37: {  	_ =	swait.ge [sflag:s9], $0x4000  }
0x38: {  	[sflag:s9] =	ssyncset.done $0x0  }
0x39: {  	[sflag:s9] =	ssyncadd.s32 $0xFFFFC000  }
0x3a: {  	_ =	swait.ge [sflag:s14], $0x4000  }
.Ltmp0:
0x3b: {  	[sflag:s14] =	ssyncset.done $0x0;
	(pc) =	sbr.rel @p0 .LBB2_2-.Ltmp0, $4  }
0x3c: {  	[sflag:s14] =	ssyncadd.s32 $0xFFFFC000  }
0x3d: {  	[hbm4b:s16+s2] =	stream.linear.scatter [tilespmem:s12], [sflag:$0x3], $0x4000, $0x38;
	[tilespmem:$0x8100] =	vst v63  }
0x3e: {  	s19 =	smov.u32 s22;
	_ =	swait.ge [sflag:s9], $0x4000  }
0x3f: {  	s17 =	sadd.s32 $0x800, s17;
	s16 =	sadd.s32 $0x800, s16;
	[sflag:s9] =	ssyncset.done $0x0  }
0x40: {  	s19 =	sadd.s32 s18, s8;
	[sflag:s9] =	ssyncadd.s32 $0xFFFFC000  }
0x41: {  	[tilespmem:s2], [sflag:$0x3] =	stream.linear.gather [hbm4b:s19+s2], $0x80, $0x38;
	[tilespmem:$0x8100] =	vst v63  }
0x42: {  	_ =	swait.ge [sflag:s9], $0x80  }
0x43: {  	[sflag:s9] =	ssyncset.done $0x0  }
0x44: {  	s31 =	sadd.s32 s18, s7;
	[sflag:s9] =	ssyncadd.s32 $0xFFFFFF80  }
0x45: {  	[tilespmem:s10], [sflag:$0x3] =	stream.linear.gather [hbm4b:s31+s2], $0x80, $0x38;
	[tilespmem:$0x8100] =	vst v63  }
0x46: {  	_ =	swait.ge [sflag:s9], $0x80  }
0x47: {  	[sflag:s9] =	ssyncset.done $0x0  }
0x48: {  	[sflag:s9] =	ssyncadd.s32 $0xFFFFFF80  }
0x49: {  	[tilespmem:s11], [sflag:$0x1] =	stream.indirect.gather [hbm4b:s3+s10], $0x80, s2, s10, $0xb8;
	[tilespmem:$0x8100] =	vst v63  }
0x4a: {  	_ = 	snop  }
0x4b: {  	[tilespmem:s12], [sflag:$0x2] =	stream.indirect.gather [hbm4b:s3+s10], $0x80, s10, s10, $0xb8;
	[tilespmem:$0x8100] =	vst v63  }
0x4c: {  	_ =	swait.ge [sflag:s13], $0x4000  }
0x4d: {  	[sflag:s13] =	ssyncset.done $0x0  }
0x4e: {  	[sflag:s13] =	ssyncadd.s32 $0xFFFFC000  }
0x4f: {  	[hbm4b:s17+s2] =	stream.linear.scatter [tilespmem:s11], [sflag:$0x3], $0x4000, $0x38;
	[tilespmem:$0x8100] =	vst v63  }
0x50: {  	_ =	swait.ge [sflag:s9], $0x4000  }
0x51: {  	[sflag:s9] =	ssyncset.done $0x0  }
0x52: {  	[sflag:s9] =	ssyncadd.s32 $0xFFFFC000  }
0x53: {  	s15 =	sadd.s32 $0x1, s15;
	_ =	swait.ge [sflag:s14], $0x4000  }
0x54: {  	p0 =	sne.s32 s15, s4;
	[sflag:s14] =	ssyncset.done $0x0  }
.Ltmp1:
0x55: {  	[sflag:s14] =	ssyncadd.s32 $0xFFFFC000;
	(pc) =	sbr.rel @p0 .LBB2_1-.Ltmp1, $4  }
0x56: {  	[hbm4b:s16+s2] =	stream.linear.scatter [tilespmem:s12], [sflag:$0x3], $0x4000, $0x38;
	[tilespmem:$0x8100] =	vst v63  }
0x57: {  	_ =	swait.ge [sflag:s9], $0x4000  }
0x58: {  	[sflag:s9] =	ssyncset.done $0x0  }
0x59: {  	[sflag:s9] =	ssyncadd.s32 $0xFFFFC000  }
0x5a: {  	_ =	sfence.sel $0x180000  }
0x5b: {  	[bflag:$0x0] =	sbarrier.arrive $0xFFFF  }
0x5c: {  	p0 =	sne.s32 s1, $0x0;
	_ =	strace $0x90000047  }
0x5d: {  	s0 =	sadd.s32 @!p0 $0x100000, s0;
	[bflag:$0x2] =	sbarrier.arrive $0xFFFF  }
0x5e: {  	[sflag:s0] =	ssyncadd.tile.s32 @!p0 $0x1;
	_ =	shalt  }
.Lfunc_end2:
_tile_overlayer_lowered:
.L_overlay_start_2:
0x5f: {  	(tag) =	ssettag $0x2  }
0x60: {  	s0 =	rddreg [dreg:$0x0];
	s2 =	stileid.u32  }
0x61: {  	s1 =	rddreg [dreg:$0x1];
	p0 =	sne.s32 s2, $0x0  }
0x62: {  	s3 =	rddreg [dreg:$0x2];
	[bflag:$0x3] =	sbarrier.arrive $0xFFFF;
	s2 =	simm.s32 @!p0 $0x1C03  }
0x63: {  	[timem:s3], [sflag:s2] =	dma.local @!p0 [hbm:s0], s1  }
0x64: {  	s0 =	simm.s32 @!p0 $0x3  }
0x65: {  	_ =	swait.ge @!p0 [sflag:s0], s1  }
0x66: {  	s1 =	ssub.s32 @!p0 $0x0, s1;
	[sflag:s0] =	ssyncset.done @!p0 $0x0  }
0x67: {  	[sflag:s0] =	ssyncadd.s32 @!p0 s1  }
0x68: {  	[bflag:$0x3] =	sbarrier.arrive $0xFFFF  }
0x69: {  	_ =	shalt  }

// kernel: kernel.8.cloned.1.call-start
scs
__scs_entry_jumppad:
0x0: {  	(pc) =	sbr.rel $0x88, $3  }
0x1: {  	(tag) =	ssettag $0x0;
	lr =	simm.s32 $0x1  }
0x2: {  	[smem:$0x3F8E] =	sst lr;
	_ =	strace $0xD0000000  }
0x3: {  	_ = 	snop  }
0x4: {  	_ = 	snop  }
0x5: {  	_ = 	snop  }
0x6: {  	_ = 	snop  }
0x7: {  	_ = 	snop  }
__scs_overlays_trampoline_lowered:
0x8: {  	[smem:$0x3F9D] =	sst s0  }
0x9: {  	[smem:$0x3F9E] =	sst s1  }
0xa: {  	[smem:$0x3F9F] =	sst s2  }
0xb: {  	[smem:$0x3FA0] =	sst s3  }
0xc: {  	[smem:$0x3FA1] =	sst s4  }
0xd: {  	[smem:$0x3FA2] =	sst s5  }
0xe: {  	[smem:$0x3FA3] =	sst s6  }
0xf: {  	[smem:$0x3FA4] =	sst s7  }
0x10: {  	[smem:$0x3FA5] =	sst s8  }
0x11: {  	[smem:$0x3FA6] =	sst s9;
	s0 =	simm.s32 @!p0 $0x0  }
0x12: {  	s1 =	sld [smem:$0x3F8C];
	s0 =	simm.s32 @p0 $0x1  }
0x13: {  	[smem:$0x3FA7] =	sst s0;
	s0 =	simm.s32 @!p1 $0x0  }
0x14: {  	s2 =	sld [smem:$0x3F8B];
	s0 =	simm.s32 @p1 $0x1  }
0x15: {  	[smem:$0x3FA8] =	sst s0;
	s0 =	simm.s32 @!p2 $0x0  }
0x16: {  	s3 =	sld [smem:$0x3FDB];
	s0 =	simm.s32 @p2 $0x1  }
0x17: {  	s4 =	simm.s32 $0x1BF5;
	[smem:$0x3FAA] =	sst s0  }
0x18: {  	s0 =	sld [smem:$0x3F8D];
	_ =	swait.ge [sflag:s4], $0x0  }
0x19: {  	s7 =	sld [smem:$0x3F8E]  }
0x1a: {  	s8 =	sadd.s32 $0xFFFFE003, lr  }
0x1b: {  	s9 =	sadd.s32 $0xFFFFFEF7, lr;
	s5 =	simm.s32 $0xFFFFFFFF;
	p2 =	slt.u32 s8, $0xFFFFF086  }
0x1c: {  	p1 =	slt.u32 s9, $0xF7A;
	s5 =	simm.s32 @!p2 $0x0  }
0x1d: {  	s5 =	simm.s32 @p1 $0x1;
	p0 =	seq.s32 s7, s2  }
0x1e: {  	s7 =	smul.u32 @!p0 $0xF7A, s2;
	p2 =	seq.s32 @!p0 s5, $0x0  }
0x1f: {  	s9 =	smul.u32 $0xF7A, s1;
	s8 =	simm.s32 @!p0 $0x1BF5;
	p2 =	por !p2, p0  }
0x20: {  	[sflag:s8] =	ssyncset.s32 @!p0 $0xFFFFF086;
	s6 =	sadd.s32 @!p0 s3, s7;
	s7 =	simm.s32 @!p0 $0x108  }
0x21: {  	s3 =	sadd.s32 s3, s9;
	s6 =	sadd.s32 @!p0 $0x88, s6;
	s7 =	simm.s32 @p2 $0x1082  }
0x22: {  	[simem:s7], [sflag:s8] =	dma.local @!p0 [hbm:s6], $0xF7A  }
0x23: {  	s9 =	sor.u32 $0xD0000000, s2;
	s6 =	simm.s32 $0x108;
	_ =	swait.ge @!p0 [sflag:s8], $0x0  }
0x24: {  	s3 =	sadd.s32 $0x88, s3;
	s6 =	simm.s32 @!p1 $0x1082;
	[sflag:s4] =	ssyncset.s32 $0xFFFFF086  }
0x25: {  	[simem:s6], [sflag:s4] =	dma.local [hbm:s3], $0xF7A  }
0x26: {  	[smem:$0x3F8E] =	sst s1;
	(tag) =	ssettag s2;
	_ =	strace s9  }
0x27: {  	s1 =	sld [smem:$0x3F9E]  }
0x28: {  	s2 =	sld [smem:$0x3F9F]  }
0x29: {  	s4 =	sld [smem:$0x3FA1]  }
0x2a: {  	p0 =	seq.s32 s5, $0x0;
	s5 =	sld [smem:$0x3FA2]  }
0x2b: {  	s6 =	sld [smem:$0x3FA3]  }
0x2c: {  	s7 =	sld [smem:$0x3FA4]  }
0x2d: {  	s3 =	simm.s32 $0x108;
	s8 =	sld [smem:$0x3FA5]  }
0x2e: {  	s3 =	simm.s32 @!p0 $0x1082;
	s9 =	sld [smem:$0x3FA6]  }
0x2f: {  	lr =	sadd.s32 s0, s3;
	s0 =	sld [smem:$0x3F9D]  }
0x30: {  	s3 =	sld [smem:$0x3FA0]  }
0x31: {  	[smem:$0x3FA9] =	sst s10  }
0x32: {  	s10 =	sld [smem:$0x3FA7];
	_ =	sdelay $0x3  }
0x33: {  	p0 =	seq.s32 s10, $0x1;
	s10 =	sld [smem:$0x3FA9];
	_ =	sdelay $0x3  }
0x34: {  	[smem:$0x3FA9] =	sst s10  }
0x35: {  	s10 =	sld [smem:$0x3FA8];
	_ =	sdelay $0x3  }
0x36: {  	p1 =	seq.s32 s10, $0x1;
	s10 =	sld [smem:$0x3FA9];
	_ =	sdelay $0x3  }
0x37: {  	[smem:$0x3FA9] =	sst s10  }
0x38: {  	s10 =	sld [smem:$0x3FAA]  }
0x39: {  	_ = 	snop;
	(pc) =	sbr.ind lr, $3  }
0x3a: {  	_ = 	snop  }
0x3b: {  	_ = 	snop  }
0x3c: {  	p2 =	seq.s32 s10, $0x1;
	s10 =	sld [smem:$0x3FA9]  }
0x3d: {  	_ =	shalt  }
0x3e: {  	_ =	shalt  }
0x3f: {  	_ =	shalt  }
0x40: {  	_ =	shalt  }
0x41: {  	_ =	shalt  }
0x42: {  	_ =	shalt  }
0x43: {  	_ =	shalt  }
0x44: {  	_ =	shalt  }
0x45: {  	_ =	shalt  }
0x46: {  	_ =	shalt  }
0x47: {  	_ =	shalt  }
0x48: {  	_ =	shalt  }
0x49: {  	_ =	shalt  }
0x4a: {  	_ =	shalt  }
0x4b: {  	_ =	shalt  }
0x4c: {  	_ =	shalt  }
0x4d: {  	_ =	shalt  }
0x4e: {  	_ =	shalt  }
0x4f: {  	_ =	shalt  }
0x50: {  	_ =	shalt  }
0x51: {  	_ =	shalt  }
0x52: {  	_ =	shalt  }
0x53: {  	_ =	shalt  }
0x54: {  	_ =	shalt  }
0x55: {  	_ =	shalt  }
0x56: {  	_ =	shalt  }
0x57: {  	_ =	shalt  }
0x58: {  	_ =	shalt  }
0x59: {  	_ =	shalt  }
0x5a: {  	_ =	shalt  }
0x5b: {  	_ =	shalt  }
0x5c: {  	_ =	shalt  }
0x5d: {  	_ =	shalt  }
0x5e: {  	_ =	shalt  }
0x5f: {  	_ =	shalt  }
0x60: {  	_ =	shalt  }
0x61: {  	_ =	shalt  }
0x62: {  	_ =	shalt  }
0x63: {  	_ =	shalt  }
0x64: {  	_ =	shalt  }
0x65: {  	_ =	shalt  }
0x66: {  	_ =	shalt  }
0x67: {  	_ =	shalt  }
0x68: {  	_ =	shalt  }
0x69: {  	_ =	shalt  }
0x6a: {  	_ =	shalt  }
0x6b: {  	_ =	shalt  }
0x6c: {  	_ =	shalt  }
0x6d: {  	_ =	shalt  }
0x6e: {  	_ =	shalt  }
0x6f: {  	_ =	shalt  }
0x70: {  	_ =	shalt  }
0x71: {  	_ =	shalt  }
0x72: {  	_ =	shalt  }
0x73: {  	_ =	shalt  }
0x74: {  	_ =	shalt  }
0x75: {  	_ =	shalt  }
0x76: {  	_ =	shalt  }
0x77: {  	_ =	shalt  }
0x78: {  	_ =	shalt  }
0x79: {  	_ =	shalt  }
0x7a: {  	_ =	shalt  }
0x7b: {  	_ =	shalt  }
0x7c: {  	_ =	shalt  }
0x7d: {  	_ =	shalt  }
0x7e: {  	_ =	shalt  }
0x7f: {  	_ =	shalt  }
0x80: {  	_ =	shalt  }
0x81: {  	_ =	shalt  }
0x82: {  	_ =	shalt  }
0x83: {  	_ =	shalt  }
0x84: {  	_ =	shalt  }
0x85: {  	_ =	shalt  }
0x86: {  	_ =	shalt  }
0x87: {  	_ =	shalt  }
.Lfunc_end0:
.L_simem_size_0:
called_computation.3_lowered:
.L_overlay_start_0:
0x88: {  	s2 =	sld [smem:$0x3FD9]  }
0x89: {  	s3 =	sld [smem:$0x3FFE];
	_ =	sdelay $0x1  }
0x8a: {  	s1 =	srdreg.scid  }
0x8b: {  	s0 =	sand.u32 $0x1, s1  }
0x8c: {  	s17 =	sshll.u32 s0, $0xA;
	s2 =	sadd.s32 s3, s2  }
0x8d: {  	s2 =	sadd.s32 s2, s17  }
0x8e: {  	[smem:$0x3FB5] =	sst s2  }
0x8f: {  	_ = 	snop  }
0x90: {  	s18 =	sld [smem:$0x3FC9]  }
0x91: {  	s4 =	sld [smem:$0x3FD0];
	(tm) =	ssettm $0x1  }
0x92: {  	s19 =	sld [smem:$0x3FFB];
	_ =	sdelay $0x3  }
0x93: {  	_ =	strace s19  }
0x94: {  	s2 =	sld [smem:$0x3FFC];
	_ =	sdelay $0x3  }
0x95: {  	_ =	strace s2  }
0x96: {  	s2 =	sld [smem:$0x3FFD];
	_ =	sdelay $0x3  }
0x97: {  	_ =	strace s2  }
0x98: {  	_ =	strace $0x8FFFFFFF  }
0x99: {  	s20 =	sld [smem:$0x3FDB];
	_ =	sdelay $0x1  }
0x9a: {  	s5 =	simm.s32 $_scs_section_size  }
0x9b: {  	s6 =	simm.s32 $_size__tile_overlayer_lowered;
	s7 =	simm.s32 $_tile_overlayer_lowered  }
0x9c: {  	s8 =	simm.s32 $0x1BFF;
	s21 =	sshll.u32 s7, $0x1;
	s5 =	sadd.s32 s5, s20  }
0x9d: {  	s22 =	simm.s32 $0x0;
	s6 =	sshll.u32 s6, $0x1;
	s7 =	sadd.s32 s21, s5  }
0x9e: {  	[timem:s22], [sflag:s8] =	dma.local [hbm:s7], s6  }
0x9f: {  	_ =	swait.ge [sflag:s8], s6  }
0xa0: {  	s6 =	ssub.s32 $0x0, s6;
	[sflag:s8] =	ssyncset.done $0x0  }
0xa1: {  	[sflag:s8] =	ssyncadd.s32 s6;
	_ =	sdelay $0x1  }
0xa2: {  	s23 =	simm.s32 $0x1B8B  }
0xa3: {  	_ =	swait.ge [sflag:s23], $0x1  }
0xa4: {  	[sflag:s23] =	ssyncset.done $0x0  }
0xa5: {  	[sflag:s23] =	ssyncadd.s32 $0xFFFFFFFF  }
0xa6: {  	s6 =	sld [smem:$0x0]  }
0xa7: {  	s7 =	sand.u32 $0xFFFFFFFE, s1  }
0xa8: {  	p0 =	sne.s32 s1, s7  }
0xa9: {  	s7 =	sshll.u32 @p0 s7, $0xE  }
0xaa: {  	s7 =	sadd.s32 @p0 $0x11B8D, s7;
	s8 =	sshll.u32 @p0 s6, $0x11  }
0xab: {  	s7 =	sor.u32 @p0 s8, s7  }
0xac: {  	[sflag:s7] =	ssyncadd.remote.s32 @p0 $0x1;
	_ =	sdelay $0x1  }
0xad: {  	s7 =	simm.s32 @p0 $0x1B8D  }
0xae: {  	_ =	swait.eq @p0 [sflag:s7], $0x1  }
0xaf: {  	[sflag:s7] =	ssyncadd.s32 @p0 $0xFFFFFFFF  }
0xb0: {  	s8 =	sshll.u32 @!p0 s1, $0xE  }
0xb1: {  	s8 =	sor.u32 @!p0 $0x4000, s8;
	s7 =	simm.s32 @!p0 $0x1B8D  }
0xb2: {  	s6 =	sshll.u32 @!p0 s6, $0x11;
	s8 =	sadd.s32 @!p0 $0x11B8D, s8;
	_ =	swait.eq @!p0 [sflag:s7], $0x1  }
0xb3: {  	s6 =	sor.u32 @!p0 s6, s8;
	[sflag:s7] =	ssyncadd.s32 @!p0 $0xFFFFFFFF  }
0xb4: {  	s25 =	simm.s32 $0x1B8E;
	s24 =	sld [smem:$0x3FFE];
	[sflag:s6] =	ssyncadd.remote.s32 @!p0 $0x1  }
0xb5: {  	s26 =	simm.s32 $execute0_lowered;
	[smem:$0x3FD2] =	sst s25  }
0xb6: {  	s7 =	sshll.u32 s26, $0x1;
	_ =	strace $0x80000049;
	[dreg:$0x1] =	wrdreg $0xFFFFFFFF  }
0xb7: {  	s28 =	simm.s32 $_size_execute0_lowered;
	s5 =	sadd.s32 s5, s7;
	[dreg:$0x0] =	wrdreg $0x0  }
0xb8: {  	s7 =	sshll.u32 s28, $0x1;
	[dreg:$0x2] =	wrdreg s5  }
0xb9: {  	[dreg:$0x3] =	wrdreg s7  }
0xba: {  	[dreg:$0x4] =	wrdreg $0xC0  }
0xbb: {  	_ =	task [dreg:s22], $0x5FFFF  }
0xbc: {  	[dreg:$0x1] =	wrdreg $0xFFFFFFFF  }
0xbd: {  	[dreg:$0x0] =	wrdreg $0x60  }
0xbe: {  	[dreg:$0x2] =	wrdreg s18  }
0xbf: {  	[dreg:$0x3] =	wrdreg s4  }
0xc0: {  	[dreg:$0x4] =	wrdreg s24  }
0xc1: {  	[dreg:$0x5] =	wrdreg $0x9  }
0xc2: {  	_ =	task.clear_ibuf [dreg:s22], $0x6FFFF;
	_ =	strace $0x90000049  }
0xc3: {  	s29 =	simm.s32 $0x9;
	_ =	strace $0x8000004B  }
0xc4: {  	_ =	swait.ge [sflag:s29], $0x1  }
0xc5: {  	[sflag:s29] =	ssyncadd.s32 $0xFFFFFFFF  }
0xc6: {  	_ =	strace $0x9000004B  }
0xc7: {  	_ =	sfence  }
0xc8: {  	s30 =	sld [smem:$0x0];
	_ =	sdelay $0x2  }
0xc9: {  	s31 =	sshll.u32 s1, $0xD;
	s1 =	sshrl.u32 s1, $0x2  }
0xca: {  	s4 =	sand.u32 $0x4000, s31;
	s1 =	sadd.s32 s1, s30  }
0xcb: {  	s0 =	sor.u32 s4, s0;
	s1 =	sshll.u32 s1, $0x11  }
0xcc: {  	s0 =	sor.u32 s1, s0  }
0xcd: {  	s0 =	sadd.s32 $0x8F2B, s0  }
0xce: {  	[sflag:s0] =	ssyncadd.remote.s32 $0x1  }
0xcf: {  	_ =	sfence.sel $0xFFFF  }
0xd0: {  	[dreg:$0x0] =	wrdreg $0xFFFFFFFF;
	(pc) =	sbr.abs _section_cstart, $3  }
0xd1: {  	[dreg:$0x1] =	wrdreg $0xFFFFFFFF  }
0xd2: {  	_ =	task.clear_ibuf [dreg:s22], $0x2FFFF;
	_ =	strace $0x9FFFFFFF  }
0xd3: {  	(tm) =	ssettm $0x7FFFFFFF  }
tec
execute0_lowered:
.L_overlay_start_1:
0x0: {  	(tag) =	ssettag $0x1  }
0x1: {  	s2 =	rddreg [dreg:$0x0]  }
0x2: {  	s6 =	rddreg [dreg:$0x1]  }
0x3: {  	s4 =	rddreg [dreg:$0x2]  }
0x4: {  	s0 =	rddreg [dreg:$0x3];
	s1 =	stileid.u32  }
0x5: {  	s7 =	srdreg.scid;
	s5 =	smul.u32 $0x28000, s1  }
0x6: {  	s3 =	simm.s32 $0x0;
	s7 =	sand.u32 $0x1, s7;
	s8 =	smul.u32 $0x2800, s1  }
0x7: {  	[smem:$0x7FF] =	sst s3;
	s9 =	ssub.s32 $0x2, s7;
	s10 =	smul.u32 $0x1400, s7  }
0x8: {  	s7 =	smul.u32 $0x14000, s7;
	_ =	strace $0x8000004A;
	s30 =	sshrl.u32 s9, $0x1  }
0x9: {  	s5 =	sadd.s32 s5, s4;
	s4 =	ssub.s32 s9, s30;
	s8 =	sadd.s32 s10, s8  }
0xa: {  	s5 =	sadd.s32 s7, s5;
	s7 =	simm.s32 $0x2;
	s9 =	simm.s32 $0x1  }
0xb: {  	s10 =	simm.s32 $0x0;
	s4 =	smax.u32 s4, $0x1;
	s31 =	sshrl.u32 s8, $0x3  }
0xc: {  	s5 =	sadd.s32 $0x652C00, s5;
	s8 =	simm.s32 $0x80;
	s6 =	sadd.s32 s31, s6  }
.LBB2_1:
0xd: {  	s11 =	sadd.s32 $0x0, s6  }
0xe: {  	[tilespmem:s3], [sflag:$0x2] =	stream.linear.gather [hbm4b:s11+s3], $0x80, $0x38;
	[tilespmem:$0x4080] =	vst v63  }
0xf: {  	_ =	swait.ge [sflag:s7], $0x80  }
0x10: {  	[sflag:s7] =	ssyncset.done $0x0  }
0x11: {  	[sflag:s7] =	ssyncadd.s32 $0xFFFFFF80  }
0x12: {  	[tilespmem:s8], [sflag:$0x1] =	stream.indirect.gather [hbm4b:s2+s8], $0x80, s3, s8, $0xb8;
	[tilespmem:$0x4080] =	vst v63  }
0x13: {  	_ =	swait.ge [sflag:s9], $0x4000  }
0x14: {  	[sflag:s9] =	ssyncset.done $0x0  }
0x15: {  	[sflag:s9] =	ssyncadd.s32 $0xFFFFC000  }
0x16: {  	[hbm4b:s5+s3] =	stream.linear.scatter [tilespmem:s8], [sflag:$0x2], $0x4000, $0x38;
	[tilespmem:$0x4080] =	vst v63  }
0x17: {  	s12 =	simm.s32 $0x10;
	_ =	swait.ge [sflag:s7], $0x4000  }
0x18: {  	s13 =	simm.s32 $0x20;
	s11 =	sadd.s32 $0x800, s5;
	[sflag:s7] =	ssyncset.done $0x0  }
.LBB2_2:
0x19: {  	s14 =	sadd.s32 s12, s6  }
0x1a: {  	[sflag:s7] =	ssyncadd.s32 $0xFFFFC000;
	s12 =	smov.u32 s13;
	s15 =	sadd.s32 $0x10, s13  }
0x1b: {  	[tilespmem:s3], [sflag:$0x2] =	stream.linear.gather [hbm4b:s14+s3], $0x80, $0x38;
	[tilespmem:$0x4080] =	vst v63  }
0x1c: {  	p0 =	sne.s32 s13, $0x270;
	_ =	swait.ge [sflag:s7], $0x80  }
0x1d: {  	[sflag:s7] =	ssyncset.done $0x0  }
0x1e: {  	[sflag:s7] =	ssyncadd.s32 $0xFFFFFF80  }
0x1f: {  	[tilespmem:s8], [sflag:$0x1] =	stream.indirect.gather [hbm4b:s2+s8], $0x80, s3, s8, $0xb8;
	[tilespmem:$0x4080] =	vst v63  }
0x20: {  	_ =	swait.ge [sflag:s9], $0x4000  }
.Ltmp0:
0x21: {  	[sflag:s9] =	ssyncset.done $0x0;
	(pc) =	sbr.rel @p0 .LBB2_2-.Ltmp0, $4  }
0x22: {  	[sflag:s9] =	ssyncadd.s32 $0xFFFFC000  }
0x23: {  	[hbm4b:s11+s3] =	stream.linear.scatter [tilespmem:s8], [sflag:$0x2], $0x4000, $0x38;
	[tilespmem:$0x4080] =	vst v63  }
0x24: {  	_ =	swait.ge [sflag:s7], $0x4000  }
0x25: {  	s13 =	smov.u32 s15;
	s11 =	sadd.s32 $0x800, s11;
	[sflag:s7] =	ssyncset.done $0x0  }
0x26: {  	s12 =	sadd.s32 s12, s6;
	[sflag:s7] =	ssyncadd.s32 $0xFFFFC000  }
0x27: {  	[tilespmem:s3], [sflag:$0x2] =	stream.linear.gather [hbm4b:s12+s3], $0x80, $0x38;
	[tilespmem:$0x4080] =	vst v63  }
0x28: {  	_ =	swait.ge [sflag:s7], $0x80  }
0x29: {  	[sflag:s7] =	ssyncset.done $0x0  }
0x2a: {  	[sflag:s7] =	ssyncadd.s32 $0xFFFFFF80  }
0x2b: {  	[tilespmem:s8], [sflag:$0x1] =	stream.indirect.gather [hbm4b:s2+s8], $0x80, s3, s8, $0xb8;
	[tilespmem:$0x4080] =	vst v63  }
0x2c: {  	s10 =	sadd.s32 $0x1, s10;
	_ =	swait.ge [sflag:s9], $0x4000  }
0x2d: {  	p0 =	sne.s32 s10, s4;
	[sflag:s9] =	ssyncset.done $0x0  }
.Ltmp1:
0x2e: {  	[sflag:s9] =	ssyncadd.s32 $0xFFFFC000;
	(pc) =	sbr.rel @p0 .LBB2_1-.Ltmp1, $4  }
0x2f: {  	[hbm4b:s11+s3] =	stream.linear.scatter [tilespmem:s8], [sflag:$0x2], $0x4000, $0x38;
	[tilespmem:$0x4080] =	vst v63  }
0x30: {  	_ =	swait.ge [sflag:s7], $0x4000  }
0x31: {  	[sflag:s7] =	ssyncset.done $0x0  }
0x32: {  	[sflag:s7] =	ssyncadd.s32 $0xFFFFC000  }
0x33: {  	_ =	sfence.sel $0x180000  }
0x34: {  	[bflag:$0x0] =	sbarrier.arrive $0xFFFF  }
0x35: {  	p0 =	sne.s32 s1, $0x0;
	_ =	strace $0x9000004A  }
0x36: {  	s0 =	sadd.s32 @!p0 $0x100000, s0;
	[bflag:$0x2] =	sbarrier.arrive $0xFFFF  }
0x37: {  	[sflag:s0] =	ssyncadd.tile.s32 @!p0 $0x1;
	_ =	shalt  }
.Lfunc_end2:
_tile_overlayer_lowered:
.L_overlay_start_2:
0x38: {  	(tag) =	ssettag $0x2  }
0x39: {  	s0 =	rddreg [dreg:$0x0];
	s2 =	stileid.u32  }
0x3a: {  	s1 =	rddreg [dreg:$0x1];
	p0 =	sne.s32 s2, $0x0  }
0x3b: {  	s3 =	rddreg [dreg:$0x2];
	[bflag:$0x3] =	sbarrier.arrive $0xFFFF;
	s2 =	simm.s32 @!p0 $0x1C02  }
0x3c: {  	[timem:s3], [sflag:s2] =	dma.local @!p0 [hbm:s0], s1  }
0x3d: {  	s0 =	simm.s32 @!p0 $0x2  }
0x3e: {  	_ =	swait.ge @!p0 [sflag:s0], s1  }
0x3f: {  	s1 =	ssub.s32 @!p0 $0x0, s1;
	[sflag:s0] =	ssyncset.done @!p0 $0x0  }
0x40: {  	[sflag:s0] =	ssyncadd.s32 @!p0 s1  }
0x41: {  	[bflag:$0x3] =	sbarrier.arrive $0xFFFF  }
0x42: {  	_ =	shalt  }

// kernel: scatter_offload_async_start.1
scs
__scs_entry_jumppad:
0x0: {  	(pc) =	sbr.rel $0x88, $3  }
0x1: {  	(tag) =	ssettag $0x0;
	lr =	simm.s32 $0x1  }
0x2: {  	[smem:$0x3F8E] =	sst lr;
	_ =	strace $0xD0000000  }
0x3: {  	_ = 	snop  }
0x4: {  	_ = 	snop  }
0x5: {  	_ = 	snop  }
0x6: {  	_ = 	snop  }
0x7: {  	_ = 	snop  }
__scs_overlays_trampoline_lowered:
0x8: {  	[smem:$0x3F9D] =	sst s0  }
0x9: {  	[smem:$0x3F9E] =	sst s1  }
0xa: {  	[smem:$0x3F9F] =	sst s2  }
0xb: {  	[smem:$0x3FA0] =	sst s3  }
0xc: {  	[smem:$0x3FA1] =	sst s4  }
0xd: {  	[smem:$0x3FA2] =	sst s5  }
0xe: {  	[smem:$0x3FA3] =	sst s6  }
0xf: {  	[smem:$0x3FA4] =	sst s7  }
0x10: {  	[smem:$0x3FA5] =	sst s8  }
0x11: {  	[smem:$0x3FA6] =	sst s9;
	s0 =	simm.s32 @!p0 $0x0  }
0x12: {  	s1 =	sld [smem:$0x3F8C];
	s0 =	simm.s32 @p0 $0x1  }
0x13: {  	[smem:$0x3FA7] =	sst s0;
	s0 =	simm.s32 @!p1 $0x0  }
0x14: {  	s2 =	sld [smem:$0x3F8B];
	s0 =	simm.s32 @p1 $0x1  }
0x15: {  	[smem:$0x3FA8] =	sst s0;
	s0 =	simm.s32 @!p2 $0x0  }
0x16: {  	s3 =	sld [smem:$0x3FDB];
	s0 =	simm.s32 @p2 $0x1  }
0x17: {  	s4 =	simm.s32 $0x1BF5;
	[smem:$0x3FAA] =	sst s0  }
0x18: {  	s0 =	sld [smem:$0x3F8D];
	_ =	swait.ge [sflag:s4], $0x0  }
0x19: {  	s7 =	sld [smem:$0x3F8E]  }
0x1a: {  	s8 =	sadd.s32 $0xFFFFE003, lr  }
0x1b: {  	s9 =	sadd.s32 $0xFFFFFEF7, lr;
	s5 =	simm.s32 $0xFFFFFFFF;
	p2 =	slt.u32 s8, $0xFFFFF086  }
0x1c: {  	p1 =	slt.u32 s9, $0xF7A;
	s5 =	simm.s32 @!p2 $0x0  }
0x1d: {  	s5 =	simm.s32 @p1 $0x1;
	p0 =	seq.s32 s7, s2  }
0x1e: {  	s7 =	smul.u32 @!p0 $0xF7A, s2;
	p2 =	seq.s32 @!p0 s5, $0x0  }
0x1f: {  	s9 =	smul.u32 $0xF7A, s1;
	s8 =	simm.s32 @!p0 $0x1BF5;
	p2 =	por !p2, p0  }
0x20: {  	[sflag:s8] =	ssyncset.s32 @!p0 $0xFFFFF086;
	s6 =	sadd.s32 @!p0 s3, s7;
	s7 =	simm.s32 @!p0 $0x108  }
0x21: {  	s3 =	sadd.s32 s3, s9;
	s6 =	sadd.s32 @!p0 $0x88, s6;
	s7 =	simm.s32 @p2 $0x1082  }
0x22: {  	[simem:s7], [sflag:s8] =	dma.local @!p0 [hbm:s6], $0xF7A  }
0x23: {  	s9 =	sor.u32 $0xD0000000, s2;
	s6 =	simm.s32 $0x108;
	_ =	swait.ge @!p0 [sflag:s8], $0x0  }
0x24: {  	s3 =	sadd.s32 $0x88, s3;
	s6 =	simm.s32 @!p1 $0x1082;
	[sflag:s4] =	ssyncset.s32 $0xFFFFF086  }
0x25: {  	[simem:s6], [sflag:s4] =	dma.local [hbm:s3], $0xF7A  }
0x26: {  	[smem:$0x3F8E] =	sst s1;
	(tag) =	ssettag s2;
	_ =	strace s9  }
0x27: {  	s1 =	sld [smem:$0x3F9E]  }
0x28: {  	s2 =	sld [smem:$0x3F9F]  }
0x29: {  	s4 =	sld [smem:$0x3FA1]  }
0x2a: {  	p0 =	seq.s32 s5, $0x0;
	s5 =	sld [smem:$0x3FA2]  }
0x2b: {  	s6 =	sld [smem:$0x3FA3]  }
0x2c: {  	s7 =	sld [smem:$0x3FA4]  }
0x2d: {  	s3 =	simm.s32 $0x108;
	s8 =	sld [smem:$0x3FA5]  }
0x2e: {  	s3 =	simm.s32 @!p0 $0x1082;
	s9 =	sld [smem:$0x3FA6]  }
0x2f: {  	lr =	sadd.s32 s0, s3;
	s0 =	sld [smem:$0x3F9D]  }
0x30: {  	s3 =	sld [smem:$0x3FA0]  }
0x31: {  	[smem:$0x3FA9] =	sst s10  }
0x32: {  	s10 =	sld [smem:$0x3FA7];
	_ =	sdelay $0x3  }
0x33: {  	p0 =	seq.s32 s10, $0x1;
	s10 =	sld [smem:$0x3FA9];
	_ =	sdelay $0x3  }
0x34: {  	[smem:$0x3FA9] =	sst s10  }
0x35: {  	s10 =	sld [smem:$0x3FA8];
	_ =	sdelay $0x3  }
0x36: {  	p1 =	seq.s32 s10, $0x1;
	s10 =	sld [smem:$0x3FA9];
	_ =	sdelay $0x3  }
0x37: {  	[smem:$0x3FA9] =	sst s10  }
0x38: {  	s10 =	sld [smem:$0x3FAA]  }
0x39: {  	_ = 	snop;
	(pc) =	sbr.ind lr, $3  }
0x3a: {  	_ = 	snop  }
0x3b: {  	_ = 	snop  }
0x3c: {  	p2 =	seq.s32 s10, $0x1;
	s10 =	sld [smem:$0x3FA9]  }
0x3d: {  	_ =	shalt  }
0x3e: {  	_ =	shalt  }
0x3f: {  	_ =	shalt  }
0x40: {  	_ =	shalt  }
0x41: {  	_ =	shalt  }
0x42: {  	_ =	shalt  }
0x43: {  	_ =	shalt  }
0x44: {  	_ =	shalt  }
0x45: {  	_ =	shalt  }
0x46: {  	_ =	shalt  }
0x47: {  	_ =	shalt  }
0x48: {  	_ =	shalt  }
0x49: {  	_ =	shalt  }
0x4a: {  	_ =	shalt  }
0x4b: {  	_ =	shalt  }
0x4c: {  	_ =	shalt  }
0x4d: {  	_ =	shalt  }
0x4e: {  	_ =	shalt  }
0x4f: {  	_ =	shalt  }
0x50: {  	_ =	shalt  }
0x51: {  	_ =	shalt  }
0x52: {  	_ =	shalt  }
0x53: {  	_ =	shalt  }
0x54: {  	_ =	shalt  }
0x55: {  	_ =	shalt  }
0x56: {  	_ =	shalt  }
0x57: {  	_ =	shalt  }
0x58: {  	_ =	shalt  }
0x59: {  	_ =	shalt  }
0x5a: {  	_ =	shalt  }
0x5b: {  	_ =	shalt  }
0x5c: {  	_ =	shalt  }
0x5d: {  	_ =	shalt  }
0x5e: {  	_ =	shalt  }
0x5f: {  	_ =	shalt  }
0x60: {  	_ =	shalt  }
0x61: {  	_ =	shalt  }
0x62: {  	_ =	shalt  }
0x63: {  	_ =	shalt  }
0x64: {  	_ =	shalt  }
0x65: {  	_ =	shalt  }
0x66: {  	_ =	shalt  }
0x67: {  	_ =	shalt  }
0x68: {  	_ =	shalt  }
0x69: {  	_ =	shalt  }
0x6a: {  	_ =	shalt  }
0x6b: {  	_ =	shalt  }
0x6c: {  	_ =	shalt  }
0x6d: {  	_ =	shalt  }
0x6e: {  	_ =	shalt  }
0x6f: {  	_ =	shalt  }
0x70: {  	_ =	shalt  }
0x71: {  	_ =	shalt  }
0x72: {  	_ =	shalt  }
0x73: {  	_ =	shalt  }
0x74: {  	_ =	shalt  }
0x75: {  	_ =	shalt  }
0x76: {  	_ =	shalt  }
0x77: {  	_ =	shalt  }
0x78: {  	_ =	shalt  }
0x79: {  	_ =	shalt  }
0x7a: {  	_ =	shalt  }
0x7b: {  	_ =	shalt  }
0x7c: {  	_ =	shalt  }
0x7d: {  	_ =	shalt  }
0x7e: {  	_ =	shalt  }
0x7f: {  	_ =	shalt  }
0x80: {  	_ =	shalt  }
0x81: {  	_ =	shalt  }
0x82: {  	_ =	shalt  }
0x83: {  	_ =	shalt  }
0x84: {  	_ =	shalt  }
0x85: {  	_ =	shalt  }
0x86: {  	_ =	shalt  }
0x87: {  	_ =	shalt  }
.Lfunc_end0:
.L_simem_size_0:
called_computation.1_lowered:
.L_overlay_start_0:
0x88: {  	s2 =	sld [smem:$0x3FD9]  }
0x89: {  	s3 =	sld [smem:$0x3FFE];
	_ =	sdelay $0x1  }
0x8a: {  	s1 =	srdreg.scid  }
0x8b: {  	s0 =	sand.u32 $0x1, s1  }
0x8c: {  	s17 =	sshll.u32 s0, $0xA;
	s2 =	sadd.s32 s3, s2  }
0x8d: {  	s2 =	sadd.s32 s2, s17  }
0x8e: {  	[smem:$0x3FB5] =	sst s2  }
0x8f: {  	_ = 	snop  }
0x90: {  	s18 =	sld [smem:$0x3FD0];
	(tm) =	ssettm $0x1  }
0x91: {  	s19 =	sld [smem:$0x3FFB];
	_ =	sdelay $0x3  }
0x92: {  	_ =	strace s19  }
0x93: {  	s2 =	sld [smem:$0x3FFC];
	_ =	sdelay $0x3  }
0x94: {  	_ =	strace s2  }
0x95: {  	s2 =	sld [smem:$0x3FFD];
	_ =	sdelay $0x3  }
0x96: {  	_ =	strace s2  }
0x97: {  	_ =	strace $0x8FFFFFFF  }
0x98: {  	s20 =	sld [smem:$0x3FDB];
	_ =	sdelay $0x1  }
0x99: {  	s4 =	simm.s32 $_scs_section_size  }
0x9a: {  	s5 =	simm.s32 $_size__tile_overlayer_lowered;
	s6 =	simm.s32 $_tile_overlayer_lowered  }
0x9b: {  	s7 =	simm.s32 $0x1BFF;
	s21 =	sshll.u32 s6, $0x1;
	s4 =	sadd.s32 s4, s20  }
0x9c: {  	s22 =	simm.s32 $0x0;
	s5 =	sshll.u32 s5, $0x1;
	s6 =	sadd.s32 s21, s4  }
0x9d: {  	[timem:s22], [sflag:s7] =	dma.local [hbm:s6], s5  }
0x9e: {  	_ =	swait.ge [sflag:s7], s5  }
0x9f: {  	s5 =	ssub.s32 $0x0, s5;
	[sflag:s7] =	ssyncset.done $0x0  }
0xa0: {  	[sflag:s7] =	ssyncadd.s32 s5;
	_ =	sdelay $0x1  }
0xa1: {  	s23 =	simm.s32 $0x1B8B  }
0xa2: {  	_ =	swait.ge [sflag:s23], $0x1  }
0xa3: {  	[sflag:s23] =	ssyncset.done $0x0  }
0xa4: {  	[sflag:s23] =	ssyncadd.s32 $0xFFFFFFFF  }
0xa5: {  	s5 =	sld [smem:$0x0]  }
0xa6: {  	s6 =	sand.u32 $0xFFFFFFFE, s1  }
0xa7: {  	p0 =	sne.s32 s1, s6  }
0xa8: {  	s6 =	sshll.u32 @p0 s6, $0xE  }
0xa9: {  	s6 =	sadd.s32 @p0 $0x11B8D, s6;
	s7 =	sshll.u32 @p0 s5, $0x11  }
0xaa: {  	s6 =	sor.u32 @p0 s7, s6  }
0xab: {  	[sflag:s6] =	ssyncadd.remote.s32 @p0 $0x1;
	_ =	sdelay $0x1  }
0xac: {  	s6 =	simm.s32 @p0 $0x1B8D  }
0xad: {  	_ =	swait.eq @p0 [sflag:s6], $0x1  }
0xae: {  	[sflag:s6] =	ssyncadd.s32 @p0 $0xFFFFFFFF  }
0xaf: {  	s7 =	sshll.u32 @!p0 s1, $0xE  }
0xb0: {  	s7 =	sor.u32 @!p0 $0x4000, s7;
	s6 =	simm.s32 @!p0 $0x1B8D  }
0xb1: {  	s8 =	sshll.u32 @!p0 s5, $0x11;
	s7 =	sadd.s32 @!p0 $0x11B8D, s7;
	_ =	swait.eq @!p0 [sflag:s6], $0x1  }
0xb2: {  	[sflag:s6] =	ssyncadd.s32 @!p0 $0xFFFFFFFF;
	s6 =	sor.u32 @!p0 s8, s7  }
0xb3: {  	s25 =	simm.s32 $0x1B8E;
	s24 =	sld [smem:$0x3FFE];
	[sflag:s6] =	ssyncadd.remote.s32 @!p0 $0x1  }
0xb4: {  	s26 =	simm.s32 $execute0_lowered;
	[smem:$0x3FD2] =	sst s25  }
0xb5: {  	s7 =	sshll.u32 s26, $0x1;
	_ =	strace $0x8000004F;
	[dreg:$0x1] =	wrdreg $0xFFFFFFFF  }
0xb6: {  	s28 =	simm.s32 $_size_execute0_lowered;
	s4 =	sadd.s32 s4, s7;
	[dreg:$0x0] =	wrdreg $0x0  }
0xb7: {  	s7 =	sshll.u32 s28, $0x1;
	[dreg:$0x2] =	wrdreg s4  }
0xb8: {  	[dreg:$0x3] =	wrdreg s7  }
0xb9: {  	[dreg:$0x4] =	wrdreg $0xC0  }
0xba: {  	_ =	task [dreg:s22], $0x5FFFF  }
0xbb: {  	[dreg:$0x1] =	wrdreg $0xFFFFFFFF  }
0xbc: {  	[dreg:$0x0] =	wrdreg $0x60  }
0xbd: {  	[dreg:$0x2] =	wrdreg s24  }
0xbe: {  	[dreg:$0x3] =	wrdreg s18  }
0xbf: {  	[dreg:$0x4] =	wrdreg s1  }
0xc0: {  	[dreg:$0x5] =	wrdreg s5  }
0xc1: {  	[dreg:$0x6] =	wrdreg $0xA  }
0xc2: {  	_ =	task.clear_ibuf [dreg:s22], $0x7FFFF;
	_ =	strace $0x9000004F  }
0xc3: {  	s29 =	simm.s32 $0xA;
	_ =	strace $0x80000051  }
0xc4: {  	_ =	swait.ge [sflag:s29], $0x1  }
0xc5: {  	[sflag:s29] =	ssyncadd.s32 $0xFFFFFFFF  }
0xc6: {  	_ =	strace $0x90000051  }
0xc7: {  	_ =	sfence  }
0xc8: {  	s30 =	sld [smem:$0x0];
	_ =	sdelay $0x2  }
0xc9: {  	s31 =	sshll.u32 s1, $0xD;
	s1 =	sshrl.u32 s1, $0x2  }
0xca: {  	s4 =	sand.u32 $0x4000, s31;
	s1 =	sadd.s32 s1, s30  }
0xcb: {  	s0 =	sor.u32 s4, s0;
	s1 =	sshll.u32 s1, $0x11  }
0xcc: {  	s0 =	sor.u32 s1, s0  }
0xcd: {  	s0 =	sadd.s32 $0x8F2B, s0  }
0xce: {  	[sflag:s0] =	ssyncadd.remote.s32 $0x1  }
0xcf: {  	_ =	sfence.sel $0xFFFF  }
0xd0: {  	[dreg:$0x0] =	wrdreg $0xFFFFFFFF;
	(pc) =	sbr.abs _section_cstart, $3  }
0xd1: {  	[dreg:$0x1] =	wrdreg $0xFFFFFFFF  }
0xd2: {  	_ =	task.clear_ibuf [dreg:s22], $0x2FFFF;
	_ =	strace $0x9FFFFFFF  }
0xd3: {  	(tm) =	ssettm $0x7FFFFFFF  }
tec
execute0_lowered:
.L_overlay_start_1:
0x0: {  	(tag) =	ssettag $0x1  }
0x1: {  	s2 =	rddreg [dreg:$0x0]  }
0x2: {  	s0 =	rddreg [dreg:$0x1]  }
0x3: {  	s3 =	rddreg [dreg:$0x2];
	_ =	strace $0x80000050;
	s1 =	simm.s32 $0x1  }
0x4: {  	s5 =	simm.s32 $0x208;
	v0 =	vimm.s32 $0x0;
	[sflag:s1] =	ssyncpa.u1 $0x0  }
0x5: {  	[tilespmem:s5+$0x70] =	vst v0  }
0x6: {  	[tilespmem:s5+$0x60] =	vst v0  }
0x7: {  	[tilespmem:s5+$0x50] =	vst v0  }
0x8: {  	[tilespmem:s5+$0x40] =	vst v0  }
0x9: {  	[tilespmem:s5+$0x30] =	vst v0  }
0xa: {  	s1 =	sadd.s32 $0xB84C00, s2;
	s6 =	sadd.s32 $0x105CC00, s2;
	[tilespmem:s5+$0x20] =	vst v0  }
0xb: {  	s4 =	sadd.s32 $0x1400, s2;
	s10 =	sand.u32 $0x1, s3;
	s2 =	simm.s32 $0x40;
	[tilespmem:s5+$0x10] =	vst v0  }
.LBB2_1:
0xc: {  	s2 =	sadd.s32 $0x40, s2;
	[tilespmem:s5+$0x0] =	vst v0;
	s5 =	sadd.s32 $0x80, s5  }
0xd: {  	p0 =	slt.u32 s2, $0x3880;
	[tilespmem:s5+$0x70] =	vst v0  }
0xe: {  	[tilespmem:s5+$0x60] =	vst v0  }
.Ltmp0:
0xf: {  	[tilespmem:s5+$0x50] =	vst v0;
	(pc) =	sbr.rel @p0 .LBB2_1-.Ltmp0, $4  }
0x10: {  	[tilespmem:s5+$0x40] =	vst v0  }
0x11: {  	[tilespmem:s5+$0x30] =	vst v0  }
0x12: {  	[tilespmem:s5+$0x20] =	vst v0  }
0x13: {  	[tilespmem:s5+$0x10] =	vst v0  }
0x14: {  	s11 =	stileid.u32  }
0x15: {  	s2 =	smul.u32 $0x2D, s11  }
0x16: {  	s3 =	smin.u32 s11, $0xC  }
0x17: {  	s2 =	sadd.s32 s3, s2  }
0x18: {  	p0 =	slt.u32 s11, $0xC;
	s20 =	smul.u32 $0x70, s2;
	s2 =	simm.s32 $0x1420  }
0x19: {  	s2 =	simm.s32 @!p0 $0x13B0  }
0x1a: {  	s2 =	sadd.s32 s2, s20  }
0x1b: {  	s8 =	smin.u32 s2, $0x14000  }
0x1c: {  	s26 =	simm.s32 $0x2;
	s2 =	ssub.s32 s8, s20  }
0x1d: {  	s9 =	simm.s32 $0x9;
	s29 =	simm.s32 $0xA;
	p0 =	sgt.s32 s2, $0x0  }
0x1e: {  	s30 =	simm.s32 $0xB;
	s31 =	smul.u32 $0x2800, s10;
	s2 =	simm.s32 @!p0 $0x0  }
0x1f: {  	[dreg:$0x5] =	wrdreg s10;
	s12 =	simm.s32 $0x1;
	s25 =	smulhi.u32 $0x92492493, s2  }
0x20: {  	s24 =	simm.s32 $0x0;
	p1 =	por $0x0, $0x0;
	s18 =	simm.s32 $0x80  }
0x21: {  	s19 =	simm.s32 $0x400;
	s17 =	simm.s32 $0xC;
	s3 =	sshrl.u32 s25, $0x6  }
0x22: {  	s21 =	simm.s32 $0x0;
	s23 =	simm.s32 $0x0;
	s28 =	smul.u32 $0x70, s3  }
.Ltmp1:
0x23: {  	[tilespmem:s5+$0x0] =	vst v0;
	v0 =	vimm.s32 $0xFFFFFFFF;
	[sflag:s26] =	ssyncpa.u1 $0x0;
	s16 =	sshll.u32 s11, $0x9;
	(pc) =	sbr.rel .LBB2_3-.Ltmp1, $4  }
0x24: {  	[tilespmem:$0xE408] =	vst v0;
	[sflag:s9] =	ssyncpa.u1 $0x0;
	p0 =	sne.s32 s2, s28;
	s2 =	simm.s32 $0x1  }
0x25: {  	s14 =	sadd.s32 s31, s4;
	[sflag:s29] =	ssyncpa.u1 $0x0;
	s2 =	simm.s32 @!p0 $0x0  }
0x26: {  	s15 =	sadd.s32 s31, s0;
	[sflag:s30] =	ssyncpa.u1 $0x0;
	s13 =	sadd.s32 s2, s3  }
0x27: {  	v0 =	vlaneseq.u32;
	s22 =	smov.u32 s20;
	p0 =	por $0x1, $0x1;
	s11 =	sadd.s32 $0x1, s13  }
.LBB2_24:
0x28: {  	s2 =	sshrl.u32 s4, $0x2  }
.LBB2_26:
0x29: {  	_ =	swait.ge [sflag:s17], s2  }
0x2a: {  	s31 =	ssub.s32 $0x0, s2;
	v1 =	vmov s26;
	vm0 =	veq.s32 v0, $0x0;
	[sflag:s17] =	ssyncset.done $0x0  }
0x2b: {  	vm15 =	veq.s32 v0, $0x2;
	v1 =	vsel vm0, s0, v1;
	[sflag:s17] =	ssyncadd.s32 s31  }
0x2c: {  	v1 =	vsel vm15, s24, v1;
	[sflag:s17] =	ssyncpa.u1 $0x1  }
0x2d: {  	[tilespmem:$0xE408] =	vst v1  }
.LBB2_27:
0x2e: {  	s0 =	sadd.s32 $0x70, s22  }
0x2f: {  	s2 =	smov.u32 s20;
	p2 =	slt.s32 s0, s8  }
0x30: {  	s2 =	smov.u32 @p2 s0;
	p2 =	sne.s32 s23, s11  }
.Ltmp2:
0x31: {  	_ = 	snop;
	(pc) =	sbr.rel @!p2 .LBB2_28-.Ltmp2, $4  }
0x32: {  	_ = 	snop  }
0x33: {  	s24 =	smov.u32 s21  }
0x34: {  	s31 =	sadd.s32 $0x1, s23;
	s21 =	smov.u32 s22;
	p0 =	por !p0, !p0  }
0x35: {  	p1 =	por !p1, !p1;
	s23 =	smov.u32 s31;
	s22 =	smov.u32 s2  }
.LBB2_3:
0x36: {  	p2 =	sge.u32 s23, s13  }
0x37: {  	s0 =	smulhi.u32 @!p2 $0xAAAAAAAB, s23  }
0x38: {  	s2 =	smov.u32 s22;
	p3 =	sgt.s32 @!p2 s22, $0x13F90  }
0x39: {  	s3 =	sshra.s32 @!p2 s22, $0x1F;
	p3 =	por !p3, p2;
	s0 =	sshrl.u32 @!p2 s0, $0x1  }
0x3a: {  	s3 =	sand.u32 @!p2 s3, s22;
	s2 =	simm.s32 @p3 $0x13F90;
	s0 =	smul.u32 @!p2 $0x3, s0  }
0x3b: {  	s2 =	ssub.s32 @!p2 s2, s3  }
0x3c: {  	s2 =	sadd.s32 @!p2 $0xFFFEC070, s2;
	s0 =	ssub.s32 @!p2 s23, s0  }
0x3d: {  	s3 =	sshll.u32 @!p2 s2, $0x2;
	p3 =	sgt.s32 @!p2 s2, $0x6F;
	s0 =	smul.u32 @!p2 $0x1C0, s0  }
0x3e: {  	s4 =	sand.u32 @!p2 $0x7, s22;
	s2 =	ssub.s32 @!p2 $0x1C0, s3;
	p3 =	por !p3, p2  }
0x3f: {  	s3 =	sshrl.u32 @!p2 s22, $0x3;
	s2 =	sshrl.u32 @!p2 s2, $0x2;
	s0 =	sshrl.u32 @!p2 s0, $0x2  }
0x40: {  	s3 =	sadd.s32 @!p2 s3, s14;
	s2 =	simm.s32 @!p3 $0x0;
	s0 =	sadd.s32 @!p2 $0x10448, s0  }
0x41: {  	[tilespmem:s0], [sflag:$0xA] =	stream.linear.gather @!p2 [hbm4b:s3+s4], s2, $0x38;
	[tilespmem:$0x1E678] =	vst v63  }
0x42: {  	s2 =	sadd.s32 $0xFFFFFFFF, s23  }
0x43: {  	p2 =	sge.u32 s2, s13  }
0x44: {  	p3 =	sgt.s32 @!p2 s21, $0x13F90  }
0x45: {  	s0 =	smov.u32 s21;
	s3 =	sshra.s32 @!p2 s21, $0x1F;
	p3 =	por !p3, p2  }
0x46: {  	s3 =	sand.u32 @!p2 s3, s21;
	s0 =	simm.s32 @p3 $0x13F90  }
0x47: {  	s0 =	ssub.s32 @!p2 s0, s3  }
0x48: {  	s0 =	sadd.s32 @!p2 $0xFFFEC070, s0  }
0x49: {  	s3 =	sshll.u32 @!p2 s0, $0x2  }
0x4a: {  	p3 =	sgt.s32 @!p2 s0, $0x6F;
	s0 =	ssub.s32 @!p2 $0x1C0, s3  }
0x4b: {  	p3 =	por !p3, p2;
	s0 =	sshrl.u32 @!p2 s0, $0x2  }
0x4c: {  	s4 =	simm.s32 @!p2 $0xA;
	s3 =	sand.u32 @!p2 $0x1, s2;
	s0 =	simm.s32 @!p3 $0x0  }
0x4d: {  	s3 =	smul.u32 @!p2 $0x1C0, s3;
	_ =	swait.ge @!p2 [sflag:s4], s0  }
0x4e: {  	s5 =	ssub.s32 @!p2 $0x0, s0;
	[sflag:s4] =	ssyncset.done @!p2 $0x0  }
0x4f: {  	s3 =	sshrl.u32 @!p2 s3, $0x2;
	[sflag:s4] =	ssyncadd.s32 @!p2 s5;
	s4 =	sshrl.u32 @!p2 s21, $0x3  }
0x50: {  	s3 =	sadd.s32 @!p2 $0x10598, s3;
	s5 =	sand.u32 @!p2 $0x7, s21;
	s4 =	sadd.s32 @!p2 s4, s15  }
0x51: {  	[tilespmem:s3], [sflag:$0xB] =	stream.linear.gather @!p2 [hbm4b:s4+s5], s0, $0x38;
	[tilespmem:$0x1E678] =	vst v63  }
0x52: {  	s0 =	ssub.s32 @!p2 $0x14000, s21  }
0x53: {  	p3 =	slt.s32 @!p2 s0, $0x1  }
0x54: {  	p3 =	por p2, p3  }
.Ltmp3:
0x55: {  	_ = 	snop;
	(pc) =	sbr.rel @p3 .LBB2_9-.Ltmp3, $1  }
0x56: {  	_ =	sdelay $0x3  }
0x57: {  	s3 =	smulhi.u32 $0xAAAAAAAB, s2;
	_ =	sdelay $0x1  }
0x58: {  	s3 =	sshrl.u32 s3, $0x1  }
0x59: {  	s3 =	smul.u32 $0x3, s3;
	_ =	sdelay $0x1  }
0x5a: {  	s30 =	ssub.s32 s2, s3  }
0x5b: {  	s4 =	simm.s32 $0x1;
	s2 =	smul.u32 $0x1C0, s30  }
.Ltmp4:
0x5c: {  	s4 =	simm.s32 @!p0 $0x0;
	(pc) =	sbr.rel .LBB2_6-.Ltmp4, $4  }
0x5d: {  	s31 =	smul.u32 $0x1C000, s4  }
0x5e: {  	p3 =	slt.s32 @!p2 s0, $0x70;
	s2 =	sshrl.u32 s2, $0x2  }
0x5f: {  	p2 =	por !p3, p2;
	s3 =	sshrl.u32 s31, $0x2;
	s5 =	sadd.s32 $0x10448, s2  }
0x60: {  	s0 =	simm.s32 @p2 $0x70;
	s4 =	sor.u32 $0x10678, s3;
	s2 =	simm.s32 $0x0;
	v1 =	vmov s5  }
.LBB2_5:
0x61: {  	p2 =	sge.s32 s2, s0  }
.Ltmp5:
0x62: {  	_ = 	snop;
	(pc) =	sbr.rel @p2 .LBB2_9-.Ltmp5, $2  }
0x63: {  	_ =	sdelay $0x2  }
0x64: {  	s4 =	sadd.s32 $0x1000, s4  }
.LBB2_6:
0x65: {  	p2 =	sle.s32 s0, s2  }
.Ltmp6:
0x66: {  	_ = 	snop;
	(pc) =	sbr.rel @p2 .LBB2_5-.Ltmp6, $2  }
0x67: {  	_ =	sdelay $0x2  }
0x68: {  	s5 =	smov.u32 s2;
	s2 =	sadd.s32 $0x10, s2  }
0x69: {  	s3 =	ssub.s32 s0, s5  }
0x6a: {  	p2 =	slt.s32 s3, $0x10  }
0x6b: {  	s3 =	simm.s32 @!p2 $0x10  }
0x6c: {  	v2 =	vmov s3  }
0x6d: {  	vm0 =	vgt.s32 v2, v0;
	_ =	sdelay $0x5  }
0x6e: {  	v2 =	vld.idx.msk [tilespmem:v1+s5+$0x0 ss:$0x1], vm0;
	_ =	sdelay $0x2  }
0x6f: {  	p2 =	slt.s32 s2, s0;
	s3 =	smov.u32 s0  }
0x70: {  	s9 =	smov.u32 s4;
	s25 =	simm.s32 $0x0;
	s3 =	smov.u32 @p2 s2  }
.LBB2_8:
0x71: {  	(v2sf) =	vpush v2, s25;
	_ =	sdelay $0xe  }
0x72: {  	s25 =	sadd.s32 $0x1, s25;
	s10 =	spop (v2sf)  }
0x73: {  	s31 =	sadd.s32 s25, s5;
	s26 =	sshll.u32 s10, $0x8;
	s10 =	sshll.u32 s10, $0x7  }
0x74: {  	p2 =	slt.s32 s31, s3;
	s26 =	sand.u32 $0xFFFFF800, s26;
	s10 =	sand.u32 $0x380, s10  }
.Ltmp7:
0x75: {  	s10 =	sor.u32 s10, s26;
	(pc) =	sbr.rel @p2 .LBB2_8-.Ltmp7, $4  }
0x76: {  	s10 =	sshrl.u32 s10, $0x3  }
0x77: {  	s10 =	sadd.s32 s6, s10  }
0x78: {  	[tilespmem:s9], [sflag:$0x9] =	stream.strided.gather [hbm4b:s10+s18], $0x100, s19, s18, $0x38;
	[tilespmem:$0x1E678] =	vst v63  }
0x79: {  	s9 =	sadd.s32 $0x100, s9  }
.Ltmp8:
0x7a: {  	_ = 	snop;
	(pc) =	sbr.rel .LBB2_5-.Ltmp8, $1  }
0x7b: {  	_ =	sdelay $0x3  }
.LBB2_9:
0x7c: {  	p2 =	slt.u32 s23, $0x2  }
.Ltmp9:
0x7d: {  	_ = 	snop;
	(pc) =	sbr.rel @p2 .LBB2_27-.Ltmp9, $1  }
0x7e: {  	_ =	sdelay $0x3  }
0x7f: {  	p2 =	sgt.s32 s24, $0x13F90  }
0x80: {  	s0 =	smov.u32 s24;
	s2 =	sshra.s32 s24, $0x1F;
	s3 =	ssub.s32 $0x14000, s24  }
0x81: {  	s0 =	simm.s32 @!p2 $0x13F90;
	s2 =	sand.u32 s2, s24;
	p2 =	slt.s32 s3, $0x70  }
0x82: {  	s0 =	ssub.s32 s0, s2;
	s3 =	simm.s32 @!p2 $0x70  }
0x83: {  	s0 =	sadd.s32 $0xFFFEC070, s0;
	s9 =	sshll.u32 s3, $0x8  }
0x84: {  	s26 =	simm.s32 $0x9;
	s10 =	sshll.u32 s0, $0x2;
	s2 =	sand.u32 $0x3FFFFF00, s9  }
0x85: {  	p2 =	sgt.s32 s0, $0x6F;
	s25 =	ssub.s32 $0x1C0, s10;
	_ =	swait.ge [sflag:s26], s2  }
0x86: {  	s2 =	ssub.s32 $0x0, s2;
	[sflag:s26] =	ssyncset.done $0x0;
	s0 =	sshrl.u32 s25, $0x2  }
0x87: {  	s29 =	simm.s32 $0xB;
	[sflag:s26] =	ssyncadd.s32 s2;
	s0 =	simm.s32 @p2 $0x0  }
0x88: {  	_ =	swait.ge [sflag:s29], s0  }
0x89: {  	s0 =	ssub.s32 $0x0, s0;
	[sflag:s29] =	ssyncset.done $0x0  }
0x8a: {  	[sflag:s29] =	ssyncadd.s32 s0  }
0x8b: {  	v1 =	vld [tilespmem:$0xE408];
	_ =	sdelay $0x4  }
0x8c: {  	(v2sf) =	vpush v1, $0x0  }
0x8d: {  	(v2sf) =	vpush v1, $0x1  }
0x8e: {  	(v2sf) =	vpush v1, $0x2;
	_ =	sdelay $0x3  }
0x8f: {  	s0 =	sadd.s32 $0x70, s24  }
0x90: {  	s2 =	ssub.s32 $0x28000, s24;
	p2 =	slt.s32 s8, s0  }
0x91: {  	s0 =	smov.u32 @p2 s8;
	p2 =	sgt.s32 s2, $0x0  }
0x92: {  	s0 =	ssub.s32 s0, s24;
	s2 =	simm.s32 @!p2 $0x0  }
0x93: {  	p2 =	slt.s32 s2, s0  }
0x94: {  	s0 =	smov.u32 @p2 s2  }
0x95: {  	s4 =	simm.s32 $0x1;
	p2 =	slt.s32 s0, $0x1  }
.Ltmp10:
0x96: {  	s4 =	simm.s32 @!p1 $0x0;
	(pc) =	sbr.rel @p2 .LBB2_14-.Ltmp10, $4  }
0x97: {  	s30 =	smul.u32 $0x1C0, s4  }
0x98: {  	s5 =	spop (v2sf)  }
0x99: {  	s31 =	sshrl.u32 s30, $0x2;
	s28 =	spop (v2sf)  }
0x9a: {  	s25 =	sadd.s32 $0x10598, s31;
	s24 =	spop (v2sf)  }
0x9b: {  	s2 =	smin.u32 s0, $0x10  }
0x9c: {  	v1 =	vmov s2  }
0x9d: {  	vm1 =	vgt.u32 v1, v0  }
0x9e: {  	p3 =	sgt.s32 s0, $0x10  }
.Ltmp11:
0x9f: {  	_ = 	snop;
	(pc) =	sbr.rel @!p3 .LBB2_13-.Ltmp11, $2  }
0xa0: {  	_ =	sdelay $0x2  }
0xa1: {  	s26 =	simm.s32 $0x10;
	s29 =	sadd.s32 $0xFFFFFFF0, s0;
	s2 =	smov.u32 s25;
	vm0 =	vmmov vm1;
	v1 =	vld.msk [tilespmem:s25+$0x0 ss:$0x1], vm1  }
.LBB2_12:
0xa2: {  	s3 =	smin.u32 s29, $0x10;
	s26 =	sadd.s32 $0x10, s26  }
0xa3: {  	v2 =	vmov s3;
	p3 =	slt.s32 s26, s0  }
0xa4: {  	vm1 =	vgt.u32 v2, v0;
	_ =	sdelay $0x1  }
0xa5: {  	v2 =	vshll.u32 v1, $0x5;
	v1 =	vshll.u32 v1, $0x4  }
.Ltmp12:
0xa6: {  	v2 =	vand.u32 $0xFFFFFF00, v2;
	v1 =	vand.u32 $0x70, v1;
	(pc) =	sbr.rel @p3 .LBB2_12-.Ltmp12, $4  }
0xa7: {  	v1 =	vor.u32 v1, v2  }
0xa8: {  	[tilespmem:s2+$0x0] =	vst.msk vm0, v1;
	s2 =	sadd.s32 $0x10, s2;
	vm0 =	vmmov vm1  }
0xa9: {  	v1 =	vld.msk [tilespmem:s2+$0x0 ss:$0x1], vm1  }
0xaa: {  	s29 =	sadd.s32 $0xFFFFFFF0, s29  }
.LBB2_13:
0xab: {  	_ =	sdelay $0x3  }
0xac: {  	v2 =	vshll.u32 v1, $0x5;
	v1 =	vshll.u32 v1, $0x4  }
0xad: {  	v2 =	vand.u32 $0xFFFFFF00, v2;
	v1 =	vand.u32 $0x70, v1  }
0xae: {  	v1 =	vor.u32 v1, v2  }
0xaf: {  	[tilespmem:s2+$0x0] =	vst.msk vm0, v1  }
.LBB2_14:
0xb0: {  	s2 =	sand.u32 $0x1, s23  }
0xb1: {  	s2 =	smul.u32 $0x70, s2  }
0xb2: {  	p3 =	sne.s32 s28, $0xFFFFFFFF  }
0xb3: {  	v1 =	vld.msk @!p3 [tilespmem:s2+$0x10598], $0x1;
	_ =	sdelay $0x4  }
0xb4: {  	(v2sf) =	vpush @!p3 v1, $0x0;
	_ =	sdelay $0xc  }
.Ltmp13:
0xb5: {  	_ = 	snop;
	(pc) =	sbr.rel @p2 .LBB2_25-.Ltmp13, $4  }
0xb6: {  	_ = 	snop  }
0xb7: {  	s31 =	spop @!p3 (v2sf)  }
0xb8: {  	s24 =	simm.s32 @!p3 $0x0;
	s26 =	smov.u32 s31  }
0xb9: {  	[sflag:s17] =	ssyncpa.u1 $0x0;
	s31 =	smov.u32 @p3 s5;
	s26 =	smov.u32 @p3 s28  }
0xba: {  	v1 =	vld.msk [tilespmem:s25+$0x0], $0x1;
	_ =	sdelay $0x4  }
0xbb: {  	(v2sf) =	vpush v1, $0x0;
	_ =	sdelay $0xe  }
0xbc: {  	s7 =	smov.u32 s11;
	s5 =	spop (v2sf)  }
0xbd: {  	s17 =	smov.u32 s15;
	s2 =	smul.u32 $0x1C000, s4;
	p2 =	seq.s32 s31, s5  }
0xbe: {  	s3 =	smov.u32 s31;
	s29 =	ssub.s32 $0x0, s0;
	p3 =	sgt.s32 @!p2 s31, $0x0  }
0xbf: {  	s30 =	simm.s32 $0x0;
	s2 =	sshrl.u32 s2, $0x2;
	p3 =	por !p3, p2  }
0xc0: {  	s0 =	sadd.s32 $0x1, s29;
	s28 =	sor.u32 $0x106F8, s2;
	s3 =	simm.s32 @p3 $0x0  }
0xc1: {  	s2 =	simm.s32 @!p2 $0x1;
	p3 =	seq.s32 s0, $0x0;
	s3 =	smin.u32 @!p2 s3, $0x13FF70  }
.Ltmp14:
0xc2: {  	s4 =	simm.s32 @!p2 $0x7308;
	s9 =	sand.u32 @!p2 $0x1FFFF8, s3;
	(pc) =	sbr.rel @p3 .LBB2_17-.Ltmp14, $4  }
0xc3: {  	s10 =	sadd.s32 @!p2 $0x80, s3;
	s11 =	sadd.s32 @!p2 s1, s9;
	s9 =	sand.u32 @!p2 $0x7, s3  }
0xc4: {  	[tilespmem:s4], [sflag:$0x2] =	stream.linear.gather @!p2 [hbm4b:s11+s9], $0x80, $0x38;
	[tilespmem:$0x1E678] =	vst v63  }
0xc5: {  	s15 =	smov.u32 s14;
	s2 =	smov.u32 @p2 s30;
	s4 =	sand.u32 @!p2 $0x3FFFF8, s10  }
0xc6: {  	s3 =	simm.s32 @!p2 $0x7388;
	s10 =	sadd.s32 @!p2 s1, s4;
	s4 =	sadd.s32 $0x1, s25  }
.LBB2_16:
0xc7: {  	s11 =	smov.u32 s2  }
0xc8: {  	[tilespmem:s3], [sflag:$0x2] =	stream.linear.gather @!p2 [hbm4b:s10+s9], $0x80, $0x38;
	[tilespmem:$0x1E678] =	vst v63  }
0xc9: {  	s0 =	sadd.s32 $0x1, s0;
	s9 =	smov.u32 s5;
	v1 =	vld.msk [tilespmem:s4+$0x0], $0x1  }
0xca: {  	p3 =	seq.s32 s0, $0x0;
	_ =	sdelay $0x3  }
0xcb: {  	(v2sf) =	vpush v1, $0x0;
	_ =	sdelay $0xe  }
0xcc: {  	s5 =	spop (v2sf)  }
0xcd: {  	p2 =	seq.s32 s9, s5  }
0xce: {  	p4 =	sgt.s32 @!p2 s9, $0x0;
	s3 =	sshll.u32 @!p2 s2, $0xA;
	s2 =	sadd.s32 @!p2 $0x1, s2  }
0xcf: {  	p4 =	por !p4, p2;
	s3 =	sshra.s32 @!p2 s3, $0x2;
	s2 =	smov.u32 @p2 s11  }
0xd0: {  	s9 =	simm.s32 @p4 $0x0;
	s10 =	sadd.s32 @!p2 $0x7308, s3;
	s3 =	sadd.s32 @!p2 $0x7388, s3  }
.Ltmp15:
0xd1: {  	s9 =	smin.u32 @!p2 s9, $0x13FF70;
	(pc) =	sbr.rel @!p3 .LBB2_16-.Ltmp15, $4  }
0xd2: {  	s11 =	sand.u32 @!p2 $0x1FFFF8, s9;
	s14 =	sadd.s32 @!p2 $0x80, s9  }
0xd3: {  	s9 =	sand.u32 @!p2 $0x7, s9;
	s11 =	sadd.s32 @!p2 s1, s11;
	s14 =	sand.u32 @!p2 $0x3FFFF8, s14  }
0xd4: {  	[tilespmem:s10], [sflag:$0x2] =	stream.linear.gather @!p2 [hbm4b:s11+s9], $0x80, $0x38;
	[tilespmem:$0x1E678] =	vst v63  }
0xd5: {  	s4 =	sadd.s32 $0x1, s4;
	s10 =	sadd.s32 @!p2 s1, s14  }
.LBB2_17:
0xd6: {  	[tilespmem:s3], [sflag:$0x2] =	stream.linear.gather @!p2 [hbm4b:s10+s9], $0x80, $0x38;
	[tilespmem:$0x1E678] =	vst v63  }
0xd7: {  	s0 =	sshll.u32 s2, $0x8  }
.Ltmp16:
0xd8: {  	s14 =	simm.s32 $0x2;
	s0 =	sand.u32 $0x3FFFFF00, s0;
	(pc) =	sbr.rel .LBB2_18-.Ltmp16, $4  }
0xd9: {  	_ =	swait.ge [sflag:s14], s0  }
0xda: {  	s0 =	ssub.s32 $0x0, s0;
	[sflag:s14] =	ssyncset.done $0x0  }
0xdb: {  	s4 =	simm.s32 $0x0;
	s11 =	smov.u32 s7;
	[sflag:s14] =	ssyncadd.s32 s0  }
0xdc: {  	s14 =	smov.u32 s15;
	s15 =	smov.u32 s17;
	s17 =	simm.s32 $0xC  }
.LBB2_19:
0xdd: {  	v1 =	vld [tilespmem:s28+$0xFFFFFF80];
	_ =	sdelay $0x4  }
0xde: {  	[tilespmem:s5+$0x208] =	vst.add.f32.msk $0xffff, v1  }
0xdf: {  	v1 =	vld [tilespmem:s28+$0xFFFFFF90];
	_ =	sdelay $0x4  }
0xe0: {  	[tilespmem:s5+$0x218] =	vst.add.f32.msk $0xffff, v1  }
0xe1: {  	v1 =	vld [tilespmem:s28+$0xFFFFFFA0];
	_ =	sdelay $0x4  }
0xe2: {  	[tilespmem:s5+$0x228] =	vst.add.f32.msk $0xffff, v1  }
0xe3: {  	v1 =	vld [tilespmem:s28+$0xFFFFFFB0];
	_ =	sdelay $0x4  }
0xe4: {  	[tilespmem:s5+$0x238] =	vst.add.f32.msk $0xffff, v1  }
0xe5: {  	v1 =	vld [tilespmem:s28+$0xFFFFFFC0];
	_ =	sdelay $0x4  }
0xe6: {  	[tilespmem:s5+$0x248] =	vst.add.f32.msk $0xffff, v1  }
0xe7: {  	v1 =	vld [tilespmem:s28+$0xFFFFFFD0];
	_ =	sdelay $0x4  }
0xe8: {  	[tilespmem:s5+$0x258] =	vst.add.f32.msk $0xffff, v1  }
0xe9: {  	v1 =	vld [tilespmem:s28+$0xFFFFFFE0];
	_ =	sdelay $0x4  }
0xea: {  	[tilespmem:s5+$0x268] =	vst.add.f32.msk $0xffff, v1  }
0xeb: {  	v1 =	vld [tilespmem:s28+$0xFFFFFFF0];
	_ =	sdelay $0x4  }
0xec: {  	[tilespmem:s5+$0x278] =	vst.add.f32.msk $0xffff, v1  }
0xed: {  	v1 =	vld [tilespmem:s28+$0x0];
	_ =	sdelay $0x4  }
0xee: {  	[tilespmem:s5+$0x288] =	vst.add.f32.msk $0xffff, v1  }
0xef: {  	v1 =	vld [tilespmem:s28+$0x10];
	_ =	sdelay $0x4  }
0xf0: {  	[tilespmem:s5+$0x298] =	vst.add.f32.msk $0xffff, v1  }
0xf1: {  	v1 =	vld [tilespmem:s28+$0x20];
	_ =	sdelay $0x4  }
0xf2: {  	[tilespmem:s5+$0x2A8] =	vst.add.f32.msk $0xffff, v1  }
0xf3: {  	v1 =	vld [tilespmem:s28+$0x30];
	_ =	sdelay $0x4  }
0xf4: {  	[tilespmem:s5+$0x2B8] =	vst.add.f32.msk $0xffff, v1  }
0xf5: {  	v1 =	vld [tilespmem:s28+$0x40];
	_ =	sdelay $0x4  }
0xf6: {  	[tilespmem:s5+$0x2C8] =	vst.add.f32.msk $0xffff, v1  }
0xf7: {  	v1 =	vld [tilespmem:s28+$0x50];
	_ =	sdelay $0x4  }
0xf8: {  	[tilespmem:s5+$0x2D8] =	vst.add.f32.msk $0xffff, v1  }
0xf9: {  	v1 =	vld [tilespmem:s28+$0x60];
	_ =	sdelay $0x4  }
0xfa: {  	[tilespmem:s5+$0x2E8] =	vst.add.f32.msk $0xffff, v1  }
0xfb: {  	v1 =	vld [tilespmem:s28+$0x70];
	_ =	sdelay $0x4  }
0xfc: {  	[tilespmem:s5+$0x2F8] =	vst.add.f32.msk $0xffff, v1  }
.LBB2_23:
0xfd: {  	s29 =	sadd.s32 $0x1, s29  }
0xfe: {  	p2 =	seq.s32 s29, $0x0  }
.Ltmp17:
0xff: {  	_ = 	snop;
	(pc) =	sbr.rel @p2 .LBB2_24-.Ltmp17, $2  }
0x100: {  	_ =	sdelay $0x2  }
0x101: {  	s25 =	sadd.s32 $0x1, s25;
	s28 =	sadd.s32 $0x100, s28;
	s31 =	smov.u32 s0  }
.LBB2_18:
0x102: {  	v1 =	vld.msk [tilespmem:s25+$0x0], $0x1;
	_ =	sdelay $0x4  }
0x103: {  	(v2sf) =	vpush v1, $0x0;
	_ =	sdelay $0xe  }
0x104: {  	s0 =	spop (v2sf)  }
0x105: {  	p2 =	sne.s32 s31, s0  }
.Ltmp18:
0x106: {  	_ = 	snop;
	(pc) =	sbr.rel @!p2 .LBB2_19-.Ltmp18, $3  }
0x107: {  	_ =	sdelay $0x1  }
0x108: {  	s2 =	sshll.u32 s24, $0xA  }
0x109: {  	s5 =	sshra.s32 s2, $0x2  }
0x10a: {  	p2 =	seq.s32 s31, s26  }
.Ltmp19:
0x10b: {  	_ = 	snop;
	(pc) =	sbr.rel @!p2 .LBB2_21-.Ltmp19, $1  }
0x10c: {  	_ =	sdelay $0x3  }
.Ltmp20:
0x10d: {  	s2 =	sadd.s32 $0x208, s5;
	(pc) =	sbr.rel .LBB2_22-.Ltmp20, $4  }
0x10e: {  	[spmem:s16] =	stream.linear.scatter [tilespmem:s2], [sflag:$0x1], $0x100, $0x38;
	[tilespmem:$0x1E678] =	vst v63  }
0x10f: {  	_ =	swait.ge [sflag:s12], $0x100  }
0x110: {  	[sflag:s12] =	ssyncset.done $0x0  }
0x111: {  	[sflag:s12] =	ssyncadd.s32 $0xFFFFFF00  }
.LBB2_21:
0x112: {  	s2 =	sshll.u32 s30, $0xA  }
0x113: {  	s2 =	sshra.s32 s2, $0x2  }
0x114: {  	v1 =	vld [tilespmem:s2+$0x7308];
	_ =	sdelay $0x4  }
0x115: {  	[tilespmem:s5+$0x208] =	vst.add.f32.msk $0xffff, v1  }
0x116: {  	v1 =	vld [tilespmem:s2+$0x7318];
	_ =	sdelay $0x4  }
0x117: {  	[tilespmem:s5+$0x218] =	vst.add.f32.msk $0xffff, v1  }
0x118: {  	v1 =	vld [tilespmem:s2+$0x7328];
	_ =	sdelay $0x4  }
0x119: {  	[tilespmem:s5+$0x228] =	vst.add.f32.msk $0xffff, v1  }
0x11a: {  	v1 =	vld [tilespmem:s2+$0x7338];
	_ =	sdelay $0x4  }
0x11b: {  	[tilespmem:s5+$0x238] =	vst.add.f32.msk $0xffff, v1  }
0x11c: {  	v1 =	vld [tilespmem:s2+$0x7348];
	_ =	sdelay $0x4  }
0x11d: {  	[tilespmem:s5+$0x248] =	vst.add.f32.msk $0xffff, v1  }
0x11e: {  	v1 =	vld [tilespmem:s2+$0x7358];
	_ =	sdelay $0x4  }
0x11f: {  	[tilespmem:s5+$0x258] =	vst.add.f32.msk $0xffff, v1  }
0x120: {  	v1 =	vld [tilespmem:s2+$0x7368];
	_ =	sdelay $0x4  }
0x121: {  	[tilespmem:s5+$0x268] =	vst.add.f32.msk $0xffff, v1  }
0x122: {  	v1 =	vld [tilespmem:s2+$0x7378];
	_ =	sdelay $0x4  }
0x123: {  	[tilespmem:s5+$0x278] =	vst.add.f32.msk $0xffff, v1  }
0x124: {  	v1 =	vld [tilespmem:s2+$0x7388];
	_ =	sdelay $0x4  }
0x125: {  	[tilespmem:s5+$0x288] =	vst.add.f32.msk $0xffff, v1  }
0x126: {  	v1 =	vld [tilespmem:s2+$0x7398];
	_ =	sdelay $0x4  }
0x127: {  	[tilespmem:s5+$0x298] =	vst.add.f32.msk $0xffff, v1  }
0x128: {  	v1 =	vld [tilespmem:s2+$0x73A8];
	_ =	sdelay $0x4  }
0x129: {  	[tilespmem:s5+$0x2A8] =	vst.add.f32.msk $0xffff, v1  }
0x12a: {  	v1 =	vld [tilespmem:s2+$0x73B8];
	_ =	sdelay $0x4  }
0x12b: {  	[tilespmem:s5+$0x2B8] =	vst.add.f32.msk $0xffff, v1  }
0x12c: {  	v1 =	vld [tilespmem:s2+$0x73C8];
	_ =	sdelay $0x4  }
0x12d: {  	[tilespmem:s5+$0x2C8] =	vst.add.f32.msk $0xffff, v1  }
0x12e: {  	v1 =	vld [tilespmem:s2+$0x73D8];
	_ =	sdelay $0x4  }
0x12f: {  	[tilespmem:s5+$0x2D8] =	vst.add.f32.msk $0xffff, v1  }
0x130: {  	v1 =	vld [tilespmem:s2+$0x73E8];
	_ =	sdelay $0x4  }
0x131: {  	[tilespmem:s5+$0x2E8] =	vst.add.f32.msk $0xffff, v1  }
0x132: {  	v1 =	vld [tilespmem:s2+$0x73F8];
	_ =	sdelay $0x2  }
0x133: {  	p2 =	sgt.u32 s31, $0x13FF70  }
0x134: {  	s2 =	sand.u32 @!p2 $0x1FFFF8, s31  }
0x135: {  	s3 =	sadd.s32 $0x208, s5;
	s9 =	sand.u32 @!p2 $0x7, s31;
	s2 =	sadd.s32 @!p2 s1, s2;
	[tilespmem:s5+$0x2F8] =	vst.add.f32.msk $0xffff, v1  }
0x136: {  	[hbm4b:s2+s9] =	stream.linear.scatter @!p2 [tilespmem:s3], [sflag:$0xC], $0x80, $0x38;
	[tilespmem:$0x1E678] =	vst v63  }
0x137: {  	s2 =	sadd.s32 @!p2 $0x80, s31  }
0x138: {  	s2 =	sand.u32 @!p2 $0x3FFFF8, s2  }
0x139: {  	s3 =	sadd.s32 $0x288, s5;
	s2 =	sadd.s32 @!p2 s1, s2  }
0x13a: {  	[hbm4b:s2+s9] =	stream.linear.scatter @!p2 [tilespmem:s3], [sflag:$0xC], $0x80, $0x38;
	[tilespmem:$0x1E678] =	vst v63  }
0x13b: {  	s2 =	simm.s32 $0x0  }
0x13c: {  	s2 =	simm.s32 @!p2 $0x400  }
0x13d: {  	s4 =	sadd.s32 s2, s4  }
.LBB2_22:
0x13e: {  	s2 =	sadd.s32 $0x1, s24  }
0x13f: {  	s3 =	sshrl.u32 s2, $0x4  }
0x140: {  	s3 =	smulhi.u32 $0x24924925, s3  }
0x141: {  	v1 =	vld [tilespmem:s28+$0xFFFFFF80]  }
0x142: {  	s3 =	smul.u32 $0x70, s3;
	_ =	sdelay $0x1  }
0x143: {  	s24 =	ssub.s32 s2, s3  }
0x144: {  	s2 =	sshll.u32 s24, $0x8  }
0x145: {  	[tilespmem:s2+$0x208] =	vst v1  }
0x146: {  	v1 =	vld [tilespmem:s28+$0xFFFFFF90];
	_ =	sdelay $0x4  }
0x147: {  	[tilespmem:s2+$0x218] =	vst v1  }
0x148: {  	v1 =	vld [tilespmem:s28+$0xFFFFFFA0];
	_ =	sdelay $0x4  }
0x149: {  	[tilespmem:s2+$0x228] =	vst v1  }
0x14a: {  	v1 =	vld [tilespmem:s28+$0xFFFFFFB0];
	_ =	sdelay $0x4  }
0x14b: {  	[tilespmem:s2+$0x238] =	vst v1  }
0x14c: {  	v1 =	vld [tilespmem:s28+$0xFFFFFFC0];
	_ =	sdelay $0x4  }
0x14d: {  	[tilespmem:s2+$0x248] =	vst v1  }
0x14e: {  	v1 =	vld [tilespmem:s28+$0xFFFFFFD0];
	_ =	sdelay $0x4  }
0x14f: {  	[tilespmem:s2+$0x258] =	vst v1  }
0x150: {  	v1 =	vld [tilespmem:s28+$0xFFFFFFE0];
	_ =	sdelay $0x4  }
0x151: {  	[tilespmem:s2+$0x268] =	vst v1  }
0x152: {  	v1 =	vld [tilespmem:s28+$0xFFFFFFF0];
	_ =	sdelay $0x4  }
0x153: {  	[tilespmem:s2+$0x278] =	vst v1  }
0x154: {  	v1 =	vld [tilespmem:s28+$0x0];
	_ =	sdelay $0x4  }
0x155: {  	[tilespmem:s2+$0x288] =	vst v1  }
0x156: {  	v1 =	vld [tilespmem:s28+$0x10];
	_ =	sdelay $0x4  }
0x157: {  	[tilespmem:s2+$0x298] =	vst v1  }
0x158: {  	v1 =	vld [tilespmem:s28+$0x20];
	_ =	sdelay $0x4  }
0x159: {  	[tilespmem:s2+$0x2A8] =	vst v1  }
0x15a: {  	v1 =	vld [tilespmem:s28+$0x30];
	_ =	sdelay $0x4  }
0x15b: {  	[tilespmem:s2+$0x2B8] =	vst v1  }
0x15c: {  	v1 =	vld [tilespmem:s28+$0x40];
	_ =	sdelay $0x4  }
0x15d: {  	[tilespmem:s2+$0x2C8] =	vst v1  }
0x15e: {  	v1 =	vld [tilespmem:s28+$0x50];
	_ =	sdelay $0x4  }
0x15f: {  	[tilespmem:s2+$0x2D8] =	vst v1  }
0x160: {  	v1 =	vld [tilespmem:s28+$0x60];
	_ =	sdelay $0x4  }
0x161: {  	[tilespmem:s2+$0x2E8] =	vst v1  }
0x162: {  	v1 =	vld [tilespmem:s28+$0x70]  }
.Ltmp21:
0x163: {  	_ = 	snop;
	(pc) =	sbr.rel .LBB2_23-.Ltmp21, $2  }
0x164: {  	_ =	sdelay $0x2  }
0x165: {  	s30 =	sadd.s32 $0x1, s30;
	[tilespmem:s2+$0x2F8] =	vst v1  }
.LBB2_25:
.Ltmp22:
0x166: {  	(pc) =	sbr.rel .LBB2_26-.Ltmp22, $4  }
0x167: {  	_ = 	snop  }
0x168: {  	s0 =	simm.s32 $0x2  }
0x169: {  	_ =	swait.ge [sflag:s0], $0x0  }
0x16a: {  	s2 =	simm.s32 $0x0;
	[sflag:s0] =	ssyncset.done $0x0;
	s0 =	smov.u32 s31  }
.LBB2_28:
0x16b: {  	_ =	sfence.sel $0x180000  }
0x16c: {  	s0 =	simm.s32 $0x9;
	[bflag:$0x0] =	sbarrier.arrive $0xFFFF  }
0x16d: {  	s24 =	simm.s32 $0xA;
	[sflag:s0] =	ssyncpa.u1 $0x1  }
0x16e: {  	s25 =	simm.s32 $0xB;
	[sflag:s24] =	ssyncpa.u1 $0x1  }
0x16f: {  	s26 =	simm.s32 $0x2;
	[sflag:s25] =	ssyncpa.u1 $0x1  }
0x170: {  	[sflag:s26] =	ssyncpa.u1 $0x1  }
0x171: {  	v0 =	vld [tilespmem:$0xE408];
	_ =	sdelay $0x4  }
0x172: {  	(v2sf) =	vpush v0, $0x0  }
0x173: {  	(v2sf) =	vpush v0, $0x1;
	_ =	sdelay $0x1  }
0x174: {  	(v2sf) =	vpush v0, $0x2;
	_ =	sdelay $0xb  }
0x175: {  	s0 =	spop (v2sf)  }
0x176: {  	s2 =	spop (v2sf)  }
0x177: {  	s3 =	smov.u32 s0;
	p0 =	sne.s32 s0, s2  }
0x178: {  	s4 =	spop (v2sf);
	s3 =	simm.s32 @!p0 $0xFFFFFFFF  }
0x179: {  	v2 =	vimm.s32 $0x1;
	v3 =	vlaneseq.u32;
	p0 =	seq.s32 s4, $0xFFFFFFFF;
	v1 =	vmov s3  }
0x17a: {  	s15 =	stileid.u32;
	v0 =	vperm.xlane v0, v2;
	p1 =	sne.s32 @!p0 s0, s2;
	v1 =	vperm.xlane v1, v3  }
0x17b: {  	vm0 =	vcmask $0x3F04;
	s6 =	simm.s32 $0xE408;
	s0 =	simm.s32 @!p0 $0x1;
	p1 =	por !p1, p0  }
0x17c: {  	s3 =	sshll.u32 s15, $0x1;
	s2 =	sshll.u32 @!p0 s4, $0xA;
	s0 =	simm.s32 @p1 $0x0;
	v0 =	vsel vm0, v1, v0  }
0x17d: {  	s5 =	sor.u32 $0x2000, s3;
	s2 =	sshra.s32 @!p0 s2, $0x2;
	s0 =	sor.u32 @!p0 s0, s3;
	[tilespmem:$0xE408] =	vst v0  }
0x17e: {  	[spmem:s5] =	stream.linear.scatter [tilespmem:s6], [sflag:$0x1], $0x2, $0x38;
	[tilespmem:$0x1E678] =	vst v63  }
0x17f: {  	s2 =	sadd.s32 @!p0 $0x208, s2;
	s0 =	sshll.u32 @!p0 s0, $0x8  }
0x180: {  	[spmem:s0] =	stream.linear.scatter @!p0 [tilespmem:s2], [sflag:$0x1], $0x100, $0x38;
	[tilespmem:$0x1E678] =	vst v63  }
0x181: {  	s0 =	simm.s32 @!p0 $0x102  }
0x182: {  	s28 =	simm.s32 $0x1;
	s0 =	simm.s32 @p0 $0x2  }
0x183: {  	_ =	swait.ge [sflag:s28], s0  }
0x184: {  	s0 =	ssub.s32 $0x0, s0;
	[sflag:s28] =	ssyncset.done $0x0  }
0x185: {  	p0 =	sne.s32 s15, $0x0;
	[sflag:s28] =	ssyncadd.s32 s0  }
.Ltmp23:
0x186: {  	_ =	sfence.stream.spmem;
	(pc) =	sbr.rel @p0 .LBB2_45-.Ltmp23, $4  }
0x187: {  	s29 =	simm.s32 $0x3;
	[bflag:$0x0] =	sbarrier.arrive $0xFFFF  }
0x188: {  	s30 =	simm.s32 $0x4;
	[sflag:s29] =	ssyncpa.u1 $0x1  }
0x189: {  	s31 =	simm.s32 $0x3C;
	[sflag:s30] =	ssyncpa.u1 $0x1  }
0x18a: {  	s14 =	rddreg [dreg:$0x5];
	[sflag:s31] =	ssyncpa.u1 $0x1  }
0x18b: {  	_ =	sfence.stream.spmem;
	s0 =	simm.s32 $0x5  }
0x18c: {  	s2 =	simm.s32 $0x2000;
	s3 =	simm.s32 $0xE418;
	[sflag:s0] =	ssyncpa.u1 $0x0  }
0x18d: {  	[tilespmem:s3], [sflag:$0x5] =	stream.linear.gather [spmem:s2], $0x20, $0x38;
	[tilespmem:$0x1E678] =	vst v63  }
0x18e: {  	s26 =	simm.s32 $0x0;
	s28 =	simm.s32 $0xE438  }
0x18f: {  	[tilespmem:s28], [sflag:$0x5] =	stream.linear.gather [spmem:s26], $0x2000, $0x38;
	[tilespmem:$0x1E678] =	vst v63  }
0x190: {  	_ =	swait.ge [sflag:s0], $0x2020  }
0x191: {  	[sflag:s0] =	ssyncset.done $0x0  }
0x192: {  	s29 =	simm.s32 $0x0;
	[sflag:s0] =	ssyncadd.s32 $0xFFFFDFE0  }
0x193: {  	v0 =	vld.msk [tilespmem:s29+$0xE418], $0x1;
	_ =	sdelay $0x1  }
0x194: {  	s30 =	simm.s32 $0x1  }
0x195: {  	v1 =	vld.msk [tilespmem:s30+$0xE418], $0x1;
	_ =	sdelay $0x1  }
0x196: {  	(v2sf) =	vpush v0, $0x0;
	_ =	sdelay $0x2  }
0x197: {  	(v2sf) =	vpush v1, $0x0;
	_ =	sdelay $0x2  }
0x198: {  	s31 =	simm.s32 $0x2  }
0x199: {  	v0 =	vld.msk [tilespmem:s31+$0xE418], $0x1;
	_ =	sdelay $0x2  }
0x19a: {  	s2 =	simm.s32 $0xFFFFFFFF;
	s3 =	simm.s32 $0xFFFFFFFF;
	s0 =	simm.s32 $0xC  }
.LBB2_30:
0x19b: {  	s4 =	smov.u32 s3;
	s5 =	smov.u32 s2  }
0x19c: {  	s2 =	sshra.s32 s0, $0x2;
	p1 =	sne.s32 s0, $0x7C;
	s0 =	sadd.s32 $0x4, s0;
	(v2sf) =	vpush v0, $0x0  }
0x19d: {  	v0 =	vld.msk [tilespmem:s2+$0xE418], $0x1  }
.Ltmp24:
0x19e: {  	(pc) =	sbr.rel @p1 .LBB2_30-.Ltmp24, $4  }
0x19f: {  	s3 =	spop (v2sf)  }
0x1a0: {  	p2 =	sne.s32 s5, $0xFFFFFFFF;
	s2 =	smov.u32 s3  }
0x1a1: {  	p3 =	seq.s32 s3, $0xFFFFFFFF;
	s2 =	smov.u32 @p2 s5  }
0x1a2: {  	s3 =	smov.u32 @p3 s4;
	s2 =	smov.u32 @p3 s5  }
0x1a3: {  	(v2sf) =	vpush v0, $0x0;
	_ =	sdelay $0x8  }
0x1a4: {  	s0 =	spop (v2sf)  }
0x1a5: {  	p1 =	sne.s32 s2, $0xFFFFFFFF;
	s9 =	simm.s32 $0x6;
	s4 =	smov.u32 s0  }
0x1a6: {  	s6 =	simm.s32 $0x0;
	p2 =	seq.s32 s0, $0xFFFFFFFF;
	s4 =	smov.u32 @p1 s2  }
0x1a7: {  	s10 =	simm.s32 $0xE308;
	s4 =	smov.u32 @p2 s2;
	s2 =	spop (v2sf)  }
0x1a8: {  	s0 =	smov.u32 @p2 s3;
	p1 =	sne.s32 s4, $0xFFFFFFFF;
	s5 =	smov.u32 s2  }
.Ltmp25:
0x1a9: {  	p2 =	seq.s32 s2, $0xFFFFFFFF;
	s5 =	smov.u32 @p1 s4;
	(pc) =	sbr.rel .LBB2_32-.Ltmp25, $4  }
0x1aa: {  	s11 =	simm.s32 $0xE388;
	s5 =	smov.u32 @p2 s4;
	s7 =	spop (v2sf)  }
0x1ab: {  	s12 =	simm.s32 $0x0;
	p1 =	sne.s32 s5, $0xFFFFFFFF;
	s8 =	smov.u32 s7  }
0x1ac: {  	s2 =	smov.u32 @p2 s0;
	p2 =	seq.s32 s7, $0xFFFFFFFF;
	s8 =	smov.u32 @p1 s5  }
0x1ad: {  	[sflag:s9] =	ssyncpa.u1 $0x0;
	s7 =	smov.u32 @p2 s2;
	s8 =	smov.u32 @p2 s5  }
.LBB2_38:
0x1ae: {  	p1 =	sgt.u32 s0, $0x13FF70  }
0x1af: {  	p2 =	seq.s32 @!p1 s0, s8  }
0x1b0: {  	p1 =	por p1, p2  }
0x1b1: {  	p2 =	sne.s32 @!p1 s0, s7  }
0x1b2: {  	p1 =	por p1, !p2  }
0x1b3: {  	s0 =	sshll.u32 @p1 s12, $0xA  }
0x1b4: {  	s2 =	sand.u32 @!p1 $0x1FFFF8, s0;
	s3 =	sand.u32 @!p1 $0x7, s0;
	s0 =	sadd.s32 @!p1 $0x80, s0  }
0x1b5: {  	s2 =	sadd.s32 @!p1 s1, s2;
	s0 =	sand.u32 @!p1 $0x3FFFF8, s0  }
0x1b6: {  	[tilespmem:s10], [sflag:$0x6] =	stream.linear.gather @!p1 [hbm4b:s2+s3], $0x80, $0x38;
	[tilespmem:$0x1E678] =	vst v63  }
0x1b7: {  	s0 =	sadd.s32 @!p1 s1, s0  }
0x1b8: {  	[tilespmem:s11], [sflag:$0x6] =	stream.linear.gather @!p1 [hbm4b:s0+s3], $0x80, $0x38;
	[tilespmem:$0x1E678] =	vst v63  }
0x1b9: {  	_ =	swait.ge @!p1 [sflag:s9], $0x100  }
0x1ba: {  	[sflag:s9] =	ssyncset.done @!p1 $0x0  }
0x1bb: {  	[sflag:s9] =	ssyncadd.s32 @!p1 $0xFFFFFF00  }
0x1bc: {  	v1 =	vld @!p1 [tilespmem:$0xE308];
	_ =	sdelay $0x2  }
0x1bd: {  	s0 =	sshll.u32 @!p1 s12, $0xA  }
0x1be: {  	s2 =	sshrl.u32 @!p1 s0, $0x2  }
0x1bf: {  	[tilespmem:s2+$0xE438] =	vst.add.f32.msk @!p1 $0xffff, v1  }
0x1c0: {  	v1 =	vld @!p1 [tilespmem:$0xE318];
	_ =	sdelay $0x4  }
0x1c1: {  	[tilespmem:s2+$0xE448] =	vst.add.f32.msk @!p1 $0xffff, v1  }
0x1c2: {  	v1 =	vld @!p1 [tilespmem:$0xE328];
	_ =	sdelay $0x4  }
0x1c3: {  	[tilespmem:s2+$0xE458] =	vst.add.f32.msk @!p1 $0xffff, v1  }
0x1c4: {  	v1 =	vld @!p1 [tilespmem:$0xE338];
	_ =	sdelay $0x4  }
0x1c5: {  	[tilespmem:s2+$0xE468] =	vst.add.f32.msk @!p1 $0xffff, v1  }
0x1c6: {  	v1 =	vld @!p1 [tilespmem:$0xE348];
	_ =	sdelay $0x4  }
0x1c7: {  	[tilespmem:s2+$0xE478] =	vst.add.f32.msk @!p1 $0xffff, v1  }
0x1c8: {  	v1 =	vld @!p1 [tilespmem:$0xE358];
	_ =	sdelay $0x4  }
0x1c9: {  	[tilespmem:s2+$0xE488] =	vst.add.f32.msk @!p1 $0xffff, v1  }
0x1ca: {  	v1 =	vld @!p1 [tilespmem:$0xE368];
	_ =	sdelay $0x4  }
0x1cb: {  	[tilespmem:s2+$0xE498] =	vst.add.f32.msk @!p1 $0xffff, v1  }
0x1cc: {  	v1 =	vld @!p1 [tilespmem:$0xE378];
	_ =	sdelay $0x4  }
0x1cd: {  	[tilespmem:s2+$0xE4A8] =	vst.add.f32.msk @!p1 $0xffff, v1  }
0x1ce: {  	v1 =	vld @!p1 [tilespmem:$0xE388];
	_ =	sdelay $0x4  }
0x1cf: {  	[tilespmem:s2+$0xE4B8] =	vst.add.f32.msk @!p1 $0xffff, v1  }
0x1d0: {  	v1 =	vld @!p1 [tilespmem:$0xE398];
	_ =	sdelay $0x4  }
0x1d1: {  	[tilespmem:s2+$0xE4C8] =	vst.add.f32.msk @!p1 $0xffff, v1  }
0x1d2: {  	v1 =	vld @!p1 [tilespmem:$0xE3A8];
	_ =	sdelay $0x4  }
0x1d3: {  	[tilespmem:s2+$0xE4D8] =	vst.add.f32.msk @!p1 $0xffff, v1  }
0x1d4: {  	v1 =	vld @!p1 [tilespmem:$0xE3B8];
	_ =	sdelay $0x4  }
0x1d5: {  	[tilespmem:s2+$0xE4E8] =	vst.add.f32.msk @!p1 $0xffff, v1  }
0x1d6: {  	v1 =	vld @!p1 [tilespmem:$0xE3C8];
	_ =	sdelay $0x4  }
0x1d7: {  	[tilespmem:s2+$0xE4F8] =	vst.add.f32.msk @!p1 $0xffff, v1  }
0x1d8: {  	v1 =	vld @!p1 [tilespmem:$0xE3D8];
	_ =	sdelay $0x4  }
0x1d9: {  	[tilespmem:s2+$0xE508] =	vst.add.f32.msk @!p1 $0xffff, v1  }
0x1da: {  	v1 =	vld @!p1 [tilespmem:$0xE3E8];
	_ =	sdelay $0x4  }
0x1db: {  	[tilespmem:s2+$0xE518] =	vst.add.f32.msk @!p1 $0xffff, v1  }
0x1dc: {  	v1 =	vld @!p1 [tilespmem:$0xE3F8];
	_ =	sdelay $0x4  }
0x1dd: {  	[tilespmem:s2+$0xE528] =	vst.add.f32.msk @!p1 $0xffff, v1  }
0x1de: {  	s0 =	sshrl.u32 s0, $0x2;
	[tilespmem:s6+$0xE418] =	vst.msk $0x1, v0  }
0x1df: {  	v0 =	vld [tilespmem:s0+$0xE438];
	_ =	sdelay $0x2  }
0x1e0: {  	s31 =	sshll.u32 s6, $0xA  }
0x1e1: {  	s2 =	sshra.s32 s31, $0x2  }
0x1e2: {  	[tilespmem:s2+$0xE438] =	vst v0  }
0x1e3: {  	v0 =	vld [tilespmem:s0+$0xE448];
	_ =	sdelay $0x4  }
0x1e4: {  	[tilespmem:s2+$0xE448] =	vst v0  }
0x1e5: {  	v0 =	vld [tilespmem:s0+$0xE458];
	_ =	sdelay $0x4  }
0x1e6: {  	[tilespmem:s2+$0xE458] =	vst v0  }
0x1e7: {  	v0 =	vld [tilespmem:s0+$0xE468];
	_ =	sdelay $0x4  }
0x1e8: {  	[tilespmem:s2+$0xE468] =	vst v0  }
0x1e9: {  	v0 =	vld [tilespmem:s0+$0xE478];
	_ =	sdelay $0x4  }
0x1ea: {  	[tilespmem:s2+$0xE478] =	vst v0  }
0x1eb: {  	v0 =	vld [tilespmem:s0+$0xE488];
	_ =	sdelay $0x4  }
0x1ec: {  	[tilespmem:s2+$0xE488] =	vst v0  }
0x1ed: {  	v0 =	vld [tilespmem:s0+$0xE498];
	_ =	sdelay $0x4  }
0x1ee: {  	[tilespmem:s2+$0xE498] =	vst v0  }
0x1ef: {  	v0 =	vld [tilespmem:s0+$0xE4A8];
	_ =	sdelay $0x4  }
0x1f0: {  	[tilespmem:s2+$0xE4A8] =	vst v0  }
0x1f1: {  	v0 =	vld [tilespmem:s0+$0xE4B8];
	_ =	sdelay $0x4  }
0x1f2: {  	[tilespmem:s2+$0xE4B8] =	vst v0  }
0x1f3: {  	v0 =	vld [tilespmem:s0+$0xE4C8];
	_ =	sdelay $0x4  }
0x1f4: {  	[tilespmem:s2+$0xE4C8] =	vst v0  }
0x1f5: {  	v0 =	vld [tilespmem:s0+$0xE4D8];
	_ =	sdelay $0x4  }
0x1f6: {  	[tilespmem:s2+$0xE4D8] =	vst v0  }
0x1f7: {  	v0 =	vld [tilespmem:s0+$0xE4E8];
	_ =	sdelay $0x4  }
0x1f8: {  	[tilespmem:s2+$0xE4E8] =	vst v0  }
0x1f9: {  	v0 =	vld [tilespmem:s0+$0xE4F8];
	_ =	sdelay $0x4  }
0x1fa: {  	[tilespmem:s2+$0xE4F8] =	vst v0  }
0x1fb: {  	v0 =	vld [tilespmem:s0+$0xE508];
	_ =	sdelay $0x4  }
0x1fc: {  	[tilespmem:s2+$0xE508] =	vst v0  }
0x1fd: {  	v0 =	vld [tilespmem:s0+$0xE518];
	_ =	sdelay $0x4  }
0x1fe: {  	[tilespmem:s2+$0xE518] =	vst v0  }
0x1ff: {  	v0 =	vld [tilespmem:s0+$0xE528];
	_ =	sdelay $0x4  }
0x200: {  	s6 =	sadd.s32 $0x1, s6;
	[tilespmem:s2+$0xE528] =	vst v0  }
.LBB2_39:
0x201: {  	s12 =	sadd.s32 $0x1, s12  }
0x202: {  	p1 =	sne.s32 s12, $0x20  }
.Ltmp26:
0x203: {  	_ = 	snop;
	(pc) =	sbr.rel @!p1 .LBB2_40-.Ltmp26, $1  }
0x204: {  	_ =	sdelay $0x3  }
.LBB2_32:
0x205: {  	v0 =	vld.msk [tilespmem:s12+$0xE418], $0x1;
	_ =	sdelay $0x4  }
0x206: {  	(v2sf) =	vpush v0, $0x0;
	_ =	sdelay $0xe  }
0x207: {  	s0 =	spop (v2sf)  }
0x208: {  	p1 =	seq.s32 s0, $0xFFFFFFFF  }
.Ltmp27:
0x209: {  	_ = 	snop;
	(pc) =	sbr.rel @p1 .LBB2_39-.Ltmp27, $1  }
0x20a: {  	_ =	sdelay $0x3  }
0x20b: {  	p1 =	slt.s32 s6, $0x1  }
.Ltmp28:
0x20c: {  	_ = 	snop;
	(pc) =	sbr.rel @p1 .LBB2_38-.Ltmp28, $1  }
0x20d: {  	_ =	sdelay $0x3  }
0x20e: {  	s4 =	simm.s32 $0xE418;
	p1 =	por $0x0, $0x0  }
0x20f: {  	v1 =	vld.msk @!p1 [tilespmem:s4+$0x0], $0x1;
	_ =	sdelay $0x4  }
0x210: {  	(v2sf) =	vpush @!p1 v1, $0x0;
	_ =	sdelay $0xd  }
0x211: {  	p3 =	sne.s32 s6, $0x1  }
.Ltmp29:
0x212: {  	s2 =	spop @!p1 (v2sf);
	(pc) =	sbr.rel @!p3 .LBB2_36-.Ltmp29, $4  }
0x213: {  	p2 =	seq.s32 @!p1 s0, s2  }
0x214: {  	s5 =	simm.s32 $0x0;
	p2 =	por !p2, p1  }
0x215: {  	s2 =	simm.s32 $0xFFFFFFFF;
	s5 =	simm.s32 @p2 $0xFFFFFFFF  }
0x216: {  	s13 =	simm.s32 $0x1;
	s5 =	smov.u32 @p1 s2  }
.LBB2_35:
0x217: {  	s2 =	smov.u32 s5;
	p1 =	sne.s32 s5, $0xFFFFFFFF  }
0x218: {  	s4 =	sadd.s32 $0x1, s4;
	s5 =	smov.u32 s13;
	s13 =	sadd.s32 $0x1, s13  }
0x219: {  	p2 =	sne.s32 s6, s13;
	v1 =	vld.msk @!p1 [tilespmem:s4+$0x0], $0x1;
	_ =	sdelay $0x4  }
0x21a: {  	(v2sf) =	vpush @!p1 v1, $0x0;
	_ =	sdelay $0xe  }
.Ltmp30:
0x21b: {  	s3 =	spop @!p1 (v2sf);
	(pc) =	sbr.rel @p2 .LBB2_35-.Ltmp30, $4  }
0x21c: {  	p3 =	seq.s32 @!p1 s0, s3  }
0x21d: {  	p3 =	por !p3, p1  }
0x21e: {  	s5 =	simm.s32 @p3 $0xFFFFFFFF  }
0x21f: {  	s5 =	smov.u32 @p1 s2  }
.LBB2_36:
0x220: {  	p1 =	seq.s32 s5, $0xFFFFFFFF  }
.Ltmp31:
0x221: {  	_ = 	snop;
	(pc) =	sbr.rel @p1 .LBB2_38-.Ltmp31, $1  }
0x222: {  	_ =	sdelay $0x3  }
0x223: {  	s0 =	sshll.u32 s12, $0x8  }
0x224: {  	s0 =	sand.u32 $0x3FFFFF00, s0  }
0x225: {  	v0 =	vld [tilespmem:s0+$0xE438];
	_ =	sdelay $0x2  }
0x226: {  	s2 =	sshll.u32 s5, $0xA  }
0x227: {  	s2 =	sshra.s32 s2, $0x2  }
0x228: {  	[tilespmem:s2+$0xE438] =	vst.add.f32.msk $0xffff, v0  }
0x229: {  	v0 =	vld [tilespmem:s0+$0xE448];
	_ =	sdelay $0x4  }
0x22a: {  	[tilespmem:s2+$0xE448] =	vst.add.f32.msk $0xffff, v0  }
0x22b: {  	v0 =	vld [tilespmem:s0+$0xE458];
	_ =	sdelay $0x4  }
0x22c: {  	[tilespmem:s2+$0xE458] =	vst.add.f32.msk $0xffff, v0  }
0x22d: {  	v0 =	vld [tilespmem:s0+$0xE468];
	_ =	sdelay $0x4  }
0x22e: {  	[tilespmem:s2+$0xE468] =	vst.add.f32.msk $0xffff, v0  }
0x22f: {  	v0 =	vld [tilespmem:s0+$0xE478];
	_ =	sdelay $0x4  }
0x230: {  	[tilespmem:s2+$0xE478] =	vst.add.f32.msk $0xffff, v0  }
0x231: {  	v0 =	vld [tilespmem:s0+$0xE488];
	_ =	sdelay $0x4  }
0x232: {  	[tilespmem:s2+$0xE488] =	vst.add.f32.msk $0xffff, v0  }
0x233: {  	v0 =	vld [tilespmem:s0+$0xE498];
	_ =	sdelay $0x4  }
0x234: {  	[tilespmem:s2+$0xE498] =	vst.add.f32.msk $0xffff, v0  }
0x235: {  	v0 =	vld [tilespmem:s0+$0xE4A8];
	_ =	sdelay $0x4  }
0x236: {  	[tilespmem:s2+$0xE4A8] =	vst.add.f32.msk $0xffff, v0  }
0x237: {  	v0 =	vld [tilespmem:s0+$0xE4B8];
	_ =	sdelay $0x4  }
0x238: {  	[tilespmem:s2+$0xE4B8] =	vst.add.f32.msk $0xffff, v0  }
0x239: {  	v0 =	vld [tilespmem:s0+$0xE4C8];
	_ =	sdelay $0x4  }
0x23a: {  	[tilespmem:s2+$0xE4C8] =	vst.add.f32.msk $0xffff, v0  }
0x23b: {  	v0 =	vld [tilespmem:s0+$0xE4D8];
	_ =	sdelay $0x4  }
0x23c: {  	[tilespmem:s2+$0xE4D8] =	vst.add.f32.msk $0xffff, v0  }
0x23d: {  	v0 =	vld [tilespmem:s0+$0xE4E8];
	_ =	sdelay $0x4  }
0x23e: {  	[tilespmem:s2+$0xE4E8] =	vst.add.f32.msk $0xffff, v0  }
0x23f: {  	v0 =	vld [tilespmem:s0+$0xE4F8];
	_ =	sdelay $0x4  }
0x240: {  	[tilespmem:s2+$0xE4F8] =	vst.add.f32.msk $0xffff, v0  }
0x241: {  	v0 =	vld [tilespmem:s0+$0xE508];
	_ =	sdelay $0x4  }
0x242: {  	[tilespmem:s2+$0xE508] =	vst.add.f32.msk $0xffff, v0  }
0x243: {  	v0 =	vld [tilespmem:s0+$0xE518];
	_ =	sdelay $0x4  }
0x244: {  	[tilespmem:s2+$0xE518] =	vst.add.f32.msk $0xffff, v0  }
0x245: {  	v0 =	vld [tilespmem:s0+$0xE528]  }
.Ltmp32:
0x246: {  	_ = 	snop;
	(pc) =	sbr.rel .LBB2_39-.Ltmp32, $2  }
0x247: {  	_ =	sdelay $0x2  }
0x248: {  	[tilespmem:s2+$0xE528] =	vst.add.f32.msk $0xffff, v0  }
.LBB2_40:
0x249: {  	s0 =	simm.s32 $0x6;
	p1 =	seq.s32 s6, $0x0  }
0x24a: {  	[sflag:s0] =	ssyncpa.u1 $0x1;
	v0 =	vimm.s32 @p1 $0xFFFFFFFF  }
0x24b: {  	s0 =	sadd.s32 $0xFFFFFFFF, s6;
	[tilespmem:$0x10438] =	vst @p1 v0  }
0x24c: {  	v0 =	vld.msk @!p1 [tilespmem:s0+$0xE418], $0x1;
	_ =	sdelay $0x1  }
0x24d: {  	v1 =	vld.msk @!p1 [tilespmem:$0xE418], $0x1;
	_ =	sdelay $0x2  }
0x24e: {  	p2 =	seq.s32 @!p1 s0, $0x0;
	v0 =	vbroadcast @!p1 v0, $0x0  }
0x24f: {  	vm0 =	vmmov @!p1 $0x1;
	p2 =	por !p2, p1  }
0x250: {  	v1 =	vnsel @!p1 vm0, $0xFFFFFFFF, v1;
	vm0 =	vcmask @!p1 $0x308;
	v0 =	vpsel !p2, $0xFFFFFFFF, v0  }
0x251: {  	p2 =	sne.s32 @!p1 s8, s7;
	v0 =	vsel @!p1 vm0, v1, v0  }
0x252: {  	s2 =	simm.s32 @!p1 $0xE438;
	s3 =	simm.s32 @!p1 $0x0;
	p3 =	por !p2, p1;
	[tilespmem:$0x10438] =	vst @!p1 v0  }
0x253: {  	[spmem:s3] =	stream.linear.scatter @!p1 [tilespmem:s2], [sflag:$0x1], $0x100, $0x38;
	[tilespmem:$0x1E678] =	vst v63  }
0x254: {  	s2 =	sshll.u32 @!p3 s0, $0xA  }
0x255: {  	s2 =	sshra.s32 @!p3 s2, $0x2  }
0x256: {  	s3 =	simm.s32 @!p3 $0x100;
	s2 =	sadd.s32 @!p3 $0xE438, s2  }
0x257: {  	[spmem:s3] =	stream.linear.scatter @!p3 [tilespmem:s2], [sflag:$0x1], $0x100, $0x38;
	[tilespmem:$0x1E678] =	vst v63  }
0x258: {  	s2 =	simm.s32 @!p3 $0x1  }
0x259: {  	_ =	swait.ge @!p3 [sflag:s2], $0x200  }
0x25a: {  	p1 =	por p2, p1;
	[sflag:s2] =	ssyncset.done @!p3 $0x0  }
0x25b: {  	[sflag:s2] =	ssyncadd.s32 @!p3 $0xFFFFFE00;
	s2 =	simm.s32 @!p1 $0x1  }
0x25c: {  	_ =	swait.ge @!p1 [sflag:s2], $0x100  }
0x25d: {  	s29 =	simm.s32 $0x10438;
	[sflag:s2] =	ssyncset.done @!p1 $0x0  }
0x25e: {  	s30 =	simm.s32 $0x2000;
	s31 =	simm.s32 $0x1;
	[sflag:s2] =	ssyncadd.s32 @!p1 $0xFFFFFF00  }
0x25f: {  	[spmem:s30] =	stream.linear.scatter [tilespmem:s29], [sflag:$0x1], $0x10, $0x38;
	[tilespmem:$0x1E678] =	vst v63  }
0x260: {  	_ =	swait.ge [sflag:s31], $0x10  }
0x261: {  	[sflag:s31] =	ssyncset.done $0x0  }
0x262: {  	p1 =	seq.s32 s14, $0x0;
	s9 =	rddreg [dreg:$0x2];
	[sflag:s31] =	ssyncadd.s32 $0xFFFFFFF0  }
0x263: {  	s3 =	sshll.u32 @p1 s9, $0xE;
	s8 =	rddreg [dreg:$0x3]  }
0x264: {  	s2 =	sadd.s32 @p1 $0x15C3C, s3;
	s3 =	sshll.u32 @p1 s8, $0x11  }
0x265: {  	_ =	sfence.stream.spmem;
	s2 =	sor.u32 @p1 s3, s2  }
0x266: {  	[sflag:s2] =	ssyncadd.remote.s32 @p1 $0x1;
	s2 =	simm.s32 @p1 $0x4  }
0x267: {  	s4 =	simm.s32 @!p1 $0x3C;
	s3 =	sand.u32 $0xFFFFFFFE, s9;
	_ =	swait.ge @p1 [sflag:s2], $0x42  }
0x268: {  	s5 =	simm.s32 @!p1 $0x0;
	s3 =	sadd.s32 @!p1 $0x4, s3;
	[sflag:s2] =	ssyncset.done @p1 $0x0  }
0x269: {  	s7 =	simm.s32 @!p1 $0x200;
	[sflag:s2] =	ssyncadd.s32 @p1 $0xFFFFFFBE;
	s2 =	sshll.u32 @!p1 s3, $0x1A  }
0x26a: {  	s3 =	sshll.u32 @!p1 s3, $0xD;
	s2 =	sor.u32 @!p1 s2, s8;
	_ =	swait.eq @!p1 [sflag:s4], $0x1  }
0x26b: {  	s3 =	sor.u32 @!p1 $0x1C04, s3;
	s4 =	simm.s32 @!p1 $0x1C03;
	s2 =	sor.u32 @!p1 $0x80004000, s2  }
0x26c: {  	[spmem:s7], [sflag:s3] =	dma.general @!p1 [spmem:s5], [sflag:s4], length:$0x40, [dreg:$0x0], stride_count:$0x0, ici_dest:s2, dma_misc:DstOpCode:WRITE  }
0x26d: {  	p2 =	slt.s32 s0, $0x2;
	s5 =	simm.s32 @!p1 $0x400;
	s7 =	simm.s32 @!p1 $0x402  }
0x26e: {  	[spmem:s7], [sflag:s3] =	dma.general @!p1 [spmem:s5], [sflag:s4], length:$0x2, [dreg:$0x0], stride_count:$0x0, ici_dest:s2, dma_misc:DstOpCode:WRITE  }
.Ltmp33:
0x26f: {  	s2 =	simm.s32 @!p1 $0x3;
	(pc) =	sbr.rel @p2 .LBB2_44-.Ltmp33, $4  }
0x270: {  	s3 =	sshll.u32 @!p1 s9, $0xE;
	_ =	swait.ge @!p1 [sflag:s2], $0x42  }
0x271: {  	s4 =	sshll.u32 @!p1 s8, $0x11;
	s3 =	sadd.s32 @!p1 $0x11C3C, s3;
	[sflag:s2] =	ssyncset.done @!p1 $0x0  }
0x272: {  	[sflag:s2] =	ssyncadd.s32 @!p1 $0xFFFFFFBE;
	s2 =	sor.u32 @!p1 s4, s3  }
0x273: {  	s0 =	simm.s32 $0x0;
	[sflag:s2] =	ssyncadd.remote.s32 @!p1 $0xFFFFFFFF  }
0x274: {  	s0 =	simm.s32 $0xE419  }
0x275: {  	v0 =	vld.msk [tilespmem:s0+$0x0], $0x1;
	_ =	sdelay $0x4  }
0x276: {  	(v2sf) =	vpush v0, $0x0;
	_ =	sdelay $0xd  }
0x277: {  	s31 =	sadd.s32 $0xFFFFFFFE, s6  }
0x278: {  	s6 =	simm.s32 $0x0;
	s0 =	sadd.s32 $0xFFFFFFFF, s31;
	s2 =	spop (v2sf)  }
0x279: {  	s3 =	simm.s32 $0xE538;
	p1 =	sne.s32 s0, $0x0;
	p2 =	sgt.u32 s2, $0x13FF70  }
.Ltmp34:
0x27a: {  	s4 =	simm.s32 $0xE638;
	s5 =	sand.u32 @!p2 $0x1FFFF8, s2;
	(pc) =	sbr.rel @!p1 .LBB2_43-.Ltmp34, $4  }
0x27b: {  	s7 =	sadd.s32 @!p2 $0x80, s2;
	s2 =	sand.u32 @!p2 $0x7, s2;
	s6 =	simm.s32 @!p2 $0x400  }
0x27c: {  	s5 =	sadd.s32 @!p2 s1, s5;
	s7 =	sand.u32 @!p2 $0x3FFFF8, s7;
	s6 =	sadd.s32 $0x0, s6  }
0x27d: {  	[hbm4b:s5+s2] =	stream.linear.scatter @!p2 [tilespmem:s3], [sflag:$0x5], $0x80, $0x38;
	[tilespmem:$0x1E678] =	vst v63  }
0x27e: {  	s5 =	simm.s32 $0xE41A;
	s3 =	simm.s32 @!p2 $0xE5B8;
	s7 =	sadd.s32 @!p2 s1, s7  }
.LBB2_42:
0x27f: {  	[hbm4b:s7+s2] =	stream.linear.scatter @!p2 [tilespmem:s3], [sflag:$0x5], $0x80, $0x38;
	[tilespmem:$0x1E678] =	vst v63  }
0x280: {  	s0 =	sadd.s32 $0xFFFFFFFF, s0;
	s3 =	smov.u32 s4;
	v0 =	vld.msk [tilespmem:s5+$0x0], $0x1  }
0x281: {  	p1 =	sne.s32 s0, $0x0;
	_ =	sdelay $0x3  }
0x282: {  	(v2sf) =	vpush v0, $0x0;
	_ =	sdelay $0xe  }
0x283: {  	s4 =	sadd.s32 $0x100, s4;
	s8 =	simm.s32 $0x0;
	s2 =	spop (v2sf)  }
.Ltmp35:
0x284: {  	s5 =	sadd.s32 $0x1, s5;
	p2 =	sgt.u32 s2, $0x13FF70;
	(pc) =	sbr.rel @p1 .LBB2_42-.Ltmp35, $4  }
0x285: {  	s8 =	simm.s32 @!p2 $0x400;
	s7 =	sand.u32 @!p2 $0x1FFFF8, s2;
	s9 =	sadd.s32 @!p2 $0x80, s2  }
0x286: {  	s2 =	sand.u32 @!p2 $0x7, s2;
	s7 =	sadd.s32 @!p2 s1, s7;
	s9 =	sand.u32 @!p2 $0x3FFFF8, s9  }
0x287: {  	[hbm4b:s7+s2] =	stream.linear.scatter @!p2 [tilespmem:s3], [sflag:$0x5], $0x80, $0x38;
	[tilespmem:$0x1E678] =	vst v63  }
0x288: {  	s6 =	sadd.s32 s6, s8;
	s3 =	sadd.s32 @!p2 $0x80, s3;
	s7 =	sadd.s32 @!p2 s1, s9  }
.LBB2_43:
0x289: {  	[hbm4b:s7+s2] =	stream.linear.scatter @!p2 [tilespmem:s3], [sflag:$0x5], $0x80, $0x38;
	[tilespmem:$0x1E678] =	vst v63  }
0x28a: {  	s0 =	sshrl.u32 s6, $0x2  }
.LBB2_44:
0x28b: {  	s2 =	simm.s32 $0x5  }
0x28c: {  	_ =	swait.ge [sflag:s2], s0  }
0x28d: {  	s31 =	ssub.s32 $0x0, s0;
	[sflag:s2] =	ssyncset.done $0x0  }
0x28e: {  	[sflag:s2] =	ssyncadd.s32 s31  }
0x28f: {  	[sflag:s2] =	ssyncpa.u1 $0x1  }
.LBB2_45:
0x290: {  	s0 =	sor.u32 s14, s15  }
0x291: {  	p1 =	sne.s32 s0, $0x0  }
.Ltmp36:
0x292: {  	_ = 	snop;
	(pc) =	sbr.rel @p1 .LBB2_60-.Ltmp36, $3  }
0x293: {  	_ =	sdelay $0x1  }
0x294: {  	[bflag:$0x0] =	sbarrier.arrive $0xFFFF  }
0x295: {  	_ =	sfence  }
0x296: {  	s0 =	simm.s32 $0x7  }
0x297: {  	s2 =	simm.s32 $0x2000;
	s3 =	simm.s32 $0xE418;
	[sflag:s0] =	ssyncpa.u1 $0x0  }
0x298: {  	[tilespmem:s3], [sflag:$0x7] =	stream.linear.gather [spmem:s2], $0x20, $0x38;
	[tilespmem:$0x1E678] =	vst v63  }
0x299: {  	s30 =	simm.s32 $0xE438;
	s2 =	simm.s32 $0x0  }
0x29a: {  	[tilespmem:s30], [sflag:$0x7] =	stream.linear.gather [spmem:s2], $0x2000, $0x38;
	[tilespmem:$0x1E678] =	vst v63  }
.Ltmp37:
0x29b: {  	_ = 	snop;
	(pc) =	sbr.rel .LBB2_47-.Ltmp37, $4  }
0x29c: {  	_ =	swait.ge [sflag:s0], $0x2020  }
0x29d: {  	[sflag:s0] =	ssyncset.done $0x0  }
0x29e: {  	s31 =	simm.s32 $0x8;
	[sflag:s0] =	ssyncadd.s32 $0xFFFFDFE0  }
0x29f: {  	s3 =	simm.s32 $0x0;
	[sflag:s31] =	ssyncpa.u1 $0x0  }
.LBB2_53:
0x2a0: {  	p1 =	slt.u32 s0, $0x13FF71  }
0x2a1: {  	s4 =	sand.u32 @p1 $0x1FFFF8, s0;
	s5 =	sand.u32 @p1 $0x7, s0;
	s0 =	sadd.s32 @p1 $0x80, s0  }
0x2a2: {  	s6 =	simm.s32 @p1 $0xE308;
	s4 =	sadd.s32 @p1 s1, s4;
	s0 =	sand.u32 @p1 $0x3FFFF8, s0  }
0x2a3: {  	[tilespmem:s6], [sflag:$0x8] =	stream.linear.gather @p1 [hbm4b:s4+s5], $0x80, $0x38;
	[tilespmem:$0x1E678] =	vst v63  }
0x2a4: {  	s0 =	sadd.s32 @p1 s1, s0;
	s4 =	simm.s32 @p1 $0xE388  }
0x2a5: {  	[tilespmem:s4], [sflag:$0x8] =	stream.linear.gather @p1 [hbm4b:s0+s5], $0x80, $0x38;
	[tilespmem:$0x1E678] =	vst v63  }
0x2a6: {  	s0 =	simm.s32 @p1 $0x8  }
0x2a7: {  	_ =	swait.ge @p1 [sflag:s0], $0x100  }
0x2a8: {  	[sflag:s0] =	ssyncset.done @p1 $0x0  }
0x2a9: {  	[sflag:s0] =	ssyncadd.s32 @p1 $0xFFFFFF00  }
0x2aa: {  	v1 =	vld @p1 [tilespmem:$0xE308];
	_ =	sdelay $0x2  }
0x2ab: {  	s0 =	sshll.u32 @p1 s3, $0xA  }
0x2ac: {  	s4 =	sshrl.u32 @p1 s0, $0x2  }
0x2ad: {  	[tilespmem:s4+$0xE438] =	vst.add.f32.msk @p1 $0xffff, v1  }
0x2ae: {  	v1 =	vld @p1 [tilespmem:$0xE318];
	_ =	sdelay $0x4  }
0x2af: {  	[tilespmem:s4+$0xE448] =	vst.add.f32.msk @p1 $0xffff, v1  }
0x2b0: {  	v1 =	vld @p1 [tilespmem:$0xE328];
	_ =	sdelay $0x4  }
0x2b1: {  	[tilespmem:s4+$0xE458] =	vst.add.f32.msk @p1 $0xffff, v1  }
0x2b2: {  	v1 =	vld @p1 [tilespmem:$0xE338];
	_ =	sdelay $0x4  }
0x2b3: {  	[tilespmem:s4+$0xE468] =	vst.add.f32.msk @p1 $0xffff, v1  }
0x2b4: {  	v1 =	vld @p1 [tilespmem:$0xE348];
	_ =	sdelay $0x4  }
0x2b5: {  	[tilespmem:s4+$0xE478] =	vst.add.f32.msk @p1 $0xffff, v1  }
0x2b6: {  	v1 =	vld @p1 [tilespmem:$0xE358];
	_ =	sdelay $0x4  }
0x2b7: {  	[tilespmem:s4+$0xE488] =	vst.add.f32.msk @p1 $0xffff, v1  }
0x2b8: {  	v1 =	vld @p1 [tilespmem:$0xE368];
	_ =	sdelay $0x4  }
0x2b9: {  	[tilespmem:s4+$0xE498] =	vst.add.f32.msk @p1 $0xffff, v1  }
0x2ba: {  	v1 =	vld @p1 [tilespmem:$0xE378];
	_ =	sdelay $0x4  }
0x2bb: {  	[tilespmem:s4+$0xE4A8] =	vst.add.f32.msk @p1 $0xffff, v1  }
0x2bc: {  	v1 =	vld @p1 [tilespmem:$0xE388];
	_ =	sdelay $0x4  }
0x2bd: {  	[tilespmem:s4+$0xE4B8] =	vst.add.f32.msk @p1 $0xffff, v1  }
0x2be: {  	v1 =	vld @p1 [tilespmem:$0xE398];
	_ =	sdelay $0x4  }
0x2bf: {  	[tilespmem:s4+$0xE4C8] =	vst.add.f32.msk @p1 $0xffff, v1  }
0x2c0: {  	v1 =	vld @p1 [tilespmem:$0xE3A8];
	_ =	sdelay $0x4  }
0x2c1: {  	[tilespmem:s4+$0xE4D8] =	vst.add.f32.msk @p1 $0xffff, v1  }
0x2c2: {  	v1 =	vld @p1 [tilespmem:$0xE3B8];
	_ =	sdelay $0x4  }
0x2c3: {  	[tilespmem:s4+$0xE4E8] =	vst.add.f32.msk @p1 $0xffff, v1  }
0x2c4: {  	v1 =	vld @p1 [tilespmem:$0xE3C8];
	_ =	sdelay $0x4  }
0x2c5: {  	[tilespmem:s4+$0xE4F8] =	vst.add.f32.msk @p1 $0xffff, v1  }
0x2c6: {  	v1 =	vld @p1 [tilespmem:$0xE3D8];
	_ =	sdelay $0x4  }
0x2c7: {  	[tilespmem:s4+$0xE508] =	vst.add.f32.msk @p1 $0xffff, v1  }
0x2c8: {  	v1 =	vld @p1 [tilespmem:$0xE3E8];
	_ =	sdelay $0x4  }
0x2c9: {  	[tilespmem:s4+$0xE518] =	vst.add.f32.msk @p1 $0xffff, v1  }
0x2ca: {  	v1 =	vld @p1 [tilespmem:$0xE3F8];
	_ =	sdelay $0x3  }
0x2cb: {  	s5 =	sshll.u32 @!p1 s3, $0xA  }
0x2cc: {  	s5 =	smov.u32 @p1 s0;
	[tilespmem:s4+$0xE528] =	vst.add.f32.msk @p1 $0xffff, v1  }
0x2cd: {  	s0 =	sshrl.u32 s5, $0x2;
	[tilespmem:s2+$0xE418] =	vst.msk $0x1, v0  }
0x2ce: {  	v0 =	vld [tilespmem:s0+$0xE438];
	_ =	sdelay $0x2  }
0x2cf: {  	s31 =	sshll.u32 s2, $0xA  }
0x2d0: {  	s4 =	sshra.s32 s31, $0x2  }
0x2d1: {  	[tilespmem:s4+$0xE438] =	vst v0  }
0x2d2: {  	v0 =	vld [tilespmem:s0+$0xE448];
	_ =	sdelay $0x4  }
0x2d3: {  	[tilespmem:s4+$0xE448] =	vst v0  }
0x2d4: {  	v0 =	vld [tilespmem:s0+$0xE458];
	_ =	sdelay $0x4  }
0x2d5: {  	[tilespmem:s4+$0xE458] =	vst v0  }
0x2d6: {  	v0 =	vld [tilespmem:s0+$0xE468];
	_ =	sdelay $0x4  }
0x2d7: {  	[tilespmem:s4+$0xE468] =	vst v0  }
0x2d8: {  	v0 =	vld [tilespmem:s0+$0xE478];
	_ =	sdelay $0x4  }
0x2d9: {  	[tilespmem:s4+$0xE478] =	vst v0  }
0x2da: {  	v0 =	vld [tilespmem:s0+$0xE488];
	_ =	sdelay $0x4  }
0x2db: {  	[tilespmem:s4+$0xE488] =	vst v0  }
0x2dc: {  	v0 =	vld [tilespmem:s0+$0xE498];
	_ =	sdelay $0x4  }
0x2dd: {  	[tilespmem:s4+$0xE498] =	vst v0  }
0x2de: {  	v0 =	vld [tilespmem:s0+$0xE4A8];
	_ =	sdelay $0x4  }
0x2df: {  	[tilespmem:s4+$0xE4A8] =	vst v0  }
0x2e0: {  	v0 =	vld [tilespmem:s0+$0xE4B8];
	_ =	sdelay $0x4  }
0x2e1: {  	[tilespmem:s4+$0xE4B8] =	vst v0  }
0x2e2: {  	v0 =	vld [tilespmem:s0+$0xE4C8];
	_ =	sdelay $0x4  }
0x2e3: {  	[tilespmem:s4+$0xE4C8] =	vst v0  }
0x2e4: {  	v0 =	vld [tilespmem:s0+$0xE4D8];
	_ =	sdelay $0x4  }
0x2e5: {  	[tilespmem:s4+$0xE4D8] =	vst v0  }
0x2e6: {  	v0 =	vld [tilespmem:s0+$0xE4E8];
	_ =	sdelay $0x4  }
0x2e7: {  	[tilespmem:s4+$0xE4E8] =	vst v0  }
0x2e8: {  	v0 =	vld [tilespmem:s0+$0xE4F8];
	_ =	sdelay $0x4  }
0x2e9: {  	[tilespmem:s4+$0xE4F8] =	vst v0  }
0x2ea: {  	v0 =	vld [tilespmem:s0+$0xE508];
	_ =	sdelay $0x4  }
0x2eb: {  	[tilespmem:s4+$0xE508] =	vst v0  }
0x2ec: {  	v0 =	vld [tilespmem:s0+$0xE518];
	_ =	sdelay $0x4  }
0x2ed: {  	[tilespmem:s4+$0xE518] =	vst v0  }
0x2ee: {  	v0 =	vld [tilespmem:s0+$0xE528];
	_ =	sdelay $0x4  }
0x2ef: {  	s2 =	sadd.s32 $0x1, s2;
	[tilespmem:s4+$0xE528] =	vst v0  }
.LBB2_54:
0x2f0: {  	s3 =	sadd.s32 $0x1, s3  }
0x2f1: {  	p1 =	sne.s32 s3, $0x20  }
.Ltmp38:
0x2f2: {  	_ = 	snop;
	(pc) =	sbr.rel @!p1 .LBB2_55-.Ltmp38, $1  }
0x2f3: {  	_ =	sdelay $0x3  }
.LBB2_47:
0x2f4: {  	v0 =	vld.msk [tilespmem:s3+$0xE418], $0x1;
	_ =	sdelay $0x4  }
0x2f5: {  	(v2sf) =	vpush v0, $0x0;
	_ =	sdelay $0xe  }
0x2f6: {  	s0 =	spop (v2sf)  }
0x2f7: {  	p1 =	seq.s32 s0, $0xFFFFFFFF  }
.Ltmp39:
0x2f8: {  	_ = 	snop;
	(pc) =	sbr.rel @p1 .LBB2_54-.Ltmp39, $1  }
0x2f9: {  	_ =	sdelay $0x3  }
0x2fa: {  	p1 =	slt.s32 s2, $0x1  }
.Ltmp40:
0x2fb: {  	_ = 	snop;
	(pc) =	sbr.rel @p1 .LBB2_53-.Ltmp40, $1  }
0x2fc: {  	_ =	sdelay $0x3  }
0x2fd: {  	s4 =	simm.s32 $0xE418;
	p1 =	por $0x0, $0x0  }
0x2fe: {  	v1 =	vld.msk @!p1 [tilespmem:s4+$0x0], $0x1;
	_ =	sdelay $0x4  }
0x2ff: {  	(v2sf) =	vpush @!p1 v1, $0x0;
	_ =	sdelay $0xd  }
0x300: {  	p3 =	sne.s32 s2, $0x1  }
.Ltmp41:
0x301: {  	s5 =	spop @!p1 (v2sf);
	(pc) =	sbr.rel @!p3 .LBB2_51-.Ltmp41, $4  }
0x302: {  	p2 =	seq.s32 @!p1 s0, s5  }
0x303: {  	s5 =	simm.s32 $0x0;
	p2 =	por !p2, p1  }
0x304: {  	s7 =	simm.s32 $0xFFFFFFFF;
	s5 =	simm.s32 @p2 $0xFFFFFFFF  }
0x305: {  	s6 =	simm.s32 $0x1;
	s5 =	smov.u32 @p1 s7  }
.LBB2_50:
0x306: {  	s7 =	smov.u32 s5;
	p1 =	sne.s32 s5, $0xFFFFFFFF  }
0x307: {  	s4 =	sadd.s32 $0x1, s4;
	s5 =	smov.u32 s6;
	s6 =	sadd.s32 $0x1, s6  }
0x308: {  	p2 =	sne.s32 s2, s6;
	v1 =	vld.msk @!p1 [tilespmem:s4+$0x0], $0x1;
	_ =	sdelay $0x4  }
0x309: {  	(v2sf) =	vpush @!p1 v1, $0x0;
	_ =	sdelay $0xe  }
.Ltmp42:
0x30a: {  	s8 =	spop @!p1 (v2sf);
	(pc) =	sbr.rel @p2 .LBB2_50-.Ltmp42, $4  }
0x30b: {  	p3 =	seq.s32 @!p1 s0, s8  }
0x30c: {  	p3 =	por !p3, p1  }
0x30d: {  	s5 =	simm.s32 @p3 $0xFFFFFFFF  }
0x30e: {  	s5 =	smov.u32 @p1 s7  }
.LBB2_51:
0x30f: {  	p1 =	seq.s32 s5, $0xFFFFFFFF  }
.Ltmp43:
0x310: {  	_ = 	snop;
	(pc) =	sbr.rel @p1 .LBB2_53-.Ltmp43, $1  }
0x311: {  	_ =	sdelay $0x3  }
0x312: {  	s0 =	sshll.u32 s3, $0x8  }
0x313: {  	s0 =	sand.u32 $0x3FFFFF00, s0  }
0x314: {  	v0 =	vld [tilespmem:s0+$0xE438];
	_ =	sdelay $0x2  }
0x315: {  	s4 =	sshll.u32 s5, $0xA  }
0x316: {  	s4 =	sshra.s32 s4, $0x2  }
0x317: {  	[tilespmem:s4+$0xE438] =	vst.add.f32.msk $0xffff, v0  }
0x318: {  	v0 =	vld [tilespmem:s0+$0xE448];
	_ =	sdelay $0x4  }
0x319: {  	[tilespmem:s4+$0xE448] =	vst.add.f32.msk $0xffff, v0  }
0x31a: {  	v0 =	vld [tilespmem:s0+$0xE458];
	_ =	sdelay $0x4  }
0x31b: {  	[tilespmem:s4+$0xE458] =	vst.add.f32.msk $0xffff, v0  }
0x31c: {  	v0 =	vld [tilespmem:s0+$0xE468];
	_ =	sdelay $0x4  }
0x31d: {  	[tilespmem:s4+$0xE468] =	vst.add.f32.msk $0xffff, v0  }
0x31e: {  	v0 =	vld [tilespmem:s0+$0xE478];
	_ =	sdelay $0x4  }
0x31f: {  	[tilespmem:s4+$0xE478] =	vst.add.f32.msk $0xffff, v0  }
0x320: {  	v0 =	vld [tilespmem:s0+$0xE488];
	_ =	sdelay $0x4  }
0x321: {  	[tilespmem:s4+$0xE488] =	vst.add.f32.msk $0xffff, v0  }
0x322: {  	v0 =	vld [tilespmem:s0+$0xE498];
	_ =	sdelay $0x4  }
0x323: {  	[tilespmem:s4+$0xE498] =	vst.add.f32.msk $0xffff, v0  }
0x324: {  	v0 =	vld [tilespmem:s0+$0xE4A8];
	_ =	sdelay $0x4  }
0x325: {  	[tilespmem:s4+$0xE4A8] =	vst.add.f32.msk $0xffff, v0  }
0x326: {  	v0 =	vld [tilespmem:s0+$0xE4B8];
	_ =	sdelay $0x4  }
0x327: {  	[tilespmem:s4+$0xE4B8] =	vst.add.f32.msk $0xffff, v0  }
0x328: {  	v0 =	vld [tilespmem:s0+$0xE4C8];
	_ =	sdelay $0x4  }
0x329: {  	[tilespmem:s4+$0xE4C8] =	vst.add.f32.msk $0xffff, v0  }
0x32a: {  	v0 =	vld [tilespmem:s0+$0xE4D8];
	_ =	sdelay $0x4  }
0x32b: {  	[tilespmem:s4+$0xE4D8] =	vst.add.f32.msk $0xffff, v0  }
0x32c: {  	v0 =	vld [tilespmem:s0+$0xE4E8];
	_ =	sdelay $0x4  }
0x32d: {  	[tilespmem:s4+$0xE4E8] =	vst.add.f32.msk $0xffff, v0  }
0x32e: {  	v0 =	vld [tilespmem:s0+$0xE4F8];
	_ =	sdelay $0x4  }
0x32f: {  	[tilespmem:s4+$0xE4F8] =	vst.add.f32.msk $0xffff, v0  }
0x330: {  	v0 =	vld [tilespmem:s0+$0xE508];
	_ =	sdelay $0x4  }
0x331: {  	[tilespmem:s4+$0xE508] =	vst.add.f32.msk $0xffff, v0  }
0x332: {  	v0 =	vld [tilespmem:s0+$0xE518];
	_ =	sdelay $0x4  }
0x333: {  	[tilespmem:s4+$0xE518] =	vst.add.f32.msk $0xffff, v0  }
0x334: {  	v0 =	vld [tilespmem:s0+$0xE528]  }
.Ltmp44:
0x335: {  	_ = 	snop;
	(pc) =	sbr.rel .LBB2_54-.Ltmp44, $2  }
0x336: {  	_ =	sdelay $0x2  }
0x337: {  	[tilespmem:s4+$0xE528] =	vst.add.f32.msk $0xffff, v0  }
.LBB2_55:
0x338: {  	p1 =	slt.s32 s2, $0x1  }
.Ltmp45:
0x339: {  	_ = 	snop;
	(pc) =	sbr.rel @p1 .LBB2_59-.Ltmp45, $3  }
0x33a: {  	_ =	sdelay $0x1  }
0x33b: {  	s0 =	simm.s32 $0x8  }
0x33c: {  	s4 =	simm.s32 $0x0;
	[sflag:s0] =	ssyncpa.u1 $0x1  }
0x33d: {  	s0 =	simm.s32 $0xE418  }
0x33e: {  	v0 =	vld.msk [tilespmem:s0+$0x0], $0x1;
	_ =	sdelay $0x4  }
0x33f: {  	(v2sf) =	vpush v0, $0x0;
	_ =	sdelay $0xe  }
0x340: {  	s0 =	sadd.s32 $0xFFFFFFFF, s2;
	s3 =	spop (v2sf)  }
0x341: {  	s6 =	simm.s32 $0xE438;
	p1 =	sne.s32 s0, $0x0;
	p2 =	sgt.u32 s3, $0x13FF70  }
.Ltmp46:
0x342: {  	s2 =	simm.s32 $0xE538;
	s5 =	sand.u32 @!p2 $0x1FFFF8, s3;
	(pc) =	sbr.rel @!p1 .LBB2_58-.Ltmp46, $4  }
0x343: {  	s7 =	sadd.s32 @!p2 $0x80, s3;
	s4 =	simm.s32 @!p2 $0x400;
	s8 =	sadd.s32 @!p2 s1, s5  }
0x344: {  	s5 =	sand.u32 @!p2 $0x7, s3;
	s3 =	simm.s32 $0xE419;
	s7 =	sand.u32 @!p2 $0x3FFFF8, s7  }
0x345: {  	[hbm4b:s8+s5] =	stream.linear.scatter @!p2 [tilespmem:s6], [sflag:$0x7], $0x80, $0x38;
	[tilespmem:$0x1E678] =	vst v63  }
0x346: {  	s4 =	sadd.s32 $0x0, s4;
	s6 =	simm.s32 @!p2 $0xE4B8;
	s7 =	sadd.s32 @!p2 s1, s7  }
.LBB2_57:
0x347: {  	[hbm4b:s7+s5] =	stream.linear.scatter @!p2 [tilespmem:s6], [sflag:$0x7], $0x80, $0x38;
	[tilespmem:$0x1E678] =	vst v63  }
0x348: {  	s0 =	sadd.s32 $0xFFFFFFFF, s0;
	s6 =	smov.u32 s2;
	v0 =	vld.msk [tilespmem:s3+$0x0], $0x1  }
0x349: {  	p1 =	sne.s32 s0, $0x0;
	_ =	sdelay $0x3  }
0x34a: {  	(v2sf) =	vpush v0, $0x0;
	_ =	sdelay $0xe  }
0x34b: {  	s2 =	sadd.s32 $0x100, s2;
	s8 =	simm.s32 $0x0;
	s5 =	spop (v2sf)  }
.Ltmp47:
0x34c: {  	s3 =	sadd.s32 $0x1, s3;
	p2 =	sgt.u32 s5, $0x13FF70;
	(pc) =	sbr.rel @p1 .LBB2_57-.Ltmp47, $4  }
0x34d: {  	s8 =	simm.s32 @!p2 $0x400;
	s7 =	sand.u32 @!p2 $0x1FFFF8, s5;
	s9 =	sadd.s32 @!p2 $0x80, s5  }
0x34e: {  	s5 =	sand.u32 @!p2 $0x7, s5;
	s7 =	sadd.s32 @!p2 s1, s7;
	s9 =	sand.u32 @!p2 $0x3FFFF8, s9  }
0x34f: {  	[hbm4b:s7+s5] =	stream.linear.scatter @!p2 [tilespmem:s6], [sflag:$0x7], $0x80, $0x38;
	[tilespmem:$0x1E678] =	vst v63  }
0x350: {  	s4 =	sadd.s32 s4, s8;
	s6 =	sadd.s32 @!p2 $0x80, s6;
	s7 =	sadd.s32 @!p2 s1, s9  }
.LBB2_58:
0x351: {  	[hbm4b:s7+s5] =	stream.linear.scatter @!p2 [tilespmem:s6], [sflag:$0x7], $0x80, $0x38;
	[tilespmem:$0x1E678] =	vst v63  }
0x352: {  	s4 =	sshrl.u32 s4, $0x2  }
.LBB2_59:
0x353: {  	s0 =	simm.s32 $0x7  }
0x354: {  	_ =	swait.ge [sflag:s0], s4  }
0x355: {  	s1 =	ssub.s32 $0x0, s4;
	[sflag:s0] =	ssyncset.done $0x0  }
0x356: {  	[sflag:s0] =	ssyncadd.s32 s1  }
0x357: {  	[sflag:s0] =	ssyncpa.u1 $0x1  }
.LBB2_60:
0x358: {  	_ =	sfence;
	s0 =	simm.s32 $0x1  }
0x359: {  	[sflag:s0] =	ssyncpa.u1 $0x1  }
0x35a: {  	_ =	strace $0x90000050  }
0x35b: {  	[bflag:$0x2] =	sbarrier.arrive $0xFFFF  }
0x35c: {  	s0 =	rddreg [dreg:$0x4]  }
0x35d: {  	s0 =	sadd.s32 @!p0 $0x100000, s0  }
0x35e: {  	[sflag:s0] =	ssyncadd.tile.s32 @!p0 $0x1;
	_ =	shalt  }
.Lfunc_end2:
_tile_overlayer_lowered:
.L_overlay_start_2:
0x35f: {  	(tag) =	ssettag $0x2  }
0x360: {  	s0 =	rddreg [dreg:$0x0];
	s2 =	stileid.u32  }
0x361: {  	s1 =	rddreg [dreg:$0x1];
	p0 =	sne.s32 s2, $0x0  }
0x362: {  	s3 =	rddreg [dreg:$0x2];
	[bflag:$0x3] =	sbarrier.arrive $0xFFFF;
	s2 =	simm.s32 @!p0 $0x1C01  }
0x363: {  	[timem:s3], [sflag:s2] =	dma.local @!p0 [hbm:s0], s1  }
0x364: {  	s0 =	simm.s32 @!p0 $0x1  }
0x365: {  	_ =	swait.ge @!p0 [sflag:s0], s1  }
0x366: {  	s1 =	ssub.s32 @!p0 $0x0, s1;
	[sflag:s0] =	ssyncset.done @!p0 $0x0  }
0x367: {  	[sflag:s0] =	ssyncadd.s32 @!p0 s1  }
0x368: {  	[bflag:$0x3] =	sbarrier.arrive $0xFFFF  }
0x369: {  	_ =	shalt  }

// kernel: scatter_offload_async_start.2
scs
__scs_entry_jumppad:
0x0: {  	(pc) =	sbr.rel $0x88, $3  }
0x1: {  	(tag) =	ssettag $0x0;
	lr =	simm.s32 $0x1  }
0x2: {  	[smem:$0x3F8E] =	sst lr;
	_ =	strace $0xD0000000  }
0x3: {  	_ = 	snop  }
0x4: {  	_ = 	snop  }
0x5: {  	_ = 	snop  }
0x6: {  	_ = 	snop  }
0x7: {  	_ = 	snop  }
__scs_overlays_trampoline_lowered:
0x8: {  	[smem:$0x3F9D] =	sst s0  }
0x9: {  	[smem:$0x3F9E] =	sst s1  }
0xa: {  	[smem:$0x3F9F] =	sst s2  }
0xb: {  	[smem:$0x3FA0] =	sst s3  }
0xc: {  	[smem:$0x3FA1] =	sst s4  }
0xd: {  	[smem:$0x3FA2] =	sst s5  }
0xe: {  	[smem:$0x3FA3] =	sst s6  }
0xf: {  	[smem:$0x3FA4] =	sst s7  }
0x10: {  	[smem:$0x3FA5] =	sst s8  }
0x11: {  	[smem:$0x3FA6] =	sst s9;
	s0 =	simm.s32 @!p0 $0x0  }
0x12: {  	s1 =	sld [smem:$0x3F8C];
	s0 =	simm.s32 @p0 $0x1  }
0x13: {  	[smem:$0x3FA7] =	sst s0;
	s0 =	simm.s32 @!p1 $0x0  }
0x14: {  	s2 =	sld [smem:$0x3F8B];
	s0 =	simm.s32 @p1 $0x1  }
0x15: {  	[smem:$0x3FA8] =	sst s0;
	s0 =	simm.s32 @!p2 $0x0  }
0x16: {  	s3 =	sld [smem:$0x3FDB];
	s0 =	simm.s32 @p2 $0x1  }
0x17: {  	s4 =	simm.s32 $0x1BF5;
	[smem:$0x3FAA] =	sst s0  }
0x18: {  	s0 =	sld [smem:$0x3F8D];
	_ =	swait.ge [sflag:s4], $0x0  }
0x19: {  	s7 =	sld [smem:$0x3F8E]  }
0x1a: {  	s8 =	sadd.s32 $0xFFFFE003, lr  }
0x1b: {  	s9 =	sadd.s32 $0xFFFFFEF7, lr;
	s5 =	simm.s32 $0xFFFFFFFF;
	p2 =	slt.u32 s8, $0xFFFFF086  }
0x1c: {  	p1 =	slt.u32 s9, $0xF7A;
	s5 =	simm.s32 @!p2 $0x0  }
0x1d: {  	s5 =	simm.s32 @p1 $0x1;
	p0 =	seq.s32 s7, s2  }
0x1e: {  	s7 =	smul.u32 @!p0 $0xF7A, s2;
	p2 =	seq.s32 @!p0 s5, $0x0  }
0x1f: {  	s9 =	smul.u32 $0xF7A, s1;
	s8 =	simm.s32 @!p0 $0x1BF5;
	p2 =	por !p2, p0  }
0x20: {  	[sflag:s8] =	ssyncset.s32 @!p0 $0xFFFFF086;
	s6 =	sadd.s32 @!p0 s3, s7;
	s7 =	simm.s32 @!p0 $0x108  }
0x21: {  	s3 =	sadd.s32 s3, s9;
	s6 =	sadd.s32 @!p0 $0x88, s6;
	s7 =	simm.s32 @p2 $0x1082  }
0x22: {  	[simem:s7], [sflag:s8] =	dma.local @!p0 [hbm:s6], $0xF7A  }
0x23: {  	s9 =	sor.u32 $0xD0000000, s2;
	s6 =	simm.s32 $0x108;
	_ =	swait.ge @!p0 [sflag:s8], $0x0  }
0x24: {  	s3 =	sadd.s32 $0x88, s3;
	s6 =	simm.s32 @!p1 $0x1082;
	[sflag:s4] =	ssyncset.s32 $0xFFFFF086  }
0x25: {  	[simem:s6], [sflag:s4] =	dma.local [hbm:s3], $0xF7A  }
0x26: {  	[smem:$0x3F8E] =	sst s1;
	(tag) =	ssettag s2;
	_ =	strace s9  }
0x27: {  	s1 =	sld [smem:$0x3F9E]  }
0x28: {  	s2 =	sld [smem:$0x3F9F]  }
0x29: {  	s4 =	sld [smem:$0x3FA1]  }
0x2a: {  	p0 =	seq.s32 s5, $0x0;
	s5 =	sld [smem:$0x3FA2]  }
0x2b: {  	s6 =	sld [smem:$0x3FA3]  }
0x2c: {  	s7 =	sld [smem:$0x3FA4]  }
0x2d: {  	s3 =	simm.s32 $0x108;
	s8 =	sld [smem:$0x3FA5]  }
0x2e: {  	s3 =	simm.s32 @!p0 $0x1082;
	s9 =	sld [smem:$0x3FA6]  }
0x2f: {  	lr =	sadd.s32 s0, s3;
	s0 =	sld [smem:$0x3F9D]  }
0x30: {  	s3 =	sld [smem:$0x3FA0]  }
0x31: {  	[smem:$0x3FA9] =	sst s10  }
0x32: {  	s10 =	sld [smem:$0x3FA7];
	_ =	sdelay $0x3  }
0x33: {  	p0 =	seq.s32 s10, $0x1;
	s10 =	sld [smem:$0x3FA9];
	_ =	sdelay $0x3  }
0x34: {  	[smem:$0x3FA9] =	sst s10  }
0x35: {  	s10 =	sld [smem:$0x3FA8];
	_ =	sdelay $0x3  }
0x36: {  	p1 =	seq.s32 s10, $0x1;
	s10 =	sld [smem:$0x3FA9];
	_ =	sdelay $0x3  }
0x37: {  	[smem:$0x3FA9] =	sst s10  }
0x38: {  	s10 =	sld [smem:$0x3FAA]  }
0x39: {  	_ = 	snop;
	(pc) =	sbr.ind lr, $3  }
0x3a: {  	_ = 	snop  }
0x3b: {  	_ = 	snop  }
0x3c: {  	p2 =	seq.s32 s10, $0x1;
	s10 =	sld [smem:$0x3FA9]  }
0x3d: {  	_ =	shalt  }
0x3e: {  	_ =	shalt  }
0x3f: {  	_ =	shalt  }
0x40: {  	_ =	shalt  }
0x41: {  	_ =	shalt  }
0x42: {  	_ =	shalt  }
0x43: {  	_ =	shalt  }
0x44: {  	_ =	shalt  }
0x45: {  	_ =	shalt  }
0x46: {  	_ =	shalt  }
0x47: {  	_ =	shalt  }
0x48: {  	_ =	shalt  }
0x49: {  	_ =	shalt  }
0x4a: {  	_ =	shalt  }
0x4b: {  	_ =	shalt  }
0x4c: {  	_ =	shalt  }
0x4d: {  	_ =	shalt  }
0x4e: {  	_ =	shalt  }
0x4f: {  	_ =	shalt  }
0x50: {  	_ =	shalt  }
0x51: {  	_ =	shalt  }
0x52: {  	_ =	shalt  }
0x53: {  	_ =	shalt  }
0x54: {  	_ =	shalt  }
0x55: {  	_ =	shalt  }
0x56: {  	_ =	shalt  }
0x57: {  	_ =	shalt  }
0x58: {  	_ =	shalt  }
0x59: {  	_ =	shalt  }
0x5a: {  	_ =	shalt  }
0x5b: {  	_ =	shalt  }
0x5c: {  	_ =	shalt  }
0x5d: {  	_ =	shalt  }
0x5e: {  	_ =	shalt  }
0x5f: {  	_ =	shalt  }
0x60: {  	_ =	shalt  }
0x61: {  	_ =	shalt  }
0x62: {  	_ =	shalt  }
0x63: {  	_ =	shalt  }
0x64: {  	_ =	shalt  }
0x65: {  	_ =	shalt  }
0x66: {  	_ =	shalt  }
0x67: {  	_ =	shalt  }
0x68: {  	_ =	shalt  }
0x69: {  	_ =	shalt  }
0x6a: {  	_ =	shalt  }
0x6b: {  	_ =	shalt  }
0x6c: {  	_ =	shalt  }
0x6d: {  	_ =	shalt  }
0x6e: {  	_ =	shalt  }
0x6f: {  	_ =	shalt  }
0x70: {  	_ =	shalt  }
0x71: {  	_ =	shalt  }
0x72: {  	_ =	shalt  }
0x73: {  	_ =	shalt  }
0x74: {  	_ =	shalt  }
0x75: {  	_ =	shalt  }
0x76: {  	_ =	shalt  }
0x77: {  	_ =	shalt  }
0x78: {  	_ =	shalt  }
0x79: {  	_ =	shalt  }
0x7a: {  	_ =	shalt  }
0x7b: {  	_ =	shalt  }
0x7c: {  	_ =	shalt  }
0x7d: {  	_ =	shalt  }
0x7e: {  	_ =	shalt  }
0x7f: {  	_ =	shalt  }
0x80: {  	_ =	shalt  }
0x81: {  	_ =	shalt  }
0x82: {  	_ =	shalt  }
0x83: {  	_ =	shalt  }
0x84: {  	_ =	shalt  }
0x85: {  	_ =	shalt  }
0x86: {  	_ =	shalt  }
0x87: {  	_ =	shalt  }
.Lfunc_end0:
.L_simem_size_0:
called_computation.2_lowered:
.L_overlay_start_0:
0x88: {  	s2 =	sld [smem:$0x3FD9]  }
0x89: {  	s3 =	sld [smem:$0x3FFE];
	_ =	sdelay $0x1  }
0x8a: {  	s1 =	srdreg.scid  }
0x8b: {  	s0 =	sand.u32 $0x1, s1  }
0x8c: {  	s15 =	sshll.u32 s0, $0xA;
	s2 =	sadd.s32 s3, s2  }
0x8d: {  	s2 =	sadd.s32 s2, s15  }
0x8e: {  	[smem:$0x3FB5] =	sst s2  }
0x8f: {  	_ = 	snop  }
0x90: {  	(tm) =	ssettm $0x1  }
0x91: {  	s16 =	sld [smem:$0x3FFB];
	_ =	sdelay $0x3  }
0x92: {  	_ =	strace s16  }
0x93: {  	s2 =	sld [smem:$0x3FFC];
	_ =	sdelay $0x3  }
0x94: {  	_ =	strace s2  }
0x95: {  	s2 =	sld [smem:$0x3FFD];
	_ =	sdelay $0x3  }
0x96: {  	_ =	strace s2  }
0x97: {  	_ =	strace $0x8FFFFFFF  }
0x98: {  	s17 =	sld [smem:$0x3FDB];
	_ =	sdelay $0x1  }
0x99: {  	s18 =	simm.s32 $_scs_section_size  }
0x9a: {  	s4 =	simm.s32 $_size__tile_overlayer_lowered;
	s5 =	simm.s32 $_tile_overlayer_lowered  }
0x9b: {  	s21 =	simm.s32 $0x1BFF;
	s20 =	sshll.u32 s5, $0x1;
	s2 =	sadd.s32 s18, s17  }
0x9c: {  	s6 =	simm.s32 $0x0;
	s19 =	sshll.u32 s4, $0x1;
	s4 =	sadd.s32 s20, s2  }
0x9d: {  	[timem:s6], [sflag:s21] =	dma.local [hbm:s4], s19  }
0x9e: {  	_ =	swait.ge [sflag:s21], s19  }
0x9f: {  	s3 =	ssub.s32 $0x0, s19;
	[sflag:s21] =	ssyncset.done $0x0  }
0xa0: {  	[sflag:s21] =	ssyncadd.s32 s3;
	_ =	sdelay $0x1  }
0xa1: {  	s22 =	simm.s32 $0x1B8B  }
0xa2: {  	_ =	swait.ge [sflag:s22], $0x1  }
0xa3: {  	[sflag:s22] =	ssyncset.done $0x0  }
0xa4: {  	s23 =	sld [smem:$0x3FFE];
	[sflag:s22] =	ssyncadd.s32 $0xFFFFFFFF  }
0xa5: {  	s25 =	simm.s32 $0x1B8E;
	s24 =	sld [smem:$0x0]  }
0xa6: {  	s26 =	simm.s32 $execute0_lowered;
	[smem:$0x3FD2] =	sst s25  }
0xa7: {  	s5 =	sshll.u32 s26, $0x1;
	_ =	strace $0x80000052;
	[dreg:$0x1] =	wrdreg $0xFFFFFFFF  }
0xa8: {  	s28 =	simm.s32 $_size_execute0_lowered;
	s2 =	sadd.s32 s2, s5;
	[dreg:$0x0] =	wrdreg $0x0  }
0xa9: {  	s5 =	sshll.u32 s28, $0x1;
	[dreg:$0x2] =	wrdreg s2  }
0xaa: {  	[dreg:$0x3] =	wrdreg s5  }
0xab: {  	[dreg:$0x4] =	wrdreg $0xC0  }
0xac: {  	_ =	task [dreg:s6], $0x5FFFF  }
0xad: {  	[dreg:$0x1] =	wrdreg $0xFFFFFFFF  }
0xae: {  	[dreg:$0x0] =	wrdreg $0x60  }
0xaf: {  	[dreg:$0x2] =	wrdreg s23  }
0xb0: {  	[dreg:$0x3] =	wrdreg s1  }
0xb1: {  	[dreg:$0x4] =	wrdreg s24  }
0xb2: {  	[dreg:$0x5] =	wrdreg $0x9  }
0xb3: {  	_ =	task.clear_ibuf [dreg:s6], $0x6FFFF;
	_ =	strace $0x90000052  }
0xb4: {  	s29 =	simm.s32 $0x9;
	_ =	strace $0x80000054  }
0xb5: {  	_ =	swait.ge [sflag:s29], $0x1  }
0xb6: {  	[sflag:s29] =	ssyncadd.s32 $0xFFFFFFFF  }
0xb7: {  	_ =	strace $0x90000054  }
0xb8: {  	_ =	sfence  }
0xb9: {  	s30 =	sld [smem:$0x0];
	_ =	sdelay $0x2  }
0xba: {  	s31 =	sshll.u32 s1, $0xD;
	s1 =	sshrl.u32 s1, $0x2  }
0xbb: {  	s3 =	sand.u32 $0x4000, s31;
	s1 =	sadd.s32 s1, s30  }
0xbc: {  	s0 =	sor.u32 s3, s0;
	s1 =	sshll.u32 s1, $0x11  }
0xbd: {  	s0 =	sor.u32 s1, s0  }
0xbe: {  	s0 =	sadd.s32 $0x8F2B, s0  }
0xbf: {  	[sflag:s0] =	ssyncadd.remote.s32 $0x1  }
0xc0: {  	_ =	sfence.sel $0xFFFF  }
0xc1: {  	[dreg:$0x0] =	wrdreg $0xFFFFFFFF;
	(pc) =	sbr.abs _section_cstart, $3  }
0xc2: {  	[dreg:$0x1] =	wrdreg $0xFFFFFFFF  }
0xc3: {  	_ =	task.clear_ibuf [dreg:s6], $0x2FFFF;
	_ =	strace $0x9FFFFFFF  }
0xc4: {  	(tm) =	ssettm $0x7FFFFFFF  }
0xc5: {  	_ =	shalt  }
tec
execute0_lowered:
.L_overlay_start_1:
0x0: {  	(tag) =	ssettag $0x1  }
0x1: {  	s2 =	rddreg [dreg:$0x0]  }
0x2: {  	s3 =	rddreg [dreg:$0x1];
	_ =	strace $0x80000053;
	s0 =	simm.s32 $0x1  }
0x3: {  	v0 =	vimm.s32 $0x0;
	[sflag:s0] =	ssyncpa.u1 $0x0;
	s0 =	simm.s32 $0x108  }
0x4: {  	[tilespmem:s0+$0x70] =	vst v0  }
0x5: {  	[tilespmem:s0+$0x60] =	vst v0  }
0x6: {  	[tilespmem:s0+$0x50] =	vst v0  }
0x7: {  	[tilespmem:s0+$0x40] =	vst v0  }
0x8: {  	[tilespmem:s0+$0x30] =	vst v0  }
0x9: {  	s1 =	sadd.s32 $0x281400, s2;
	s15 =	sadd.s32 $0xB52C00, s2;
	s6 =	sadd.s32 $0x1400, s2;
	[tilespmem:s0+$0x20] =	vst v0  }
0xa: {  	s14 =	sadd.s32 $0xB57C00, s2;
	s5 =	sand.u32 $0x1, s3;
	s3 =	simm.s32 $0x40;
	[tilespmem:s0+$0x10] =	vst v0  }
.LBB2_1:
0xb: {  	s3 =	sadd.s32 $0x40, s3;
	[tilespmem:s0+$0x0] =	vst v0;
	s0 =	sadd.s32 $0x80, s0  }
0xc: {  	p0 =	slt.u32 s3, $0x3C40;
	[tilespmem:s0+$0x70] =	vst v0  }
0xd: {  	[tilespmem:s0+$0x60] =	vst v0  }
.Ltmp0:
0xe: {  	[tilespmem:s0+$0x50] =	vst v0;
	(pc) =	sbr.rel @p0 .LBB2_1-.Ltmp0, $4  }
0xf: {  	[tilespmem:s0+$0x40] =	vst v0  }
0x10: {  	[tilespmem:s0+$0x30] =	vst v0  }
0x11: {  	[tilespmem:s0+$0x20] =	vst v0  }
0x12: {  	[tilespmem:s0+$0x10] =	vst v0  }
0x13: {  	s9 =	stileid.u32  }
0x14: {  	s2 =	smul.u32 $0x15, s9  }
0x15: {  	s3 =	smin.u32 s9, $0x6  }
0x16: {  	s2 =	sadd.s32 s3, s2  }
0x17: {  	p0 =	slt.u32 s9, $0x6;
	s7 =	smul.u32 $0xF0, s2;
	s2 =	simm.s32 $0x14A0  }
0x18: {  	s2 =	simm.s32 @!p0 $0x13B0  }
0x19: {  	s2 =	sadd.s32 s2, s7  }
0x1a: {  	s8 =	smin.u32 s2, $0x14000  }
0x1b: {  	s2 =	ssub.s32 s8, s7  }
0x1c: {  	p0 =	sgt.s32 s2, $0x0  }
0x1d: {  	s29 =	simm.s32 $0x2;
	s10 =	simm.s32 $0x9;
	s2 =	simm.s32 @!p0 $0x0  }
0x1e: {  	s4 =	simm.s32 $0xA;
	s11 =	simm.s32 $0xB;
	s28 =	smulhi.u32 $0x88888889, s2  }
0x1f: {  	[dreg:$0x4] =	wrdreg s5;
	s31 =	smul.u32 $0x2800, s5;
	s12 =	simm.s32 $0x1  }
0x20: {  	s22 =	simm.s32 $0x0;
	s18 =	simm.s32 $0xC;
	s30 =	sshrl.u32 s28, $0x7  }
0x21: {  	s20 =	simm.s32 $0x0;
	s21 =	simm.s32 $0x0;
	s3 =	smul.u32 $0xF0, s30  }
.Ltmp1:
0x22: {  	[tilespmem:s0+$0x0] =	vst v0;
	v0 =	vimm.s32 $0xFFFFFFFF;
	[sflag:s29] =	ssyncpa.u1 $0x0;
	s16 =	sshll.u32 s9, $0x8;
	(pc) =	sbr.rel .LBB2_3-.Ltmp1, $4  }
0x23: {  	[tilespmem:$0xF208] =	vst v0;
	[sflag:s10] =	ssyncpa.u1 $0x0;
	p0 =	sne.s32 s2, s3;
	s2 =	simm.s32 $0x1  }
0x24: {  	s14 =	sadd.s32 s31, s14;
	[sflag:s4] =	ssyncpa.u1 $0x0;
	s2 =	simm.s32 @!p0 $0x0  }
0x25: {  	s15 =	sadd.s32 s31, s15;
	[sflag:s11] =	ssyncpa.u1 $0x0;
	s13 =	sadd.s32 s2, s30  }
0x26: {  	v0 =	vlaneseq.u32;
	s19 =	smov.u32 s7;
	p0 =	por $0x0, $0x0;
	s17 =	sadd.s32 $0x1, s13  }
.LBB2_18:
0x27: {  	s0 =	sshrl.u32 s31, $0x2  }
.LBB2_20:
0x28: {  	_ =	swait.ge [sflag:s18], s0  }
0x29: {  	s31 =	ssub.s32 $0x0, s0;
	v1 =	vmov s24;
	vm0 =	veq.s32 v0, $0x0;
	[sflag:s18] =	ssyncset.done $0x0  }
0x2a: {  	vm15 =	veq.s32 v0, $0x2;
	v1 =	vsel vm0, s30, v1;
	[sflag:s18] =	ssyncadd.s32 s31  }
0x2b: {  	v1 =	vsel vm15, s22, v1;
	[sflag:s18] =	ssyncpa.u1 $0x1  }
0x2c: {  	[tilespmem:$0xF208] =	vst v1  }
.LBB2_21:
0x2d: {  	s0 =	sadd.s32 $0xF0, s19  }
0x2e: {  	s2 =	smov.u32 s7;
	p1 =	slt.s32 s0, s8  }
0x2f: {  	s2 =	smov.u32 @p1 s0;
	p1 =	sne.s32 s21, s17  }
.Ltmp2:
0x30: {  	_ = 	snop;
	(pc) =	sbr.rel @!p1 .LBB2_22-.Ltmp2, $3  }
0x31: {  	_ =	sdelay $0x1  }
0x32: {  	s22 =	smov.u32 s20;
	s31 =	sadd.s32 $0x1, s21;
	s20 =	smov.u32 s19  }
0x33: {  	p0 =	por !p0, !p0;
	s21 =	smov.u32 s31;
	s19 =	smov.u32 s2  }
.LBB2_3:
0x34: {  	p1 =	sge.u32 s21, s13  }
0x35: {  	s0 =	smulhi.u32 @!p1 $0xAAAAAAAB, s21  }
0x36: {  	s2 =	smov.u32 s19;
	p2 =	sgt.s32 @!p1 s19, $0x13F10  }
0x37: {  	s3 =	sshra.s32 @!p1 s19, $0x1F;
	p2 =	por !p2, p1;
	s0 =	sshrl.u32 @!p1 s0, $0x1  }
0x38: {  	s3 =	sand.u32 @!p1 s3, s19;
	s2 =	simm.s32 @p2 $0x13F10;
	s0 =	smul.u32 @!p1 $0x3, s0  }
0x39: {  	s2 =	ssub.s32 @!p1 s2, s3  }
0x3a: {  	s2 =	sadd.s32 @!p1 $0xFFFEC0F0, s2;
	s0 =	ssub.s32 @!p1 s21, s0  }
0x3b: {  	s3 =	sshll.u32 @!p1 s2, $0x2;
	p2 =	sgt.s32 @!p1 s2, $0xEF;
	s0 =	smul.u32 @!p1 $0x3C0, s0  }
0x3c: {  	s4 =	sand.u32 @!p1 $0x7, s19;
	s2 =	ssub.s32 @!p1 $0x3C0, s3;
	p2 =	por !p2, p1  }
0x3d: {  	s3 =	sshrl.u32 @!p1 s19, $0x3;
	s2 =	sshrl.u32 @!p1 s2, $0x2;
	s0 =	sshrl.u32 @!p1 s0, $0x2  }
0x3e: {  	s3 =	sadd.s32 @!p1 s3, s14;
	s2 =	simm.s32 @!p2 $0x0;
	s0 =	sadd.s32 @!p1 $0x10248, s0  }
0x3f: {  	[tilespmem:s0], [sflag:$0xA] =	stream.linear.gather @!p1 [hbm4b:s3+s4], s2, $0x38;
	[tilespmem:$0x1F6F8] =	vst v63  }
0x40: {  	s0 =	sadd.s32 $0xFFFFFFFF, s21  }
0x41: {  	p1 =	sge.u32 s0, s13  }
0x42: {  	p2 =	sgt.s32 @!p1 s20, $0x13F10  }
0x43: {  	s2 =	smov.u32 s20;
	s3 =	sshra.s32 @!p1 s20, $0x1F;
	p2 =	por !p2, p1  }
0x44: {  	s3 =	sand.u32 @!p1 s3, s20;
	s2 =	simm.s32 @p2 $0x13F10  }
0x45: {  	s2 =	ssub.s32 @!p1 s2, s3  }
0x46: {  	s2 =	sadd.s32 @!p1 $0xFFFEC0F0, s2  }
0x47: {  	s4 =	sand.u32 @!p1 $0x1, s0;
	s3 =	sshll.u32 @!p1 s2, $0x2  }
0x48: {  	p2 =	sgt.s32 @!p1 s2, $0xEF;
	s2 =	ssub.s32 @!p1 $0x3C0, s3;
	s3 =	smulhi.u32 @!p1 $0xAAAAAAAB, s0  }
0x49: {  	s23 =	smul.u32 @!p1 $0x3C0, s4;
	p2 =	por !p2, p1;
	s2 =	sshrl.u32 @!p1 s2, $0x2  }
0x4a: {  	s5 =	simm.s32 @!p1 $0xA;
	s2 =	simm.s32 @!p2 $0x0;
	s3 =	sshrl.u32 @!p1 s3, $0x1  }
0x4b: {  	s23 =	sshrl.u32 @!p1 s23, $0x2;
	_ =	swait.ge @!p1 [sflag:s5], s2;
	s3 =	smul.u32 @!p1 $0x3, s3  }
0x4c: {  	s23 =	sadd.s32 @!p1 $0x10518, s23;
	s24 =	ssub.s32 @!p1 $0x0, s2;
	[sflag:s5] =	ssyncset.done @!p1 $0x0  }
0x4d: {  	[sflag:s5] =	ssyncadd.s32 @!p1 s24;
	s5 =	sshrl.u32 @!p1 s20, $0x3;
	s0 =	ssub.s32 @!p1 s0, s3  }
0x4e: {  	s24 =	sand.u32 @!p1 $0x7, s20;
	s5 =	sadd.s32 @!p1 s5, s15;
	s0 =	smul.u32 @!p1 $0x3C0, s0  }
0x4f: {  	[tilespmem:s23], [sflag:$0xB] =	stream.linear.gather @!p1 [hbm4b:s5+s24], s2, $0x38;
	[tilespmem:$0x1F6F8] =	vst v63  }
0x50: {  	s3 =	ssub.s32 @!p1 $0x14000, s20;
	s2 =	smul.u32 @!p1 $0x1E000, s4  }
0x51: {  	p2 =	slt.s32 @!p1 s3, $0xF0  }
0x52: {  	p2 =	por !p2, p1;
	s0 =	sshrl.u32 @!p1 s0, $0x2;
	s2 =	sshrl.u32 @!p1 s2, $0x2  }
0x53: {  	s3 =	simm.s32 @p2 $0xF0;
	s0 =	sadd.s32 @!p1 $0x10248, s0;
	s2 =	sor.u32 @!p1 $0x106F8, s2  }
0x54: {  	[tilespmem:s2], [sflag:$0x9] =	stream.indirect.gather @!p1 [hbm4b:s6+s3], $0x80, s0, s3, $0xb8;
	[tilespmem:$0x1F6F8] =	vst v63  }
0x55: {  	p1 =	slt.u32 s21, $0x2  }
.Ltmp3:
0x56: {  	_ = 	snop;
	(pc) =	sbr.rel @p1 .LBB2_21-.Ltmp3, $1  }
0x57: {  	_ =	sdelay $0x3  }
0x58: {  	p1 =	sgt.s32 s22, $0x13F10  }
0x59: {  	s0 =	smov.u32 s22;
	s2 =	sshra.s32 s22, $0x1F;
	s3 =	ssub.s32 $0x14000, s22  }
0x5a: {  	s0 =	simm.s32 @!p1 $0x13F10;
	s2 =	sand.u32 s2, s22;
	p1 =	slt.s32 s3, $0xF0  }
0x5b: {  	s0 =	ssub.s32 s0, s2;
	s3 =	simm.s32 @!p1 $0xF0  }
0x5c: {  	s0 =	sadd.s32 $0xFFFEC0F0, s0;
	s25 =	sshll.u32 s3, $0x7  }
0x5d: {  	s26 =	sshll.u32 s0, $0x2;
	s2 =	sand.u32 $0x3FFFFF80, s25  }
0x5e: {  	p1 =	sgt.s32 s0, $0xEF;
	s29 =	ssub.s32 $0x3C0, s26;
	_ =	swait.ge [sflag:s10], s2  }
0x5f: {  	s2 =	ssub.s32 $0x0, s2;
	[sflag:s10] =	ssyncset.done $0x0;
	s0 =	sshrl.u32 s29, $0x2  }
0x60: {  	[sflag:s10] =	ssyncadd.s32 s2;
	s0 =	simm.s32 @p1 $0x0  }
0x61: {  	_ =	swait.ge [sflag:s11], s0  }
0x62: {  	s0 =	ssub.s32 $0x0, s0;
	[sflag:s11] =	ssyncset.done $0x0  }
0x63: {  	[sflag:s11] =	ssyncadd.s32 s0  }
0x64: {  	v1 =	vld [tilespmem:$0xF208];
	_ =	sdelay $0x4  }
0x65: {  	(v2sf) =	vpush v1, $0x0  }
0x66: {  	(v2sf) =	vpush v1, $0x1  }
0x67: {  	(v2sf) =	vpush v1, $0x2;
	_ =	sdelay $0x3  }
0x68: {  	s0 =	sadd.s32 $0xF0, s22  }
0x69: {  	s2 =	ssub.s32 $0x28000, s22;
	p1 =	slt.s32 s8, s0  }
0x6a: {  	s0 =	smov.u32 @p1 s8;
	p1 =	sgt.s32 s2, $0x0  }
0x6b: {  	s26 =	ssub.s32 s0, s22;
	s2 =	simm.s32 @!p1 $0x0  }
0x6c: {  	p1 =	slt.s32 s2, s26  }
0x6d: {  	s26 =	smov.u32 @p1 s2  }
0x6e: {  	s25 =	simm.s32 $0x1;
	p1 =	slt.s32 s26, $0x1  }
.Ltmp4:
0x6f: {  	s25 =	simm.s32 @!p0 $0x0;
	(pc) =	sbr.rel @p1 .LBB2_8-.Ltmp4, $4  }
0x70: {  	s31 =	smul.u32 $0x3C0, s25  }
0x71: {  	s28 =	spop (v2sf)  }
0x72: {  	s0 =	sshrl.u32 s31, $0x2;
	s30 =	spop (v2sf)  }
0x73: {  	s23 =	sadd.s32 $0x10518, s0;
	s22 =	spop (v2sf)  }
0x74: {  	s0 =	smin.u32 s26, $0x10  }
0x75: {  	v1 =	vmov s0  }
0x76: {  	p2 =	sgt.s32 s26, $0x10;
	vm1 =	vgt.u32 v1, v0  }
.Ltmp5:
0x77: {  	_ = 	snop;
	(pc) =	sbr.rel @!p2 .LBB2_7-.Ltmp5, $2  }
0x78: {  	_ =	sdelay $0x2  }
0x79: {  	s4 =	simm.s32 $0x10;
	s24 =	sadd.s32 $0xFFFFFFF0, s26;
	s0 =	smov.u32 s23;
	vm0 =	vmmov vm1  }
.LBB2_6:
0x7a: {  	s2 =	smin.u32 s24, $0x10;
	s4 =	sadd.s32 $0x10, s4;
	v1 =	vld.msk [tilespmem:s0+$0x0 ss:$0x1], vm1  }
0x7b: {  	v2 =	vmov s2;
	p2 =	slt.s32 s4, s26  }
0x7c: {  	vm1 =	vgt.u32 v2, v0  }
.Ltmp6:
0x7d: {  	(pc) =	sbr.rel @p2 .LBB2_6-.Ltmp6, $3  }
0x7e: {  	_ =	sdelay $0x1  }
0x7f: {  	v1 =	vshll.u32 v1, $0x4  }
0x80: {  	s24 =	sadd.s32 $0xFFFFFFF0, s24;
	[tilespmem:s0+$0x0] =	vst.msk vm0, v1;
	s0 =	sadd.s32 $0x10, s0;
	vm0 =	vmmov vm1  }
.LBB2_7:
0x81: {  	_ =	sdelay $0x4  }
0x82: {  	v1 =	vld.msk [tilespmem:s0+$0x0 ss:$0x1], vm1;
	_ =	sdelay $0x4  }
0x83: {  	v1 =	vshll.u32 v1, $0x4  }
0x84: {  	[tilespmem:s0+$0x0] =	vst.msk vm0, v1  }
.LBB2_8:
0x85: {  	s0 =	sand.u32 $0x1, s21  }
0x86: {  	s0 =	smul.u32 $0xF0, s0  }
0x87: {  	p2 =	sne.s32 s30, $0xFFFFFFFF  }
0x88: {  	v1 =	vld.msk @!p2 [tilespmem:s0+$0x10518], $0x1;
	_ =	sdelay $0x4  }
0x89: {  	(v2sf) =	vpush @!p2 v1, $0x0;
	_ =	sdelay $0xc  }
.Ltmp7:
0x8a: {  	_ = 	snop;
	(pc) =	sbr.rel @p1 .LBB2_19-.Ltmp7, $4  }
0x8b: {  	_ = 	snop  }
0x8c: {  	s29 =	spop @!p2 (v2sf)  }
0x8d: {  	s22 =	simm.s32 @!p2 $0x0;
	s24 =	smov.u32 s29  }
0x8e: {  	[sflag:s18] =	ssyncpa.u1 $0x0;
	s29 =	smov.u32 @p2 s28;
	s24 =	smov.u32 @p2 s30  }
0x8f: {  	v1 =	vld.msk [tilespmem:s23+$0x0], $0x1;
	_ =	sdelay $0x4  }
0x90: {  	(v2sf) =	vpush v1, $0x0;
	_ =	sdelay $0xe  }
0x91: {  	s2 =	smul.u32 $0x1E000, s25;
	s0 =	spop (v2sf)  }
0x92: {  	s26 =	ssub.s32 $0x0, s26;
	p1 =	seq.s32 s29, s0  }
0x93: {  	s30 =	sadd.s32 $0x1, s26;
	s2 =	sshrl.u32 s2, $0x2;
	p2 =	sgt.s32 @!p1 s29, $0x0  }
0x94: {  	s25 =	sor.u32 $0x10738, s2;
	s2 =	smov.u32 s29;
	p2 =	por !p2, p1  }
0x95: {  	s2 =	simm.s32 @p2 $0x0;
	p2 =	seq.s32 s30, $0x0  }
.Ltmp8:
0x96: {  	_ = 	snop;
	(pc) =	sbr.rel @p2 .LBB2_11-.Ltmp8, $4  }
0x97: {  	_ = 	snop  }
0x98: {  	s28 =	simm.s32 $0x0;
	s31 =	sadd.s32 $0x1, s23;
	s2 =	smin.u32 @!p1 s2, $0x27FF0  }
0x99: {  	s4 =	simm.s32 @!p1 $0x1;
	s5 =	simm.s32 @!p1 $0x7988;
	s3 =	sand.u32 @!p1 $0x3FFF8, s2  }
0x9a: {  	s4 =	smov.u32 @p1 s28;
	s2 =	sand.u32 @!p1 $0x7, s2;
	s3 =	sadd.s32 @!p1 s1, s3  }
.LBB2_10:
0x9b: {  	s9 =	smov.u32 s4  }
0x9c: {  	[tilespmem:s5], [sflag:$0x2] =	stream.linear.gather @!p1 [hbm4b:s3+s2], $0x80, $0x38;
	[tilespmem:$0x1F6F8] =	vst v63  }
0x9d: {  	s30 =	sadd.s32 $0x1, s30;
	s2 =	smov.u32 s0;
	v1 =	vld.msk [tilespmem:s31+$0x0], $0x1  }
0x9e: {  	p2 =	seq.s32 s30, $0x0;
	_ =	sdelay $0x3  }
0x9f: {  	(v2sf) =	vpush v1, $0x0;
	_ =	sdelay $0xe  }
0xa0: {  	s0 =	spop (v2sf)  }
0xa1: {  	p1 =	seq.s32 s2, s0  }
0xa2: {  	p3 =	sgt.s32 @!p1 s2, $0x0;
	s3 =	sshll.u32 @!p1 s4, $0x9;
	s4 =	sadd.s32 @!p1 $0x1, s4  }
.Ltmp9:
0xa3: {  	p3 =	por !p3, p1;
	s3 =	sshra.s32 @!p1 s3, $0x2;
	(pc) =	sbr.rel @!p2 .LBB2_10-.Ltmp9, $4  }
0xa4: {  	s4 =	smov.u32 @p1 s9;
	s2 =	simm.s32 @p3 $0x0;
	s5 =	sadd.s32 @!p1 $0x7988, s3  }
0xa5: {  	s2 =	smin.u32 @!p1 s2, $0x27FF0  }
0xa6: {  	s3 =	sand.u32 @!p1 $0x3FFF8, s2;
	s2 =	sand.u32 @!p1 $0x7, s2  }
0xa7: {  	s31 =	sadd.s32 $0x1, s31;
	s3 =	sadd.s32 @!p1 s1, s3  }
.LBB2_11:
0xa8: {  	[tilespmem:s5], [sflag:$0x2] =	stream.linear.gather @!p1 [hbm4b:s3+s2], $0x80, $0x38;
	[tilespmem:$0x1F6F8] =	vst v63  }
.Ltmp10:
0xa9: {  	s0 =	sshll.u32 s4, $0x7;
	(pc) =	sbr.rel .LBB2_12-.Ltmp10, $4  }
0xaa: {  	s30 =	simm.s32 $0x2;
	s0 =	sand.u32 $0x3FFFFF80, s0  }
0xab: {  	_ =	swait.ge [sflag:s30], s0  }
0xac: {  	s0 =	ssub.s32 $0x0, s0;
	[sflag:s30] =	ssyncset.done $0x0  }
0xad: {  	s31 =	simm.s32 $0x0;
	[sflag:s30] =	ssyncadd.s32 s0  }
.LBB2_13:
0xae: {  	v1 =	vld [tilespmem:s25+$0xFFFFFFC0];
	_ =	sdelay $0x3  }
0xaf: {  	s0 =	sshra.s32 s0, $0x2  }
0xb0: {  	[tilespmem:s0+$0x108] =	vst.add.f32.msk $0xffff, v1  }
0xb1: {  	v1 =	vld [tilespmem:s25+$0xFFFFFFD0];
	_ =	sdelay $0x4  }
0xb2: {  	[tilespmem:s0+$0x118] =	vst.add.f32.msk $0xffff, v1  }
0xb3: {  	v1 =	vld [tilespmem:s25+$0xFFFFFFE0];
	_ =	sdelay $0x4  }
0xb4: {  	[tilespmem:s0+$0x128] =	vst.add.f32.msk $0xffff, v1  }
0xb5: {  	v1 =	vld [tilespmem:s25+$0xFFFFFFF0];
	_ =	sdelay $0x4  }
0xb6: {  	[tilespmem:s0+$0x138] =	vst.add.f32.msk $0xffff, v1  }
0xb7: {  	v1 =	vld [tilespmem:s25+$0x0];
	_ =	sdelay $0x4  }
0xb8: {  	[tilespmem:s0+$0x148] =	vst.add.f32.msk $0xffff, v1  }
0xb9: {  	v1 =	vld [tilespmem:s25+$0x10];
	_ =	sdelay $0x4  }
0xba: {  	[tilespmem:s0+$0x158] =	vst.add.f32.msk $0xffff, v1  }
0xbb: {  	v1 =	vld [tilespmem:s25+$0x20];
	_ =	sdelay $0x4  }
0xbc: {  	[tilespmem:s0+$0x168] =	vst.add.f32.msk $0xffff, v1  }
0xbd: {  	v1 =	vld [tilespmem:s25+$0x30];
	_ =	sdelay $0x4  }
0xbe: {  	[tilespmem:s0+$0x178] =	vst.add.f32.msk $0xffff, v1  }
.LBB2_17:
0xbf: {  	s26 =	sadd.s32 $0x1, s26  }
0xc0: {  	p1 =	seq.s32 s26, $0x0  }
.Ltmp11:
0xc1: {  	_ = 	snop;
	(pc) =	sbr.rel @p1 .LBB2_18-.Ltmp11, $2  }
0xc2: {  	_ =	sdelay $0x2  }
0xc3: {  	s23 =	sadd.s32 $0x1, s23;
	s25 =	sadd.s32 $0x80, s25;
	s29 =	smov.u32 s30  }
.LBB2_12:
0xc4: {  	v1 =	vld.msk [tilespmem:s23+$0x0], $0x1;
	_ =	sdelay $0x4  }
0xc5: {  	(v2sf) =	vpush v1, $0x0;
	_ =	sdelay $0xe  }
0xc6: {  	s30 =	spop (v2sf)  }
0xc7: {  	p1 =	sne.s32 s29, s30  }
.Ltmp12:
0xc8: {  	_ = 	snop;
	(pc) =	sbr.rel @!p1 .LBB2_13-.Ltmp12, $2  }
0xc9: {  	_ =	sdelay $0x2  }
0xca: {  	s0 =	sshll.u32 s22, $0x9  }
0xcb: {  	p1 =	seq.s32 s29, s24  }
.Ltmp13:
0xcc: {  	_ = 	snop;
	(pc) =	sbr.rel @!p1 .LBB2_15-.Ltmp13, $1  }
0xcd: {  	_ =	sdelay $0x3  }
0xce: {  	s0 =	sshra.s32 s0, $0x2  }
.Ltmp14:
0xcf: {  	s0 =	sadd.s32 $0x108, s0;
	(pc) =	sbr.rel .LBB2_16-.Ltmp14, $4  }
0xd0: {  	[spmem:s16] =	stream.linear.scatter [tilespmem:s0], [sflag:$0x1], $0x80, $0x38;
	[tilespmem:$0x1F6F8] =	vst v63  }
0xd1: {  	_ =	swait.ge [sflag:s12], $0x80  }
0xd2: {  	[sflag:s12] =	ssyncset.done $0x0  }
0xd3: {  	[sflag:s12] =	ssyncadd.s32 $0xFFFFFF80  }
.LBB2_15:
0xd4: {  	s2 =	sshll.u32 s28, $0x9  }
0xd5: {  	s2 =	sshra.s32 s2, $0x2  }
0xd6: {  	v1 =	vld [tilespmem:s2+$0x7988];
	_ =	sdelay $0x3  }
0xd7: {  	s0 =	sshra.s32 s0, $0x2  }
0xd8: {  	[tilespmem:s0+$0x108] =	vst.add.f32.msk $0xffff, v1  }
0xd9: {  	v1 =	vld [tilespmem:s2+$0x7998];
	_ =	sdelay $0x4  }
0xda: {  	[tilespmem:s0+$0x118] =	vst.add.f32.msk $0xffff, v1  }
0xdb: {  	v1 =	vld [tilespmem:s2+$0x79A8];
	_ =	sdelay $0x4  }
0xdc: {  	[tilespmem:s0+$0x128] =	vst.add.f32.msk $0xffff, v1  }
0xdd: {  	v1 =	vld [tilespmem:s2+$0x79B8];
	_ =	sdelay $0x4  }
0xde: {  	[tilespmem:s0+$0x138] =	vst.add.f32.msk $0xffff, v1  }
0xdf: {  	v1 =	vld [tilespmem:s2+$0x79C8];
	_ =	sdelay $0x4  }
0xe0: {  	[tilespmem:s0+$0x148] =	vst.add.f32.msk $0xffff, v1  }
0xe1: {  	v1 =	vld [tilespmem:s2+$0x79D8];
	_ =	sdelay $0x4  }
0xe2: {  	[tilespmem:s0+$0x158] =	vst.add.f32.msk $0xffff, v1  }
0xe3: {  	v1 =	vld [tilespmem:s2+$0x79E8];
	_ =	sdelay $0x4  }
0xe4: {  	[tilespmem:s0+$0x168] =	vst.add.f32.msk $0xffff, v1  }
0xe5: {  	v1 =	vld [tilespmem:s2+$0x79F8];
	_ =	sdelay $0x2  }
0xe6: {  	p1 =	sgt.u32 s29, $0x27FF0  }
0xe7: {  	s2 =	sand.u32 @!p1 $0x3FFF8, s29  }
0xe8: {  	s3 =	sadd.s32 $0x108, s0;
	[tilespmem:s0+$0x178] =	vst.add.f32.msk $0xffff, v1;
	s0 =	sadd.s32 @!p1 s1, s2;
	s2 =	sand.u32 @!p1 $0x7, s29  }
0xe9: {  	[hbm4b:s0+s2] =	stream.linear.scatter @!p1 [tilespmem:s3], [sflag:$0xC], $0x80, $0x38;
	[tilespmem:$0x1F6F8] =	vst v63  }
0xea: {  	s0 =	simm.s32 $0x0  }
0xeb: {  	s0 =	simm.s32 @!p1 $0x200  }
0xec: {  	s31 =	sadd.s32 s0, s31  }
.LBB2_16:
0xed: {  	s0 =	sadd.s32 $0x1, s22  }
0xee: {  	s2 =	smulhi.u32 $0x88888889, s0;
	_ =	sdelay $0x1  }
0xef: {  	v1 =	vld [tilespmem:s25+$0xFFFFFFC0];
	s2 =	sshrl.u32 s2, $0x7  }
0xf0: {  	s2 =	smul.u32 $0xF0, s2;
	_ =	sdelay $0x1  }
0xf1: {  	s22 =	ssub.s32 s0, s2  }
0xf2: {  	s0 =	sshll.u32 s22, $0x7  }
0xf3: {  	[tilespmem:s0+$0x108] =	vst v1  }
0xf4: {  	v1 =	vld [tilespmem:s25+$0xFFFFFFD0];
	_ =	sdelay $0x4  }
0xf5: {  	[tilespmem:s0+$0x118] =	vst v1  }
0xf6: {  	v1 =	vld [tilespmem:s25+$0xFFFFFFE0];
	_ =	sdelay $0x4  }
0xf7: {  	[tilespmem:s0+$0x128] =	vst v1  }
0xf8: {  	v1 =	vld [tilespmem:s25+$0xFFFFFFF0];
	_ =	sdelay $0x4  }
0xf9: {  	[tilespmem:s0+$0x138] =	vst v1  }
0xfa: {  	v1 =	vld [tilespmem:s25+$0x0];
	_ =	sdelay $0x4  }
0xfb: {  	[tilespmem:s0+$0x148] =	vst v1  }
0xfc: {  	v1 =	vld [tilespmem:s25+$0x10];
	_ =	sdelay $0x4  }
0xfd: {  	[tilespmem:s0+$0x158] =	vst v1  }
0xfe: {  	v1 =	vld [tilespmem:s25+$0x20];
	_ =	sdelay $0x4  }
0xff: {  	[tilespmem:s0+$0x168] =	vst v1  }
0x100: {  	v1 =	vld [tilespmem:s25+$0x30]  }
.Ltmp15:
0x101: {  	_ = 	snop;
	(pc) =	sbr.rel .LBB2_17-.Ltmp15, $2  }
0x102: {  	_ =	sdelay $0x2  }
0x103: {  	s28 =	sadd.s32 $0x1, s28;
	[tilespmem:s0+$0x178] =	vst v1  }
.LBB2_19:
.Ltmp16:
0x104: {  	(pc) =	sbr.rel .LBB2_20-.Ltmp16, $4  }
0x105: {  	_ = 	snop  }
0x106: {  	s0 =	simm.s32 $0x2  }
0x107: {  	_ =	swait.ge [sflag:s0], $0x0  }
0x108: {  	s30 =	smov.u32 s29;
	[sflag:s0] =	ssyncset.done $0x0;
	s0 =	simm.s32 $0x0  }
.LBB2_22:
0x109: {  	_ =	sfence.sel $0x180000  }
0x10a: {  	s0 =	simm.s32 $0x9;
	[bflag:$0x0] =	sbarrier.arrive $0xFFFF  }
0x10b: {  	s24 =	simm.s32 $0xA;
	[sflag:s0] =	ssyncpa.u1 $0x1  }
0x10c: {  	s25 =	simm.s32 $0xB;
	[sflag:s24] =	ssyncpa.u1 $0x1  }
0x10d: {  	s26 =	simm.s32 $0x2;
	[sflag:s25] =	ssyncpa.u1 $0x1  }
0x10e: {  	[sflag:s26] =	ssyncpa.u1 $0x1  }
0x10f: {  	v0 =	vld [tilespmem:$0xF208];
	_ =	sdelay $0x4  }
0x110: {  	(v2sf) =	vpush v0, $0x0  }
0x111: {  	(v2sf) =	vpush v0, $0x1;
	_ =	sdelay $0x1  }
0x112: {  	(v2sf) =	vpush v0, $0x2;
	_ =	sdelay $0xb  }
0x113: {  	s0 =	spop (v2sf)  }
0x114: {  	s2 =	spop (v2sf)  }
0x115: {  	s3 =	smov.u32 s0;
	p0 =	sne.s32 s0, s2  }
0x116: {  	s4 =	spop (v2sf);
	s3 =	simm.s32 @!p0 $0xFFFFFFFF  }
0x117: {  	v2 =	vimm.s32 $0x1;
	v3 =	vlaneseq.u32;
	p0 =	seq.s32 s4, $0xFFFFFFFF;
	v1 =	vmov s3  }
0x118: {  	s16 =	stileid.u32;
	v0 =	vperm.xlane v0, v2;
	p1 =	sne.s32 @!p0 s0, s2;
	v1 =	vperm.xlane v1, v3  }
0x119: {  	vm0 =	vcmask $0x3F04;
	s6 =	simm.s32 $0xF208;
	s0 =	simm.s32 @!p0 $0x1;
	p1 =	por !p1, p0  }
0x11a: {  	s3 =	sshll.u32 s16, $0x1;
	s2 =	sshll.u32 @!p0 s4, $0x9;
	s0 =	simm.s32 @p1 $0x0;
	v0 =	vsel vm0, v1, v0  }
0x11b: {  	s5 =	sor.u32 $0x1000, s3;
	s2 =	sshra.s32 @!p0 s2, $0x2;
	s0 =	sor.u32 @!p0 s0, s3;
	[tilespmem:$0xF208] =	vst v0  }
0x11c: {  	[spmem:s5] =	stream.linear.scatter [tilespmem:s6], [sflag:$0x1], $0x2, $0x38;
	[tilespmem:$0x1F6F8] =	vst v63  }
0x11d: {  	s2 =	sadd.s32 @!p0 $0x108, s2;
	s0 =	sshll.u32 @!p0 s0, $0x7  }
0x11e: {  	[spmem:s0] =	stream.linear.scatter @!p0 [tilespmem:s2], [sflag:$0x1], $0x80, $0x38;
	[tilespmem:$0x1F6F8] =	vst v63  }
0x11f: {  	s0 =	simm.s32 @!p0 $0x82  }
0x120: {  	s28 =	simm.s32 $0x1;
	s0 =	simm.s32 @p0 $0x2  }
0x121: {  	_ =	swait.ge [sflag:s28], s0  }
0x122: {  	s0 =	ssub.s32 $0x0, s0;
	[sflag:s28] =	ssyncset.done $0x0  }
0x123: {  	p0 =	sne.s32 s16, $0x0;
	[sflag:s28] =	ssyncadd.s32 s0  }
.Ltmp17:
0x124: {  	_ =	sfence.stream.spmem;
	(pc) =	sbr.rel @p0 .LBB2_39-.Ltmp17, $4  }
0x125: {  	s29 =	simm.s32 $0x3;
	[bflag:$0x0] =	sbarrier.arrive $0xFFFF  }
0x126: {  	s30 =	simm.s32 $0x4;
	[sflag:s29] =	ssyncpa.u1 $0x1  }
0x127: {  	s31 =	simm.s32 $0x3C;
	[sflag:s30] =	ssyncpa.u1 $0x1  }
0x128: {  	s15 =	rddreg [dreg:$0x4];
	[sflag:s31] =	ssyncpa.u1 $0x1  }
0x129: {  	_ =	sfence.stream.spmem;
	s0 =	simm.s32 $0x5  }
0x12a: {  	s2 =	simm.s32 $0x1000;
	s3 =	simm.s32 $0xF218;
	[sflag:s0] =	ssyncpa.u1 $0x0  }
0x12b: {  	[tilespmem:s3], [sflag:$0x5] =	stream.linear.gather [spmem:s2], $0x20, $0x38;
	[tilespmem:$0x1F6F8] =	vst v63  }
0x12c: {  	s26 =	simm.s32 $0x0;
	s28 =	simm.s32 $0xF238  }
0x12d: {  	[tilespmem:s28], [sflag:$0x5] =	stream.linear.gather [spmem:s26], $0x1000, $0x38;
	[tilespmem:$0x1F6F8] =	vst v63  }
0x12e: {  	_ =	swait.ge [sflag:s0], $0x1020  }
0x12f: {  	[sflag:s0] =	ssyncset.done $0x0  }
0x130: {  	s29 =	simm.s32 $0x0;
	[sflag:s0] =	ssyncadd.s32 $0xFFFFEFE0  }
0x131: {  	v0 =	vld.msk [tilespmem:s29+$0xF218], $0x1;
	_ =	sdelay $0x1  }
0x132: {  	s30 =	simm.s32 $0x1  }
0x133: {  	v1 =	vld.msk [tilespmem:s30+$0xF218], $0x1;
	_ =	sdelay $0x1  }
0x134: {  	(v2sf) =	vpush v0, $0x0;
	_ =	sdelay $0x2  }
0x135: {  	(v2sf) =	vpush v1, $0x0;
	_ =	sdelay $0x2  }
0x136: {  	s31 =	simm.s32 $0x2  }
0x137: {  	v0 =	vld.msk [tilespmem:s31+$0xF218], $0x1;
	_ =	sdelay $0x2  }
0x138: {  	s4 =	simm.s32 $0xFFFFFFFF;
	s5 =	simm.s32 $0xFFFFFFFF;
	s0 =	simm.s32 $0xC  }
.LBB2_24:
0x139: {  	s2 =	smov.u32 s5;
	s3 =	smov.u32 s4  }
0x13a: {  	s4 =	sshra.s32 s0, $0x2;
	p1 =	sne.s32 s0, $0x7C;
	s0 =	sadd.s32 $0x4, s0;
	(v2sf) =	vpush v0, $0x0  }
0x13b: {  	v0 =	vld.msk [tilespmem:s4+$0xF218], $0x1  }
.Ltmp18:
0x13c: {  	(pc) =	sbr.rel @p1 .LBB2_24-.Ltmp18, $4  }
0x13d: {  	s5 =	spop (v2sf)  }
0x13e: {  	p2 =	sne.s32 s3, $0xFFFFFFFF;
	s4 =	smov.u32 s5  }
0x13f: {  	p3 =	seq.s32 s5, $0xFFFFFFFF;
	s4 =	smov.u32 @p2 s3  }
0x140: {  	s5 =	smov.u32 @p3 s2;
	s4 =	smov.u32 @p3 s3  }
0x141: {  	(v2sf) =	vpush v0, $0x0;
	_ =	sdelay $0x8  }
0x142: {  	s0 =	spop (v2sf)  }
0x143: {  	p1 =	sne.s32 s4, $0xFFFFFFFF;
	s2 =	smov.u32 s0  }
0x144: {  	s9 =	simm.s32 $0x6;
	p2 =	seq.s32 s0, $0xFFFFFFFF;
	s2 =	smov.u32 @p1 s4  }
0x145: {  	s6 =	simm.s32 $0x0;
	s2 =	smov.u32 @p2 s4;
	s3 =	spop (v2sf)  }
0x146: {  	s0 =	smov.u32 @p2 s5;
	p1 =	sne.s32 s2, $0xFFFFFFFF;
	s4 =	smov.u32 s3  }
.Ltmp19:
0x147: {  	p2 =	seq.s32 s3, $0xFFFFFFFF;
	s4 =	smov.u32 @p1 s2;
	(pc) =	sbr.rel .LBB2_26-.Ltmp19, $4  }
0x148: {  	s10 =	simm.s32 $0xF188;
	s4 =	smov.u32 @p2 s2;
	s7 =	spop (v2sf)  }
0x149: {  	s11 =	simm.s32 $0x0;
	p1 =	sne.s32 s4, $0xFFFFFFFF;
	s8 =	smov.u32 s7  }
0x14a: {  	s3 =	smov.u32 @p2 s0;
	p2 =	seq.s32 s7, $0xFFFFFFFF;
	s8 =	smov.u32 @p1 s4  }
0x14b: {  	[sflag:s9] =	ssyncpa.u1 $0x0;
	s7 =	smov.u32 @p2 s3;
	s8 =	smov.u32 @p2 s4  }
.LBB2_32:
0x14c: {  	p1 =	sgt.u32 s12, $0x27FF0  }
0x14d: {  	p2 =	seq.s32 @!p1 s12, s8  }
0x14e: {  	p1 =	por p1, p2  }
0x14f: {  	p2 =	sne.s32 @!p1 s12, s7  }
0x150: {  	p1 =	por p1, !p2  }
0x151: {  	s0 =	sshll.u32 @p1 s11, $0x9  }
0x152: {  	s0 =	sand.u32 @!p1 $0x3FFF8, s12  }
0x153: {  	s2 =	sand.u32 @!p1 $0x7, s12;
	s0 =	sadd.s32 @!p1 s1, s0  }
0x154: {  	[tilespmem:s10], [sflag:$0x6] =	stream.linear.gather @!p1 [hbm4b:s0+s2], $0x80, $0x38;
	[tilespmem:$0x1F6F8] =	vst v63  }
0x155: {  	_ =	swait.ge @!p1 [sflag:s9], $0x80  }
0x156: {  	[sflag:s9] =	ssyncset.done @!p1 $0x0  }
0x157: {  	[sflag:s9] =	ssyncadd.s32 @!p1 $0xFFFFFF80  }
0x158: {  	v1 =	vld @!p1 [tilespmem:$0xF188];
	_ =	sdelay $0x2  }
0x159: {  	s0 =	sshll.u32 @!p1 s11, $0x9  }
0x15a: {  	s2 =	sshrl.u32 @!p1 s0, $0x2  }
0x15b: {  	[tilespmem:s2+$0xF238] =	vst.add.f32.msk @!p1 $0xffff, v1  }
0x15c: {  	v1 =	vld @!p1 [tilespmem:$0xF198];
	_ =	sdelay $0x4  }
0x15d: {  	[tilespmem:s2+$0xF248] =	vst.add.f32.msk @!p1 $0xffff, v1  }
0x15e: {  	v1 =	vld @!p1 [tilespmem:$0xF1A8];
	_ =	sdelay $0x4  }
0x15f: {  	[tilespmem:s2+$0xF258] =	vst.add.f32.msk @!p1 $0xffff, v1  }
0x160: {  	v1 =	vld @!p1 [tilespmem:$0xF1B8];
	_ =	sdelay $0x4  }
0x161: {  	[tilespmem:s2+$0xF268] =	vst.add.f32.msk @!p1 $0xffff, v1  }
0x162: {  	v1 =	vld @!p1 [tilespmem:$0xF1C8];
	_ =	sdelay $0x4  }
0x163: {  	[tilespmem:s2+$0xF278] =	vst.add.f32.msk @!p1 $0xffff, v1  }
0x164: {  	v1 =	vld @!p1 [tilespmem:$0xF1D8];
	_ =	sdelay $0x4  }
0x165: {  	[tilespmem:s2+$0xF288] =	vst.add.f32.msk @!p1 $0xffff, v1  }
0x166: {  	v1 =	vld @!p1 [tilespmem:$0xF1E8];
	_ =	sdelay $0x4  }
0x167: {  	[tilespmem:s2+$0xF298] =	vst.add.f32.msk @!p1 $0xffff, v1  }
0x168: {  	v1 =	vld @!p1 [tilespmem:$0xF1F8];
	_ =	sdelay $0x4  }
0x169: {  	[tilespmem:s2+$0xF2A8] =	vst.add.f32.msk @!p1 $0xffff, v1  }
0x16a: {  	s0 =	sshrl.u32 s0, $0x2;
	[tilespmem:s6+$0xF218] =	vst.msk $0x1, v0  }
0x16b: {  	v0 =	vld [tilespmem:s0+$0xF238];
	_ =	sdelay $0x2  }
0x16c: {  	s31 =	sshll.u32 s6, $0x9  }
0x16d: {  	s2 =	sshra.s32 s31, $0x2  }
0x16e: {  	[tilespmem:s2+$0xF238] =	vst v0  }
0x16f: {  	v0 =	vld [tilespmem:s0+$0xF248];
	_ =	sdelay $0x4  }
0x170: {  	[tilespmem:s2+$0xF248] =	vst v0  }
0x171: {  	v0 =	vld [tilespmem:s0+$0xF258];
	_ =	sdelay $0x4  }
0x172: {  	[tilespmem:s2+$0xF258] =	vst v0  }
0x173: {  	v0 =	vld [tilespmem:s0+$0xF268];
	_ =	sdelay $0x4  }
0x174: {  	[tilespmem:s2+$0xF268] =	vst v0  }
0x175: {  	v0 =	vld [tilespmem:s0+$0xF278];
	_ =	sdelay $0x4  }
0x176: {  	[tilespmem:s2+$0xF278] =	vst v0  }
0x177: {  	v0 =	vld [tilespmem:s0+$0xF288];
	_ =	sdelay $0x4  }
0x178: {  	[tilespmem:s2+$0xF288] =	vst v0  }
0x179: {  	v0 =	vld [tilespmem:s0+$0xF298];
	_ =	sdelay $0x4  }
0x17a: {  	[tilespmem:s2+$0xF298] =	vst v0  }
0x17b: {  	v0 =	vld [tilespmem:s0+$0xF2A8];
	_ =	sdelay $0x4  }
0x17c: {  	s6 =	sadd.s32 $0x1, s6;
	[tilespmem:s2+$0xF2A8] =	vst v0  }
.LBB2_33:
0x17d: {  	s11 =	sadd.s32 $0x1, s11  }
0x17e: {  	p1 =	sne.s32 s11, $0x20  }
.Ltmp20:
0x17f: {  	_ = 	snop;
	(pc) =	sbr.rel @!p1 .LBB2_34-.Ltmp20, $1  }
0x180: {  	_ =	sdelay $0x3  }
.LBB2_26:
0x181: {  	v0 =	vld.msk [tilespmem:s11+$0xF218], $0x1;
	_ =	sdelay $0x4  }
0x182: {  	(v2sf) =	vpush v0, $0x0;
	_ =	sdelay $0xe  }
0x183: {  	s12 =	spop (v2sf)  }
0x184: {  	p1 =	seq.s32 s12, $0xFFFFFFFF  }
.Ltmp21:
0x185: {  	_ = 	snop;
	(pc) =	sbr.rel @p1 .LBB2_33-.Ltmp21, $1  }
0x186: {  	_ =	sdelay $0x3  }
0x187: {  	p1 =	slt.s32 s6, $0x1  }
.Ltmp22:
0x188: {  	_ = 	snop;
	(pc) =	sbr.rel @p1 .LBB2_32-.Ltmp22, $1  }
0x189: {  	_ =	sdelay $0x3  }
0x18a: {  	s13 =	simm.s32 $0xF218;
	p1 =	por $0x0, $0x0  }
0x18b: {  	v1 =	vld.msk @!p1 [tilespmem:s13+$0x0], $0x1;
	_ =	sdelay $0x4  }
0x18c: {  	(v2sf) =	vpush @!p1 v1, $0x0;
	_ =	sdelay $0xd  }
0x18d: {  	p3 =	sne.s32 s6, $0x1  }
.Ltmp23:
0x18e: {  	s0 =	spop @!p1 (v2sf);
	(pc) =	sbr.rel @!p3 .LBB2_30-.Ltmp23, $4  }
0x18f: {  	p2 =	seq.s32 @!p1 s12, s0  }
0x190: {  	s14 =	simm.s32 $0x0;
	p2 =	por !p2, p1  }
0x191: {  	s2 =	simm.s32 $0xFFFFFFFF;
	s14 =	simm.s32 @p2 $0xFFFFFFFF  }
0x192: {  	s0 =	simm.s32 $0x1;
	s14 =	smov.u32 @p1 s2  }
.LBB2_29:
0x193: {  	s2 =	smov.u32 s14;
	p1 =	sne.s32 s14, $0xFFFFFFFF  }
0x194: {  	s13 =	sadd.s32 $0x1, s13;
	s14 =	smov.u32 s0;
	s0 =	sadd.s32 $0x1, s0  }
0x195: {  	p2 =	sne.s32 s6, s0;
	v1 =	vld.msk @!p1 [tilespmem:s13+$0x0], $0x1;
	_ =	sdelay $0x4  }
0x196: {  	(v2sf) =	vpush @!p1 v1, $0x0;
	_ =	sdelay $0xe  }
.Ltmp24:
0x197: {  	s3 =	spop @!p1 (v2sf);
	(pc) =	sbr.rel @p2 .LBB2_29-.Ltmp24, $4  }
0x198: {  	p3 =	seq.s32 @!p1 s12, s3  }
0x199: {  	p3 =	por !p3, p1  }
0x19a: {  	s14 =	simm.s32 @p3 $0xFFFFFFFF  }
0x19b: {  	s14 =	smov.u32 @p1 s2  }
.LBB2_30:
0x19c: {  	p1 =	seq.s32 s14, $0xFFFFFFFF  }
.Ltmp25:
0x19d: {  	_ = 	snop;
	(pc) =	sbr.rel @p1 .LBB2_32-.Ltmp25, $1  }
0x19e: {  	_ =	sdelay $0x3  }
0x19f: {  	s0 =	sshll.u32 s11, $0x7  }
0x1a0: {  	s0 =	sand.u32 $0x3FFFFF80, s0  }
0x1a1: {  	v0 =	vld [tilespmem:s0+$0xF238];
	_ =	sdelay $0x2  }
0x1a2: {  	s2 =	sshll.u32 s14, $0x9  }
0x1a3: {  	s2 =	sshra.s32 s2, $0x2  }
0x1a4: {  	[tilespmem:s2+$0xF238] =	vst.add.f32.msk $0xffff, v0  }
0x1a5: {  	v0 =	vld [tilespmem:s0+$0xF248];
	_ =	sdelay $0x4  }
0x1a6: {  	[tilespmem:s2+$0xF248] =	vst.add.f32.msk $0xffff, v0  }
0x1a7: {  	v0 =	vld [tilespmem:s0+$0xF258];
	_ =	sdelay $0x4  }
0x1a8: {  	[tilespmem:s2+$0xF258] =	vst.add.f32.msk $0xffff, v0  }
0x1a9: {  	v0 =	vld [tilespmem:s0+$0xF268];
	_ =	sdelay $0x4  }
0x1aa: {  	[tilespmem:s2+$0xF268] =	vst.add.f32.msk $0xffff, v0  }
0x1ab: {  	v0 =	vld [tilespmem:s0+$0xF278];
	_ =	sdelay $0x4  }
0x1ac: {  	[tilespmem:s2+$0xF278] =	vst.add.f32.msk $0xffff, v0  }
0x1ad: {  	v0 =	vld [tilespmem:s0+$0xF288];
	_ =	sdelay $0x4  }
0x1ae: {  	[tilespmem:s2+$0xF288] =	vst.add.f32.msk $0xffff, v0  }
0x1af: {  	v0 =	vld [tilespmem:s0+$0xF298];
	_ =	sdelay $0x4  }
0x1b0: {  	[tilespmem:s2+$0xF298] =	vst.add.f32.msk $0xffff, v0  }
0x1b1: {  	v0 =	vld [tilespmem:s0+$0xF2A8]  }
.Ltmp26:
0x1b2: {  	_ = 	snop;
	(pc) =	sbr.rel .LBB2_33-.Ltmp26, $2  }
0x1b3: {  	_ =	sdelay $0x2  }
0x1b4: {  	[tilespmem:s2+$0xF2A8] =	vst.add.f32.msk $0xffff, v0  }
.LBB2_34:
0x1b5: {  	s0 =	simm.s32 $0x6;
	p1 =	seq.s32 s6, $0x0  }
0x1b6: {  	[sflag:s0] =	ssyncpa.u1 $0x1;
	v0 =	vimm.s32 @p1 $0xFFFFFFFF  }
0x1b7: {  	s9 =	sadd.s32 $0xFFFFFFFF, s6;
	[tilespmem:$0x10238] =	vst @p1 v0  }
0x1b8: {  	v0 =	vld.msk @!p1 [tilespmem:s9+$0xF218], $0x1;
	_ =	sdelay $0x1  }
0x1b9: {  	v1 =	vld.msk @!p1 [tilespmem:$0xF218], $0x1;
	_ =	sdelay $0x2  }
0x1ba: {  	p2 =	seq.s32 @!p1 s9, $0x0;
	v0 =	vbroadcast @!p1 v0, $0x0  }
0x1bb: {  	vm0 =	vmmov @!p1 $0x1;
	p2 =	por !p2, p1  }
0x1bc: {  	v1 =	vnsel @!p1 vm0, $0xFFFFFFFF, v1;
	vm0 =	vcmask @!p1 $0x308;
	v0 =	vpsel !p2, $0xFFFFFFFF, v0  }
0x1bd: {  	p2 =	sne.s32 @!p1 s8, s7;
	v0 =	vsel @!p1 vm0, v1, v0  }
0x1be: {  	s0 =	simm.s32 @!p1 $0xF238;
	s2 =	simm.s32 @!p1 $0x0;
	p3 =	por !p2, p1;
	[tilespmem:$0x10238] =	vst @!p1 v0  }
0x1bf: {  	[spmem:s2] =	stream.linear.scatter @!p1 [tilespmem:s0], [sflag:$0x1], $0x80, $0x38;
	[tilespmem:$0x1F6F8] =	vst v63  }
0x1c0: {  	s0 =	sshll.u32 @!p3 s9, $0x9  }
0x1c1: {  	s0 =	sshra.s32 @!p3 s0, $0x2  }
0x1c2: {  	s2 =	simm.s32 @!p3 $0x80;
	s0 =	sadd.s32 @!p3 $0xF238, s0  }
0x1c3: {  	[spmem:s2] =	stream.linear.scatter @!p3 [tilespmem:s0], [sflag:$0x1], $0x80, $0x38;
	[tilespmem:$0x1F6F8] =	vst v63  }
0x1c4: {  	s0 =	simm.s32 @!p3 $0x1  }
0x1c5: {  	_ =	swait.ge @!p3 [sflag:s0], $0x100  }
0x1c6: {  	p1 =	por p2, p1;
	[sflag:s0] =	ssyncset.done @!p3 $0x0  }
0x1c7: {  	[sflag:s0] =	ssyncadd.s32 @!p3 $0xFFFFFF00;
	s0 =	simm.s32 @!p1 $0x1  }
0x1c8: {  	_ =	swait.ge @!p1 [sflag:s0], $0x80  }
0x1c9: {  	s29 =	simm.s32 $0x10238;
	[sflag:s0] =	ssyncset.done @!p1 $0x0  }
0x1ca: {  	s30 =	simm.s32 $0x1000;
	s31 =	simm.s32 $0x1;
	[sflag:s0] =	ssyncadd.s32 @!p1 $0xFFFFFF80  }
0x1cb: {  	[spmem:s30] =	stream.linear.scatter [tilespmem:s29], [sflag:$0x1], $0x10, $0x38;
	[tilespmem:$0x1F6F8] =	vst v63  }
0x1cc: {  	_ =	swait.ge [sflag:s31], $0x10  }
0x1cd: {  	[sflag:s31] =	ssyncset.done $0x0  }
0x1ce: {  	p1 =	seq.s32 s15, $0x0;
	s8 =	rddreg [dreg:$0x1];
	[sflag:s31] =	ssyncadd.s32 $0xFFFFFFF0  }
0x1cf: {  	s2 =	sshll.u32 @p1 s8, $0xE;
	s7 =	rddreg [dreg:$0x2]  }
0x1d0: {  	s0 =	sadd.s32 @p1 $0x15C3C, s2;
	s2 =	sshll.u32 @p1 s7, $0x11  }
0x1d1: {  	_ =	sfence.stream.spmem;
	s0 =	sor.u32 @p1 s2, s0  }
0x1d2: {  	[sflag:s0] =	ssyncadd.remote.s32 @p1 $0x1;
	s0 =	simm.s32 @p1 $0x4  }
0x1d3: {  	s3 =	simm.s32 @!p1 $0x3C;
	s2 =	sand.u32 $0xFFFFFFFE, s8;
	_ =	swait.ge @p1 [sflag:s0], $0x22  }
0x1d4: {  	s4 =	simm.s32 @!p1 $0x0;
	s2 =	sadd.s32 @!p1 $0x4, s2;
	[sflag:s0] =	ssyncset.done @p1 $0x0  }
0x1d5: {  	s5 =	simm.s32 @!p1 $0x100;
	[sflag:s0] =	ssyncadd.s32 @p1 $0xFFFFFFDE;
	s0 =	sshll.u32 @!p1 s2, $0x1A  }
0x1d6: {  	s2 =	sshll.u32 @!p1 s2, $0xD;
	s0 =	sor.u32 @!p1 s0, s7;
	_ =	swait.eq @!p1 [sflag:s3], $0x1  }
0x1d7: {  	s2 =	sor.u32 @!p1 $0x1C04, s2;
	s3 =	simm.s32 @!p1 $0x1C03;
	s0 =	sor.u32 @!p1 $0x80004000, s0  }
0x1d8: {  	[spmem:s5], [sflag:s2] =	dma.general @!p1 [spmem:s4], [sflag:s3], length:$0x20, [dreg:$0x0], stride_count:$0x0, ici_dest:s0, dma_misc:DstOpCode:WRITE  }
0x1d9: {  	p2 =	slt.s32 s9, $0x2;
	s4 =	simm.s32 @!p1 $0x200;
	s5 =	simm.s32 @!p1 $0x202  }
0x1da: {  	[spmem:s5], [sflag:s2] =	dma.general @!p1 [spmem:s4], [sflag:s3], length:$0x2, [dreg:$0x0], stride_count:$0x0, ici_dest:s0, dma_misc:DstOpCode:WRITE  }
.Ltmp27:
0x1db: {  	s0 =	simm.s32 @!p1 $0x3;
	(pc) =	sbr.rel @p2 .LBB2_38-.Ltmp27, $4  }
0x1dc: {  	s2 =	sshll.u32 @!p1 s8, $0xE;
	_ =	swait.ge @!p1 [sflag:s0], $0x22  }
0x1dd: {  	s3 =	sshll.u32 @!p1 s7, $0x11;
	s2 =	sadd.s32 @!p1 $0x11C3C, s2;
	[sflag:s0] =	ssyncset.done @!p1 $0x0  }
0x1de: {  	[sflag:s0] =	ssyncadd.s32 @!p1 $0xFFFFFFDE;
	s0 =	sor.u32 @!p1 s3, s2  }
0x1df: {  	[sflag:s0] =	ssyncadd.remote.s32 @!p1 $0xFFFFFFFF;
	s0 =	simm.s32 $0x0  }
0x1e0: {  	s0 =	simm.s32 $0xF219  }
0x1e1: {  	v0 =	vld.msk [tilespmem:s0+$0x0], $0x1;
	_ =	sdelay $0x4  }
0x1e2: {  	(v2sf) =	vpush v0, $0x0;
	_ =	sdelay $0xb  }
0x1e3: {  	s31 =	sadd.s32 $0xFFFFFFFE, s6  }
0x1e4: {  	s0 =	sadd.s32 $0xFFFFFFFF, s31  }
0x1e5: {  	p2 =	sne.s32 s0, $0x0  }
.Ltmp28:
0x1e6: {  	s2 =	spop (v2sf);
	(pc) =	sbr.rel @!p2 .LBB2_37-.Ltmp28, $4  }
0x1e7: {  	s4 =	simm.s32 $0xF2B8;
	s7 =	simm.s32 $0x0;
	p1 =	sgt.u32 s2, $0x27FF0  }
0x1e8: {  	s5 =	simm.s32 $0x0;
	s6 =	simm.s32 $0xF21A;
	s3 =	sand.u32 @!p1 $0x3FFF8, s2  }
0x1e9: {  	s2 =	sand.u32 @!p1 $0x7, s2;
	s7 =	simm.s32 @!p1 $0x200;
	s3 =	sadd.s32 @!p1 s1, s3  }
0x1ea: {  	[hbm4b:s3+s2] =	stream.linear.scatter @!p1 [tilespmem:s4], [sflag:$0x5], $0x80, $0x38;
	[tilespmem:$0x1F6F8] =	vst v63  }
.LBB2_36:
0x1eb: {  	v0 =	vld.msk [tilespmem:s6+$0x0], $0x1;
	s0 =	sadd.s32 $0xFFFFFFFF, s0;
	s5 =	sadd.s32 s5, s7  }
0x1ec: {  	p1 =	sne.s32 s0, $0x0;
	_ =	sdelay $0x3  }
0x1ed: {  	(v2sf) =	vpush v0, $0x0;
	_ =	sdelay $0xe  }
.Ltmp29:
0x1ee: {  	s2 =	spop (v2sf);
	(pc) =	sbr.rel @p1 .LBB2_36-.Ltmp29, $4  }
0x1ef: {  	s7 =	simm.s32 $0x0;
	p2 =	sgt.u32 s2, $0x27FF0  }
0x1f0: {  	s4 =	sadd.s32 $0x80, s4;
	s7 =	simm.s32 @!p2 $0x200;
	s3 =	sand.u32 @!p2 $0x3FFF8, s2  }
0x1f1: {  	s6 =	sadd.s32 $0x1, s6;
	s2 =	sand.u32 @!p2 $0x7, s2;
	s3 =	sadd.s32 @!p2 s1, s3  }
0x1f2: {  	[hbm4b:s3+s2] =	stream.linear.scatter @!p2 [tilespmem:s4], [sflag:$0x5], $0x80, $0x38;
	[tilespmem:$0x1F6F8] =	vst v63  }
.LBB2_37:
0x1f3: {  	s0 =	sadd.s32 s5, s7  }
0x1f4: {  	s0 =	sshrl.u32 s0, $0x2  }
.LBB2_38:
0x1f5: {  	s2 =	simm.s32 $0x5  }
0x1f6: {  	_ =	swait.ge [sflag:s2], s0  }
0x1f7: {  	s31 =	ssub.s32 $0x0, s0;
	[sflag:s2] =	ssyncset.done $0x0  }
0x1f8: {  	[sflag:s2] =	ssyncadd.s32 s31  }
0x1f9: {  	[sflag:s2] =	ssyncpa.u1 $0x1  }
.LBB2_39:
0x1fa: {  	s0 =	sor.u32 s15, s16  }
0x1fb: {  	p1 =	sne.s32 s0, $0x0  }
.Ltmp30:
0x1fc: {  	_ = 	snop;
	(pc) =	sbr.rel @p1 .LBB2_54-.Ltmp30, $3  }
0x1fd: {  	_ =	sdelay $0x1  }
0x1fe: {  	[bflag:$0x0] =	sbarrier.arrive $0xFFFF  }
0x1ff: {  	_ =	sfence  }
0x200: {  	s0 =	simm.s32 $0x7  }
0x201: {  	s2 =	simm.s32 $0x1000;
	s3 =	simm.s32 $0xF218;
	[sflag:s0] =	ssyncpa.u1 $0x0  }
0x202: {  	[tilespmem:s3], [sflag:$0x7] =	stream.linear.gather [spmem:s2], $0x20, $0x38;
	[tilespmem:$0x1F6F8] =	vst v63  }
0x203: {  	s30 =	simm.s32 $0xF238;
	s2 =	simm.s32 $0x0  }
0x204: {  	[tilespmem:s30], [sflag:$0x7] =	stream.linear.gather [spmem:s2], $0x1000, $0x38;
	[tilespmem:$0x1F6F8] =	vst v63  }
.Ltmp31:
0x205: {  	_ = 	snop;
	(pc) =	sbr.rel .LBB2_41-.Ltmp31, $4  }
0x206: {  	_ =	swait.ge [sflag:s0], $0x1020  }
0x207: {  	[sflag:s0] =	ssyncset.done $0x0  }
0x208: {  	s31 =	simm.s32 $0x8;
	[sflag:s0] =	ssyncadd.s32 $0xFFFFEFE0  }
0x209: {  	s3 =	simm.s32 $0x0;
	[sflag:s31] =	ssyncpa.u1 $0x0  }
.LBB2_47:
0x20a: {  	p1 =	slt.u32 s4, $0x27FF1  }
0x20b: {  	s0 =	sand.u32 @p1 $0x3FFF8, s4  }
0x20c: {  	s4 =	sand.u32 @p1 $0x7, s4;
	s5 =	simm.s32 @p1 $0xF188;
	s0 =	sadd.s32 @p1 s1, s0  }
0x20d: {  	[tilespmem:s5], [sflag:$0x8] =	stream.linear.gather @p1 [hbm4b:s0+s4], $0x80, $0x38;
	[tilespmem:$0x1F6F8] =	vst v63  }
0x20e: {  	s0 =	simm.s32 @p1 $0x8  }
0x20f: {  	_ =	swait.ge @p1 [sflag:s0], $0x80  }
0x210: {  	[sflag:s0] =	ssyncset.done @p1 $0x0  }
0x211: {  	[sflag:s0] =	ssyncadd.s32 @p1 $0xFFFFFF80  }
0x212: {  	v1 =	vld @p1 [tilespmem:$0xF188];
	_ =	sdelay $0x2  }
0x213: {  	s0 =	sshll.u32 @p1 s3, $0x9  }
0x214: {  	s4 =	sshrl.u32 @p1 s0, $0x2  }
0x215: {  	[tilespmem:s4+$0xF238] =	vst.add.f32.msk @p1 $0xffff, v1  }
0x216: {  	v1 =	vld @p1 [tilespmem:$0xF198];
	_ =	sdelay $0x4  }
0x217: {  	[tilespmem:s4+$0xF248] =	vst.add.f32.msk @p1 $0xffff, v1  }
0x218: {  	v1 =	vld @p1 [tilespmem:$0xF1A8];
	_ =	sdelay $0x4  }
0x219: {  	[tilespmem:s4+$0xF258] =	vst.add.f32.msk @p1 $0xffff, v1  }
0x21a: {  	v1 =	vld @p1 [tilespmem:$0xF1B8];
	_ =	sdelay $0x4  }
0x21b: {  	[tilespmem:s4+$0xF268] =	vst.add.f32.msk @p1 $0xffff, v1  }
0x21c: {  	v1 =	vld @p1 [tilespmem:$0xF1C8];
	_ =	sdelay $0x4  }
0x21d: {  	[tilespmem:s4+$0xF278] =	vst.add.f32.msk @p1 $0xffff, v1  }
0x21e: {  	v1 =	vld @p1 [tilespmem:$0xF1D8];
	_ =	sdelay $0x4  }
0x21f: {  	[tilespmem:s4+$0xF288] =	vst.add.f32.msk @p1 $0xffff, v1  }
0x220: {  	v1 =	vld @p1 [tilespmem:$0xF1E8];
	_ =	sdelay $0x4  }
0x221: {  	[tilespmem:s4+$0xF298] =	vst.add.f32.msk @p1 $0xffff, v1  }
0x222: {  	v1 =	vld @p1 [tilespmem:$0xF1F8];
	_ =	sdelay $0x3  }
0x223: {  	s5 =	sshll.u32 @!p1 s3, $0x9  }
0x224: {  	s5 =	smov.u32 @p1 s0;
	[tilespmem:s4+$0xF2A8] =	vst.add.f32.msk @p1 $0xffff, v1  }
0x225: {  	s0 =	sshrl.u32 s5, $0x2;
	[tilespmem:s2+$0xF218] =	vst.msk $0x1, v0  }
0x226: {  	v0 =	vld [tilespmem:s0+$0xF238];
	_ =	sdelay $0x2  }
0x227: {  	s31 =	sshll.u32 s2, $0x9  }
0x228: {  	s4 =	sshra.s32 s31, $0x2  }
0x229: {  	[tilespmem:s4+$0xF238] =	vst v0  }
0x22a: {  	v0 =	vld [tilespmem:s0+$0xF248];
	_ =	sdelay $0x4  }
0x22b: {  	[tilespmem:s4+$0xF248] =	vst v0  }
0x22c: {  	v0 =	vld [tilespmem:s0+$0xF258];
	_ =	sdelay $0x4  }
0x22d: {  	[tilespmem:s4+$0xF258] =	vst v0  }
0x22e: {  	v0 =	vld [tilespmem:s0+$0xF268];
	_ =	sdelay $0x4  }
0x22f: {  	[tilespmem:s4+$0xF268] =	vst v0  }
0x230: {  	v0 =	vld [tilespmem:s0+$0xF278];
	_ =	sdelay $0x4  }
0x231: {  	[tilespmem:s4+$0xF278] =	vst v0  }
0x232: {  	v0 =	vld [tilespmem:s0+$0xF288];
	_ =	sdelay $0x4  }
0x233: {  	[tilespmem:s4+$0xF288] =	vst v0  }
0x234: {  	v0 =	vld [tilespmem:s0+$0xF298];
	_ =	sdelay $0x4  }
0x235: {  	[tilespmem:s4+$0xF298] =	vst v0  }
0x236: {  	v0 =	vld [tilespmem:s0+$0xF2A8];
	_ =	sdelay $0x4  }
0x237: {  	s2 =	sadd.s32 $0x1, s2;
	[tilespmem:s4+$0xF2A8] =	vst v0  }
.LBB2_48:
0x238: {  	s3 =	sadd.s32 $0x1, s3  }
0x239: {  	p1 =	sne.s32 s3, $0x20  }
.Ltmp32:
0x23a: {  	_ = 	snop;
	(pc) =	sbr.rel @!p1 .LBB2_49-.Ltmp32, $1  }
0x23b: {  	_ =	sdelay $0x3  }
.LBB2_41:
0x23c: {  	v0 =	vld.msk [tilespmem:s3+$0xF218], $0x1;
	_ =	sdelay $0x4  }
0x23d: {  	(v2sf) =	vpush v0, $0x0;
	_ =	sdelay $0xe  }
0x23e: {  	s4 =	spop (v2sf)  }
0x23f: {  	p1 =	seq.s32 s4, $0xFFFFFFFF  }
.Ltmp33:
0x240: {  	_ = 	snop;
	(pc) =	sbr.rel @p1 .LBB2_48-.Ltmp33, $1  }
0x241: {  	_ =	sdelay $0x3  }
0x242: {  	p1 =	slt.s32 s2, $0x1  }
.Ltmp34:
0x243: {  	_ = 	snop;
	(pc) =	sbr.rel @p1 .LBB2_47-.Ltmp34, $1  }
0x244: {  	_ =	sdelay $0x3  }
0x245: {  	s5 =	simm.s32 $0xF218;
	p1 =	por $0x0, $0x0  }
0x246: {  	v1 =	vld.msk @!p1 [tilespmem:s5+$0x0], $0x1;
	_ =	sdelay $0x4  }
0x247: {  	(v2sf) =	vpush @!p1 v1, $0x0;
	_ =	sdelay $0xd  }
0x248: {  	p3 =	sne.s32 s2, $0x1  }
.Ltmp35:
0x249: {  	s0 =	spop @!p1 (v2sf);
	(pc) =	sbr.rel @!p3 .LBB2_45-.Ltmp35, $4  }
0x24a: {  	p2 =	seq.s32 @!p1 s4, s0  }
0x24b: {  	s6 =	simm.s32 $0x0;
	p2 =	por !p2, p1  }
0x24c: {  	s7 =	simm.s32 $0xFFFFFFFF;
	s6 =	simm.s32 @p2 $0xFFFFFFFF  }
0x24d: {  	s0 =	simm.s32 $0x1;
	s6 =	smov.u32 @p1 s7  }
.LBB2_44:
0x24e: {  	s7 =	smov.u32 s6;
	p1 =	sne.s32 s6, $0xFFFFFFFF  }
0x24f: {  	s5 =	sadd.s32 $0x1, s5;
	s6 =	smov.u32 s0;
	s0 =	sadd.s32 $0x1, s0  }
0x250: {  	p2 =	sne.s32 s2, s0;
	v1 =	vld.msk @!p1 [tilespmem:s5+$0x0], $0x1;
	_ =	sdelay $0x4  }
0x251: {  	(v2sf) =	vpush @!p1 v1, $0x0;
	_ =	sdelay $0xe  }
.Ltmp36:
0x252: {  	s8 =	spop @!p1 (v2sf);
	(pc) =	sbr.rel @p2 .LBB2_44-.Ltmp36, $4  }
0x253: {  	p3 =	seq.s32 @!p1 s4, s8  }
0x254: {  	p3 =	por !p3, p1  }
0x255: {  	s6 =	simm.s32 @p3 $0xFFFFFFFF  }
0x256: {  	s6 =	smov.u32 @p1 s7  }
.LBB2_45:
0x257: {  	p1 =	seq.s32 s6, $0xFFFFFFFF  }
.Ltmp37:
0x258: {  	_ = 	snop;
	(pc) =	sbr.rel @p1 .LBB2_47-.Ltmp37, $1  }
0x259: {  	_ =	sdelay $0x3  }
0x25a: {  	s0 =	sshll.u32 s3, $0x7  }
0x25b: {  	s0 =	sand.u32 $0x3FFFFF80, s0  }
0x25c: {  	v0 =	vld [tilespmem:s0+$0xF238];
	_ =	sdelay $0x2  }
0x25d: {  	s4 =	sshll.u32 s6, $0x9  }
0x25e: {  	s4 =	sshra.s32 s4, $0x2  }
0x25f: {  	[tilespmem:s4+$0xF238] =	vst.add.f32.msk $0xffff, v0  }
0x260: {  	v0 =	vld [tilespmem:s0+$0xF248];
	_ =	sdelay $0x4  }
0x261: {  	[tilespmem:s4+$0xF248] =	vst.add.f32.msk $0xffff, v0  }
0x262: {  	v0 =	vld [tilespmem:s0+$0xF258];
	_ =	sdelay $0x4  }
0x263: {  	[tilespmem:s4+$0xF258] =	vst.add.f32.msk $0xffff, v0  }
0x264: {  	v0 =	vld [tilespmem:s0+$0xF268];
	_ =	sdelay $0x4  }
0x265: {  	[tilespmem:s4+$0xF268] =	vst.add.f32.msk $0xffff, v0  }
0x266: {  	v0 =	vld [tilespmem:s0+$0xF278];
	_ =	sdelay $0x4  }
0x267: {  	[tilespmem:s4+$0xF278] =	vst.add.f32.msk $0xffff, v0  }
0x268: {  	v0 =	vld [tilespmem:s0+$0xF288];
	_ =	sdelay $0x4  }
0x269: {  	[tilespmem:s4+$0xF288] =	vst.add.f32.msk $0xffff, v0  }
0x26a: {  	v0 =	vld [tilespmem:s0+$0xF298];
	_ =	sdelay $0x4  }
0x26b: {  	[tilespmem:s4+$0xF298] =	vst.add.f32.msk $0xffff, v0  }
0x26c: {  	v0 =	vld [tilespmem:s0+$0xF2A8]  }
.Ltmp38:
0x26d: {  	_ = 	snop;
	(pc) =	sbr.rel .LBB2_48-.Ltmp38, $2  }
0x26e: {  	_ =	sdelay $0x2  }
0x26f: {  	[tilespmem:s4+$0xF2A8] =	vst.add.f32.msk $0xffff, v0  }
.LBB2_49:
0x270: {  	p1 =	slt.s32 s2, $0x1  }
.Ltmp39:
0x271: {  	_ = 	snop;
	(pc) =	sbr.rel @p1 .LBB2_53-.Ltmp39, $3  }
0x272: {  	_ =	sdelay $0x1  }
0x273: {  	s0 =	simm.s32 $0x8  }
0x274: {  	s3 =	simm.s32 $0x0;
	[sflag:s0] =	ssyncpa.u1 $0x1  }
0x275: {  	s0 =	simm.s32 $0xF218  }
0x276: {  	v0 =	vld.msk [tilespmem:s0+$0x0], $0x1;
	_ =	sdelay $0x4  }
0x277: {  	(v2sf) =	vpush v0, $0x0;
	_ =	sdelay $0xe  }
0x278: {  	s0 =	sadd.s32 $0xFFFFFFFF, s2;
	s5 =	spop (v2sf)  }
0x279: {  	p2 =	sne.s32 s0, $0x0;
	p1 =	sgt.u32 s5, $0x27FF0  }
.Ltmp40:
0x27a: {  	s6 =	sand.u32 @!p1 $0x3FFF8, s5;
	(pc) =	sbr.rel @!p2 .LBB2_52-.Ltmp40, $4  }
0x27b: {  	s4 =	simm.s32 $0xF238;
	s5 =	sand.u32 @!p1 $0x7, s5;
	s2 =	sadd.s32 @!p1 s1, s6  }
0x27c: {  	[hbm4b:s2+s5] =	stream.linear.scatter @!p1 [tilespmem:s4], [sflag:$0x7], $0x80, $0x38;
	[tilespmem:$0x1F6F8] =	vst v63  }
0x27d: {  	s5 =	simm.s32 $0x0  }
0x27e: {  	s2 =	simm.s32 $0xF219;
	s5 =	simm.s32 @!p1 $0x200  }
.LBB2_51:
0x27f: {  	v0 =	vld.msk [tilespmem:s2+$0x0], $0x1;
	s0 =	sadd.s32 $0xFFFFFFFF, s0;
	s3 =	sadd.s32 s3, s5  }
0x280: {  	p1 =	sne.s32 s0, $0x0;
	_ =	sdelay $0x3  }
0x281: {  	(v2sf) =	vpush v0, $0x0;
	_ =	sdelay $0xe  }
.Ltmp41:
0x282: {  	s6 =	spop (v2sf);
	(pc) =	sbr.rel @p1 .LBB2_51-.Ltmp41, $4  }
0x283: {  	s5 =	simm.s32 $0x0;
	p2 =	sgt.u32 s6, $0x27FF0  }
0x284: {  	s4 =	sadd.s32 $0x80, s4;
	s5 =	simm.s32 @!p2 $0x200;
	s7 =	sand.u32 @!p2 $0x3FFF8, s6  }
0x285: {  	s2 =	sadd.s32 $0x1, s2;
	s6 =	sand.u32 @!p2 $0x7, s6;
	s7 =	sadd.s32 @!p2 s1, s7  }
0x286: {  	[hbm4b:s7+s6] =	stream.linear.scatter @!p2 [tilespmem:s4], [sflag:$0x7], $0x80, $0x38;
	[tilespmem:$0x1F6F8] =	vst v63  }
.LBB2_52:
0x287: {  	s0 =	sadd.s32 s3, s5  }
0x288: {  	s3 =	sshrl.u32 s0, $0x2  }
.LBB2_53:
0x289: {  	s0 =	simm.s32 $0x7  }
0x28a: {  	_ =	swait.ge [sflag:s0], s3  }
0x28b: {  	s1 =	ssub.s32 $0x0, s3;
	[sflag:s0] =	ssyncset.done $0x0  }
0x28c: {  	[sflag:s0] =	ssyncadd.s32 s1  }
0x28d: {  	[sflag:s0] =	ssyncpa.u1 $0x1  }
.LBB2_54:
0x28e: {  	_ =	sfence;
	s0 =	simm.s32 $0x1  }
0x28f: {  	[sflag:s0] =	ssyncpa.u1 $0x1  }
0x290: {  	_ =	strace $0x90000053  }
0x291: {  	[bflag:$0x2] =	sbarrier.arrive $0xFFFF  }
0x292: {  	s0 =	rddreg [dreg:$0x3]  }
0x293: {  	s0 =	sadd.s32 @!p0 $0x100000, s0  }
0x294: {  	[sflag:s0] =	ssyncadd.tile.s32 @!p0 $0x1;
	_ =	shalt  }
.Lfunc_end2:
_tile_overlayer_lowered:
.L_overlay_start_2:
0x295: {  	(tag) =	ssettag $0x2  }
0x296: {  	s0 =	rddreg [dreg:$0x0];
	s2 =	stileid.u32  }
0x297: {  	s1 =	rddreg [dreg:$0x1];
	p0 =	sne.s32 s2, $0x0  }
0x298: {  	s3 =	rddreg [dreg:$0x2];
	[bflag:$0x3] =	sbarrier.arrive $0xFFFF;
	s2 =	simm.s32 @!p0 $0x1C01  }
0x299: {  	[timem:s3], [sflag:s2] =	dma.local @!p0 [hbm:s0], s1  }
0x29a: {  	s0 =	simm.s32 @!p0 $0x1  }
0x29b: {  	_ =	swait.ge @!p0 [sflag:s0], s1  }
0x29c: {  	s1 =	ssub.s32 @!p0 $0x0, s1;
	[sflag:s0] =	ssyncset.done @!p0 $0x0  }
0x29d: {  	[sflag:s0] =	ssyncadd.s32 @!p0 s1  }
0x29e: {  	[bflag:$0x3] =	sbarrier.arrive $0xFFFF  }
0x29f: {  	_ =	shalt  }

// kernel: scatter_offload_async_start
scs
__scs_entry_jumppad:
0x0: {  	(pc) =	sbr.rel $0x88, $3  }
0x1: {  	(tag) =	ssettag $0x0;
	lr =	simm.s32 $0x1  }
0x2: {  	[smem:$0x3F8E] =	sst lr;
	_ =	strace $0xD0000000  }
0x3: {  	_ = 	snop  }
0x4: {  	_ = 	snop  }
0x5: {  	_ = 	snop  }
0x6: {  	_ = 	snop  }
0x7: {  	_ = 	snop  }
__scs_overlays_trampoline_lowered:
0x8: {  	[smem:$0x3F9D] =	sst s0  }
0x9: {  	[smem:$0x3F9E] =	sst s1  }
0xa: {  	[smem:$0x3F9F] =	sst s2  }
0xb: {  	[smem:$0x3FA0] =	sst s3  }
0xc: {  	[smem:$0x3FA1] =	sst s4  }
0xd: {  	[smem:$0x3FA2] =	sst s5  }
0xe: {  	[smem:$0x3FA3] =	sst s6  }
0xf: {  	[smem:$0x3FA4] =	sst s7  }
0x10: {  	[smem:$0x3FA5] =	sst s8  }
0x11: {  	[smem:$0x3FA6] =	sst s9;
	s0 =	simm.s32 @!p0 $0x0  }
0x12: {  	s1 =	sld [smem:$0x3F8C];
	s0 =	simm.s32 @p0 $0x1  }
0x13: {  	[smem:$0x3FA7] =	sst s0;
	s0 =	simm.s32 @!p1 $0x0  }
0x14: {  	s2 =	sld [smem:$0x3F8B];
	s0 =	simm.s32 @p1 $0x1  }
0x15: {  	[smem:$0x3FA8] =	sst s0;
	s0 =	simm.s32 @!p2 $0x0  }
0x16: {  	s3 =	sld [smem:$0x3FDB];
	s0 =	simm.s32 @p2 $0x1  }
0x17: {  	s4 =	simm.s32 $0x1BF5;
	[smem:$0x3FAA] =	sst s0  }
0x18: {  	s0 =	sld [smem:$0x3F8D];
	_ =	swait.ge [sflag:s4], $0x0  }
0x19: {  	s7 =	sld [smem:$0x3F8E]  }
0x1a: {  	s8 =	sadd.s32 $0xFFFFE003, lr  }
0x1b: {  	s9 =	sadd.s32 $0xFFFFFEF7, lr;
	s5 =	simm.s32 $0xFFFFFFFF;
	p2 =	slt.u32 s8, $0xFFFFF086  }
0x1c: {  	p1 =	slt.u32 s9, $0xF7A;
	s5 =	simm.s32 @!p2 $0x0  }
0x1d: {  	s5 =	simm.s32 @p1 $0x1;
	p0 =	seq.s32 s7, s2  }
0x1e: {  	s7 =	smul.u32 @!p0 $0xF7A, s2;
	p2 =	seq.s32 @!p0 s5, $0x0  }
0x1f: {  	s9 =	smul.u32 $0xF7A, s1;
	s8 =	simm.s32 @!p0 $0x1BF5;
	p2 =	por !p2, p0  }
0x20: {  	[sflag:s8] =	ssyncset.s32 @!p0 $0xFFFFF086;
	s6 =	sadd.s32 @!p0 s3, s7;
	s7 =	simm.s32 @!p0 $0x108  }
0x21: {  	s3 =	sadd.s32 s3, s9;
	s6 =	sadd.s32 @!p0 $0x88, s6;
	s7 =	simm.s32 @p2 $0x1082  }
0x22: {  	[simem:s7], [sflag:s8] =	dma.local @!p0 [hbm:s6], $0xF7A  }
0x23: {  	s9 =	sor.u32 $0xD0000000, s2;
	s6 =	simm.s32 $0x108;
	_ =	swait.ge @!p0 [sflag:s8], $0x0  }
0x24: {  	s3 =	sadd.s32 $0x88, s3;
	s6 =	simm.s32 @!p1 $0x1082;
	[sflag:s4] =	ssyncset.s32 $0xFFFFF086  }
0x25: {  	[simem:s6], [sflag:s4] =	dma.local [hbm:s3], $0xF7A  }
0x26: {  	[smem:$0x3F8E] =	sst s1;
	(tag) =	ssettag s2;
	_ =	strace s9  }
0x27: {  	s1 =	sld [smem:$0x3F9E]  }
0x28: {  	s2 =	sld [smem:$0x3F9F]  }
0x29: {  	s4 =	sld [smem:$0x3FA1]  }
0x2a: {  	p0 =	seq.s32 s5, $0x0;
	s5 =	sld [smem:$0x3FA2]  }
0x2b: {  	s6 =	sld [smem:$0x3FA3]  }
0x2c: {  	s7 =	sld [smem:$0x3FA4]  }
0x2d: {  	s3 =	simm.s32 $0x108;
	s8 =	sld [smem:$0x3FA5]  }
0x2e: {  	s3 =	simm.s32 @!p0 $0x1082;
	s9 =	sld [smem:$0x3FA6]  }
0x2f: {  	lr =	sadd.s32 s0, s3;
	s0 =	sld [smem:$0x3F9D]  }
0x30: {  	s3 =	sld [smem:$0x3FA0]  }
0x31: {  	[smem:$0x3FA9] =	sst s10  }
0x32: {  	s10 =	sld [smem:$0x3FA7];
	_ =	sdelay $0x3  }
0x33: {  	p0 =	seq.s32 s10, $0x1;
	s10 =	sld [smem:$0x3FA9];
	_ =	sdelay $0x3  }
0x34: {  	[smem:$0x3FA9] =	sst s10  }
0x35: {  	s10 =	sld [smem:$0x3FA8];
	_ =	sdelay $0x3  }
0x36: {  	p1 =	seq.s32 s10, $0x1;
	s10 =	sld [smem:$0x3FA9];
	_ =	sdelay $0x3  }
0x37: {  	[smem:$0x3FA9] =	sst s10  }
0x38: {  	s10 =	sld [smem:$0x3FAA]  }
0x39: {  	_ = 	snop;
	(pc) =	sbr.ind lr, $3  }
0x3a: {  	_ = 	snop  }
0x3b: {  	_ = 	snop  }
0x3c: {  	p2 =	seq.s32 s10, $0x1;
	s10 =	sld [smem:$0x3FA9]  }
0x3d: {  	_ =	shalt  }
0x3e: {  	_ =	shalt  }
0x3f: {  	_ =	shalt  }
0x40: {  	_ =	shalt  }
0x41: {  	_ =	shalt  }
0x42: {  	_ =	shalt  }
0x43: {  	_ =	shalt  }
0x44: {  	_ =	shalt  }
0x45: {  	_ =	shalt  }
0x46: {  	_ =	shalt  }
0x47: {  	_ =	shalt  }
0x48: {  	_ =	shalt  }
0x49: {  	_ =	shalt  }
0x4a: {  	_ =	shalt  }
0x4b: {  	_ =	shalt  }
0x4c: {  	_ =	shalt  }
0x4d: {  	_ =	shalt  }
0x4e: {  	_ =	shalt  }
0x4f: {  	_ =	shalt  }
0x50: {  	_ =	shalt  }
0x51: {  	_ =	shalt  }
0x52: {  	_ =	shalt  }
0x53: {  	_ =	shalt  }
0x54: {  	_ =	shalt  }
0x55: {  	_ =	shalt  }
0x56: {  	_ =	shalt  }
0x57: {  	_ =	shalt  }
0x58: {  	_ =	shalt  }
0x59: {  	_ =	shalt  }
0x5a: {  	_ =	shalt  }
0x5b: {  	_ =	shalt  }
0x5c: {  	_ =	shalt  }
0x5d: {  	_ =	shalt  }
0x5e: {  	_ =	shalt  }
0x5f: {  	_ =	shalt  }
0x60: {  	_ =	shalt  }
0x61: {  	_ =	shalt  }
0x62: {  	_ =	shalt  }
0x63: {  	_ =	shalt  }
0x64: {  	_ =	shalt  }
0x65: {  	_ =	shalt  }
0x66: {  	_ =	shalt  }
0x67: {  	_ =	shalt  }
0x68: {  	_ =	shalt  }
0x69: {  	_ =	shalt  }
0x6a: {  	_ =	shalt  }
0x6b: {  	_ =	shalt  }
0x6c: {  	_ =	shalt  }
0x6d: {  	_ =	shalt  }
0x6e: {  	_ =	shalt  }
0x6f: {  	_ =	shalt  }
0x70: {  	_ =	shalt  }
0x71: {  	_ =	shalt  }
0x72: {  	_ =	shalt  }
0x73: {  	_ =	shalt  }
0x74: {  	_ =	shalt  }
0x75: {  	_ =	shalt  }
0x76: {  	_ =	shalt  }
0x77: {  	_ =	shalt  }
0x78: {  	_ =	shalt  }
0x79: {  	_ =	shalt  }
0x7a: {  	_ =	shalt  }
0x7b: {  	_ =	shalt  }
0x7c: {  	_ =	shalt  }
0x7d: {  	_ =	shalt  }
0x7e: {  	_ =	shalt  }
0x7f: {  	_ =	shalt  }
0x80: {  	_ =	shalt  }
0x81: {  	_ =	shalt  }
0x82: {  	_ =	shalt  }
0x83: {  	_ =	shalt  }
0x84: {  	_ =	shalt  }
0x85: {  	_ =	shalt  }
0x86: {  	_ =	shalt  }
0x87: {  	_ =	shalt  }
.Lfunc_end0:
.L_simem_size_0:
called_computation_lowered:
.L_overlay_start_0:
0x88: {  	s2 =	sld [smem:$0x3FD9]  }
0x89: {  	s3 =	sld [smem:$0x3FFE];
	_ =	sdelay $0x1  }
0x8a: {  	s1 =	srdreg.scid  }
0x8b: {  	s0 =	sand.u32 $0x1, s1  }
0x8c: {  	s15 =	sshll.u32 s0, $0xA;
	s2 =	sadd.s32 s3, s2  }
0x8d: {  	s2 =	sadd.s32 s2, s15  }
0x8e: {  	[smem:$0x3FB5] =	sst s2  }
0x8f: {  	_ = 	snop  }
0x90: {  	(tm) =	ssettm $0x1  }
0x91: {  	s16 =	sld [smem:$0x3FFB];
	_ =	sdelay $0x3  }
0x92: {  	_ =	strace s16  }
0x93: {  	s2 =	sld [smem:$0x3FFC];
	_ =	sdelay $0x3  }
0x94: {  	_ =	strace s2  }
0x95: {  	s2 =	sld [smem:$0x3FFD];
	_ =	sdelay $0x3  }
0x96: {  	_ =	strace s2  }
0x97: {  	_ =	strace $0x8FFFFFFF  }
0x98: {  	s17 =	sld [smem:$0x3FDB];
	_ =	sdelay $0x1  }
0x99: {  	s18 =	simm.s32 $_scs_section_size  }
0x9a: {  	s4 =	simm.s32 $_size__tile_overlayer_lowered;
	s5 =	simm.s32 $_tile_overlayer_lowered  }
0x9b: {  	s21 =	simm.s32 $0x1BFF;
	s20 =	sshll.u32 s5, $0x1;
	s2 =	sadd.s32 s18, s17  }
0x9c: {  	s6 =	simm.s32 $0x0;
	s19 =	sshll.u32 s4, $0x1;
	s4 =	sadd.s32 s20, s2  }
0x9d: {  	[timem:s6], [sflag:s21] =	dma.local [hbm:s4], s19  }
0x9e: {  	_ =	swait.ge [sflag:s21], s19  }
0x9f: {  	s3 =	ssub.s32 $0x0, s19;
	[sflag:s21] =	ssyncset.done $0x0  }
0xa0: {  	[sflag:s21] =	ssyncadd.s32 s3;
	_ =	sdelay $0x1  }
0xa1: {  	s22 =	simm.s32 $0x1B8B  }
0xa2: {  	_ =	swait.ge [sflag:s22], $0x1  }
0xa3: {  	[sflag:s22] =	ssyncset.done $0x0  }
0xa4: {  	s23 =	sld [smem:$0x3FFE];
	[sflag:s22] =	ssyncadd.s32 $0xFFFFFFFF  }
0xa5: {  	s25 =	simm.s32 $0x1B8E;
	s24 =	sld [smem:$0x0]  }
0xa6: {  	s26 =	simm.s32 $execute0_lowered;
	[smem:$0x3FD2] =	sst s25  }
0xa7: {  	s5 =	sshll.u32 s26, $0x1;
	_ =	strace $0x8000004C;
	[dreg:$0x1] =	wrdreg $0xFFFFFFFF  }
0xa8: {  	s28 =	simm.s32 $_size_execute0_lowered;
	s2 =	sadd.s32 s2, s5;
	[dreg:$0x0] =	wrdreg $0x0  }
0xa9: {  	s5 =	sshll.u32 s28, $0x1;
	[dreg:$0x2] =	wrdreg s2  }
0xaa: {  	[dreg:$0x3] =	wrdreg s5  }
0xab: {  	[dreg:$0x4] =	wrdreg $0xC0  }
0xac: {  	_ =	task [dreg:s6], $0x5FFFF  }
0xad: {  	[dreg:$0x1] =	wrdreg $0xFFFFFFFF  }
0xae: {  	[dreg:$0x0] =	wrdreg $0x60  }
0xaf: {  	[dreg:$0x2] =	wrdreg s23  }
0xb0: {  	[dreg:$0x3] =	wrdreg s1  }
0xb1: {  	[dreg:$0x4] =	wrdreg s24  }
0xb2: {  	[dreg:$0x5] =	wrdreg $0x9  }
0xb3: {  	_ =	task.clear_ibuf [dreg:s6], $0x6FFFF;
	_ =	strace $0x9000004C  }
0xb4: {  	s29 =	simm.s32 $0x9;
	_ =	strace $0x8000004E  }
0xb5: {  	_ =	swait.ge [sflag:s29], $0x1  }
0xb6: {  	[sflag:s29] =	ssyncadd.s32 $0xFFFFFFFF  }
0xb7: {  	_ =	strace $0x9000004E  }
0xb8: {  	_ =	sfence  }
0xb9: {  	s30 =	sld [smem:$0x0];
	_ =	sdelay $0x2  }
0xba: {  	s31 =	sshll.u32 s1, $0xD;
	s1 =	sshrl.u32 s1, $0x2  }
0xbb: {  	s3 =	sand.u32 $0x4000, s31;
	s1 =	sadd.s32 s1, s30  }
0xbc: {  	s0 =	sor.u32 s3, s0;
	s1 =	sshll.u32 s1, $0x11  }
0xbd: {  	s0 =	sor.u32 s1, s0  }
0xbe: {  	s0 =	sadd.s32 $0x8F2B, s0  }
0xbf: {  	[sflag:s0] =	ssyncadd.remote.s32 $0x1  }
0xc0: {  	_ =	sfence.sel $0xFFFF  }
0xc1: {  	[dreg:$0x0] =	wrdreg $0xFFFFFFFF;
	(pc) =	sbr.abs _section_cstart, $3  }
0xc2: {  	[dreg:$0x1] =	wrdreg $0xFFFFFFFF  }
0xc3: {  	_ =	task.clear_ibuf [dreg:s6], $0x2FFFF;
	_ =	strace $0x9FFFFFFF  }
0xc4: {  	(tm) =	ssettm $0x7FFFFFFF  }
0xc5: {  	_ =	shalt  }
tec
execute0_lowered:
.L_overlay_start_1:
0x0: {  	(tag) =	ssettag $0x1  }
0x1: {  	s7 =	rddreg [dreg:$0x0]  }
0x2: {  	s2 =	rddreg [dreg:$0x1];
	_ =	strace $0x8000004D;
	s3 =	simm.s32 $0x1  }
0x3: {  	v0 =	vimm.s32 $0x0;
	[sflag:s3] =	ssyncpa.u1 $0x0  }
0x4: {  	[tilespmem:$0x48] =	vst v0  }
0x5: {  	[tilespmem:$0x58] =	vst v0  }
0x6: {  	[tilespmem:$0x68] =	vst v0  }
0x7: {  	[tilespmem:$0x78] =	vst v0  }
0x8: {  	[tilespmem:$0x88] =	vst v0  }
0x9: {  	[tilespmem:$0x98] =	vst v0  }
0xa: {  	[tilespmem:$0xA8] =	vst v0  }
0xb: {  	[tilespmem:$0xB8] =	vst v0  }
0xc: {  	[tilespmem:$0xC8] =	vst v0  }
0xd: {  	[tilespmem:$0xD8] =	vst v0  }
0xe: {  	[tilespmem:$0xE8] =	vst v0  }
0xf: {  	[tilespmem:$0xF8] =	vst v0  }
0x10: {  	[tilespmem:$0x108] =	vst v0  }
0x11: {  	[tilespmem:$0x118] =	vst v0  }
0x12: {  	[tilespmem:$0x128] =	vst v0  }
0x13: {  	[tilespmem:$0x138] =	vst v0  }
0x14: {  	[tilespmem:$0x148] =	vst v0  }
0x15: {  	[tilespmem:$0x158] =	vst v0  }
0x16: {  	[tilespmem:$0x168] =	vst v0  }
0x17: {  	[tilespmem:$0x178] =	vst v0  }
0x18: {  	[tilespmem:$0x188] =	vst v0  }
0x19: {  	[tilespmem:$0x198] =	vst v0  }
0x1a: {  	[tilespmem:$0x1A8] =	vst v0  }
0x1b: {  	[tilespmem:$0x1B8] =	vst v0  }
0x1c: {  	[tilespmem:$0x1C8] =	vst v0  }
0x1d: {  	[tilespmem:$0x1D8] =	vst v0  }
0x1e: {  	[tilespmem:$0x1E8] =	vst v0  }
0x1f: {  	[tilespmem:$0x1F8] =	vst v0  }
0x20: {  	[tilespmem:$0x208] =	vst v0  }
0x21: {  	[tilespmem:$0x218] =	vst v0  }
0x22: {  	[tilespmem:$0x228] =	vst v0  }
0x23: {  	[tilespmem:$0x238] =	vst v0  }
0x24: {  	[tilespmem:$0x248] =	vst v0  }
0x25: {  	[tilespmem:$0x258] =	vst v0  }
0x26: {  	[tilespmem:$0x268] =	vst v0  }
0x27: {  	[tilespmem:$0x278] =	vst v0  }
0x28: {  	[tilespmem:$0x288] =	vst v0  }
0x29: {  	[tilespmem:$0x298] =	vst v0  }
0x2a: {  	[tilespmem:$0x2A8] =	vst v0  }
0x2b: {  	[tilespmem:$0x2B8] =	vst v0  }
0x2c: {  	[tilespmem:$0x2C8] =	vst v0  }
0x2d: {  	[tilespmem:$0x2D8] =	vst v0  }
0x2e: {  	[tilespmem:$0x2E8] =	vst v0  }
0x2f: {  	[tilespmem:$0x2F8] =	vst v0  }
0x30: {  	[tilespmem:$0x308] =	vst v0  }
0x31: {  	[tilespmem:$0x318] =	vst v0  }
0x32: {  	[tilespmem:$0x328] =	vst v0  }
0x33: {  	[tilespmem:$0x338] =	vst v0  }
0x34: {  	[tilespmem:$0x348] =	vst v0  }
0x35: {  	[tilespmem:$0x358] =	vst v0  }
0x36: {  	[tilespmem:$0x368] =	vst v0  }
0x37: {  	[tilespmem:$0x378] =	vst v0  }
0x38: {  	[tilespmem:$0x388] =	vst v0  }
0x39: {  	[tilespmem:$0x398] =	vst v0  }
0x3a: {  	[tilespmem:$0x3A8] =	vst v0  }
0x3b: {  	[tilespmem:$0x3B8] =	vst v0  }
0x3c: {  	[tilespmem:$0x3C8] =	vst v0  }
0x3d: {  	[tilespmem:$0x3D8] =	vst v0  }
0x3e: {  	[tilespmem:$0x3E8] =	vst v0  }
0x3f: {  	[tilespmem:$0x3F8] =	vst v0  }
0x40: {  	[tilespmem:$0x408] =	vst v0  }
0x41: {  	[tilespmem:$0x418] =	vst v0  }
0x42: {  	[tilespmem:$0x428] =	vst v0  }
0x43: {  	[tilespmem:$0x438] =	vst v0  }
0x44: {  	[tilespmem:$0x448] =	vst v0  }
0x45: {  	[tilespmem:$0x458] =	vst v0  }
0x46: {  	[tilespmem:$0x468] =	vst v0  }
0x47: {  	[tilespmem:$0x478] =	vst v0  }
0x48: {  	[tilespmem:$0x488] =	vst v0  }
0x49: {  	[tilespmem:$0x498] =	vst v0  }
0x4a: {  	[tilespmem:$0x4A8] =	vst v0  }
0x4b: {  	[tilespmem:$0x4B8] =	vst v0  }
0x4c: {  	[tilespmem:$0x4C8] =	vst v0  }
0x4d: {  	[tilespmem:$0x4D8] =	vst v0  }
0x4e: {  	[tilespmem:$0x4E8] =	vst v0  }
0x4f: {  	[tilespmem:$0x4F8] =	vst v0  }
0x50: {  	[tilespmem:$0x508] =	vst v0  }
0x51: {  	[tilespmem:$0x518] =	vst v0  }
0x52: {  	[tilespmem:$0x528] =	vst v0  }
0x53: {  	[tilespmem:$0x538] =	vst v0  }
0x54: {  	[tilespmem:$0x548] =	vst v0  }
0x55: {  	[tilespmem:$0x558] =	vst v0  }
0x56: {  	[tilespmem:$0x568] =	vst v0  }
0x57: {  	[tilespmem:$0x578] =	vst v0  }
0x58: {  	[tilespmem:$0x588] =	vst v0  }
0x59: {  	[tilespmem:$0x598] =	vst v0  }
0x5a: {  	[tilespmem:$0x5A8] =	vst v0  }
0x5b: {  	[tilespmem:$0x5B8] =	vst v0  }
0x5c: {  	[tilespmem:$0x5C8] =	vst v0  }
0x5d: {  	[tilespmem:$0x5D8] =	vst v0  }
0x5e: {  	[tilespmem:$0x5E8] =	vst v0  }
0x5f: {  	[tilespmem:$0x5F8] =	vst v0  }
0x60: {  	[tilespmem:$0x608] =	vst v0  }
0x61: {  	[tilespmem:$0x618] =	vst v0  }
0x62: {  	[tilespmem:$0x628] =	vst v0  }
0x63: {  	[tilespmem:$0x638] =	vst v0  }
0x64: {  	[tilespmem:$0x648] =	vst v0  }
0x65: {  	[tilespmem:$0x658] =	vst v0  }
0x66: {  	[tilespmem:$0x668] =	vst v0  }
0x67: {  	[tilespmem:$0x678] =	vst v0  }
0x68: {  	[tilespmem:$0x688] =	vst v0  }
0x69: {  	[tilespmem:$0x698] =	vst v0  }
0x6a: {  	[tilespmem:$0x6A8] =	vst v0  }
0x6b: {  	[tilespmem:$0x6B8] =	vst v0  }
0x6c: {  	[tilespmem:$0x6C8] =	vst v0  }
0x6d: {  	[tilespmem:$0x6D8] =	vst v0  }
0x6e: {  	[tilespmem:$0x6E8] =	vst v0  }
0x6f: {  	[tilespmem:$0x6F8] =	vst v0  }
0x70: {  	[tilespmem:$0x708] =	vst v0  }
0x71: {  	[tilespmem:$0x718] =	vst v0  }
0x72: {  	[tilespmem:$0x728] =	vst v0  }
0x73: {  	[tilespmem:$0x738] =	vst v0  }
0x74: {  	[tilespmem:$0x748] =	vst v0  }
0x75: {  	[tilespmem:$0x758] =	vst v0  }
0x76: {  	[tilespmem:$0x768] =	vst v0  }
0x77: {  	[tilespmem:$0x778] =	vst v0  }
0x78: {  	[tilespmem:$0x788] =	vst v0  }
0x79: {  	[tilespmem:$0x798] =	vst v0  }
0x7a: {  	[tilespmem:$0x7A8] =	vst v0  }
0x7b: {  	[tilespmem:$0x7B8] =	vst v0  }
0x7c: {  	[tilespmem:$0x7C8] =	vst v0  }
0x7d: {  	[tilespmem:$0x7D8] =	vst v0  }
0x7e: {  	[tilespmem:$0x7E8] =	vst v0  }
0x7f: {  	[tilespmem:$0x7F8] =	vst v0  }
0x80: {  	[tilespmem:$0x808] =	vst v0  }
0x81: {  	[tilespmem:$0x818] =	vst v0  }
0x82: {  	[tilespmem:$0x828] =	vst v0  }
0x83: {  	[tilespmem:$0x838] =	vst v0  }
0x84: {  	[tilespmem:$0x848] =	vst v0  }
0x85: {  	[tilespmem:$0x858] =	vst v0  }
0x86: {  	[tilespmem:$0x868] =	vst v0  }
0x87: {  	[tilespmem:$0x878] =	vst v0  }
0x88: {  	[tilespmem:$0x888] =	vst v0  }
0x89: {  	[tilespmem:$0x898] =	vst v0  }
0x8a: {  	[tilespmem:$0x8A8] =	vst v0  }
0x8b: {  	[tilespmem:$0x8B8] =	vst v0  }
0x8c: {  	[tilespmem:$0x8C8] =	vst v0  }
0x8d: {  	[tilespmem:$0x8D8] =	vst v0  }
0x8e: {  	[tilespmem:$0x8E8] =	vst v0  }
0x8f: {  	[tilespmem:$0x8F8] =	vst v0  }
0x90: {  	[tilespmem:$0x908] =	vst v0  }
0x91: {  	[tilespmem:$0x918] =	vst v0  }
0x92: {  	[tilespmem:$0x928] =	vst v0  }
0x93: {  	[tilespmem:$0x938] =	vst v0  }
0x94: {  	[tilespmem:$0x948] =	vst v0  }
0x95: {  	[tilespmem:$0x958] =	vst v0  }
0x96: {  	[tilespmem:$0x968] =	vst v0  }
0x97: {  	[tilespmem:$0x978] =	vst v0  }
0x98: {  	[tilespmem:$0x988] =	vst v0  }
0x99: {  	[tilespmem:$0x998] =	vst v0  }
0x9a: {  	[tilespmem:$0x9A8] =	vst v0  }
0x9b: {  	[tilespmem:$0x9B8] =	vst v0  }
0x9c: {  	[tilespmem:$0x9C8] =	vst v0  }
0x9d: {  	[tilespmem:$0x9D8] =	vst v0  }
0x9e: {  	[tilespmem:$0x9E8] =	vst v0  }
0x9f: {  	[tilespmem:$0x9F8] =	vst v0  }
0xa0: {  	[tilespmem:$0xA08] =	vst v0  }
0xa1: {  	[tilespmem:$0xA18] =	vst v0  }
0xa2: {  	[tilespmem:$0xA28] =	vst v0  }
0xa3: {  	[tilespmem:$0xA38] =	vst v0  }
0xa4: {  	[tilespmem:$0xA48] =	vst v0  }
0xa5: {  	[tilespmem:$0xA58] =	vst v0  }
0xa6: {  	[tilespmem:$0xA68] =	vst v0  }
0xa7: {  	[tilespmem:$0xA78] =	vst v0  }
0xa8: {  	[tilespmem:$0xA88] =	vst v0  }
0xa9: {  	[tilespmem:$0xA98] =	vst v0  }
0xaa: {  	[tilespmem:$0xAA8] =	vst v0  }
0xab: {  	[tilespmem:$0xAB8] =	vst v0  }
0xac: {  	[tilespmem:$0xAC8] =	vst v0  }
0xad: {  	[tilespmem:$0xAD8] =	vst v0  }
0xae: {  	[tilespmem:$0xAE8] =	vst v0  }
0xaf: {  	[tilespmem:$0xAF8] =	vst v0  }
0xb0: {  	[tilespmem:$0xB08] =	vst v0  }
0xb1: {  	[tilespmem:$0xB18] =	vst v0  }
0xb2: {  	[tilespmem:$0xB28] =	vst v0  }
0xb3: {  	[tilespmem:$0xB38] =	vst v0  }
0xb4: {  	[tilespmem:$0xB48] =	vst v0  }
0xb5: {  	[tilespmem:$0xB58] =	vst v0  }
0xb6: {  	[tilespmem:$0xB68] =	vst v0  }
0xb7: {  	[tilespmem:$0xB78] =	vst v0  }
0xb8: {  	[tilespmem:$0xB88] =	vst v0  }
0xb9: {  	[tilespmem:$0xB98] =	vst v0  }
0xba: {  	[tilespmem:$0xBA8] =	vst v0  }
0xbb: {  	[tilespmem:$0xBB8] =	vst v0  }
0xbc: {  	[tilespmem:$0xBC8] =	vst v0  }
0xbd: {  	[tilespmem:$0xBD8] =	vst v0  }
0xbe: {  	[tilespmem:$0xBE8] =	vst v0  }
0xbf: {  	[tilespmem:$0xBF8] =	vst v0  }
0xc0: {  	[tilespmem:$0xC08] =	vst v0  }
0xc1: {  	[tilespmem:$0xC18] =	vst v0  }
0xc2: {  	[tilespmem:$0xC28] =	vst v0  }
0xc3: {  	[tilespmem:$0xC38] =	vst v0  }
0xc4: {  	[tilespmem:$0xC48] =	vst v0  }
0xc5: {  	[tilespmem:$0xC58] =	vst v0  }
0xc6: {  	[tilespmem:$0xC68] =	vst v0  }
0xc7: {  	[tilespmem:$0xC78] =	vst v0  }
0xc8: {  	[tilespmem:$0xC88] =	vst v0  }
0xc9: {  	[tilespmem:$0xC98] =	vst v0  }
0xca: {  	[tilespmem:$0xCA8] =	vst v0  }
0xcb: {  	[tilespmem:$0xCB8] =	vst v0  }
0xcc: {  	[tilespmem:$0xCC8] =	vst v0  }
0xcd: {  	[tilespmem:$0xCD8] =	vst v0  }
0xce: {  	[tilespmem:$0xCE8] =	vst v0  }
0xcf: {  	[tilespmem:$0xCF8] =	vst v0  }
0xd0: {  	[tilespmem:$0xD08] =	vst v0  }
0xd1: {  	[tilespmem:$0xD18] =	vst v0  }
0xd2: {  	[tilespmem:$0xD28] =	vst v0  }
0xd3: {  	[tilespmem:$0xD38] =	vst v0  }
0xd4: {  	[tilespmem:$0xD48] =	vst v0  }
0xd5: {  	[tilespmem:$0xD58] =	vst v0  }
0xd6: {  	[tilespmem:$0xD68] =	vst v0  }
0xd7: {  	[tilespmem:$0xD78] =	vst v0  }
0xd8: {  	[tilespmem:$0xD88] =	vst v0  }
0xd9: {  	[tilespmem:$0xD98] =	vst v0  }
0xda: {  	[tilespmem:$0xDA8] =	vst v0  }
0xdb: {  	[tilespmem:$0xDB8] =	vst v0  }
0xdc: {  	[tilespmem:$0xDC8] =	vst v0  }
0xdd: {  	[tilespmem:$0xDD8] =	vst v0  }
0xde: {  	[tilespmem:$0xDE8] =	vst v0  }
0xdf: {  	[tilespmem:$0xDF8] =	vst v0  }
0xe0: {  	[tilespmem:$0xE08] =	vst v0  }
0xe1: {  	[tilespmem:$0xE18] =	vst v0  }
0xe2: {  	[tilespmem:$0xE28] =	vst v0  }
0xe3: {  	[tilespmem:$0xE38] =	vst v0  }
0xe4: {  	[tilespmem:$0xE48] =	vst v0  }
0xe5: {  	[tilespmem:$0xE58] =	vst v0  }
0xe6: {  	[tilespmem:$0xE68] =	vst v0  }
0xe7: {  	[tilespmem:$0xE78] =	vst v0  }
0xe8: {  	[tilespmem:$0xE88] =	vst v0  }
0xe9: {  	[tilespmem:$0xE98] =	vst v0  }
0xea: {  	[tilespmem:$0xEA8] =	vst v0  }
0xeb: {  	[tilespmem:$0xEB8] =	vst v0  }
0xec: {  	[tilespmem:$0xEC8] =	vst v0  }
0xed: {  	[tilespmem:$0xED8] =	vst v0  }
0xee: {  	[tilespmem:$0xEE8] =	vst v0  }
0xef: {  	[tilespmem:$0xEF8] =	vst v0  }
0xf0: {  	[tilespmem:$0xF08] =	vst v0  }
0xf1: {  	[tilespmem:$0xF18] =	vst v0  }
0xf2: {  	[tilespmem:$0xF28] =	vst v0  }
0xf3: {  	[tilespmem:$0xF38] =	vst v0  }
0xf4: {  	[tilespmem:$0xF48] =	vst v0  }
0xf5: {  	[tilespmem:$0xF58] =	vst v0  }
0xf6: {  	[tilespmem:$0xF68] =	vst v0  }
0xf7: {  	[tilespmem:$0xF78] =	vst v0  }
0xf8: {  	[tilespmem:$0xF88] =	vst v0  }
0xf9: {  	[tilespmem:$0xF98] =	vst v0  }
0xfa: {  	[tilespmem:$0xFA8] =	vst v0  }
0xfb: {  	[tilespmem:$0xFB8] =	vst v0  }
0xfc: {  	[tilespmem:$0xFC8] =	vst v0  }
0xfd: {  	[tilespmem:$0xFD8] =	vst v0  }
0xfe: {  	[tilespmem:$0xFE8] =	vst v0  }
0xff: {  	[tilespmem:$0xFF8] =	vst v0  }
0x100: {  	[tilespmem:$0x1008] =	vst v0  }
0x101: {  	[tilespmem:$0x1018] =	vst v0  }
0x102: {  	[tilespmem:$0x1028] =	vst v0  }
0x103: {  	[tilespmem:$0x1168] =	vst v0  }
0x104: {  	[tilespmem:$0x1038] =	vst v0  }
0x105: {  	[tilespmem:$0x1048] =	vst v0  }
0x106: {  	[tilespmem:$0x1058] =	vst v0  }
0x107: {  	[tilespmem:$0x1068] =	vst v0  }
0x108: {  	[tilespmem:$0x1078] =	vst v0  }
0x109: {  	[tilespmem:$0x1088] =	vst v0  }
0x10a: {  	[tilespmem:$0x1098] =	vst v0  }
0x10b: {  	[tilespmem:$0x10A8] =	vst v0  }
0x10c: {  	[tilespmem:$0x10B8] =	vst v0  }
0x10d: {  	[tilespmem:$0x10C8] =	vst v0  }
0x10e: {  	[tilespmem:$0x10D8] =	vst v0  }
0x10f: {  	[tilespmem:$0x10E8] =	vst v0  }
0x110: {  	[tilespmem:$0x10F8] =	vst v0  }
0x111: {  	[tilespmem:$0x1108] =	vst v0  }
0x112: {  	[tilespmem:$0x1118] =	vst v0  }
0x113: {  	[tilespmem:$0x1128] =	vst v0  }
0x114: {  	[tilespmem:$0x1138] =	vst v0  }
0x115: {  	[tilespmem:$0x1148] =	vst v0  }
0x116: {  	[tilespmem:$0x1158] =	vst v0  }
0x117: {  	[tilespmem:$0x1178] =	vst v0  }
0x118: {  	[tilespmem:$0x1188] =	vst v0  }
0x119: {  	[tilespmem:$0x1198] =	vst v0  }
0x11a: {  	[tilespmem:$0x11A8] =	vst v0  }
0x11b: {  	[tilespmem:$0x11B8] =	vst v0  }
0x11c: {  	[tilespmem:$0x11C8] =	vst v0  }
0x11d: {  	[tilespmem:$0x11D8] =	vst v0  }
0x11e: {  	[tilespmem:$0x11E8] =	vst v0  }
0x11f: {  	[tilespmem:$0x11F8] =	vst v0  }
0x120: {  	[tilespmem:$0x1208] =	vst v0  }
0x121: {  	[tilespmem:$0x1218] =	vst v0  }
0x122: {  	[tilespmem:$0x1228] =	vst v0  }
0x123: {  	[tilespmem:$0x1238] =	vst v0  }
0x124: {  	[tilespmem:$0x1248] =	vst v0  }
0x125: {  	[tilespmem:$0x1258] =	vst v0  }
0x126: {  	[tilespmem:$0x1268] =	vst v0  }
0x127: {  	[tilespmem:$0x1278] =	vst v0  }
0x128: {  	[tilespmem:$0x1288] =	vst v0  }
0x129: {  	[tilespmem:$0x1298] =	vst v0  }
0x12a: {  	[tilespmem:$0x12A8] =	vst v0  }
0x12b: {  	[tilespmem:$0x12B8] =	vst v0  }
0x12c: {  	[tilespmem:$0x12C8] =	vst v0  }
0x12d: {  	[tilespmem:$0x12D8] =	vst v0  }
0x12e: {  	[tilespmem:$0x12E8] =	vst v0  }
0x12f: {  	[tilespmem:$0x12F8] =	vst v0  }
0x130: {  	[tilespmem:$0x1308] =	vst v0  }
0x131: {  	[tilespmem:$0x1318] =	vst v0  }
0x132: {  	[tilespmem:$0x1328] =	vst v0  }
0x133: {  	[tilespmem:$0x1338] =	vst v0  }
0x134: {  	[tilespmem:$0x1348] =	vst v0  }
0x135: {  	[tilespmem:$0x1358] =	vst v0  }
0x136: {  	[tilespmem:$0x1368] =	vst v0  }
0x137: {  	[tilespmem:$0x1378] =	vst v0  }
0x138: {  	[tilespmem:$0x1388] =	vst v0  }
0x139: {  	[tilespmem:$0x1398] =	vst v0  }
0x13a: {  	[tilespmem:$0x13A8] =	vst v0  }
0x13b: {  	[tilespmem:$0x13B8] =	vst v0  }
0x13c: {  	[tilespmem:$0x13C8] =	vst v0  }
0x13d: {  	[tilespmem:$0x13D8] =	vst v0  }
0x13e: {  	[tilespmem:$0x13E8] =	vst v0  }
0x13f: {  	[tilespmem:$0x13F8] =	vst v0  }
0x140: {  	[tilespmem:$0x1408] =	vst v0  }
0x141: {  	[tilespmem:$0x1418] =	vst v0  }
0x142: {  	[tilespmem:$0x1428] =	vst v0  }
0x143: {  	[tilespmem:$0x1438] =	vst v0  }
0x144: {  	[tilespmem:$0x1448] =	vst v0  }
0x145: {  	[tilespmem:$0x1458] =	vst v0  }
0x146: {  	[tilespmem:$0x1468] =	vst v0  }
0x147: {  	[tilespmem:$0x1478] =	vst v0  }
0x148: {  	[tilespmem:$0x1488] =	vst v0  }
0x149: {  	[tilespmem:$0x1498] =	vst v0  }
0x14a: {  	[tilespmem:$0x14A8] =	vst v0  }
0x14b: {  	[tilespmem:$0x14B8] =	vst v0  }
0x14c: {  	[tilespmem:$0x14C8] =	vst v0  }
0x14d: {  	[tilespmem:$0x14D8] =	vst v0  }
0x14e: {  	[tilespmem:$0x14E8] =	vst v0  }
0x14f: {  	[tilespmem:$0x14F8] =	vst v0  }
0x150: {  	[tilespmem:$0x1508] =	vst v0  }
0x151: {  	[tilespmem:$0x1518] =	vst v0  }
0x152: {  	[tilespmem:$0x1528] =	vst v0  }
0x153: {  	[tilespmem:$0x1538] =	vst v0  }
0x154: {  	[tilespmem:$0x1548] =	vst v0  }
0x155: {  	[tilespmem:$0x1558] =	vst v0  }
0x156: {  	[tilespmem:$0x1568] =	vst v0  }
0x157: {  	[tilespmem:$0x1578] =	vst v0  }
0x158: {  	[tilespmem:$0x1588] =	vst v0  }
0x159: {  	[tilespmem:$0x1598] =	vst v0  }
0x15a: {  	[tilespmem:$0x15A8] =	vst v0  }
0x15b: {  	[tilespmem:$0x15B8] =	vst v0  }
0x15c: {  	[tilespmem:$0x15C8] =	vst v0  }
0x15d: {  	[tilespmem:$0x15D8] =	vst v0  }
0x15e: {  	[tilespmem:$0x15E8] =	vst v0  }
0x15f: {  	[tilespmem:$0x15F8] =	vst v0  }
0x160: {  	[tilespmem:$0x1608] =	vst v0  }
0x161: {  	[tilespmem:$0x1618] =	vst v0  }
0x162: {  	[tilespmem:$0x1628] =	vst v0  }
0x163: {  	[tilespmem:$0x1638] =	vst v0  }
0x164: {  	[tilespmem:$0x1648] =	vst v0  }
0x165: {  	[tilespmem:$0x1658] =	vst v0  }
0x166: {  	[tilespmem:$0x1668] =	vst v0  }
0x167: {  	[tilespmem:$0x1678] =	vst v0  }
0x168: {  	[tilespmem:$0x1688] =	vst v0  }
0x169: {  	[tilespmem:$0x1698] =	vst v0  }
0x16a: {  	[tilespmem:$0x16A8] =	vst v0  }
0x16b: {  	[tilespmem:$0x16B8] =	vst v0  }
0x16c: {  	[tilespmem:$0x16C8] =	vst v0  }
0x16d: {  	[tilespmem:$0x16D8] =	vst v0  }
0x16e: {  	[tilespmem:$0x16E8] =	vst v0  }
0x16f: {  	[tilespmem:$0x16F8] =	vst v0  }
0x170: {  	[tilespmem:$0x1708] =	vst v0  }
0x171: {  	[tilespmem:$0x1718] =	vst v0  }
0x172: {  	[tilespmem:$0x1728] =	vst v0  }
0x173: {  	[tilespmem:$0x1738] =	vst v0  }
0x174: {  	[tilespmem:$0x1748] =	vst v0  }
0x175: {  	[tilespmem:$0x1758] =	vst v0  }
0x176: {  	[tilespmem:$0x1768] =	vst v0  }
0x177: {  	[tilespmem:$0x1778] =	vst v0  }
0x178: {  	[tilespmem:$0x1788] =	vst v0  }
0x179: {  	[tilespmem:$0x1798] =	vst v0  }
0x17a: {  	[tilespmem:$0x17A8] =	vst v0  }
0x17b: {  	[tilespmem:$0x17B8] =	vst v0  }
0x17c: {  	[tilespmem:$0x17C8] =	vst v0  }
0x17d: {  	[tilespmem:$0x17D8] =	vst v0  }
0x17e: {  	[tilespmem:$0x17E8] =	vst v0  }
0x17f: {  	[tilespmem:$0x17F8] =	vst v0  }
0x180: {  	[tilespmem:$0x1808] =	vst v0  }
0x181: {  	[tilespmem:$0x1818] =	vst v0  }
0x182: {  	[tilespmem:$0x1828] =	vst v0  }
0x183: {  	[tilespmem:$0x1838] =	vst v0  }
0x184: {  	[tilespmem:$0x1848] =	vst v0  }
0x185: {  	[tilespmem:$0x1858] =	vst v0  }
0x186: {  	[tilespmem:$0x1868] =	vst v0  }
0x187: {  	[tilespmem:$0x1878] =	vst v0  }
0x188: {  	[tilespmem:$0x1888] =	vst v0  }
0x189: {  	[tilespmem:$0x1898] =	vst v0  }
0x18a: {  	[tilespmem:$0x18A8] =	vst v0  }
0x18b: {  	[tilespmem:$0x18B8] =	vst v0  }
0x18c: {  	[tilespmem:$0x18C8] =	vst v0  }
0x18d: {  	[tilespmem:$0x18D8] =	vst v0  }
0x18e: {  	[tilespmem:$0x18E8] =	vst v0  }
0x18f: {  	[tilespmem:$0x18F8] =	vst v0  }
0x190: {  	[tilespmem:$0x1908] =	vst v0  }
0x191: {  	[tilespmem:$0x1918] =	vst v0  }
0x192: {  	[tilespmem:$0x1928] =	vst v0  }
0x193: {  	[tilespmem:$0x1938] =	vst v0  }
0x194: {  	[tilespmem:$0x1948] =	vst v0  }
0x195: {  	[tilespmem:$0x1958] =	vst v0  }
0x196: {  	[tilespmem:$0x1968] =	vst v0  }
0x197: {  	[tilespmem:$0x1978] =	vst v0  }
0x198: {  	[tilespmem:$0x1988] =	vst v0  }
0x199: {  	[tilespmem:$0x1998] =	vst v0  }
0x19a: {  	[tilespmem:$0x19A8] =	vst v0  }
0x19b: {  	[tilespmem:$0x19B8] =	vst v0  }
0x19c: {  	[tilespmem:$0x19C8] =	vst v0  }
0x19d: {  	[tilespmem:$0x19D8] =	vst v0  }
0x19e: {  	[tilespmem:$0x19E8] =	vst v0  }
0x19f: {  	[tilespmem:$0x19F8] =	vst v0  }
0x1a0: {  	[tilespmem:$0x1A08] =	vst v0  }
0x1a1: {  	[tilespmem:$0x1A18] =	vst v0  }
0x1a2: {  	[tilespmem:$0x1A28] =	vst v0  }
0x1a3: {  	[tilespmem:$0x1A38] =	vst v0  }
0x1a4: {  	[tilespmem:$0x1A48] =	vst v0  }
0x1a5: {  	[tilespmem:$0x1A58] =	vst v0  }
0x1a6: {  	[tilespmem:$0x1A68] =	vst v0  }
0x1a7: {  	[tilespmem:$0x1A78] =	vst v0  }
0x1a8: {  	[tilespmem:$0x1A88] =	vst v0  }
0x1a9: {  	[tilespmem:$0x1A98] =	vst v0  }
0x1aa: {  	[tilespmem:$0x1AA8] =	vst v0  }
0x1ab: {  	[tilespmem:$0x1AB8] =	vst v0  }
0x1ac: {  	[tilespmem:$0x1AC8] =	vst v0  }
0x1ad: {  	[tilespmem:$0x1AD8] =	vst v0  }
0x1ae: {  	[tilespmem:$0x1AE8] =	vst v0  }
0x1af: {  	[tilespmem:$0x1AF8] =	vst v0  }
0x1b0: {  	[tilespmem:$0x1B08] =	vst v0  }
0x1b1: {  	[tilespmem:$0x1B18] =	vst v0  }
0x1b2: {  	[tilespmem:$0x1B28] =	vst v0  }
0x1b3: {  	[tilespmem:$0x1B38] =	vst v0  }
0x1b4: {  	[tilespmem:$0x1B48] =	vst v0  }
0x1b5: {  	[tilespmem:$0x1B58] =	vst v0  }
0x1b6: {  	[tilespmem:$0x1B68] =	vst v0  }
0x1b7: {  	[tilespmem:$0x1B78] =	vst v0  }
0x1b8: {  	[tilespmem:$0x1B88] =	vst v0  }
0x1b9: {  	[tilespmem:$0x1B98] =	vst v0  }
0x1ba: {  	[tilespmem:$0x1BA8] =	vst v0  }
0x1bb: {  	[tilespmem:$0x1BB8] =	vst v0  }
0x1bc: {  	[tilespmem:$0x1BC8] =	vst v0  }
0x1bd: {  	[tilespmem:$0x1BD8] =	vst v0  }
0x1be: {  	[tilespmem:$0x1BE8] =	vst v0  }
0x1bf: {  	[tilespmem:$0x1BF8] =	vst v0  }
0x1c0: {  	[tilespmem:$0x1C08] =	vst v0  }
0x1c1: {  	[tilespmem:$0x1C18] =	vst v0  }
0x1c2: {  	[tilespmem:$0x1C28] =	vst v0  }
0x1c3: {  	[tilespmem:$0x1C38] =	vst v0  }
0x1c4: {  	[tilespmem:$0x1C48] =	vst v0  }
0x1c5: {  	[tilespmem:$0x1C58] =	vst v0  }
0x1c6: {  	[tilespmem:$0x1C68] =	vst v0  }
0x1c7: {  	[tilespmem:$0x1C78] =	vst v0  }
0x1c8: {  	[tilespmem:$0x1C88] =	vst v0  }
0x1c9: {  	[tilespmem:$0x1C98] =	vst v0  }
0x1ca: {  	[tilespmem:$0x1CA8] =	vst v0  }
0x1cb: {  	[tilespmem:$0x1CB8] =	vst v0  }
0x1cc: {  	[tilespmem:$0x1CC8] =	vst v0  }
0x1cd: {  	[tilespmem:$0x1CD8] =	vst v0  }
0x1ce: {  	[tilespmem:$0x1CE8] =	vst v0  }
0x1cf: {  	[tilespmem:$0x1CF8] =	vst v0  }
0x1d0: {  	[tilespmem:$0x1D08] =	vst v0  }
0x1d1: {  	[tilespmem:$0x1D18] =	vst v0  }
0x1d2: {  	[tilespmem:$0x1D28] =	vst v0  }
0x1d3: {  	[tilespmem:$0x1D38] =	vst v0  }
0x1d4: {  	[tilespmem:$0x1D48] =	vst v0  }
0x1d5: {  	[tilespmem:$0x1D58] =	vst v0  }
0x1d6: {  	[tilespmem:$0x1D68] =	vst v0  }
0x1d7: {  	[tilespmem:$0x1D78] =	vst v0  }
0x1d8: {  	[tilespmem:$0x1D88] =	vst v0  }
0x1d9: {  	[tilespmem:$0x1D98] =	vst v0  }
0x1da: {  	[tilespmem:$0x1DA8] =	vst v0  }
0x1db: {  	[tilespmem:$0x1DB8] =	vst v0  }
0x1dc: {  	[tilespmem:$0x1DC8] =	vst v0  }
0x1dd: {  	[tilespmem:$0x1DD8] =	vst v0  }
0x1de: {  	[tilespmem:$0x1DE8] =	vst v0  }
0x1df: {  	[tilespmem:$0x1DF8] =	vst v0  }
0x1e0: {  	[tilespmem:$0x1E08] =	vst v0  }
0x1e1: {  	[tilespmem:$0x1E18] =	vst v0  }
0x1e2: {  	[tilespmem:$0x1E28] =	vst v0  }
0x1e3: {  	[tilespmem:$0x1E38] =	vst v0  }
0x1e4: {  	[tilespmem:$0x1E48] =	vst v0  }
0x1e5: {  	[tilespmem:$0x1E58] =	vst v0  }
0x1e6: {  	[tilespmem:$0x1E68] =	vst v0  }
0x1e7: {  	[tilespmem:$0x1E78] =	vst v0  }
0x1e8: {  	[tilespmem:$0x1E88] =	vst v0  }
0x1e9: {  	[tilespmem:$0x1E98] =	vst v0  }
0x1ea: {  	[tilespmem:$0x1EA8] =	vst v0  }
0x1eb: {  	[tilespmem:$0x1EB8] =	vst v0  }
0x1ec: {  	[tilespmem:$0x1EC8] =	vst v0  }
0x1ed: {  	[tilespmem:$0x1ED8] =	vst v0  }
0x1ee: {  	[tilespmem:$0x1EE8] =	vst v0  }
0x1ef: {  	[tilespmem:$0x1EF8] =	vst v0  }
0x1f0: {  	[tilespmem:$0x1F08] =	vst v0  }
0x1f1: {  	[tilespmem:$0x1F18] =	vst v0  }
0x1f2: {  	[tilespmem:$0x1F28] =	vst v0  }
0x1f3: {  	[tilespmem:$0x1F38] =	vst v0  }
0x1f4: {  	[tilespmem:$0x1F48] =	vst v0  }
0x1f5: {  	[tilespmem:$0x1F58] =	vst v0  }
0x1f6: {  	[tilespmem:$0x1F68] =	vst v0  }
0x1f7: {  	[tilespmem:$0x1F78] =	vst v0  }
0x1f8: {  	[tilespmem:$0x1F88] =	vst v0  }
0x1f9: {  	[tilespmem:$0x1F98] =	vst v0  }
0x1fa: {  	[tilespmem:$0x1FA8] =	vst v0  }
0x1fb: {  	[tilespmem:$0x1FB8] =	vst v0  }
0x1fc: {  	[tilespmem:$0x1FC8] =	vst v0  }
0x1fd: {  	[tilespmem:$0x1FD8] =	vst v0  }
0x1fe: {  	[tilespmem:$0x1FE8] =	vst v0  }
0x1ff: {  	[tilespmem:$0x1FF8] =	vst v0  }
0x200: {  	[tilespmem:$0x2008] =	vst v0  }
0x201: {  	[tilespmem:$0x2018] =	vst v0  }
0x202: {  	[tilespmem:$0x2028] =	vst v0  }
0x203: {  	[tilespmem:$0x2038] =	vst v0  }
0x204: {  	[tilespmem:$0x2048] =	vst v0  }
0x205: {  	[tilespmem:$0x2058] =	vst v0  }
0x206: {  	[tilespmem:$0x2068] =	vst v0  }
0x207: {  	[tilespmem:$0x2078] =	vst v0  }
0x208: {  	[tilespmem:$0x2088] =	vst v0  }
0x209: {  	[tilespmem:$0x2098] =	vst v0  }
0x20a: {  	[tilespmem:$0x20A8] =	vst v0  }
0x20b: {  	[tilespmem:$0x20B8] =	vst v0  }
0x20c: {  	[tilespmem:$0x20C8] =	vst v0  }
0x20d: {  	[tilespmem:$0x20D8] =	vst v0  }
0x20e: {  	[tilespmem:$0x20E8] =	vst v0  }
0x20f: {  	[tilespmem:$0x20F8] =	vst v0  }
0x210: {  	[tilespmem:$0x2108] =	vst v0  }
0x211: {  	[tilespmem:$0x2118] =	vst v0  }
0x212: {  	[tilespmem:$0x2128] =	vst v0  }
0x213: {  	[tilespmem:$0x2138] =	vst v0  }
0x214: {  	[tilespmem:$0x2148] =	vst v0  }
0x215: {  	[tilespmem:$0x2158] =	vst v0  }
0x216: {  	[tilespmem:$0x2168] =	vst v0  }
0x217: {  	[tilespmem:$0x2218] =	vst v0  }
0x218: {  	[tilespmem:$0x3058] =	vst v0  }
0x219: {  	[tilespmem:$0x3048] =	vst v0  }
0x21a: {  	[tilespmem:$0x3038] =	vst v0  }
0x21b: {  	[tilespmem:$0x3028] =	vst v0  }
0x21c: {  	[tilespmem:$0x3018] =	vst v0  }
0x21d: {  	[tilespmem:$0x3008] =	vst v0  }
0x21e: {  	[tilespmem:$0x2FF8] =	vst v0  }
0x21f: {  	[tilespmem:$0x2FE8] =	vst v0  }
0x220: {  	[tilespmem:$0x2FD8] =	vst v0  }
0x221: {  	[tilespmem:$0x2FC8] =	vst v0  }
0x222: {  	[tilespmem:$0x2FB8] =	vst v0  }
0x223: {  	[tilespmem:$0x2FA8] =	vst v0  }
0x224: {  	[tilespmem:$0x2F98] =	vst v0  }
0x225: {  	[tilespmem:$0x2F88] =	vst v0  }
0x226: {  	[tilespmem:$0x2F78] =	vst v0  }
0x227: {  	[tilespmem:$0x2F68] =	vst v0  }
0x228: {  	[tilespmem:$0x2F58] =	vst v0  }
0x229: {  	[tilespmem:$0x2F48] =	vst v0  }
0x22a: {  	[tilespmem:$0x2F38] =	vst v0  }
0x22b: {  	[tilespmem:$0x2F28] =	vst v0  }
0x22c: {  	[tilespmem:$0x2F18] =	vst v0  }
0x22d: {  	[tilespmem:$0x2F08] =	vst v0  }
0x22e: {  	[tilespmem:$0x2EF8] =	vst v0  }
0x22f: {  	[tilespmem:$0x2EE8] =	vst v0  }
0x230: {  	[tilespmem:$0x2ED8] =	vst v0  }
0x231: {  	[tilespmem:$0x2EC8] =	vst v0  }
0x232: {  	[tilespmem:$0x2EB8] =	vst v0  }
0x233: {  	[tilespmem:$0x2EA8] =	vst v0  }
0x234: {  	[tilespmem:$0x2E98] =	vst v0  }
0x235: {  	[tilespmem:$0x2E88] =	vst v0  }
0x236: {  	[tilespmem:$0x2E78] =	vst v0  }
0x237: {  	[tilespmem:$0x2E68] =	vst v0  }
0x238: {  	[tilespmem:$0x2E58] =	vst v0  }
0x239: {  	[tilespmem:$0x2E48] =	vst v0  }
0x23a: {  	[tilespmem:$0x2E38] =	vst v0  }
0x23b: {  	[tilespmem:$0x2E28] =	vst v0  }
0x23c: {  	[tilespmem:$0x2E18] =	vst v0  }
0x23d: {  	[tilespmem:$0x2E08] =	vst v0  }
0x23e: {  	[tilespmem:$0x2DF8] =	vst v0  }
0x23f: {  	[tilespmem:$0x2DE8] =	vst v0  }
0x240: {  	[tilespmem:$0x2DD8] =	vst v0  }
0x241: {  	[tilespmem:$0x2DC8] =	vst v0  }
0x242: {  	[tilespmem:$0x2DB8] =	vst v0  }
0x243: {  	[tilespmem:$0x2DA8] =	vst v0  }
0x244: {  	[tilespmem:$0x2D98] =	vst v0  }
0x245: {  	[tilespmem:$0x2D88] =	vst v0  }
0x246: {  	[tilespmem:$0x2D78] =	vst v0  }
0x247: {  	[tilespmem:$0x2D68] =	vst v0  }
0x248: {  	[tilespmem:$0x2D58] =	vst v0  }
0x249: {  	[tilespmem:$0x2D48] =	vst v0  }
0x24a: {  	[tilespmem:$0x2D38] =	vst v0  }
0x24b: {  	[tilespmem:$0x2D28] =	vst v0  }
0x24c: {  	[tilespmem:$0x2D18] =	vst v0  }
0x24d: {  	[tilespmem:$0x2D08] =	vst v0  }
0x24e: {  	[tilespmem:$0x2CF8] =	vst v0  }
0x24f: {  	[tilespmem:$0x2CE8] =	vst v0  }
0x250: {  	[tilespmem:$0x2CD8] =	vst v0  }
0x251: {  	[tilespmem:$0x2CC8] =	vst v0  }
0x252: {  	[tilespmem:$0x2CB8] =	vst v0  }
0x253: {  	[tilespmem:$0x2CA8] =	vst v0  }
0x254: {  	[tilespmem:$0x2C98] =	vst v0  }
0x255: {  	[tilespmem:$0x2C88] =	vst v0  }
0x256: {  	[tilespmem:$0x2C78] =	vst v0  }
0x257: {  	[tilespmem:$0x2C68] =	vst v0  }
0x258: {  	[tilespmem:$0x2C58] =	vst v0  }
0x259: {  	[tilespmem:$0x2C48] =	vst v0  }
0x25a: {  	[tilespmem:$0x2C38] =	vst v0  }
0x25b: {  	[tilespmem:$0x2C28] =	vst v0  }
0x25c: {  	[tilespmem:$0x2C18] =	vst v0  }
0x25d: {  	[tilespmem:$0x2C08] =	vst v0  }
0x25e: {  	[tilespmem:$0x2BF8] =	vst v0  }
0x25f: {  	[tilespmem:$0x2BE8] =	vst v0  }
0x260: {  	[tilespmem:$0x2BD8] =	vst v0  }
0x261: {  	[tilespmem:$0x2BC8] =	vst v0  }
0x262: {  	[tilespmem:$0x2BB8] =	vst v0  }
0x263: {  	[tilespmem:$0x2BA8] =	vst v0  }
0x264: {  	[tilespmem:$0x2B98] =	vst v0  }
0x265: {  	[tilespmem:$0x2B88] =	vst v0  }
0x266: {  	[tilespmem:$0x2B78] =	vst v0  }
0x267: {  	[tilespmem:$0x2B68] =	vst v0  }
0x268: {  	[tilespmem:$0x2B58] =	vst v0  }
0x269: {  	[tilespmem:$0x2B48] =	vst v0  }
0x26a: {  	[tilespmem:$0x2B38] =	vst v0  }
0x26b: {  	[tilespmem:$0x2B28] =	vst v0  }
0x26c: {  	[tilespmem:$0x2B18] =	vst v0  }
0x26d: {  	[tilespmem:$0x2B08] =	vst v0  }
0x26e: {  	[tilespmem:$0x2AF8] =	vst v0  }
0x26f: {  	[tilespmem:$0x2AE8] =	vst v0  }
0x270: {  	[tilespmem:$0x2AD8] =	vst v0  }
0x271: {  	[tilespmem:$0x2AC8] =	vst v0  }
0x272: {  	[tilespmem:$0x2AB8] =	vst v0  }
0x273: {  	[tilespmem:$0x2AA8] =	vst v0  }
0x274: {  	[tilespmem:$0x2A98] =	vst v0  }
0x275: {  	[tilespmem:$0x2A88] =	vst v0  }
0x276: {  	[tilespmem:$0x2A78] =	vst v0  }
0x277: {  	[tilespmem:$0x2A68] =	vst v0  }
0x278: {  	[tilespmem:$0x2A58] =	vst v0  }
0x279: {  	[tilespmem:$0x2A48] =	vst v0  }
0x27a: {  	[tilespmem:$0x2A38] =	vst v0  }
0x27b: {  	[tilespmem:$0x2A28] =	vst v0  }
0x27c: {  	[tilespmem:$0x2A18] =	vst v0  }
0x27d: {  	[tilespmem:$0x2A08] =	vst v0  }
0x27e: {  	[tilespmem:$0x29F8] =	vst v0  }
0x27f: {  	[tilespmem:$0x29E8] =	vst v0  }
0x280: {  	[tilespmem:$0x29D8] =	vst v0  }
0x281: {  	[tilespmem:$0x29C8] =	vst v0  }
0x282: {  	[tilespmem:$0x29B8] =	vst v0  }
0x283: {  	[tilespmem:$0x29A8] =	vst v0  }
0x284: {  	[tilespmem:$0x2998] =	vst v0  }
0x285: {  	[tilespmem:$0x2988] =	vst v0  }
0x286: {  	[tilespmem:$0x2978] =	vst v0  }
0x287: {  	[tilespmem:$0x2968] =	vst v0  }
0x288: {  	[tilespmem:$0x2958] =	vst v0  }
0x289: {  	[tilespmem:$0x2948] =	vst v0  }
0x28a: {  	[tilespmem:$0x2938] =	vst v0  }
0x28b: {  	[tilespmem:$0x2928] =	vst v0  }
0x28c: {  	[tilespmem:$0x2918] =	vst v0  }
0x28d: {  	[tilespmem:$0x2908] =	vst v0  }
0x28e: {  	[tilespmem:$0x28F8] =	vst v0  }
0x28f: {  	[tilespmem:$0x28E8] =	vst v0  }
0x290: {  	[tilespmem:$0x28D8] =	vst v0  }
0x291: {  	[tilespmem:$0x28C8] =	vst v0  }
0x292: {  	[tilespmem:$0x28B8] =	vst v0  }
0x293: {  	[tilespmem:$0x28A8] =	vst v0  }
0x294: {  	[tilespmem:$0x2898] =	vst v0  }
0x295: {  	[tilespmem:$0x2888] =	vst v0  }
0x296: {  	[tilespmem:$0x2878] =	vst v0  }
0x297: {  	[tilespmem:$0x2868] =	vst v0  }
0x298: {  	[tilespmem:$0x2858] =	vst v0  }
0x299: {  	[tilespmem:$0x2848] =	vst v0  }
0x29a: {  	[tilespmem:$0x2838] =	vst v0  }
0x29b: {  	[tilespmem:$0x2828] =	vst v0  }
0x29c: {  	[tilespmem:$0x2818] =	vst v0  }
0x29d: {  	[tilespmem:$0x2808] =	vst v0  }
0x29e: {  	[tilespmem:$0x27F8] =	vst v0  }
0x29f: {  	[tilespmem:$0x27E8] =	vst v0  }
0x2a0: {  	[tilespmem:$0x27D8] =	vst v0  }
0x2a1: {  	[tilespmem:$0x27C8] =	vst v0  }
0x2a2: {  	[tilespmem:$0x27B8] =	vst v0  }
0x2a3: {  	[tilespmem:$0x27A8] =	vst v0  }
0x2a4: {  	[tilespmem:$0x2798] =	vst v0  }
0x2a5: {  	[tilespmem:$0x2788] =	vst v0  }
0x2a6: {  	[tilespmem:$0x2778] =	vst v0  }
0x2a7: {  	[tilespmem:$0x2768] =	vst v0  }
0x2a8: {  	[tilespmem:$0x2758] =	vst v0  }
0x2a9: {  	[tilespmem:$0x2748] =	vst v0  }
0x2aa: {  	[tilespmem:$0x2738] =	vst v0  }
0x2ab: {  	[tilespmem:$0x2728] =	vst v0  }
0x2ac: {  	[tilespmem:$0x2718] =	vst v0  }
0x2ad: {  	[tilespmem:$0x2708] =	vst v0  }
0x2ae: {  	[tilespmem:$0x26F8] =	vst v0  }
0x2af: {  	[tilespmem:$0x26E8] =	vst v0  }
0x2b0: {  	[tilespmem:$0x26D8] =	vst v0  }
0x2b1: {  	[tilespmem:$0x26C8] =	vst v0  }
0x2b2: {  	[tilespmem:$0x26B8] =	vst v0  }
0x2b3: {  	[tilespmem:$0x26A8] =	vst v0  }
0x2b4: {  	[tilespmem:$0x2698] =	vst v0  }
0x2b5: {  	[tilespmem:$0x2688] =	vst v0  }
0x2b6: {  	[tilespmem:$0x2678] =	vst v0  }
0x2b7: {  	[tilespmem:$0x2668] =	vst v0  }
0x2b8: {  	[tilespmem:$0x2658] =	vst v0  }
0x2b9: {  	[tilespmem:$0x2648] =	vst v0  }
0x2ba: {  	[tilespmem:$0x2638] =	vst v0  }
0x2bb: {  	[tilespmem:$0x2628] =	vst v0  }
0x2bc: {  	[tilespmem:$0x2618] =	vst v0  }
0x2bd: {  	[tilespmem:$0x2608] =	vst v0  }
0x2be: {  	[tilespmem:$0x25F8] =	vst v0  }
0x2bf: {  	[tilespmem:$0x25E8] =	vst v0  }
0x2c0: {  	[tilespmem:$0x25D8] =	vst v0  }
0x2c1: {  	[tilespmem:$0x25C8] =	vst v0  }
0x2c2: {  	[tilespmem:$0x25B8] =	vst v0  }
0x2c3: {  	[tilespmem:$0x25A8] =	vst v0  }
0x2c4: {  	[tilespmem:$0x2598] =	vst v0  }
0x2c5: {  	[tilespmem:$0x2588] =	vst v0  }
0x2c6: {  	[tilespmem:$0x2578] =	vst v0  }
0x2c7: {  	[tilespmem:$0x2568] =	vst v0  }
0x2c8: {  	[tilespmem:$0x2558] =	vst v0  }
0x2c9: {  	[tilespmem:$0x2548] =	vst v0  }
0x2ca: {  	[tilespmem:$0x2538] =	vst v0  }
0x2cb: {  	[tilespmem:$0x2528] =	vst v0  }
0x2cc: {  	[tilespmem:$0x2518] =	vst v0  }
0x2cd: {  	[tilespmem:$0x2508] =	vst v0  }
0x2ce: {  	[tilespmem:$0x24F8] =	vst v0  }
0x2cf: {  	[tilespmem:$0x24E8] =	vst v0  }
0x2d0: {  	[tilespmem:$0x24D8] =	vst v0  }
0x2d1: {  	[tilespmem:$0x24C8] =	vst v0  }
0x2d2: {  	[tilespmem:$0x24B8] =	vst v0  }
0x2d3: {  	[tilespmem:$0x24A8] =	vst v0  }
0x2d4: {  	[tilespmem:$0x2498] =	vst v0  }
0x2d5: {  	[tilespmem:$0x2488] =	vst v0  }
0x2d6: {  	[tilespmem:$0x2478] =	vst v0  }
0x2d7: {  	[tilespmem:$0x2468] =	vst v0  }
0x2d8: {  	[tilespmem:$0x2458] =	vst v0  }
0x2d9: {  	[tilespmem:$0x2448] =	vst v0  }
0x2da: {  	[tilespmem:$0x2438] =	vst v0  }
0x2db: {  	[tilespmem:$0x2428] =	vst v0  }
0x2dc: {  	[tilespmem:$0x2418] =	vst v0  }
0x2dd: {  	[tilespmem:$0x2408] =	vst v0  }
0x2de: {  	[tilespmem:$0x23F8] =	vst v0  }
0x2df: {  	[tilespmem:$0x23E8] =	vst v0  }
0x2e0: {  	[tilespmem:$0x23D8] =	vst v0  }
0x2e1: {  	[tilespmem:$0x23C8] =	vst v0  }
0x2e2: {  	[tilespmem:$0x23B8] =	vst v0  }
0x2e3: {  	[tilespmem:$0x23A8] =	vst v0  }
0x2e4: {  	[tilespmem:$0x2398] =	vst v0  }
0x2e5: {  	[tilespmem:$0x2388] =	vst v0  }
0x2e6: {  	[tilespmem:$0x2378] =	vst v0  }
0x2e7: {  	[tilespmem:$0x2368] =	vst v0  }
0x2e8: {  	[tilespmem:$0x2358] =	vst v0  }
0x2e9: {  	[tilespmem:$0x2348] =	vst v0  }
0x2ea: {  	[tilespmem:$0x2338] =	vst v0  }
0x2eb: {  	[tilespmem:$0x2328] =	vst v0  }
0x2ec: {  	[tilespmem:$0x2318] =	vst v0  }
0x2ed: {  	[tilespmem:$0x2308] =	vst v0  }
0x2ee: {  	[tilespmem:$0x22F8] =	vst v0  }
0x2ef: {  	[tilespmem:$0x22E8] =	vst v0  }
0x2f0: {  	[tilespmem:$0x22D8] =	vst v0  }
0x2f1: {  	[tilespmem:$0x22C8] =	vst v0  }
0x2f2: {  	[tilespmem:$0x22B8] =	vst v0  }
0x2f3: {  	[tilespmem:$0x22A8] =	vst v0  }
0x2f4: {  	[tilespmem:$0x2298] =	vst v0  }
0x2f5: {  	[tilespmem:$0x2288] =	vst v0  }
0x2f6: {  	[tilespmem:$0x2278] =	vst v0  }
0x2f7: {  	s10 =	stileid.u32;
	[tilespmem:$0x2268] =	vst v0  }
0x2f8: {  	s0 =	smul.u32 $0xD, s10;
	[tilespmem:$0x2258] =	vst v0  }
0x2f9: {  	s1 =	smin.u32 s10, $0x6;
	[tilespmem:$0x2248] =	vst v0  }
0x2fa: {  	[tilespmem:$0x2238] =	vst v0;
	s0 =	sadd.s32 s1, s0  }
0x2fb: {  	p0 =	slt.u32 s10, $0x6;
	[tilespmem:$0x2228] =	vst v0;
	s1 =	simm.s32 $0x1500;
	s8 =	smul.u32 $0x180, s0  }
0x2fc: {  	s1 =	simm.s32 @!p0 $0x1380;
	[tilespmem:$0x21F8] =	vst v0  }
0x2fd: {  	[tilespmem:$0x2208] =	vst v0;
	s0 =	sadd.s32 s1, s8  }
0x2fe: {  	s4 =	simm.s32 $0x2;
	[tilespmem:$0x21E8] =	vst v0;
	s9 =	smin.u32 s0, $0x14000  }
0x2ff: {  	s31 =	simm.s32 $0x9;
	s5 =	simm.s32 $0xA;
	[tilespmem:$0x2188] =	vst v0;
	s0 =	ssub.s32 s9, s8  }
0x300: {  	s12 =	simm.s32 $0xB;
	s18 =	simm.s32 $0x0;
	[tilespmem:$0x21D8] =	vst v0;
	p0 =	sgt.s32 s0, $0x0  }
0x301: {  	p1 =	por $0x0, $0x0;
	s19 =	simm.s32 $0xC;
	[tilespmem:$0x21C8] =	vst v0;
	s0 =	simm.s32 @!p0 $0x0  }
0x302: {  	s23 =	simm.s32 $0x0;
	s20 =	simm.s32 $0x0;
	[tilespmem:$0x21B8] =	vst v0;
	s30 =	smulhi.u32 $0x2AAAAAAB, s0  }
0x303: {  	s22 =	simm.s32 $0x0;
	s2 =	sand.u32 $0x1, s2;
	s16 =	sshll.u32 s10, $0x6;
	[tilespmem:$0x21A8] =	vst v0  }
0x304: {  	s1 =	sshrl.u32 s30, $0x6;
	[tilespmem:$0x2198] =	vst v0;
	[dreg:$0x4] =	wrdreg s2;
	s2 =	smul.u32 $0x2800, s2  }
0x305: {  	[tilespmem:$0x2178] =	vst v0;
	[sflag:s4] =	ssyncpa.u1 $0x0;
	v0 =	vimm.s32 $0xFFFFFFFF;
	s4 =	sadd.s32 $0xB5CC00, s7;
	s6 =	smul.u32 $0x180, s1  }
.Ltmp0:
0x306: {  	[tilespmem:$0x6088] =	vst v0;
	[sflag:s31] =	ssyncpa.u1 $0x0;
	s2 =	sadd.s32 s2, s7;
	(pc) =	sbr.rel .LBB2_1-.Ltmp0, $4  }
0x307: {  	[sflag:s5] =	ssyncpa.u1 $0x0;
	p0 =	sne.s32 s0, s6;
	s0 =	simm.s32 $0x1  }
0x308: {  	s7 =	sadd.s32 $0xDDCC00, s7;
	[sflag:s12] =	ssyncpa.u1 $0x0;
	s0 =	simm.s32 @!p0 $0x0  }
0x309: {  	s14 =	sadd.s32 $0xB57C00, s2;
	s15 =	sadd.s32 $0xB52C00, s2;
	s13 =	sadd.s32 s0, s1  }
0x30a: {  	v0 =	vlaneseq.u32;
	s21 =	smov.u32 s8;
	p0 =	por $0x1, $0x1;
	s17 =	sadd.s32 $0x1, s13  }
.LBB2_22:
0x30b: {  	s0 =	sshrl.u32 s0, $0x2  }
.LBB2_24:
0x30c: {  	_ =	swait.ge [sflag:s19], s0  }
0x30d: {  	s30 =	ssub.s32 $0x0, s0;
	v1 =	vmov s25;
	vm0 =	veq.s32 v0, $0x0;
	[sflag:s19] =	ssyncset.done $0x0  }
0x30e: {  	vm15 =	veq.s32 v0, $0x2;
	v1 =	vsel vm0, s31, v1;
	[sflag:s19] =	ssyncadd.s32 s30  }
0x30f: {  	v1 =	vsel vm15, s23, v1;
	[sflag:s19] =	ssyncpa.u1 $0x1  }
0x310: {  	[tilespmem:$0x6088] =	vst v1  }
.LBB2_25:
0x311: {  	s0 =	sadd.s32 $0x180, s21  }
0x312: {  	s1 =	smov.u32 s8;
	p2 =	slt.s32 s0, s9  }
0x313: {  	s1 =	smov.u32 @p2 s0;
	p2 =	sne.s32 s22, s17  }
.Ltmp1:
0x314: {  	_ = 	snop;
	(pc) =	sbr.rel @!p2 .LBB2_26-.Ltmp1, $4  }
0x315: {  	_ = 	snop  }
0x316: {  	s23 =	smov.u32 s20  }
0x317: {  	s31 =	sadd.s32 $0x1, s22;
	s20 =	smov.u32 s21;
	p0 =	por !p0, !p0  }
0x318: {  	p1 =	por !p1, !p1;
	s22 =	smov.u32 s31;
	s21 =	smov.u32 s1  }
.LBB2_1:
0x319: {  	p2 =	sge.u32 s22, s13  }
0x31a: {  	s0 =	smulhi.u32 @!p2 $0xAAAAAAAB, s22  }
0x31b: {  	s1 =	smov.u32 s21;
	p3 =	sgt.s32 @!p2 s21, $0x13E80  }
0x31c: {  	s2 =	sshra.s32 @!p2 s21, $0x1F;
	p3 =	por !p3, p2;
	s0 =	sshrl.u32 @!p2 s0, $0x1  }
0x31d: {  	s2 =	sand.u32 @!p2 s2, s21;
	s1 =	simm.s32 @p3 $0x13E80;
	s0 =	smul.u32 @!p2 $0x3, s0  }
0x31e: {  	s1 =	ssub.s32 @!p2 s1, s2  }
0x31f: {  	s1 =	sadd.s32 @!p2 $0xFFFEC180, s1;
	s0 =	ssub.s32 @!p2 s22, s0  }
0x320: {  	s2 =	sshll.u32 @!p2 s1, $0x2;
	p3 =	sgt.s32 @!p2 s1, $0x17F;
	s0 =	smul.u32 @!p2 $0x600, s0  }
0x321: {  	s5 =	sand.u32 @!p2 $0x7, s21;
	s1 =	ssub.s32 @!p2 $0x600, s2;
	p3 =	por !p3, p2  }
0x322: {  	s2 =	sshrl.u32 @!p2 s21, $0x3;
	s1 =	sshrl.u32 @!p2 s1, $0x2;
	s0 =	sshrl.u32 @!p2 s0, $0x2  }
0x323: {  	s2 =	sadd.s32 @!p2 s2, s14;
	s1 =	simm.s32 @!p3 $0x0;
	s0 =	sadd.s32 @!p2 $0x64C8, s0  }
0x324: {  	[tilespmem:s0], [sflag:$0xA] =	stream.linear.gather @!p2 [hbm4b:s2+s5], s1, $0x38;
	[tilespmem:$0x1EC48] =	vst v63  }
0x325: {  	s1 =	sadd.s32 $0xFFFFFFFF, s22  }
0x326: {  	p2 =	sge.u32 s1, s13  }
0x327: {  	p3 =	sgt.s32 @!p2 s20, $0x13E80  }
0x328: {  	s0 =	smov.u32 s20;
	s2 =	sshra.s32 @!p2 s20, $0x1F;
	p3 =	por !p3, p2  }
0x329: {  	s2 =	sand.u32 @!p2 s2, s20;
	s0 =	simm.s32 @p3 $0x13E80  }
0x32a: {  	s0 =	ssub.s32 @!p2 s0, s2  }
0x32b: {  	s0 =	sadd.s32 @!p2 $0xFFFEC180, s0  }
0x32c: {  	s2 =	sshll.u32 @!p2 s0, $0x2  }
0x32d: {  	p3 =	sgt.s32 @!p2 s0, $0x17F;
	s0 =	ssub.s32 @!p2 $0x600, s2  }
0x32e: {  	p3 =	por !p3, p2;
	s0 =	sshrl.u32 @!p2 s0, $0x2  }
0x32f: {  	s5 =	simm.s32 @!p2 $0xA;
	s2 =	sand.u32 @!p2 $0x1, s1;
	s0 =	simm.s32 @!p3 $0x0  }
0x330: {  	s2 =	smul.u32 @!p2 $0x600, s2;
	_ =	swait.ge @!p2 [sflag:s5], s0  }
0x331: {  	s6 =	ssub.s32 @!p2 $0x0, s0;
	[sflag:s5] =	ssyncset.done @!p2 $0x0  }
0x332: {  	s2 =	sshrl.u32 @!p2 s2, $0x2;
	[sflag:s5] =	ssyncadd.s32 @!p2 s6;
	s5 =	sshrl.u32 @!p2 s20, $0x3  }
0x333: {  	s2 =	sadd.s32 @!p2 $0x6948, s2;
	s6 =	sand.u32 @!p2 $0x7, s20;
	s5 =	sadd.s32 @!p2 s5, s15  }
0x334: {  	[tilespmem:s2], [sflag:$0xB] =	stream.linear.gather @!p2 [hbm4b:s5+s6], s0, $0x38;
	[tilespmem:$0x1EC48] =	vst v63  }
0x335: {  	s0 =	ssub.s32 @!p2 $0x14000, s20  }
0x336: {  	p3 =	slt.s32 @!p2 s0, $0x1  }
0x337: {  	p3 =	por p2, p3  }
.Ltmp2:
0x338: {  	_ = 	snop;
	(pc) =	sbr.rel @p3 .LBB2_7-.Ltmp2, $1  }
0x339: {  	_ =	sdelay $0x3  }
0x33a: {  	s2 =	smulhi.u32 $0xAAAAAAAB, s1;
	_ =	sdelay $0x1  }
0x33b: {  	s2 =	sshrl.u32 s2, $0x1  }
0x33c: {  	s2 =	smul.u32 $0x3, s2;
	_ =	sdelay $0x1  }
0x33d: {  	s29 =	ssub.s32 s1, s2  }
0x33e: {  	s5 =	simm.s32 $0x1;
	s1 =	smul.u32 $0x600, s29  }
.Ltmp3:
0x33f: {  	s5 =	simm.s32 @!p0 $0x0;
	(pc) =	sbr.rel .LBB2_4-.Ltmp3, $4  }
0x340: {  	s30 =	smul.u32 $0x30000, s5  }
0x341: {  	p3 =	slt.s32 @!p2 s0, $0x180;
	s1 =	sshrl.u32 s1, $0x2  }
0x342: {  	p2 =	por !p3, p2;
	s2 =	sshrl.u32 s30, $0x2;
	s31 =	sadd.s32 $0x64C8, s1  }
0x343: {  	s24 =	simm.s32 $0x0;
	s0 =	simm.s32 @p2 $0x180;
	s1 =	sadd.s32 $0x6C48, s2;
	v1 =	vmov s31  }
.LBB2_3:
0x344: {  	p2 =	sge.s32 s24, s0  }
.Ltmp4:
0x345: {  	_ = 	snop;
	(pc) =	sbr.rel @p2 .LBB2_7-.Ltmp4, $2  }
0x346: {  	_ =	sdelay $0x2  }
0x347: {  	s1 =	sadd.s32 $0x800, s1  }
.LBB2_4:
0x348: {  	p2 =	sle.s32 s0, s24  }
.Ltmp5:
0x349: {  	_ = 	snop;
	(pc) =	sbr.rel @p2 .LBB2_3-.Ltmp5, $2  }
0x34a: {  	_ =	sdelay $0x2  }
0x34b: {  	s2 =	smov.u32 s24;
	s24 =	sadd.s32 $0x10, s24  }
0x34c: {  	s5 =	ssub.s32 s0, s2  }
0x34d: {  	p2 =	slt.s32 s5, $0x10  }
0x34e: {  	s5 =	simm.s32 @!p2 $0x10  }
0x34f: {  	v2 =	vmov s5  }
0x350: {  	vm0 =	vgt.s32 v2, v0;
	_ =	sdelay $0x5  }
0x351: {  	v2 =	vld.idx.msk [tilespmem:v1+s2+$0x0 ss:$0x1], vm0;
	_ =	sdelay $0x2  }
0x352: {  	s6 =	smov.u32 s0;
	p2 =	slt.s32 s24, s0  }
0x353: {  	s25 =	simm.s32 $0x0;
	s6 =	smov.u32 @p2 s24;
	s5 =	smov.u32 s1  }
.LBB2_6:
0x354: {  	(v2sf) =	vpush v2, s25;
	_ =	sdelay $0xc  }
0x355: {  	s25 =	sadd.s32 $0x1, s25  }
0x356: {  	s31 =	sadd.s32 s25, s2  }
0x357: {  	p2 =	slt.s32 s31, s6;
	s10 =	spop (v2sf)  }
.Ltmp6:
0x358: {  	s10 =	sshll.u32 s10, $0x4;
	(pc) =	sbr.rel @p2 .LBB2_6-.Ltmp6, $4  }
0x359: {  	s10 =	sand.u32 $0x1FFFFFF0, s10  }
0x35a: {  	s10 =	sadd.s32 s7, s10  }
0x35b: {  	[tilespmem:s5], [sflag:$0x9] =	stream.linear.gather [hbm4b:s10+s18], $0x20, $0x38;
	[tilespmem:$0x1EC48] =	vst v63  }
0x35c: {  	s5 =	sadd.s32 $0x80, s5  }
.Ltmp7:
0x35d: {  	_ = 	snop;
	(pc) =	sbr.rel .LBB2_3-.Ltmp7, $1  }
0x35e: {  	_ =	sdelay $0x3  }
.LBB2_7:
0x35f: {  	p2 =	slt.u32 s22, $0x2  }
.Ltmp8:
0x360: {  	_ = 	snop;
	(pc) =	sbr.rel @p2 .LBB2_25-.Ltmp8, $1  }
0x361: {  	_ =	sdelay $0x3  }
0x362: {  	p2 =	sgt.s32 s23, $0x13E80  }
0x363: {  	s0 =	smov.u32 s23;
	s1 =	sshra.s32 s23, $0x1F;
	s2 =	ssub.s32 $0x14000, s23  }
0x364: {  	s0 =	simm.s32 @!p2 $0x13E80;
	s1 =	sand.u32 s1, s23;
	p2 =	slt.s32 s2, $0x180  }
0x365: {  	s0 =	ssub.s32 s0, s1;
	s2 =	simm.s32 @!p2 $0x180  }
0x366: {  	s0 =	sadd.s32 $0xFFFEC180, s0;
	s11 =	sshll.u32 s2, $0x5  }
0x367: {  	s26 =	simm.s32 $0x9;
	s24 =	sshll.u32 s0, $0x2;
	s1 =	sand.u32 $0x3FFFFFE0, s11  }
0x368: {  	p2 =	sgt.s32 s0, $0x17F;
	s25 =	ssub.s32 $0x600, s24;
	_ =	swait.ge [sflag:s26], s1  }
0x369: {  	s1 =	ssub.s32 $0x0, s1;
	[sflag:s26] =	ssyncset.done $0x0;
	s0 =	sshrl.u32 s25, $0x2  }
0x36a: {  	[sflag:s26] =	ssyncadd.s32 s1;
	s0 =	simm.s32 @p2 $0x0  }
0x36b: {  	_ =	swait.ge [sflag:s12], s0  }
0x36c: {  	s0 =	ssub.s32 $0x0, s0;
	[sflag:s12] =	ssyncset.done $0x0  }
0x36d: {  	[sflag:s12] =	ssyncadd.s32 s0  }
0x36e: {  	v1 =	vld [tilespmem:$0x6088];
	_ =	sdelay $0x4  }
0x36f: {  	(v2sf) =	vpush v1, $0x0  }
0x370: {  	(v2sf) =	vpush v1, $0x1  }
0x371: {  	(v2sf) =	vpush v1, $0x2;
	_ =	sdelay $0x3  }
0x372: {  	s0 =	sadd.s32 $0x180, s23  }
0x373: {  	s1 =	ssub.s32 $0x28000, s23;
	p2 =	slt.s32 s9, s0  }
0x374: {  	s0 =	smov.u32 @p2 s9;
	p2 =	sgt.s32 s1, $0x0  }
0x375: {  	s28 =	ssub.s32 s0, s23;
	s1 =	simm.s32 @!p2 $0x0  }
0x376: {  	p2 =	slt.s32 s1, s28  }
0x377: {  	s28 =	smov.u32 @p2 s1  }
0x378: {  	s26 =	simm.s32 $0x1;
	p2 =	slt.s32 s28, $0x1  }
.Ltmp9:
0x379: {  	s26 =	simm.s32 @!p1 $0x0;
	(pc) =	sbr.rel @p2 .LBB2_12-.Ltmp9, $4  }
0x37a: {  	s30 =	smul.u32 $0x600, s26  }
0x37b: {  	s0 =	spop (v2sf)  }
0x37c: {  	s31 =	sshrl.u32 s30, $0x2;
	s29 =	spop (v2sf)  }
0x37d: {  	s24 =	sadd.s32 $0x6948, s31;
	s23 =	spop (v2sf)  }
0x37e: {  	s1 =	smin.u32 s28, $0x10  }
0x37f: {  	v1 =	vmov s1  }
0x380: {  	p3 =	sgt.s32 s28, $0x10;
	vm1 =	vgt.u32 v1, v0  }
.Ltmp10:
0x381: {  	_ = 	snop;
	(pc) =	sbr.rel @!p3 .LBB2_11-.Ltmp10, $2  }
0x382: {  	_ =	sdelay $0x2  }
0x383: {  	s2 =	simm.s32 $0x10;
	s25 =	sadd.s32 $0xFFFFFFF0, s28;
	s1 =	smov.u32 s24;
	vm0 =	vmmov vm1  }
.LBB2_10:
0x384: {  	s5 =	smin.u32 s25, $0x10;
	s2 =	sadd.s32 $0x10, s2;
	v1 =	vld.msk [tilespmem:s1+$0x0 ss:$0x1], vm1  }
0x385: {  	v2 =	vmov s5;
	p3 =	slt.s32 s2, s28  }
0x386: {  	vm1 =	vgt.u32 v2, v0  }
.Ltmp11:
0x387: {  	(pc) =	sbr.rel @p3 .LBB2_10-.Ltmp11, $3  }
0x388: {  	_ =	sdelay $0x1  }
0x389: {  	v1 =	vshll.u32 v1, $0x4  }
0x38a: {  	s25 =	sadd.s32 $0xFFFFFFF0, s25;
	[tilespmem:s1+$0x0] =	vst.msk vm0, v1;
	s1 =	sadd.s32 $0x10, s1;
	vm0 =	vmmov vm1  }
.LBB2_11:
0x38b: {  	_ =	sdelay $0x4  }
0x38c: {  	v1 =	vld.msk [tilespmem:s1+$0x0 ss:$0x1], vm1;
	_ =	sdelay $0x4  }
0x38d: {  	v1 =	vshll.u32 v1, $0x4  }
0x38e: {  	[tilespmem:s1+$0x0] =	vst.msk vm0, v1  }
.LBB2_12:
0x38f: {  	s1 =	sand.u32 $0x1, s22  }
0x390: {  	s1 =	smul.u32 $0x180, s1  }
0x391: {  	p3 =	sne.s32 s29, $0xFFFFFFFF  }
0x392: {  	v1 =	vld.msk @!p3 [tilespmem:s1+$0x6948], $0x1;
	_ =	sdelay $0x4  }
0x393: {  	(v2sf) =	vpush @!p3 v1, $0x0;
	_ =	sdelay $0xc  }
.Ltmp12:
0x394: {  	_ = 	snop;
	(pc) =	sbr.rel @p2 .LBB2_23-.Ltmp12, $4  }
0x395: {  	_ = 	snop  }
0x396: {  	s30 =	spop @!p3 (v2sf)  }
0x397: {  	s23 =	simm.s32 @!p3 $0x0;
	s25 =	smov.u32 s30  }
0x398: {  	[sflag:s19] =	ssyncpa.u1 $0x0;
	s30 =	smov.u32 @p3 s0;
	s25 =	smov.u32 @p3 s29  }
0x399: {  	v1 =	vld.msk [tilespmem:s24+$0x0], $0x1;
	_ =	sdelay $0x4  }
0x39a: {  	(v2sf) =	vpush v1, $0x0;
	_ =	sdelay $0xe  }
0x39b: {  	s0 =	smul.u32 $0x30000, s26;
	s1 =	spop (v2sf)  }
0x39c: {  	s28 =	ssub.s32 $0x0, s28;
	p2 =	seq.s32 s30, s1  }
0x39d: {  	s31 =	sadd.s32 $0x1, s28;
	s0 =	sshrl.u32 s0, $0x2;
	p3 =	sgt.s32 @!p2 s30, $0x0  }
0x39e: {  	s26 =	sadd.s32 $0x6C58, s0;
	s0 =	smov.u32 s30;
	p3 =	por !p3, p2  }
0x39f: {  	s0 =	simm.s32 @p3 $0x0;
	p3 =	seq.s32 s31, $0x0  }
.Ltmp13:
0x3a0: {  	_ = 	snop;
	(pc) =	sbr.rel @p3 .LBB2_15-.Ltmp13, $4  }
0x3a1: {  	_ = 	snop  }
0x3a2: {  	s29 =	simm.s32 $0x0;
	s2 =	simm.s32 @!p2 $0x1;
	s0 =	smin.u32 @!p2 s0, $0x27FFC  }
0x3a3: {  	s6 =	simm.s32 @!p2 $0x3068;
	s2 =	smov.u32 @p2 s29;
	s10 =	sand.u32 @!p2 $0x3FFF8, s0  }
0x3a4: {  	s5 =	sand.u32 @!p2 $0x7, s0;
	s0 =	sadd.s32 $0x1, s24;
	s10 =	sadd.s32 @!p2 s4, s10  }
.LBB2_14:
0x3a5: {  	s11 =	smov.u32 s2  }
0x3a6: {  	[tilespmem:s6], [sflag:$0x2] =	stream.linear.gather @!p2 [hbm4b:s10+s5], $0x20, $0x38;
	[tilespmem:$0x1EC48] =	vst v63  }
0x3a7: {  	s31 =	sadd.s32 $0x1, s31;
	s5 =	smov.u32 s1;
	v1 =	vld.msk [tilespmem:s0+$0x0], $0x1  }
0x3a8: {  	p3 =	seq.s32 s31, $0x0;
	_ =	sdelay $0x3  }
0x3a9: {  	(v2sf) =	vpush v1, $0x0;
	_ =	sdelay $0xe  }
0x3aa: {  	s1 =	spop (v2sf)  }
0x3ab: {  	p2 =	seq.s32 s5, s1  }
0x3ac: {  	p4 =	sgt.s32 @!p2 s5, $0x0;
	s6 =	sshll.u32 @!p2 s2, $0x7;
	s2 =	sadd.s32 @!p2 $0x1, s2  }
.Ltmp14:
0x3ad: {  	p4 =	por !p4, p2;
	s6 =	sshra.s32 @!p2 s6, $0x2;
	(pc) =	sbr.rel @!p3 .LBB2_14-.Ltmp14, $4  }
0x3ae: {  	s2 =	smov.u32 @p2 s11;
	s5 =	simm.s32 @p4 $0x0;
	s6 =	sadd.s32 @!p2 $0x3068, s6  }
0x3af: {  	s5 =	smin.u32 @!p2 s5, $0x27FFC  }
0x3b0: {  	s10 =	sand.u32 @!p2 $0x3FFF8, s5;
	s5 =	sand.u32 @!p2 $0x7, s5  }
0x3b1: {  	s0 =	sadd.s32 $0x1, s0;
	s10 =	sadd.s32 @!p2 s4, s10  }
.LBB2_15:
0x3b2: {  	[tilespmem:s6], [sflag:$0x2] =	stream.linear.gather @!p2 [hbm4b:s10+s5], $0x20, $0x38;
	[tilespmem:$0x1EC48] =	vst v63  }
.Ltmp15:
0x3b3: {  	s0 =	sshll.u32 s2, $0x5;
	(pc) =	sbr.rel .LBB2_16-.Ltmp15, $4  }
0x3b4: {  	s1 =	simm.s32 $0x2;
	s0 =	sand.u32 $0x3FFFFFE0, s0  }
0x3b5: {  	_ =	swait.ge [sflag:s1], s0  }
0x3b6: {  	s0 =	ssub.s32 $0x0, s0;
	[sflag:s1] =	ssyncset.done $0x0  }
0x3b7: {  	[sflag:s1] =	ssyncadd.s32 s0;
	s0 =	simm.s32 $0x0  }
.LBB2_17:
0x3b8: {  	v1 =	vld [tilespmem:s26+$0xFFFFFFF0];
	_ =	sdelay $0x4  }
0x3b9: {  	[tilespmem:s1+$0x48] =	vst.add.f32.msk $0xffff, v1  }
0x3ba: {  	v1 =	vld [tilespmem:s26+$0x0];
	_ =	sdelay $0x4  }
0x3bb: {  	[tilespmem:s1+$0x58] =	vst.add.f32.msk $0xffff, v1  }
.LBB2_21:
0x3bc: {  	s28 =	sadd.s32 $0x1, s28  }
0x3bd: {  	p2 =	seq.s32 s28, $0x0  }
.Ltmp16:
0x3be: {  	_ = 	snop;
	(pc) =	sbr.rel @p2 .LBB2_22-.Ltmp16, $2  }
0x3bf: {  	_ =	sdelay $0x2  }
0x3c0: {  	s26 =	sadd.s32 $0x80, s26;
	s24 =	sadd.s32 $0x1, s24;
	s30 =	smov.u32 s31  }
.LBB2_16:
0x3c1: {  	v1 =	vld.msk [tilespmem:s24+$0x0], $0x1;
	_ =	sdelay $0x4  }
0x3c2: {  	(v2sf) =	vpush v1, $0x0;
	_ =	sdelay $0xe  }
0x3c3: {  	s31 =	spop (v2sf)  }
0x3c4: {  	p2 =	sne.s32 s30, s31  }
.Ltmp17:
0x3c5: {  	_ = 	snop;
	(pc) =	sbr.rel @!p2 .LBB2_17-.Ltmp17, $3  }
0x3c6: {  	_ =	sdelay $0x1  }
0x3c7: {  	s1 =	sshll.u32 s23, $0x7  }
0x3c8: {  	s1 =	sshra.s32 s1, $0x2  }
0x3c9: {  	p2 =	seq.s32 s30, s25  }
.Ltmp18:
0x3ca: {  	_ = 	snop;
	(pc) =	sbr.rel @!p2 .LBB2_19-.Ltmp18, $1  }
0x3cb: {  	_ =	sdelay $0x3  }
.Ltmp19:
0x3cc: {  	s1 =	sadd.s32 $0x48, s1;
	(pc) =	sbr.rel .LBB2_20-.Ltmp19, $4  }
0x3cd: {  	[spmem:s16] =	stream.linear.scatter [tilespmem:s1], [sflag:$0x1], $0x20, $0x38;
	[tilespmem:$0x1EC48] =	vst v63  }
0x3ce: {  	_ =	swait.ge [sflag:s3], $0x20  }
0x3cf: {  	[sflag:s3] =	ssyncset.done $0x0  }
0x3d0: {  	[sflag:s3] =	ssyncadd.s32 $0xFFFFFFE0  }
.LBB2_19:
0x3d1: {  	s2 =	sshll.u32 s29, $0x7  }
0x3d2: {  	s2 =	sshra.s32 s2, $0x2  }
0x3d3: {  	v1 =	vld [tilespmem:s2+$0x3068];
	_ =	sdelay $0x4  }
0x3d4: {  	[tilespmem:s1+$0x48] =	vst.add.f32.msk $0xffff, v1  }
0x3d5: {  	v1 =	vld [tilespmem:s2+$0x3078];
	_ =	sdelay $0x2  }
0x3d6: {  	p2 =	sgt.u32 s30, $0x27FFC  }
0x3d7: {  	s2 =	sand.u32 @!p2 $0x3FFF8, s30  }
0x3d8: {  	s5 =	sadd.s32 $0x48, s1;
	[tilespmem:s1+$0x58] =	vst.add.f32.msk $0xffff, v1;
	s1 =	sadd.s32 @!p2 s4, s2;
	s2 =	sand.u32 @!p2 $0x7, s30  }
0x3d9: {  	[hbm4b:s1+s2] =	stream.linear.scatter @!p2 [tilespmem:s5], [sflag:$0xC], $0x20, $0x38;
	[tilespmem:$0x1EC48] =	vst v63  }
0x3da: {  	s1 =	simm.s32 $0x0  }
0x3db: {  	s1 =	simm.s32 @!p2 $0x80  }
0x3dc: {  	s0 =	sadd.s32 s1, s0  }
.LBB2_20:
0x3dd: {  	s1 =	sadd.s32 $0x1, s23  }
0x3de: {  	s2 =	smulhi.u32 $0xAAAAAAAB, s1;
	_ =	sdelay $0x1  }
0x3df: {  	v1 =	vld [tilespmem:s26+$0xFFFFFFF0];
	s2 =	sshrl.u32 s2, $0x8  }
0x3e0: {  	s2 =	smul.u32 $0x180, s2;
	_ =	sdelay $0x1  }
0x3e1: {  	s23 =	ssub.s32 s1, s2  }
0x3e2: {  	s1 =	sshll.u32 s23, $0x5  }
0x3e3: {  	[tilespmem:s1+$0x48] =	vst v1  }
0x3e4: {  	v1 =	vld [tilespmem:s26+$0x0]  }
.Ltmp20:
0x3e5: {  	_ = 	snop;
	(pc) =	sbr.rel .LBB2_21-.Ltmp20, $2  }
0x3e6: {  	_ =	sdelay $0x2  }
0x3e7: {  	s29 =	sadd.s32 $0x1, s29;
	[tilespmem:s1+$0x58] =	vst v1  }
.LBB2_23:
.Ltmp21:
0x3e8: {  	(pc) =	sbr.rel .LBB2_24-.Ltmp21, $4  }
0x3e9: {  	_ = 	snop  }
0x3ea: {  	s0 =	simm.s32 $0x2  }
0x3eb: {  	_ =	swait.ge [sflag:s0], $0x0  }
0x3ec: {  	s31 =	smov.u32 s30;
	[sflag:s0] =	ssyncset.done $0x0;
	s0 =	simm.s32 $0x0  }
.LBB2_26:
0x3ed: {  	_ =	sfence.sel $0x180000  }
0x3ee: {  	s0 =	simm.s32 $0x9;
	[bflag:$0x0] =	sbarrier.arrive $0xFFFF  }
0x3ef: {  	s24 =	simm.s32 $0xA;
	[sflag:s0] =	ssyncpa.u1 $0x1  }
0x3f0: {  	s25 =	simm.s32 $0xB;
	[sflag:s24] =	ssyncpa.u1 $0x1  }
0x3f1: {  	s26 =	simm.s32 $0x2;
	[sflag:s25] =	ssyncpa.u1 $0x1  }
0x3f2: {  	[sflag:s26] =	ssyncpa.u1 $0x1  }
0x3f3: {  	v0 =	vld [tilespmem:$0x6088];
	_ =	sdelay $0x4  }
0x3f4: {  	(v2sf) =	vpush v0, $0x0  }
0x3f5: {  	(v2sf) =	vpush v0, $0x1;
	_ =	sdelay $0x1  }
0x3f6: {  	(v2sf) =	vpush v0, $0x2;
	_ =	sdelay $0xb  }
0x3f7: {  	s0 =	spop (v2sf)  }
0x3f8: {  	s1 =	spop (v2sf)  }
0x3f9: {  	s2 =	smov.u32 s0;
	p0 =	sne.s32 s0, s1  }
0x3fa: {  	s3 =	spop (v2sf);
	s2 =	simm.s32 @!p0 $0xFFFFFFFF  }
0x3fb: {  	v2 =	vimm.s32 $0x1;
	v3 =	vlaneseq.u32;
	p0 =	seq.s32 s3, $0xFFFFFFFF;
	v1 =	vmov s2  }
0x3fc: {  	s14 =	stileid.u32;
	v0 =	vperm.xlane v0, v2;
	p1 =	sne.s32 @!p0 s0, s1;
	v1 =	vperm.xlane v1, v3  }
0x3fd: {  	vm0 =	vcmask $0x3F04;
	s6 =	simm.s32 $0x6088;
	s0 =	simm.s32 @!p0 $0x1;
	p1 =	por !p1, p0  }
0x3fe: {  	s2 =	sshll.u32 s14, $0x1;
	s1 =	sshll.u32 @!p0 s3, $0x7;
	s0 =	simm.s32 @p1 $0x0;
	v0 =	vsel vm0, v1, v0  }
0x3ff: {  	s5 =	sor.u32 $0x400, s2;
	s1 =	sshra.s32 @!p0 s1, $0x2;
	s0 =	sor.u32 @!p0 s0, s2;
	[tilespmem:$0x6088] =	vst v0  }
0x400: {  	[spmem:s5] =	stream.linear.scatter [tilespmem:s6], [sflag:$0x1], $0x2, $0x38;
	[tilespmem:$0x1EC48] =	vst v63  }
0x401: {  	s1 =	sadd.s32 @!p0 $0x48, s1;
	s0 =	sshll.u32 @!p0 s0, $0x5  }
0x402: {  	[spmem:s0] =	stream.linear.scatter @!p0 [tilespmem:s1], [sflag:$0x1], $0x20, $0x38;
	[tilespmem:$0x1EC48] =	vst v63  }
0x403: {  	s0 =	simm.s32 @!p0 $0x22  }
0x404: {  	s28 =	simm.s32 $0x1;
	s0 =	simm.s32 @p0 $0x2  }
0x405: {  	_ =	swait.ge [sflag:s28], s0  }
0x406: {  	s0 =	ssub.s32 $0x0, s0;
	[sflag:s28] =	ssyncset.done $0x0  }
0x407: {  	p0 =	sne.s32 s14, $0x0;
	[sflag:s28] =	ssyncadd.s32 s0  }
.Ltmp22:
0x408: {  	_ =	sfence.stream.spmem;
	(pc) =	sbr.rel @p0 .LBB2_43-.Ltmp22, $4  }
0x409: {  	s29 =	simm.s32 $0x3;
	[bflag:$0x0] =	sbarrier.arrive $0xFFFF  }
0x40a: {  	s30 =	simm.s32 $0x4;
	[sflag:s29] =	ssyncpa.u1 $0x1  }
0x40b: {  	s31 =	simm.s32 $0x3C;
	[sflag:s30] =	ssyncpa.u1 $0x1  }
0x40c: {  	s15 =	rddreg [dreg:$0x4];
	[sflag:s31] =	ssyncpa.u1 $0x1  }
0x40d: {  	_ =	sfence.stream.spmem;
	s0 =	simm.s32 $0x5  }
0x40e: {  	s1 =	simm.s32 $0x400;
	s2 =	simm.s32 $0x6098;
	[sflag:s0] =	ssyncpa.u1 $0x0  }
0x40f: {  	[tilespmem:s2], [sflag:$0x5] =	stream.linear.gather [spmem:s1], $0x20, $0x38;
	[tilespmem:$0x1EC48] =	vst v63  }
0x410: {  	s26 =	simm.s32 $0x0;
	s28 =	simm.s32 $0x60B8  }
0x411: {  	[tilespmem:s28], [sflag:$0x5] =	stream.linear.gather [spmem:s26], $0x400, $0x38;
	[tilespmem:$0x1EC48] =	vst v63  }
0x412: {  	_ =	swait.ge [sflag:s0], $0x420  }
0x413: {  	[sflag:s0] =	ssyncset.done $0x0  }
0x414: {  	s29 =	simm.s32 $0x0;
	[sflag:s0] =	ssyncadd.s32 $0xFFFFFBE0  }
0x415: {  	v0 =	vld.msk [tilespmem:s29+$0x6098], $0x1;
	_ =	sdelay $0x1  }
0x416: {  	s30 =	simm.s32 $0x1  }
0x417: {  	v1 =	vld.msk [tilespmem:s30+$0x6098], $0x1;
	_ =	sdelay $0x1  }
0x418: {  	(v2sf) =	vpush v0, $0x0;
	_ =	sdelay $0x2  }
0x419: {  	(v2sf) =	vpush v1, $0x0;
	_ =	sdelay $0x2  }
0x41a: {  	s31 =	simm.s32 $0x2  }
0x41b: {  	v0 =	vld.msk [tilespmem:s31+$0x6098], $0x1;
	_ =	sdelay $0x2  }
0x41c: {  	s1 =	simm.s32 $0xFFFFFFFF;
	s2 =	simm.s32 $0xFFFFFFFF;
	s0 =	simm.s32 $0xC  }
.LBB2_28:
0x41d: {  	s3 =	smov.u32 s2;
	s5 =	smov.u32 s1  }
0x41e: {  	s1 =	sshra.s32 s0, $0x2;
	p1 =	sne.s32 s0, $0x7C;
	s0 =	sadd.s32 $0x4, s0;
	(v2sf) =	vpush v0, $0x0  }
0x41f: {  	v0 =	vld.msk [tilespmem:s1+$0x6098], $0x1  }
.Ltmp23:
0x420: {  	(pc) =	sbr.rel @p1 .LBB2_28-.Ltmp23, $4  }
0x421: {  	s2 =	spop (v2sf)  }
0x422: {  	p2 =	sne.s32 s5, $0xFFFFFFFF;
	s1 =	smov.u32 s2  }
0x423: {  	p3 =	seq.s32 s2, $0xFFFFFFFF;
	s1 =	smov.u32 @p2 s5  }
0x424: {  	s2 =	smov.u32 @p3 s3;
	s1 =	smov.u32 @p3 s5  }
0x425: {  	(v2sf) =	vpush v0, $0x0;
	_ =	sdelay $0x8  }
0x426: {  	s0 =	spop (v2sf)  }
0x427: {  	p1 =	sne.s32 s1, $0xFFFFFFFF;
	s3 =	smov.u32 s0  }
0x428: {  	s9 =	simm.s32 $0x6;
	p2 =	seq.s32 s0, $0xFFFFFFFF;
	s3 =	smov.u32 @p1 s1  }
0x429: {  	s10 =	simm.s32 $0x6068;
	s3 =	smov.u32 @p2 s1;
	s1 =	spop (v2sf)  }
0x42a: {  	s0 =	smov.u32 @p2 s2;
	p1 =	sne.s32 s3, $0xFFFFFFFF;
	s5 =	smov.u32 s1  }
.Ltmp24:
0x42b: {  	p2 =	seq.s32 s1, $0xFFFFFFFF;
	s5 =	smov.u32 @p1 s3;
	(pc) =	sbr.rel .LBB2_30-.Ltmp24, $4  }
0x42c: {  	s11 =	simm.s32 $0x0;
	s5 =	smov.u32 @p2 s3;
	s7 =	spop (v2sf)  }
0x42d: {  	[sflag:s9] =	ssyncpa.u1 $0x0;
	p1 =	sne.s32 s5, $0xFFFFFFFF;
	s8 =	smov.u32 s7  }
0x42e: {  	s1 =	smov.u32 @p2 s0;
	p2 =	seq.s32 s7, $0xFFFFFFFF;
	s8 =	smov.u32 @p1 s5  }
0x42f: {  	s3 =	simm.s32 $0x0;
	s7 =	smov.u32 @p2 s1;
	s8 =	smov.u32 @p2 s5  }
.LBB2_36:
0x430: {  	p1 =	sgt.u32 s12, $0x27FFC  }
0x431: {  	p2 =	seq.s32 @!p1 s12, s8  }
0x432: {  	p1 =	por p1, p2  }
0x433: {  	p2 =	sne.s32 @!p1 s12, s7  }
0x434: {  	p1 =	por p1, !p2  }
0x435: {  	s0 =	sshll.u32 @p1 s11, $0x7  }
0x436: {  	s0 =	sand.u32 @!p1 $0x3FFF8, s12  }
0x437: {  	s1 =	sand.u32 @!p1 $0x7, s12;
	s0 =	sadd.s32 @!p1 s4, s0  }
0x438: {  	[tilespmem:s10], [sflag:$0x6] =	stream.linear.gather @!p1 [hbm4b:s0+s1], $0x20, $0x38;
	[tilespmem:$0x1EC48] =	vst v63  }
0x439: {  	_ =	swait.ge @!p1 [sflag:s9], $0x20  }
0x43a: {  	[sflag:s9] =	ssyncset.done @!p1 $0x0  }
0x43b: {  	[sflag:s9] =	ssyncadd.s32 @!p1 $0xFFFFFFE0  }
0x43c: {  	v1 =	vld @!p1 [tilespmem:$0x6068];
	_ =	sdelay $0x2  }
0x43d: {  	s0 =	sshll.u32 @!p1 s11, $0x7  }
0x43e: {  	s1 =	sshrl.u32 @!p1 s0, $0x2  }
0x43f: {  	[tilespmem:s1+$0x60B8] =	vst.add.f32.msk @!p1 $0xffff, v1  }
0x440: {  	v1 =	vld @!p1 [tilespmem:$0x6078];
	_ =	sdelay $0x4  }
0x441: {  	[tilespmem:s1+$0x60C8] =	vst.add.f32.msk @!p1 $0xffff, v1  }
0x442: {  	s0 =	sshrl.u32 s0, $0x2;
	[tilespmem:s3+$0x6098] =	vst.msk $0x1, v0  }
0x443: {  	v0 =	vld [tilespmem:s0+$0x60B8];
	_ =	sdelay $0x2  }
0x444: {  	s31 =	sshll.u32 s3, $0x7  }
0x445: {  	s1 =	sshra.s32 s31, $0x2  }
0x446: {  	[tilespmem:s1+$0x60B8] =	vst v0  }
0x447: {  	v0 =	vld [tilespmem:s0+$0x60C8];
	_ =	sdelay $0x4  }
0x448: {  	s3 =	sadd.s32 $0x1, s3;
	[tilespmem:s1+$0x60C8] =	vst v0  }
.LBB2_37:
0x449: {  	s11 =	sadd.s32 $0x1, s11  }
0x44a: {  	p1 =	sne.s32 s11, $0x20  }
.Ltmp25:
0x44b: {  	_ = 	snop;
	(pc) =	sbr.rel @!p1 .LBB2_38-.Ltmp25, $1  }
0x44c: {  	_ =	sdelay $0x3  }
.LBB2_30:
0x44d: {  	v0 =	vld.msk [tilespmem:s11+$0x6098], $0x1;
	_ =	sdelay $0x4  }
0x44e: {  	(v2sf) =	vpush v0, $0x0;
	_ =	sdelay $0xe  }
0x44f: {  	s12 =	spop (v2sf)  }
0x450: {  	p1 =	seq.s32 s12, $0xFFFFFFFF  }
.Ltmp26:
0x451: {  	_ = 	snop;
	(pc) =	sbr.rel @p1 .LBB2_37-.Ltmp26, $1  }
0x452: {  	_ =	sdelay $0x3  }
0x453: {  	p1 =	slt.s32 s3, $0x1  }
.Ltmp27:
0x454: {  	_ = 	snop;
	(pc) =	sbr.rel @p1 .LBB2_36-.Ltmp27, $1  }
0x455: {  	_ =	sdelay $0x3  }
0x456: {  	s0 =	simm.s32 $0x6098;
	p1 =	por $0x0, $0x0  }
0x457: {  	v1 =	vld.msk @!p1 [tilespmem:s0+$0x0], $0x1;
	_ =	sdelay $0x4  }
0x458: {  	(v2sf) =	vpush @!p1 v1, $0x0;
	_ =	sdelay $0xd  }
0x459: {  	p3 =	sne.s32 s3, $0x1  }
.Ltmp28:
0x45a: {  	s1 =	spop @!p1 (v2sf);
	(pc) =	sbr.rel @!p3 .LBB2_34-.Ltmp28, $4  }
0x45b: {  	p2 =	seq.s32 @!p1 s12, s1  }
0x45c: {  	s13 =	simm.s32 $0x0;
	p2 =	por !p2, p1  }
0x45d: {  	s2 =	simm.s32 $0xFFFFFFFF;
	s13 =	simm.s32 @p2 $0xFFFFFFFF  }
0x45e: {  	s1 =	simm.s32 $0x1;
	s13 =	smov.u32 @p1 s2  }
.LBB2_33:
0x45f: {  	s2 =	smov.u32 s13;
	p1 =	sne.s32 s13, $0xFFFFFFFF  }
0x460: {  	s0 =	sadd.s32 $0x1, s0;
	s13 =	smov.u32 s1;
	s1 =	sadd.s32 $0x1, s1  }
0x461: {  	p2 =	sne.s32 s3, s1;
	v1 =	vld.msk @!p1 [tilespmem:s0+$0x0], $0x1;
	_ =	sdelay $0x4  }
0x462: {  	(v2sf) =	vpush @!p1 v1, $0x0;
	_ =	sdelay $0xe  }
.Ltmp29:
0x463: {  	s5 =	spop @!p1 (v2sf);
	(pc) =	sbr.rel @p2 .LBB2_33-.Ltmp29, $4  }
0x464: {  	p3 =	seq.s32 @!p1 s12, s5  }
0x465: {  	p3 =	por !p3, p1  }
0x466: {  	s13 =	simm.s32 @p3 $0xFFFFFFFF  }
0x467: {  	s13 =	smov.u32 @p1 s2  }
.LBB2_34:
0x468: {  	p1 =	seq.s32 s13, $0xFFFFFFFF  }
.Ltmp30:
0x469: {  	_ = 	snop;
	(pc) =	sbr.rel @p1 .LBB2_36-.Ltmp30, $1  }
0x46a: {  	_ =	sdelay $0x3  }
0x46b: {  	s0 =	sshll.u32 s11, $0x5  }
0x46c: {  	s0 =	sand.u32 $0x3FFFFFE0, s0  }
0x46d: {  	v0 =	vld [tilespmem:s0+$0x60B8];
	_ =	sdelay $0x2  }
0x46e: {  	s1 =	sshll.u32 s13, $0x7  }
0x46f: {  	s1 =	sshra.s32 s1, $0x2  }
0x470: {  	[tilespmem:s1+$0x60B8] =	vst.add.f32.msk $0xffff, v0  }
0x471: {  	v0 =	vld [tilespmem:s0+$0x60C8]  }
.Ltmp31:
0x472: {  	_ = 	snop;
	(pc) =	sbr.rel .LBB2_37-.Ltmp31, $2  }
0x473: {  	_ =	sdelay $0x2  }
0x474: {  	[tilespmem:s1+$0x60C8] =	vst.add.f32.msk $0xffff, v0  }
.LBB2_38:
0x475: {  	s0 =	simm.s32 $0x6;
	p1 =	seq.s32 s3, $0x0  }
0x476: {  	[sflag:s0] =	ssyncpa.u1 $0x1;
	v0 =	vimm.s32 @p1 $0xFFFFFFFF  }
0x477: {  	s9 =	sadd.s32 $0xFFFFFFFF, s3;
	[tilespmem:$0x64B8] =	vst @p1 v0  }
0x478: {  	v0 =	vld.msk @!p1 [tilespmem:s9+$0x6098], $0x1;
	_ =	sdelay $0x1  }
0x479: {  	v1 =	vld.msk @!p1 [tilespmem:$0x6098], $0x1;
	_ =	sdelay $0x2  }
0x47a: {  	p2 =	seq.s32 @!p1 s9, $0x0;
	v0 =	vbroadcast @!p1 v0, $0x0  }
0x47b: {  	vm0 =	vmmov @!p1 $0x1;
	p2 =	por !p2, p1  }
0x47c: {  	v1 =	vnsel @!p1 vm0, $0xFFFFFFFF, v1;
	vm0 =	vcmask @!p1 $0x308;
	v0 =	vpsel !p2, $0xFFFFFFFF, v0  }
0x47d: {  	p2 =	sne.s32 @!p1 s8, s7;
	v0 =	vsel @!p1 vm0, v1, v0  }
0x47e: {  	s0 =	simm.s32 @!p1 $0x60B8;
	s1 =	simm.s32 @!p1 $0x0;
	p3 =	por !p2, p1;
	[tilespmem:$0x64B8] =	vst @!p1 v0  }
0x47f: {  	[spmem:s1] =	stream.linear.scatter @!p1 [tilespmem:s0], [sflag:$0x1], $0x20, $0x38;
	[tilespmem:$0x1EC48] =	vst v63  }
0x480: {  	s0 =	sshll.u32 @!p3 s9, $0x7  }
0x481: {  	s0 =	sshra.s32 @!p3 s0, $0x2  }
0x482: {  	s1 =	simm.s32 @!p3 $0x20;
	s0 =	sadd.s32 @!p3 $0x60B8, s0  }
0x483: {  	[spmem:s1] =	stream.linear.scatter @!p3 [tilespmem:s0], [sflag:$0x1], $0x20, $0x38;
	[tilespmem:$0x1EC48] =	vst v63  }
0x484: {  	s0 =	simm.s32 @!p3 $0x1  }
0x485: {  	_ =	swait.ge @!p3 [sflag:s0], $0x40  }
0x486: {  	p1 =	por p2, p1;
	[sflag:s0] =	ssyncset.done @!p3 $0x0  }
0x487: {  	[sflag:s0] =	ssyncadd.s32 @!p3 $0xFFFFFFC0;
	s0 =	simm.s32 @!p1 $0x1  }
0x488: {  	_ =	swait.ge @!p1 [sflag:s0], $0x20  }
0x489: {  	s29 =	simm.s32 $0x64B8;
	[sflag:s0] =	ssyncset.done @!p1 $0x0  }
0x48a: {  	s30 =	simm.s32 $0x400;
	s31 =	simm.s32 $0x1;
	[sflag:s0] =	ssyncadd.s32 @!p1 $0xFFFFFFE0  }
0x48b: {  	[spmem:s30] =	stream.linear.scatter [tilespmem:s29], [sflag:$0x1], $0x10, $0x38;
	[tilespmem:$0x1EC48] =	vst v63  }
0x48c: {  	_ =	swait.ge [sflag:s31], $0x10  }
0x48d: {  	[sflag:s31] =	ssyncset.done $0x0  }
0x48e: {  	p1 =	seq.s32 s15, $0x0;
	s8 =	rddreg [dreg:$0x1];
	[sflag:s31] =	ssyncadd.s32 $0xFFFFFFF0  }
0x48f: {  	s1 =	sshll.u32 @p1 s8, $0xE;
	s7 =	rddreg [dreg:$0x2]  }
0x490: {  	s0 =	sadd.s32 @p1 $0x15C3C, s1;
	s1 =	sshll.u32 @p1 s7, $0x11  }
0x491: {  	_ =	sfence.stream.spmem;
	s0 =	sor.u32 @p1 s1, s0  }
0x492: {  	[sflag:s0] =	ssyncadd.remote.s32 @p1 $0x1;
	s0 =	simm.s32 @p1 $0x4  }
0x493: {  	s2 =	simm.s32 @!p1 $0x3C;
	s1 =	sand.u32 $0xFFFFFFFE, s8;
	_ =	swait.ge @p1 [sflag:s0], $0xA  }
0x494: {  	s5 =	simm.s32 @!p1 $0x0;
	s1 =	sadd.s32 @!p1 $0x4, s1;
	[sflag:s0] =	ssyncset.done @p1 $0x0  }
0x495: {  	s6 =	simm.s32 @!p1 $0x40;
	[sflag:s0] =	ssyncadd.s32 @p1 $0xFFFFFFF6;
	s0 =	sshll.u32 @!p1 s1, $0x1A  }
0x496: {  	s1 =	sshll.u32 @!p1 s1, $0xD;
	s0 =	sor.u32 @!p1 s0, s7;
	_ =	swait.eq @!p1 [sflag:s2], $0x1  }
0x497: {  	s1 =	sor.u32 @!p1 $0x1C04, s1;
	s2 =	simm.s32 @!p1 $0x1C03;
	s0 =	sor.u32 @!p1 $0x80004000, s0  }
0x498: {  	[spmem:s6], [sflag:s1] =	dma.general @!p1 [spmem:s5], [sflag:s2], length:$0x8, [dreg:$0x0], stride_count:$0x0, ici_dest:s0, dma_misc:DstOpCode:WRITE  }
0x499: {  	p2 =	slt.s32 s9, $0x2;
	s5 =	simm.s32 @!p1 $0x80;
	s6 =	simm.s32 @!p1 $0x82  }
0x49a: {  	[spmem:s6], [sflag:s1] =	dma.general @!p1 [spmem:s5], [sflag:s2], length:$0x2, [dreg:$0x0], stride_count:$0x0, ici_dest:s0, dma_misc:DstOpCode:WRITE  }
.Ltmp32:
0x49b: {  	s0 =	simm.s32 @!p1 $0x3;
	(pc) =	sbr.rel @p2 .LBB2_42-.Ltmp32, $4  }
0x49c: {  	s1 =	sshll.u32 @!p1 s8, $0xE;
	_ =	swait.ge @!p1 [sflag:s0], $0xA  }
0x49d: {  	s2 =	sshll.u32 @!p1 s7, $0x11;
	s1 =	sadd.s32 @!p1 $0x11C3C, s1;
	[sflag:s0] =	ssyncset.done @!p1 $0x0  }
0x49e: {  	[sflag:s0] =	ssyncadd.s32 @!p1 $0xFFFFFFF6;
	s0 =	sor.u32 @!p1 s2, s1  }
0x49f: {  	[sflag:s0] =	ssyncadd.remote.s32 @!p1 $0xFFFFFFFF;
	s0 =	simm.s32 $0x0  }
0x4a0: {  	s0 =	simm.s32 $0x6099  }
0x4a1: {  	v0 =	vld.msk [tilespmem:s0+$0x0], $0x1;
	_ =	sdelay $0x4  }
0x4a2: {  	(v2sf) =	vpush v0, $0x0;
	_ =	sdelay $0xc  }
0x4a3: {  	s1 =	sadd.s32 $0xFFFFFFFE, s3  }
0x4a4: {  	s1 =	sadd.s32 $0xFFFFFFFF, s1  }
0x4a5: {  	p2 =	sne.s32 s1, $0x0;
	s2 =	spop (v2sf)  }
.Ltmp33:
0x4a6: {  	p1 =	sgt.u32 s2, $0x27FFC;
	(pc) =	sbr.rel @!p2 .LBB2_41-.Ltmp33, $4  }
0x4a7: {  	s6 =	simm.s32 $0x0;
	s3 =	sand.u32 @!p1 $0x3FFF8, s2  }
0x4a8: {  	s0 =	simm.s32 $0x60D8;
	s2 =	sand.u32 @!p1 $0x7, s2;
	s3 =	sadd.s32 @!p1 s4, s3  }
0x4a9: {  	[hbm4b:s3+s2] =	stream.linear.scatter @!p1 [tilespmem:s0], [sflag:$0x5], $0x20, $0x38;
	[tilespmem:$0x1EC48] =	vst v63  }
0x4aa: {  	s6 =	simm.s32 @!p1 $0x80;
	s2 =	simm.s32 $0x0;
	s3 =	simm.s32 $0x609A  }
.LBB2_40:
0x4ab: {  	v0 =	vld.msk [tilespmem:s3+$0x0], $0x1;
	s1 =	sadd.s32 $0xFFFFFFFF, s1;
	s2 =	sadd.s32 s2, s6  }
0x4ac: {  	p1 =	sne.s32 s1, $0x0;
	_ =	sdelay $0x3  }
0x4ad: {  	(v2sf) =	vpush v0, $0x0;
	_ =	sdelay $0xe  }
.Ltmp34:
0x4ae: {  	s5 =	spop (v2sf);
	(pc) =	sbr.rel @p1 .LBB2_40-.Ltmp34, $4  }
0x4af: {  	s6 =	simm.s32 $0x0;
	p2 =	sgt.u32 s5, $0x27FFC  }
0x4b0: {  	s0 =	sadd.s32 $0x20, s0;
	s6 =	simm.s32 @!p2 $0x80;
	s7 =	sand.u32 @!p2 $0x3FFF8, s5  }
0x4b1: {  	s3 =	sadd.s32 $0x1, s3;
	s5 =	sand.u32 @!p2 $0x7, s5;
	s7 =	sadd.s32 @!p2 s4, s7  }
0x4b2: {  	[hbm4b:s7+s5] =	stream.linear.scatter @!p2 [tilespmem:s0], [sflag:$0x5], $0x20, $0x38;
	[tilespmem:$0x1EC48] =	vst v63  }
.LBB2_41:
0x4b3: {  	s0 =	sadd.s32 s2, s6  }
0x4b4: {  	s0 =	sshrl.u32 s0, $0x2  }
.LBB2_42:
0x4b5: {  	s1 =	simm.s32 $0x5  }
0x4b6: {  	_ =	swait.ge [sflag:s1], s0  }
0x4b7: {  	s31 =	ssub.s32 $0x0, s0;
	[sflag:s1] =	ssyncset.done $0x0  }
0x4b8: {  	[sflag:s1] =	ssyncadd.s32 s31  }
0x4b9: {  	[sflag:s1] =	ssyncpa.u1 $0x1  }
.LBB2_43:
0x4ba: {  	s0 =	sor.u32 s15, s14  }
0x4bb: {  	p1 =	sne.s32 s0, $0x0  }
.Ltmp35:
0x4bc: {  	_ = 	snop;
	(pc) =	sbr.rel @p1 .LBB2_58-.Ltmp35, $3  }
0x4bd: {  	_ =	sdelay $0x1  }
0x4be: {  	[bflag:$0x0] =	sbarrier.arrive $0xFFFF  }
0x4bf: {  	_ =	sfence  }
0x4c0: {  	s0 =	simm.s32 $0x7  }
0x4c1: {  	s1 =	simm.s32 $0x400;
	s2 =	simm.s32 $0x6098;
	[sflag:s0] =	ssyncpa.u1 $0x0  }
0x4c2: {  	[tilespmem:s2], [sflag:$0x7] =	stream.linear.gather [spmem:s1], $0x20, $0x38;
	[tilespmem:$0x1EC48] =	vst v63  }
0x4c3: {  	s30 =	simm.s32 $0x60B8;
	s1 =	simm.s32 $0x0  }
0x4c4: {  	[tilespmem:s30], [sflag:$0x7] =	stream.linear.gather [spmem:s1], $0x400, $0x38;
	[tilespmem:$0x1EC48] =	vst v63  }
.Ltmp36:
0x4c5: {  	_ = 	snop;
	(pc) =	sbr.rel .LBB2_45-.Ltmp36, $4  }
0x4c6: {  	_ =	swait.ge [sflag:s0], $0x420  }
0x4c7: {  	[sflag:s0] =	ssyncset.done $0x0  }
0x4c8: {  	s31 =	simm.s32 $0x8;
	[sflag:s0] =	ssyncadd.s32 $0xFFFFFBE0  }
0x4c9: {  	s2 =	simm.s32 $0x0;
	[sflag:s31] =	ssyncpa.u1 $0x0  }
.LBB2_51:
0x4ca: {  	p1 =	slt.u32 s3, $0x27FFD  }
0x4cb: {  	s0 =	sand.u32 @p1 $0x3FFF8, s3  }
0x4cc: {  	s3 =	sand.u32 @p1 $0x7, s3;
	s5 =	simm.s32 @p1 $0x6068;
	s0 =	sadd.s32 @p1 s4, s0  }
0x4cd: {  	[tilespmem:s5], [sflag:$0x8] =	stream.linear.gather @p1 [hbm4b:s0+s3], $0x20, $0x38;
	[tilespmem:$0x1EC48] =	vst v63  }
0x4ce: {  	s0 =	simm.s32 @p1 $0x8  }
0x4cf: {  	_ =	swait.ge @p1 [sflag:s0], $0x20  }
0x4d0: {  	[sflag:s0] =	ssyncset.done @p1 $0x0  }
0x4d1: {  	[sflag:s0] =	ssyncadd.s32 @p1 $0xFFFFFFE0  }
0x4d2: {  	v1 =	vld @p1 [tilespmem:$0x6068];
	_ =	sdelay $0x2  }
0x4d3: {  	s0 =	sshll.u32 @p1 s2, $0x7  }
0x4d4: {  	s3 =	sshrl.u32 @p1 s0, $0x2  }
0x4d5: {  	[tilespmem:s3+$0x60B8] =	vst.add.f32.msk @p1 $0xffff, v1  }
0x4d6: {  	v1 =	vld @p1 [tilespmem:$0x6078];
	_ =	sdelay $0x3  }
0x4d7: {  	s5 =	sshll.u32 @!p1 s2, $0x7  }
0x4d8: {  	s5 =	smov.u32 @p1 s0;
	[tilespmem:s3+$0x60C8] =	vst.add.f32.msk @p1 $0xffff, v1  }
0x4d9: {  	s0 =	sshrl.u32 s5, $0x2;
	[tilespmem:s1+$0x6098] =	vst.msk $0x1, v0  }
0x4da: {  	v0 =	vld [tilespmem:s0+$0x60B8];
	_ =	sdelay $0x2  }
0x4db: {  	s31 =	sshll.u32 s1, $0x7  }
0x4dc: {  	s3 =	sshra.s32 s31, $0x2  }
0x4dd: {  	[tilespmem:s3+$0x60B8] =	vst v0  }
0x4de: {  	v0 =	vld [tilespmem:s0+$0x60C8];
	_ =	sdelay $0x4  }
0x4df: {  	s1 =	sadd.s32 $0x1, s1;
	[tilespmem:s3+$0x60C8] =	vst v0  }
.LBB2_52:
0x4e0: {  	s2 =	sadd.s32 $0x1, s2  }
0x4e1: {  	p1 =	sne.s32 s2, $0x20  }
.Ltmp37:
0x4e2: {  	_ = 	snop;
	(pc) =	sbr.rel @!p1 .LBB2_53-.Ltmp37, $1  }
0x4e3: {  	_ =	sdelay $0x3  }
.LBB2_45:
0x4e4: {  	v0 =	vld.msk [tilespmem:s2+$0x6098], $0x1;
	_ =	sdelay $0x4  }
0x4e5: {  	(v2sf) =	vpush v0, $0x0;
	_ =	sdelay $0xe  }
0x4e6: {  	s3 =	spop (v2sf)  }
0x4e7: {  	p1 =	seq.s32 s3, $0xFFFFFFFF  }
.Ltmp38:
0x4e8: {  	_ = 	snop;
	(pc) =	sbr.rel @p1 .LBB2_52-.Ltmp38, $1  }
0x4e9: {  	_ =	sdelay $0x3  }
0x4ea: {  	p1 =	slt.s32 s1, $0x1  }
.Ltmp39:
0x4eb: {  	_ = 	snop;
	(pc) =	sbr.rel @p1 .LBB2_51-.Ltmp39, $1  }
0x4ec: {  	_ =	sdelay $0x3  }
0x4ed: {  	s0 =	simm.s32 $0x6098;
	p1 =	por $0x0, $0x0  }
0x4ee: {  	v1 =	vld.msk @!p1 [tilespmem:s0+$0x0], $0x1;
	_ =	sdelay $0x4  }
0x4ef: {  	(v2sf) =	vpush @!p1 v1, $0x0;
	_ =	sdelay $0xd  }
0x4f0: {  	p3 =	sne.s32 s1, $0x1  }
.Ltmp40:
0x4f1: {  	s5 =	spop @!p1 (v2sf);
	(pc) =	sbr.rel @!p3 .LBB2_49-.Ltmp40, $4  }
0x4f2: {  	p2 =	seq.s32 @!p1 s3, s5  }
0x4f3: {  	s5 =	simm.s32 $0x0;
	p2 =	por !p2, p1  }
0x4f4: {  	s7 =	simm.s32 $0xFFFFFFFF;
	s5 =	simm.s32 @p2 $0xFFFFFFFF  }
0x4f5: {  	s6 =	simm.s32 $0x1;
	s5 =	smov.u32 @p1 s7  }
.LBB2_48:
0x4f6: {  	s7 =	smov.u32 s5;
	p1 =	sne.s32 s5, $0xFFFFFFFF  }
0x4f7: {  	s0 =	sadd.s32 $0x1, s0;
	s5 =	smov.u32 s6;
	s6 =	sadd.s32 $0x1, s6  }
0x4f8: {  	p2 =	sne.s32 s1, s6;
	v1 =	vld.msk @!p1 [tilespmem:s0+$0x0], $0x1;
	_ =	sdelay $0x4  }
0x4f9: {  	(v2sf) =	vpush @!p1 v1, $0x0;
	_ =	sdelay $0xe  }
.Ltmp41:
0x4fa: {  	s8 =	spop @!p1 (v2sf);
	(pc) =	sbr.rel @p2 .LBB2_48-.Ltmp41, $4  }
0x4fb: {  	p3 =	seq.s32 @!p1 s3, s8  }
0x4fc: {  	p3 =	por !p3, p1  }
0x4fd: {  	s5 =	simm.s32 @p3 $0xFFFFFFFF  }
0x4fe: {  	s5 =	smov.u32 @p1 s7  }
.LBB2_49:
0x4ff: {  	p1 =	seq.s32 s5, $0xFFFFFFFF  }
.Ltmp42:
0x500: {  	_ = 	snop;
	(pc) =	sbr.rel @p1 .LBB2_51-.Ltmp42, $1  }
0x501: {  	_ =	sdelay $0x3  }
0x502: {  	s0 =	sshll.u32 s2, $0x5  }
0x503: {  	s0 =	sand.u32 $0x3FFFFFE0, s0  }
0x504: {  	v0 =	vld [tilespmem:s0+$0x60B8];
	_ =	sdelay $0x2  }
0x505: {  	s3 =	sshll.u32 s5, $0x7  }
0x506: {  	s3 =	sshra.s32 s3, $0x2  }
0x507: {  	[tilespmem:s3+$0x60B8] =	vst.add.f32.msk $0xffff, v0  }
0x508: {  	v0 =	vld [tilespmem:s0+$0x60C8]  }
.Ltmp43:
0x509: {  	_ = 	snop;
	(pc) =	sbr.rel .LBB2_52-.Ltmp43, $2  }
0x50a: {  	_ =	sdelay $0x2  }
0x50b: {  	[tilespmem:s3+$0x60C8] =	vst.add.f32.msk $0xffff, v0  }
.LBB2_53:
0x50c: {  	p1 =	slt.s32 s1, $0x1  }
.Ltmp44:
0x50d: {  	_ = 	snop;
	(pc) =	sbr.rel @p1 .LBB2_57-.Ltmp44, $3  }
0x50e: {  	_ =	sdelay $0x1  }
0x50f: {  	s0 =	simm.s32 $0x8  }
0x510: {  	s2 =	simm.s32 $0x0;
	[sflag:s0] =	ssyncpa.u1 $0x1  }
0x511: {  	s0 =	simm.s32 $0x6098  }
0x512: {  	v0 =	vld.msk [tilespmem:s0+$0x0], $0x1;
	_ =	sdelay $0x4  }
0x513: {  	(v2sf) =	vpush v0, $0x0;
	_ =	sdelay $0xe  }
0x514: {  	s1 =	sadd.s32 $0xFFFFFFFF, s1;
	s3 =	spop (v2sf)  }
0x515: {  	p2 =	sne.s32 s1, $0x0;
	p1 =	sgt.u32 s3, $0x27FFC  }
.Ltmp45:
0x516: {  	s5 =	sand.u32 @!p1 $0x3FFF8, s3;
	(pc) =	sbr.rel @!p2 .LBB2_56-.Ltmp45, $4  }
0x517: {  	s0 =	simm.s32 $0x60B8;
	s3 =	sand.u32 @!p1 $0x7, s3;
	s5 =	sadd.s32 @!p1 s4, s5  }
0x518: {  	[hbm4b:s5+s3] =	stream.linear.scatter @!p1 [tilespmem:s0], [sflag:$0x7], $0x20, $0x38;
	[tilespmem:$0x1EC48] =	vst v63  }
0x519: {  	s5 =	simm.s32 $0x0  }
0x51a: {  	s3 =	simm.s32 $0x6099;
	s5 =	simm.s32 @!p1 $0x80  }
.LBB2_55:
0x51b: {  	v0 =	vld.msk [tilespmem:s3+$0x0], $0x1;
	s1 =	sadd.s32 $0xFFFFFFFF, s1;
	s2 =	sadd.s32 s2, s5  }
0x51c: {  	p1 =	sne.s32 s1, $0x0;
	_ =	sdelay $0x3  }
0x51d: {  	(v2sf) =	vpush v0, $0x0;
	_ =	sdelay $0xe  }
.Ltmp46:
0x51e: {  	s6 =	spop (v2sf);
	(pc) =	sbr.rel @p1 .LBB2_55-.Ltmp46, $4  }
0x51f: {  	s5 =	simm.s32 $0x0;
	p2 =	sgt.u32 s6, $0x27FFC  }
0x520: {  	s0 =	sadd.s32 $0x20, s0;
	s5 =	simm.s32 @!p2 $0x80;
	s7 =	sand.u32 @!p2 $0x3FFF8, s6  }
0x521: {  	s3 =	sadd.s32 $0x1, s3;
	s6 =	sand.u32 @!p2 $0x7, s6;
	s7 =	sadd.s32 @!p2 s4, s7  }
0x522: {  	[hbm4b:s7+s6] =	stream.linear.scatter @!p2 [tilespmem:s0], [sflag:$0x7], $0x20, $0x38;
	[tilespmem:$0x1EC48] =	vst v63  }
.LBB2_56:
0x523: {  	s0 =	sadd.s32 s2, s5  }
0x524: {  	s2 =	sshrl.u32 s0, $0x2  }
.LBB2_57:
0x525: {  	s0 =	simm.s32 $0x7  }
0x526: {  	_ =	swait.ge [sflag:s0], s2  }
0x527: {  	s1 =	ssub.s32 $0x0, s2;
	[sflag:s0] =	ssyncset.done $0x0  }
0x528: {  	[sflag:s0] =	ssyncadd.s32 s1  }
0x529: {  	[sflag:s0] =	ssyncpa.u1 $0x1  }
.LBB2_58:
0x52a: {  	_ =	sfence;
	s0 =	simm.s32 $0x1  }
0x52b: {  	[sflag:s0] =	ssyncpa.u1 $0x1  }
0x52c: {  	_ =	strace $0x9000004D  }
0x52d: {  	[bflag:$0x2] =	sbarrier.arrive $0xFFFF  }
0x52e: {  	s0 =	rddreg [dreg:$0x3]  }
0x52f: {  	s0 =	sadd.s32 @!p0 $0x100000, s0  }
0x530: {  	[sflag:s0] =	ssyncadd.tile.s32 @!p0 $0x1;
	_ =	shalt  }
.Lfunc_end2:
_tile_overlayer_lowered:
.L_overlay_start_2:
0x531: {  	(tag) =	ssettag $0x2  }
0x532: {  	s0 =	rddreg [dreg:$0x0];
	s2 =	stileid.u32  }
0x533: {  	s1 =	rddreg [dreg:$0x1];
	p0 =	sne.s32 s2, $0x0  }
0x534: {  	s3 =	rddreg [dreg:$0x2];
	[bflag:$0x3] =	sbarrier.arrive $0xFFFF;
	s2 =	simm.s32 @!p0 $0x1C01  }
0x535: {  	[timem:s3], [sflag:s2] =	dma.local @!p0 [hbm:s0], s1  }
0x536: {  	s0 =	simm.s32 @!p0 $0x1  }
0x537: {  	_ =	swait.ge @!p0 [sflag:s0], s1  }
0x538: {  	s1 =	ssub.s32 @!p0 $0x0, s1;
	[sflag:s0] =	ssyncset.done @!p0 $0x0  }
0x539: {  	[sflag:s0] =	ssyncadd.s32 @!p0 s1  }
0x53a: {  	[bflag:$0x3] =	sbarrier.arrive $0xFFFF  }
0x53b: {  	_ =	shalt  }

</sc_bundles>
